<compile_context>
chip_gen: v7x
topology: tpu7x:2x2x1
jax: 0.10.2.dev20260603
libtpu: 0.0.44.dev20260713+nightly
codegen_flags: <defaults>
</compile_context>

<pallas_src>
import functools

import jax
import jax.numpy as jnp
from jax import lax
from jax.experimental import pallas as pl
from jax.experimental.pallas import tpu as pltpu
from jax.experimental.pallas import tpu_sc as plsc

N_NODES = 10000
N_EDGES = 320000
D = 128

NC = 2
NS = 16
NW = NC * NS
CH = 80
EPW = N_EDGES // NW
NCHUNK = EPW // CH
IBLK = 25
NBLK = NCHUNK // IBLK
NPAD = 10240
SLICE = NPAD // NS
SUB = CH


def _tables_body(feat_ref, w_ref, b_ref, a_ref, bt_ref):
    w1 = w_ref[:, :D]
    w2 = w_ref[:, D:]
    f = feat_ref[...]
    dn = (((1,), (1,)), ((), ()))
    a_ref[...] = lax.dot_general(f, w1 - w2, dn,
                                 preferred_element_type=jnp.float32) + b_ref[...]
    bt_ref[...] = lax.dot_general(f, w2, dn,
                                  preferred_element_type=jnp.float32)


def _make_tables(feature, W, b):
    return pl.pallas_call(
        _tables_body,
        out_shape=(
            jax.ShapeDtypeStruct((N_NODES, D), jnp.float32),
            jax.ShapeDtypeStruct((N_NODES, D), jnp.float32),
        ),
    )(feature, W, b.reshape(1, D))


def _edge_body(a_hbm, b_hbm, src_hbm, dst_hbm, psum_hbm, pcnt_hbm,
               idx_src, idx_dst, buf_a, buf_b, hist, acc,
               sem0, sem1, sem_s):
    c = lax.axis_index("c")
    s = lax.axis_index("s")
    w = c * NS + s

    zeros16 = jnp.zeros((16,), jnp.float32)
    e0 = jnp.where(lax.iota(jnp.int32, 16) == 0, 1.0, 0.0)

    def _fill_buf(i, _):
        for j in range(D // 16):
            buf_a[i, pl.ds(j * 16, 16)] = zeros16
        return 0
    lax.fori_loop(0, CH, _fill_buf, 0)

    def _fill_hist(i, _):
        hist[pl.ds(i * 16, 16)] = zeros16
        return 0
    lax.fori_loop(0, NPAD // 16, _fill_hist, 0)

    base = s * SLICE
    for k in range(SLICE // SUB):
        pltpu.sync_copy(buf_a, acc.at[pl.ds(base + k * SUB, SUB)])
    plsc.subcore_barrier()

    def _chunk(ci, _):
        pltpu.make_async_copy(a_hbm.at[pl.ds(0, CH)], buf_a, sem0).wait()
        pltpu.make_async_copy(b_hbm.at[pl.ds(0, CH)], buf_b, sem1).wait()

        def _row(i, _):
            for j in range(D // 16):
                sl = pl.ds(j * 16, 16)
                buf_b[i, sl] = jnp.maximum(buf_a[i, sl] + buf_b[i, sl], 0.0)
            return 0
        lax.fori_loop(0, CH, _row, 0)

        @pl.when(ci + 1 < IBLK)
        def _prefetch_a():
            pltpu.async_copy(a_hbm.at[idx_dst.at[ci + 1]], buf_a, sem0)

        pltpu.async_copy(buf_b, acc.at[idx_dst.at[ci]], sem_s, add=True)

        def _cnt(k2, _):
            idxv = idx_dst[ci, pl.ds(k2 * 16, 16)]
            for l in range(16):
                hsl = pl.ds(idxv[l], 16)
                hist[hsl] = hist[hsl] + e0
            return 0
        lax.fori_loop(0, CH // 16, _cnt, 0)

        pltpu.make_async_copy(buf_b, acc.at[idx_dst.at[ci]], sem_s).wait()

        @pl.when(ci + 1 < IBLK)
        def _prefetch_b():
            pltpu.async_copy(b_hbm.at[idx_src.at[ci + 1]], buf_b, sem1)
        return 0

    for bi in range(NBLK):
        pltpu.sync_copy(src_hbm.at[w, bi], idx_src)
        pltpu.sync_copy(dst_hbm.at[w, bi], idx_dst)
        pltpu.async_copy(a_hbm.at[idx_dst.at[0]], buf_a, sem0)
        pltpu.async_copy(b_hbm.at[idx_src.at[0]], buf_b, sem1)
        lax.fori_loop(0, IBLK, _chunk, 0)

    plsc.subcore_barrier()

    for k in range(SLICE // SUB):
        off = base + k * SUB
        pltpu.sync_copy(acc.at[pl.ds(off, SUB)], buf_a)
        pltpu.sync_copy(buf_a, psum_hbm.at[c, pl.ds(off, SUB)])
    pltpu.sync_copy(hist, pcnt_hbm.at[w])


@functools.partial(
    pl.kernel,
    out_type=(
        jax.ShapeDtypeStruct((NC, NPAD, D), jnp.float32),
        jax.ShapeDtypeStruct((NW, NPAD), jnp.float32),
    ),
    mesh=plsc.VectorSubcoreMesh(core_axis_name="c", subcore_axis_name="s"),
    scratch_types=[
        pltpu.VMEM((IBLK, CH), jnp.int32),
        pltpu.VMEM((IBLK, CH), jnp.int32),
        pltpu.VMEM((CH, D), jnp.float32),
        pltpu.VMEM((CH, D), jnp.float32),
        pltpu.VMEM((NPAD,), jnp.float32),
        pltpu.VMEM_SHARED((NPAD, D), jnp.float32),
        pltpu.SemaphoreType.DMA,
        pltpu.SemaphoreType.DMA,
        pltpu.SemaphoreType.DMA,
    ],
)
def _edge_kernel(a_hbm, b_hbm, src_hbm, dst_hbm, psum_hbm, pcnt_hbm,
                 idx_src, idx_dst, buf_a, buf_b, hist, acc,
                 sem0, sem1, sem_s):
    _edge_body(a_hbm, b_hbm, src_hbm, dst_hbm, psum_hbm, pcnt_hbm,
               idx_src, idx_dst, buf_a, buf_b, hist, acc,
               sem0, sem1, sem_s)


def _final_body(psum_ref, pcnt_ref, out_ref):
    tot = psum_ref[0, :N_NODES] + psum_ref[1, :N_NODES]
    cnt = jnp.sum(pcnt_ref[...], axis=0)
    cntcol = cnt[:N_NODES].reshape(N_NODES, 1)
    out_ref[...] = tot / jnp.maximum(cntcol, 1.0)


def _finalize(psum, pcnt):
    return pl.pallas_call(
        _final_body,
        out_shape=jax.ShapeDtypeStruct((N_NODES, D), jnp.float32),
    )(psum, pcnt)


def kernel(feature, edge_index, W, b):
    a_tab, b_tab = _make_tables(feature, W, b)
    src4 = edge_index[0].reshape(NW, NBLK, IBLK, CH)
    dst4 = edge_index[1].reshape(NW, NBLK, IBLK, CH)
    psum, pcnt = _edge_kernel(a_tab, b_tab, src4, dst4)
    return _finalize(psum, pcnt)

# --- scband reference (transcript-rebuilt; emitter-appended) ---
"""Pipeline reference for scband-edge-conv-layer-2731599200751 (READ-ONLY COPY).

The authoritative reference and input builder live on the scoring server;
editing this copy changes nothing except your own understanding.
"""

import jax, jax.numpy as jnp
import numpy as np

N_NODES = 10000
N_EDGES = 320000
IN_DIM = 128
OUT_DIM = 128


def setup_inputs(seed: int = 0) -> dict:
    key = jax.random.key(seed)
    k1, k2, k3 = jax.random.split(key, 3)
    feature = jax.random.normal(k1, (N_NODES, IN_DIM), dtype=jnp.float32)
    edge_index = jax.random.randint(k2, (2, N_EDGES), 0, N_NODES, dtype=jnp.int32)
    # Linear(2*in_dim -> out_dim) parameters (PyTorch default-like init)
    bound = 1.0 / np.sqrt(2 * IN_DIM)
    W = jax.random.uniform(k3, (OUT_DIM, 2 * IN_DIM), dtype=jnp.float32, minval=-bound, maxval=bound)
    b = jnp.zeros((OUT_DIM,), dtype=jnp.float32)
    return {"feature": feature, "edge_index": edge_index, "W": W, "b": b}


def reference(feature, edge_index, W, b):
    # EdgeConv (PyG): message = nn(cat([x_i, x_j - x_i])), aggr='mean' over dst i
    # edge_index[0] = source j, edge_index[1] = target i
    src = edge_index[0]
    dst = edge_index[1]
    x_i = jnp.take(feature, dst, axis=0)
    x_j = jnp.take(feature, src, axis=0)
    h = jnp.concatenate([x_i, x_j - x_i], axis=-1)
    # Linear + ReLU (dropout p=0.0 is identity in eval-equivalent math)
    m = jax.nn.relu(h @ W.T + b)
    # mean aggregation by destination node
    s = jax.ops.segment_sum(m, dst, num_segments=N_NODES)
    cnt = jax.ops.segment_sum(jnp.ones((N_EDGES,), dtype=jnp.float32), dst, num_segments=N_NODES)
    out = s / jnp.clip(cnt, 1.0)[:, None]
    return out

if __name__ == "__main__":
    import jax
    _d = setup_inputs()
    print(jax.jit(kernel)(*tuple(_d.values())))

</pallas_src>

<mosaic_0001>
#map = affine_map<(d0, d1) -> (0, 0)>
#map1 = affine_map<(d0, d1) -> (0, 0, 0, 0)>
#map2 = affine_map<(d0, d1) -> (0, 0, 0)>
module attributes {stable_mosaic.version = 14 : i64} {
  func.func @_edge_kernel(%arg0: i32, %arg1: i32, %arg2: memref<10000x128xf32, #tpu.memory_space<hbm>>, %arg3: memref<10000x128xf32, #tpu.memory_space<hbm>>, %arg4: memref<32x5x25x80xi32, #tpu.memory_space<hbm>>, %arg5: memref<32x5x25x80xi32, #tpu.memory_space<hbm>>, %arg6: memref<2x10240x128xf32, #tpu.memory_space<hbm>>, %arg7: memref<32x10240xf32, #tpu.memory_space<hbm>>, %arg8: memref<25x80xi32, #tpu.memory_space<vmem>>, %arg9: memref<25x80xi32, #tpu.memory_space<vmem>>, %arg10: memref<80x128xf32, #tpu.memory_space<vmem>>, %arg11: memref<80x128xf32, #tpu.memory_space<vmem>>, %arg12: memref<10240xf32, #tpu.memory_space<vmem>>, %arg13: memref<10240x128xf32, #tpu.memory_space<vmem_shared>>, %arg14: memref<!tpu.dma_semaphore, #tpu.memory_space<semaphore_mem>>, %arg15: memref<!tpu.dma_semaphore, #tpu.memory_space<semaphore_mem>>, %arg16: memref<!tpu.dma_semaphore, #tpu.memory_space<semaphore_mem>>) attributes {dimension_semantics = [#tpu.dimension_semantics<core_parallel>, #tpu.dimension_semantics<subcore_parallel>], iteration_bounds = array<i64: 2, 16>, scalar_prefetch = 0 : i64, scratch_operands = 9 : i64, tpu.core_type = #tpu.core_type<sc_vector_subcore>, window_params = [{transform_indices = #map}, {transform_indices = #map}, {transform_indices = #map1}, {transform_indices = #map1}, {transform_indices = #map2}, {transform_indices = #map}]} {
    %mul3A = arith.constant 16 : i32
    %mul3A_0 = arith.muli %arg0, %mul3A : i32
    %add3A = arith.addi %mul3A_0, %arg1 : i32
    %broadcast_in_dim3A = arith.constant 0.000000e+00 : f32
    %broadcast_in_dim3A_1 = vector.broadcast %broadcast_in_dim3A : f32 to vector<16xf32>
    %iota3A = tpu.iota {dimensions = array<i32: 0>} : vector<16xi32>
    %eq3A = arith.constant 0 : i32
    %eq3A_2 = vector.broadcast %eq3A : i32 to vector<16xi32>
    %eq3A_3 = arith.cmpi eq, %iota3A, %eq3A_2 : vector<16xi32>
    %jit3A = arith.constant 1.000000e+00 : f32
    %jit3A_4 = arith.constant 0.000000e+00 : f32
    %broadcast_in_dim3A_5 = vector.broadcast %jit3A : f32 to vector<16xf32>
    %broadcast_in_dim3A_6 = vector.broadcast %jit3A_4 : f32 to vector<16xf32>
    %select_n3A = arith.select %eq3A_3, %broadcast_in_dim3A_5, %broadcast_in_dim3A_6 : vector<16xi1>, vector<16xf32>
    %scan3A = arith.constant 0 : i32
    %scan3A_7 = arith.constant 0 : i32
    %scan3A_8 = arith.constant 80 : i32
    %scan3A_9 = arith.addi %scan3A_7, %scan3A_8 : i32
    %scan3A_10 = arith.constant 1 : i32
    %scan3A_11 = scf.for %scan3A_168 = %scan3A_7 to %scan3A_9 step %scan3A_10 iter_args(%scan3A_169 = %scan3A) -> (i32)  : i32 {
      %swap3A = arith.index_cast %scan3A_168 : i32 to index
      %swap3A_170 = arith.constant 0 : index
      %swap3A_171 = tpu.vector_load %arg10[%swap3A, %swap3A_170] {strides = array<i32>} : memref<80x128xf32, #tpu.memory_space<vmem>>, vector<1x16xf32>,
      %swap3A_172 = vector.shape_cast %swap3A_171 : vector<1x16xf32> to vector<16xf32>
      %swap3A_173 = vector.shape_cast %broadcast_in_dim3A_1 : vector<16xf32> to vector<1x16xf32>
      tpu.vector_store %arg10[%swap3A, %swap3A_170], %swap3A_173 {strides = array<i32>} : memref<80x128xf32, #tpu.memory_space<vmem>>, vector<1x16xf32>,
      %swap3A_174 = arith.index_cast %scan3A_168 : i32 to index
      %swap3A_175 = arith.constant 16 : index
      %swap3A_176 = tpu.vector_load %arg10[%swap3A_174, %swap3A_175] {strides = array<i32>} : memref<80x128xf32, #tpu.memory_space<vmem>>, vector<1x16xf32>,
      %swap3A_177 = vector.shape_cast %swap3A_176 : vector<1x16xf32> to vector<16xf32>
      %swap3A_178 = vector.shape_cast %broadcast_in_dim3A_1 : vector<16xf32> to vector<1x16xf32>
      tpu.vector_store %arg10[%swap3A_174, %swap3A_175], %swap3A_178 {strides = array<i32>} : memref<80x128xf32, #tpu.memory_space<vmem>>, vector<1x16xf32>,
      %swap3A_179 = arith.index_cast %scan3A_168 : i32 to index
      %swap3A_180 = arith.constant 32 : index
      %swap3A_181 = tpu.vector_load %arg10[%swap3A_179, %swap3A_180] {strides = array<i32>} : memref<80x128xf32, #tpu.memory_space<vmem>>, vector<1x16xf32>,
      %swap3A_182 = vector.shape_cast %swap3A_181 : vector<1x16xf32> to vector<16xf32>
      %swap3A_183 = vector.shape_cast %broadcast_in_dim3A_1 : vector<16xf32> to vector<1x16xf32>
      tpu.vector_store %arg10[%swap3A_179, %swap3A_180], %swap3A_183 {strides = array<i32>} : memref<80x128xf32, #tpu.memory_space<vmem>>, vector<1x16xf32>,
      %swap3A_184 = arith.index_cast %scan3A_168 : i32 to index
      %swap3A_185 = arith.constant 48 : index
      %swap3A_186 = tpu.vector_load %arg10[%swap3A_184, %swap3A_185] {strides = array<i32>} : memref<80x128xf32, #tpu.memory_space<vmem>>, vector<1x16xf32>,
      %swap3A_187 = vector.shape_cast %swap3A_186 : vector<1x16xf32> to vector<16xf32>
      %swap3A_188 = vector.shape_cast %broadcast_in_dim3A_1 : vector<16xf32> to vector<1x16xf32>
      tpu.vector_store %arg10[%swap3A_184, %swap3A_185], %swap3A_188 {strides = array<i32>} : memref<80x128xf32, #tpu.memory_space<vmem>>, vector<1x16xf32>,
      %swap3A_189 = arith.index_cast %scan3A_168 : i32 to index
      %swap3A_190 = arith.constant 64 : index
      %swap3A_191 = tpu.vector_load %arg10[%swap3A_189, %swap3A_190] {strides = array<i32>} : memref<80x128xf32, #tpu.memory_space<vmem>>, vector<1x16xf32>,
      %swap3A_192 = vector.shape_cast %swap3A_191 : vector<1x16xf32> to vector<16xf32>
      %swap3A_193 = vector.shape_cast %broadcast_in_dim3A_1 : vector<16xf32> to vector<1x16xf32>
      tpu.vector_store %arg10[%swap3A_189, %swap3A_190], %swap3A_193 {strides = array<i32>} : memref<80x128xf32, #tpu.memory_space<vmem>>, vector<1x16xf32>,
      %swap3A_194 = arith.index_cast %scan3A_168 : i32 to index
      %swap3A_195 = arith.constant 80 : index
      %swap3A_196 = tpu.vector_load %arg10[%swap3A_194, %swap3A_195] {strides = array<i32>} : memref<80x128xf32, #tpu.memory_space<vmem>>, vector<1x16xf32>,
      %swap3A_197 = vector.shape_cast %swap3A_196 : vector<1x16xf32> to vector<16xf32>
      %swap3A_198 = vector.shape_cast %broadcast_in_dim3A_1 : vector<16xf32> to vector<1x16xf32>
      tpu.vector_store %arg10[%swap3A_194, %swap3A_195], %swap3A_198 {strides = array<i32>} : memref<80x128xf32, #tpu.memory_space<vmem>>, vector<1x16xf32>,
      %swap3A_199 = arith.index_cast %scan3A_168 : i32 to index
      %swap3A_200 = arith.constant 96 : index
      %swap3A_201 = tpu.vector_load %arg10[%swap3A_199, %swap3A_200] {strides = array<i32>} : memref<80x128xf32, #tpu.memory_space<vmem>>, vector<1x16xf32>,
      %swap3A_202 = vector.shape_cast %swap3A_201 : vector<1x16xf32> to vector<16xf32>
      %swap3A_203 = vector.shape_cast %broadcast_in_dim3A_1 : vector<16xf32> to vector<1x16xf32>
      tpu.vector_store %arg10[%swap3A_199, %swap3A_200], %swap3A_203 {strides = array<i32>} : memref<80x128xf32, #tpu.memory_space<vmem>>, vector<1x16xf32>,
      %swap3A_204 = arith.index_cast %scan3A_168 : i32 to index
      %swap3A_205 = arith.constant 112 : index
      %swap3A_206 = tpu.vector_load %arg10[%swap3A_204, %swap3A_205] {strides = array<i32>} : memref<80x128xf32, #tpu.memory_space<vmem>>, vector<1x16xf32>,
      %swap3A_207 = vector.shape_cast %swap3A_206 : vector<1x16xf32> to vector<16xf32>
      %swap3A_208 = vector.shape_cast %broadcast_in_dim3A_1 : vector<16xf32> to vector<1x16xf32>
      tpu.vector_store %arg10[%swap3A_204, %swap3A_205], %swap3A_208 {strides = array<i32>} : memref<80x128xf32, #tpu.memory_space<vmem>>, vector<1x16xf32>,
      %scan3A_209 = arith.constant 0 : i32
      scf.yield %scan3A_209 : i32
    }
    %scan3A_12 = arith.constant 80 : i32
    %scan3A_13 = arith.constant 0 : i32
    %scan3A_14 = arith.constant 0 : i32
    %scan3A_15 = arith.constant 640 : i32
    %scan3A_16 = arith.addi %scan3A_14, %scan3A_15 : i32
    %scan3A_17 = arith.constant 1 : i32
    %scan3A_18 = scf.for %scan3A_168 = %scan3A_14 to %scan3A_16 step %scan3A_17 iter_args(%scan3A_169 = %scan3A_13) -> (i32)  : i32 {
      %mul3A_170 = arith.constant 16 : i32
      %mul3A_171 = arith.muli %scan3A_168, %mul3A_170 : i32
      %swap3A = arith.index_cast %mul3A_171 : i32 to index
      %swap3A_172 = tpu.vector_load %arg12[%swap3A] {strides = array<i32>} : memref<10240xf32, #tpu.memory_space<vmem>>, vector<16xf32>,
      %swap3A_173 = vector.shape_cast %swap3A_172 : vector<16xf32> to vector<16xf32>
      %swap3A_174 = vector.shape_cast %broadcast_in_dim3A_1 : vector<16xf32> to vector<16xf32>
      tpu.vector_store %arg12[%swap3A], %swap3A_174 {strides = array<i32>} : memref<10240xf32, #tpu.memory_space<vmem>>, vector<16xf32>,
      %scan3A_175 = arith.constant 0 : i32
      scf.yield %scan3A_175 : i32
    }
    %scan3A_19 = arith.constant 640 : i32
    %mul3A_20 = arith.constant 640 : i32
    %mul3A_21 = arith.muli %arg1, %mul3A_20 : i32
    %add3A_22 = arith.constant 0 : i32
    %add3A_23 = arith.addi %mul3A_21, %add3A_22 : i32
    "tpu.region"() ({
      %run_scoped3A_168 = tpu.sem_alloc : memref<!tpu.dma_semaphore, #tpu.memory_space<semaphore_mem>>
      %dma_start3A_169 = arith.constant 0 : i32
      %dma_start3A_170 = tpu.memref_slice %arg13[%add3A_23, %dma_start3A_169] : memref<10240x128xf32, #tpu.memory_space<vmem_shared>> -> memref<80x128xf32, #tpu.memory_space<vmem_shared>>
      %dma_start3A_171 = arith.constant 0 : i32
      %dma_start3A_172 = tpu.memref_slice %arg13[%add3A_23, %dma_start3A_171] : memref<10240x128xf32, #tpu.memory_space<vmem_shared>> -> memref<80x128xf32, #tpu.memory_space<vmem_shared>>
      tpu.enqueue_dma source(%arg10 : memref<80x128xf32, #tpu.memory_space<vmem>>) target(%dma_start3A_172 : memref<80x128xf32, #tpu.memory_space<vmem_shared>>) target_semaphore(%run_scoped3A_168 : memref<!tpu.dma_semaphore, #tpu.memory_space<semaphore_mem>>)
      %dma_wait3A = arith.constant 0 : i32
      %dma_wait3A_173 = tpu.memref_slice %arg13[%add3A_23, %dma_wait3A] : memref<10240x128xf32, #tpu.memory_space<vmem_shared>> -> memref<80x128xf32, #tpu.memory_space<vmem_shared>>
      %dma_wait3A_174 = arith.constant 0 : i32
      %dma_wait3A_175 = tpu.memref_slice %arg13[%add3A_23, %dma_wait3A_174] : memref<10240x128xf32, #tpu.memory_space<vmem_shared>> -> memref<80x128xf32, #tpu.memory_space<vmem_shared>>
      tpu.wait_dma2 semaphore(%run_scoped3A_168 : memref<!tpu.dma_semaphore, #tpu.memory_space<semaphore_mem>>) src(%arg10 : memref<80x128xf32, #tpu.memory_space<vmem>>) dst(%dma_wait3A_175 : memref<80x128xf32, #tpu.memory_space<vmem_shared>>)
      tpu.yield
    }) : () -> ()
    %add3A_24 = arith.constant 80 : i32
    %add3A_25 = arith.addi %mul3A_21, %add3A_24 : i32
    "tpu.region"() ({
      %run_scoped3A_168 = tpu.sem_alloc : memref<!tpu.dma_semaphore, #tpu.memory_space<semaphore_mem>>
      %dma_start3A_169 = arith.constant 0 : i32
      %dma_start3A_170 = tpu.memref_slice %arg13[%add3A_25, %dma_start3A_169] : memref<10240x128xf32, #tpu.memory_space<vmem_shared>> -> memref<80x128xf32, #tpu.memory_space<vmem_shared>>
      %dma_start3A_171 = arith.constant 0 : i32
      %dma_start3A_172 = tpu.memref_slice %arg13[%add3A_25, %dma_start3A_171] : memref<10240x128xf32, #tpu.memory_space<vmem_shared>> -> memref<80x128xf32, #tpu.memory_space<vmem_shared>>
      tpu.enqueue_dma source(%arg10 : memref<80x128xf32, #tpu.memory_space<vmem>>) target(%dma_start3A_172 : memref<80x128xf32, #tpu.memory_space<vmem_shared>>) target_semaphore(%run_scoped3A_168 : memref<!tpu.dma_semaphore, #tpu.memory_space<semaphore_mem>>)
      %dma_wait3A = arith.constant 0 : i32
      %dma_wait3A_173 = tpu.memref_slice %arg13[%add3A_25, %dma_wait3A] : memref<10240x128xf32, #tpu.memory_space<vmem_shared>> -> memref<80x128xf32, #tpu.memory_space<vmem_shared>>
      %dma_wait3A_174 = arith.constant 0 : i32
      %dma_wait3A_175 = tpu.memref_slice %arg13[%add3A_25, %dma_wait3A_174] : memref<10240x128xf32, #tpu.memory_space<vmem_shared>> -> memref<80x128xf32, #tpu.memory_space<vmem_shared>>
      tpu.wait_dma2 semaphore(%run_scoped3A_168 : memref<!tpu.dma_semaphore, #tpu.memory_space<semaphore_mem>>) src(%arg10 : memref<80x128xf32, #tpu.memory_space<vmem>>) dst(%dma_wait3A_175 : memref<80x128xf32, #tpu.memory_space<vmem_shared>>)
      tpu.yield
    }) : () -> ()
    %add3A_26 = arith.constant 160 : i32
    %add3A_27 = arith.addi %mul3A_21, %add3A_26 : i32
    "tpu.region"() ({
      %run_scoped3A_168 = tpu.sem_alloc : memref<!tpu.dma_semaphore, #tpu.memory_space<semaphore_mem>>
      %dma_start3A_169 = arith.constant 0 : i32
      %dma_start3A_170 = tpu.memref_slice %arg13[%add3A_27, %dma_start3A_169] : memref<10240x128xf32, #tpu.memory_space<vmem_shared>> -> memref<80x128xf32, #tpu.memory_space<vmem_shared>>
      %dma_start3A_171 = arith.constant 0 : i32
      %dma_start3A_172 = tpu.memref_slice %arg13[%add3A_27, %dma_start3A_171] : memref<10240x128xf32, #tpu.memory_space<vmem_shared>> -> memref<80x128xf32, #tpu.memory_space<vmem_shared>>
      tpu.enqueue_dma source(%arg10 : memref<80x128xf32, #tpu.memory_space<vmem>>) target(%dma_start3A_172 : memref<80x128xf32, #tpu.memory_space<vmem_shared>>) target_semaphore(%run_scoped3A_168 : memref<!tpu.dma_semaphore, #tpu.memory_space<semaphore_mem>>)
      %dma_wait3A = arith.constant 0 : i32
      %dma_wait3A_173 = tpu.memref_slice %arg13[%add3A_27, %dma_wait3A] : memref<10240x128xf32, #tpu.memory_space<vmem_shared>> -> memref<80x128xf32, #tpu.memory_space<vmem_shared>>
      %dma_wait3A_174 = arith.constant 0 : i32
      %dma_wait3A_175 = tpu.memref_slice %arg13[%add3A_27, %dma_wait3A_174] : memref<10240x128xf32, #tpu.memory_space<vmem_shared>> -> memref<80x128xf32, #tpu.memory_space<vmem_shared>>
      tpu.wait_dma2 semaphore(%run_scoped3A_168 : memref<!tpu.dma_semaphore, #tpu.memory_space<semaphore_mem>>) src(%arg10 : memref<80x128xf32, #tpu.memory_space<vmem>>) dst(%dma_wait3A_175 : memref<80x128xf32, #tpu.memory_space<vmem_shared>>)
      tpu.yield
    }) : () -> ()
    %add3A_28 = arith.constant 240 : i32
    %add3A_29 = arith.addi %mul3A_21, %add3A_28 : i32
    "tpu.region"() ({
      %run_scoped3A_168 = tpu.sem_alloc : memref<!tpu.dma_semaphore, #tpu.memory_space<semaphore_mem>>
      %dma_start3A_169 = arith.constant 0 : i32
      %dma_start3A_170 = tpu.memref_slice %arg13[%add3A_29, %dma_start3A_169] : memref<10240x128xf32, #tpu.memory_space<vmem_shared>> -> memref<80x128xf32, #tpu.memory_space<vmem_shared>>
      %dma_start3A_171 = arith.constant 0 : i32
      %dma_start3A_172 = tpu.memref_slice %arg13[%add3A_29, %dma_start3A_171] : memref<10240x128xf32, #tpu.memory_space<vmem_shared>> -> memref<80x128xf32, #tpu.memory_space<vmem_shared>>
      tpu.enqueue_dma source(%arg10 : memref<80x128xf32, #tpu.memory_space<vmem>>) target(%dma_start3A_172 : memref<80x128xf32, #tpu.memory_space<vmem_shared>>) target_semaphore(%run_scoped3A_168 : memref<!tpu.dma_semaphore, #tpu.memory_space<semaphore_mem>>)
      %dma_wait3A = arith.constant 0 : i32
      %dma_wait3A_173 = tpu.memref_slice %arg13[%add3A_29, %dma_wait3A] : memref<10240x128xf32, #tpu.memory_space<vmem_shared>> -> memref<80x128xf32, #tpu.memory_space<vmem_shared>>
      %dma_wait3A_174 = arith.constant 0 : i32
      %dma_wait3A_175 = tpu.memref_slice %arg13[%add3A_29, %dma_wait3A_174] : memref<10240x128xf32, #tpu.memory_space<vmem_shared>> -> memref<80x128xf32, #tpu.memory_space<vmem_shared>>
      tpu.wait_dma2 semaphore(%run_scoped3A_168 : memref<!tpu.dma_semaphore, #tpu.memory_space<semaphore_mem>>) src(%arg10 : memref<80x128xf32, #tpu.memory_space<vmem>>) dst(%dma_wait3A_175 : memref<80x128xf32, #tpu.memory_space<vmem_shared>>)
      tpu.yield
    }) : () -> ()
    %add3A_30 = arith.constant 320 : i32
    %add3A_31 = arith.addi %mul3A_21, %add3A_30 : i32
    "tpu.region"() ({
      %run_scoped3A_168 = tpu.sem_alloc : memref<!tpu.dma_semaphore, #tpu.memory_space<semaphore_mem>>
      %dma_start3A_169 = arith.constant 0 : i32
      %dma_start3A_170 = tpu.memref_slice %arg13[%add3A_31, %dma_start3A_169] : memref<10240x128xf32, #tpu.memory_space<vmem_shared>> -> memref<80x128xf32, #tpu.memory_space<vmem_shared>>
      %dma_start3A_171 = arith.constant 0 : i32
      %dma_start3A_172 = tpu.memref_slice %arg13[%add3A_31, %dma_start3A_171] : memref<10240x128xf32, #tpu.memory_space<vmem_shared>> -> memref<80x128xf32, #tpu.memory_space<vmem_shared>>
      tpu.enqueue_dma source(%arg10 : memref<80x128xf32, #tpu.memory_space<vmem>>) target(%dma_start3A_172 : memref<80x128xf32, #tpu.memory_space<vmem_shared>>) target_semaphore(%run_scoped3A_168 : memref<!tpu.dma_semaphore, #tpu.memory_space<semaphore_mem>>)
      %dma_wait3A = arith.constant 0 : i32
      %dma_wait3A_173 = tpu.memref_slice %arg13[%add3A_31, %dma_wait3A] : memref<10240x128xf32, #tpu.memory_space<vmem_shared>> -> memref<80x128xf32, #tpu.memory_space<vmem_shared>>
      %dma_wait3A_174 = arith.constant 0 : i32
      %dma_wait3A_175 = tpu.memref_slice %arg13[%add3A_31, %dma_wait3A_174] : memref<10240x128xf32, #tpu.memory_space<vmem_shared>> -> memref<80x128xf32, #tpu.memory_space<vmem_shared>>
      tpu.wait_dma2 semaphore(%run_scoped3A_168 : memref<!tpu.dma_semaphore, #tpu.memory_space<semaphore_mem>>) src(%arg10 : memref<80x128xf32, #tpu.memory_space<vmem>>) dst(%dma_wait3A_175 : memref<80x128xf32, #tpu.memory_space<vmem_shared>>)
      tpu.yield
    }) : () -> ()
    %add3A_32 = arith.constant 400 : i32
    %add3A_33 = arith.addi %mul3A_21, %add3A_32 : i32
    "tpu.region"() ({
      %run_scoped3A_168 = tpu.sem_alloc : memref<!tpu.dma_semaphore, #tpu.memory_space<semaphore_mem>>
      %dma_start3A_169 = arith.constant 0 : i32
      %dma_start3A_170 = tpu.memref_slice %arg13[%add3A_33, %dma_start3A_169] : memref<10240x128xf32, #tpu.memory_space<vmem_shared>> -> memref<80x128xf32, #tpu.memory_space<vmem_shared>>
      %dma_start3A_171 = arith.constant 0 : i32
      %dma_start3A_172 = tpu.memref_slice %arg13[%add3A_33, %dma_start3A_171] : memref<10240x128xf32, #tpu.memory_space<vmem_shared>> -> memref<80x128xf32, #tpu.memory_space<vmem_shared>>
      tpu.enqueue_dma source(%arg10 : memref<80x128xf32, #tpu.memory_space<vmem>>) target(%dma_start3A_172 : memref<80x128xf32, #tpu.memory_space<vmem_shared>>) target_semaphore(%run_scoped3A_168 : memref<!tpu.dma_semaphore, #tpu.memory_space<semaphore_mem>>)
      %dma_wait3A = arith.constant 0 : i32
      %dma_wait3A_173 = tpu.memref_slice %arg13[%add3A_33, %dma_wait3A] : memref<10240x128xf32, #tpu.memory_space<vmem_shared>> -> memref<80x128xf32, #tpu.memory_space<vmem_shared>>
      %dma_wait3A_174 = arith.constant 0 : i32
      %dma_wait3A_175 = tpu.memref_slice %arg13[%add3A_33, %dma_wait3A_174] : memref<10240x128xf32, #tpu.memory_space<vmem_shared>> -> memref<80x128xf32, #tpu.memory_space<vmem_shared>>
      tpu.wait_dma2 semaphore(%run_scoped3A_168 : memref<!tpu.dma_semaphore, #tpu.memory_space<semaphore_mem>>) src(%arg10 : memref<80x128xf32, #tpu.memory_space<vmem>>) dst(%dma_wait3A_175 : memref<80x128xf32, #tpu.memory_space<vmem_shared>>)
      tpu.yield
    }) : () -> ()
    %add3A_34 = arith.constant 480 : i32
    %add3A_35 = arith.addi %mul3A_21, %add3A_34 : i32
    "tpu.region"() ({
      %run_scoped3A_168 = tpu.sem_alloc : memref<!tpu.dma_semaphore, #tpu.memory_space<semaphore_mem>>
      %dma_start3A_169 = arith.constant 0 : i32
      %dma_start3A_170 = tpu.memref_slice %arg13[%add3A_35, %dma_start3A_169] : memref<10240x128xf32, #tpu.memory_space<vmem_shared>> -> memref<80x128xf32, #tpu.memory_space<vmem_shared>>
      %dma_start3A_171 = arith.constant 0 : i32
      %dma_start3A_172 = tpu.memref_slice %arg13[%add3A_35, %dma_start3A_171] : memref<10240x128xf32, #tpu.memory_space<vmem_shared>> -> memref<80x128xf32, #tpu.memory_space<vmem_shared>>
      tpu.enqueue_dma source(%arg10 : memref<80x128xf32, #tpu.memory_space<vmem>>) target(%dma_start3A_172 : memref<80x128xf32, #tpu.memory_space<vmem_shared>>) target_semaphore(%run_scoped3A_168 : memref<!tpu.dma_semaphore, #tpu.memory_space<semaphore_mem>>)
      %dma_wait3A = arith.constant 0 : i32
      %dma_wait3A_173 = tpu.memref_slice %arg13[%add3A_35, %dma_wait3A] : memref<10240x128xf32, #tpu.memory_space<vmem_shared>> -> memref<80x128xf32, #tpu.memory_space<vmem_shared>>
      %dma_wait3A_174 = arith.constant 0 : i32
      %dma_wait3A_175 = tpu.memref_slice %arg13[%add3A_35, %dma_wait3A_174] : memref<10240x128xf32, #tpu.memory_space<vmem_shared>> -> memref<80x128xf32, #tpu.memory_space<vmem_shared>>
      tpu.wait_dma2 semaphore(%run_scoped3A_168 : memref<!tpu.dma_semaphore, #tpu.memory_space<semaphore_mem>>) src(%arg10 : memref<80x128xf32, #tpu.memory_space<vmem>>) dst(%dma_wait3A_175 : memref<80x128xf32, #tpu.memory_space<vmem_shared>>)
      tpu.yield
    }) : () -> ()
    %add3A_36 = arith.constant 560 : i32
    %add3A_37 = arith.addi %mul3A_21, %add3A_36 : i32
    "tpu.region"() ({
      %run_scoped3A_168 = tpu.sem_alloc : memref<!tpu.dma_semaphore, #tpu.memory_space<semaphore_mem>>
      %dma_start3A_169 = arith.constant 0 : i32
      %dma_start3A_170 = tpu.memref_slice %arg13[%add3A_37, %dma_start3A_169] : memref<10240x128xf32, #tpu.memory_space<vmem_shared>> -> memref<80x128xf32, #tpu.memory_space<vmem_shared>>
      %dma_start3A_171 = arith.constant 0 : i32
      %dma_start3A_172 = tpu.memref_slice %arg13[%add3A_37, %dma_start3A_171] : memref<10240x128xf32, #tpu.memory_space<vmem_shared>> -> memref<80x128xf32, #tpu.memory_space<vmem_shared>>
      tpu.enqueue_dma source(%arg10 : memref<80x128xf32, #tpu.memory_space<vmem>>) target(%dma_start3A_172 : memref<80x128xf32, #tpu.memory_space<vmem_shared>>) target_semaphore(%run_scoped3A_168 : memref<!tpu.dma_semaphore, #tpu.memory_space<semaphore_mem>>)
      %dma_wait3A = arith.constant 0 : i32
      %dma_wait3A_173 = tpu.memref_slice %arg13[%add3A_37, %dma_wait3A] : memref<10240x128xf32, #tpu.memory_space<vmem_shared>> -> memref<80x128xf32, #tpu.memory_space<vmem_shared>>
      %dma_wait3A_174 = arith.constant 0 : i32
      %dma_wait3A_175 = tpu.memref_slice %arg13[%add3A_37, %dma_wait3A_174] : memref<10240x128xf32, #tpu.memory_space<vmem_shared>> -> memref<80x128xf32, #tpu.memory_space<vmem_shared>>
      tpu.wait_dma2 semaphore(%run_scoped3A_168 : memref<!tpu.dma_semaphore, #tpu.memory_space<semaphore_mem>>) src(%arg10 : memref<80x128xf32, #tpu.memory_space<vmem>>) dst(%dma_wait3A_175 : memref<80x128xf32, #tpu.memory_space<vmem_shared>>)
      tpu.yield
    }) : () -> ()
    %barrier3A = arith.constant 0 : index
    tpu.barrier barrier_id(%barrier3A)
    %run_scoped3A = arith.constant 0 : i32
    "tpu.region"() ({
      %run_scoped3A_168 = tpu.sem_alloc : memref<!tpu.dma_semaphore, #tpu.memory_space<semaphore_mem>>
      %dma_start3A_169 = arith.constant 0 : i32
      %dma_start3A_170 = arith.constant 0 : i32
      %dma_start3A_171 = tpu.memref_slice %arg4[%add3A, %run_scoped3A, %dma_start3A_169, %dma_start3A_170] : memref<32x5x25x80xi32, #tpu.memory_space<hbm>> -> memref<1x1x25x80xi32, #tpu.memory_space<hbm>>
      %dma_start3A_172 = tpu.memref_squeeze %dma_start3A_171 : memref<1x1x25x80xi32, #tpu.memory_space<hbm>> -> memref<25x80xi32, #tpu.memory_space<hbm>>
      %dma_start3A_173 = arith.constant 0 : i32
      %dma_start3A_174 = arith.constant 0 : i32
      %dma_start3A_175 = tpu.memref_slice %arg4[%add3A, %run_scoped3A, %dma_start3A_173, %dma_start3A_174] : memref<32x5x25x80xi32, #tpu.memory_space<hbm>> -> memref<1x1x25x80xi32, #tpu.memory_space<hbm>>
      %dma_start3A_176 = tpu.memref_squeeze %dma_start3A_175 : memref<1x1x25x80xi32, #tpu.memory_space<hbm>> -> memref<25x80xi32, #tpu.memory_space<hbm>>
      tpu.enqueue_dma source(%dma_start3A_176 : memref<25x80xi32, #tpu.memory_space<hbm>>) target(%arg8 : memref<25x80xi32, #tpu.memory_space<vmem>>) target_semaphore(%run_scoped3A_168 : memref<!tpu.dma_semaphore, #tpu.memory_space<semaphore_mem>>)
      %dma_wait3A = arith.constant 0 : i32
      %dma_wait3A_177 = arith.constant 0 : i32
      %dma_wait3A_178 = tpu.memref_slice %arg4[%add3A, %run_scoped3A, %dma_wait3A, %dma_wait3A_177] : memref<32x5x25x80xi32, #tpu.memory_space<hbm>> -> memref<1x1x25x80xi32, #tpu.memory_space<hbm>>
      %dma_wait3A_179 = tpu.memref_squeeze %dma_wait3A_178 : memref<1x1x25x80xi32, #tpu.memory_space<hbm>> -> memref<25x80xi32, #tpu.memory_space<hbm>>
      %dma_wait3A_180 = arith.constant 0 : i32
      %dma_wait3A_181 = arith.constant 0 : i32
      %dma_wait3A_182 = tpu.memref_slice %arg4[%add3A, %run_scoped3A, %dma_wait3A_180, %dma_wait3A_181] : memref<32x5x25x80xi32, #tpu.memory_space<hbm>> -> memref<1x1x25x80xi32, #tpu.memory_space<hbm>>
      %dma_wait3A_183 = tpu.memref_squeeze %dma_wait3A_182 : memref<1x1x25x80xi32, #tpu.memory_space<hbm>> -> memref<25x80xi32, #tpu.memory_space<hbm>>
      tpu.wait_dma2 semaphore(%run_scoped3A_168 : memref<!tpu.dma_semaphore, #tpu.memory_space<semaphore_mem>>) src(%dma_wait3A_183 : memref<25x80xi32, #tpu.memory_space<hbm>>) dst(%arg8 : memref<25x80xi32, #tpu.memory_space<vmem>>)
      tpu.yield
    }) : () -> ()
    %run_scoped3A_38 = arith.constant 0 : i32
    "tpu.region"() ({
      %run_scoped3A_168 = tpu.sem_alloc : memref<!tpu.dma_semaphore, #tpu.memory_space<semaphore_mem>>
      %dma_start3A_169 = arith.constant 0 : i32
      %dma_start3A_170 = arith.constant 0 : i32
      %dma_start3A_171 = tpu.memref_slice %arg5[%add3A, %run_scoped3A_38, %dma_start3A_169, %dma_start3A_170] : memref<32x5x25x80xi32, #tpu.memory_space<hbm>> -> memref<1x1x25x80xi32, #tpu.memory_space<hbm>>
      %dma_start3A_172 = tpu.memref_squeeze %dma_start3A_171 : memref<1x1x25x80xi32, #tpu.memory_space<hbm>> -> memref<25x80xi32, #tpu.memory_space<hbm>>
      %dma_start3A_173 = arith.constant 0 : i32
      %dma_start3A_174 = arith.constant 0 : i32
      %dma_start3A_175 = tpu.memref_slice %arg5[%add3A, %run_scoped3A_38, %dma_start3A_173, %dma_start3A_174] : memref<32x5x25x80xi32, #tpu.memory_space<hbm>> -> memref<1x1x25x80xi32, #tpu.memory_space<hbm>>
      %dma_start3A_176 = tpu.memref_squeeze %dma_start3A_175 : memref<1x1x25x80xi32, #tpu.memory_space<hbm>> -> memref<25x80xi32, #tpu.memory_space<hbm>>
      tpu.enqueue_dma source(%dma_start3A_176 : memref<25x80xi32, #tpu.memory_space<hbm>>) target(%arg9 : memref<25x80xi32, #tpu.memory_space<vmem>>) target_semaphore(%run_scoped3A_168 : memref<!tpu.dma_semaphore, #tpu.memory_space<semaphore_mem>>)
      %dma_wait3A = arith.constant 0 : i32
      %dma_wait3A_177 = arith.constant 0 : i32
      %dma_wait3A_178 = tpu.memref_slice %arg5[%add3A, %run_scoped3A_38, %dma_wait3A, %dma_wait3A_177] : memref<32x5x25x80xi32, #tpu.memory_space<hbm>> -> memref<1x1x25x80xi32, #tpu.memory_space<hbm>>
      %dma_wait3A_179 = tpu.memref_squeeze %dma_wait3A_178 : memref<1x1x25x80xi32, #tpu.memory_space<hbm>> -> memref<25x80xi32, #tpu.memory_space<hbm>>
      %dma_wait3A_180 = arith.constant 0 : i32
      %dma_wait3A_181 = arith.constant 0 : i32
      %dma_wait3A_182 = tpu.memref_slice %arg5[%add3A, %run_scoped3A_38, %dma_wait3A_180, %dma_wait3A_181] : memref<32x5x25x80xi32, #tpu.memory_space<hbm>> -> memref<1x1x25x80xi32, #tpu.memory_space<hbm>>
      %dma_wait3A_183 = tpu.memref_squeeze %dma_wait3A_182 : memref<1x1x25x80xi32, #tpu.memory_space<hbm>> -> memref<25x80xi32, #tpu.memory_space<hbm>>
      tpu.wait_dma2 semaphore(%run_scoped3A_168 : memref<!tpu.dma_semaphore, #tpu.memory_space<semaphore_mem>>) src(%dma_wait3A_183 : memref<25x80xi32, #tpu.memory_space<hbm>>) dst(%arg9 : memref<25x80xi32, #tpu.memory_space<vmem>>)
      tpu.yield
    }) : () -> ()
    %dma_start3A = arith.constant 0 : i32
    %dma_start3A_39 = arith.constant 0 : i32
    %dma_start3A_40 = tpu.memref_slice %arg9[%dma_start3A, %dma_start3A_39] : memref<25x80xi32, #tpu.memory_space<vmem>> -> memref<1x80xi32, #tpu.memory_space<vmem>>
    %dma_start3A_41 = tpu.memref_squeeze %dma_start3A_40 : memref<1x80xi32, #tpu.memory_space<vmem>> -> memref<80xi32, #tpu.memory_space<vmem>>
    %dma_start3A_42 = arith.constant 0 : i32
    %dma_start3A_43 = arith.constant 0 : i32
    %dma_start3A_44 = tpu.memref_slice %arg2[%dma_start3A_42, %dma_start3A_43] : memref<10000x128xf32, #tpu.memory_space<hbm>> -> memref<10000x128xf32, #tpu.memory_space<hbm>>
    tpu.enqueue_indirect_dma source(%dma_start3A_44 : memref<10000x128xf32, #tpu.memory_space<hbm>>) target(%arg10 : memref<80x128xf32, #tpu.memory_space<vmem>>) offsets(%dma_start3A_41 : memref<80xi32, #tpu.memory_space<vmem>>) semaphore(%arg14 : memref<!tpu.dma_semaphore, #tpu.memory_space<semaphore_mem>>)
    %dma_start3A_45 = arith.constant 0 : i32
    %dma_start3A_46 = arith.constant 0 : i32
    %dma_start3A_47 = tpu.memref_slice %arg8[%dma_start3A_45, %dma_start3A_46] : memref<25x80xi32, #tpu.memory_space<vmem>> -> memref<1x80xi32, #tpu.memory_space<vmem>>
    %dma_start3A_48 = tpu.memref_squeeze %dma_start3A_47 : memref<1x80xi32, #tpu.memory_space<vmem>> -> memref<80xi32, #tpu.memory_space<vmem>>
    %dma_start3A_49 = arith.constant 0 : i32
    %dma_start3A_50 = arith.constant 0 : i32
    %dma_start3A_51 = tpu.memref_slice %arg3[%dma_start3A_49, %dma_start3A_50] : memref<10000x128xf32, #tpu.memory_space<hbm>> -> memref<10000x128xf32, #tpu.memory_space<hbm>>
    tpu.enqueue_indirect_dma source(%dma_start3A_51 : memref<10000x128xf32, #tpu.memory_space<hbm>>) target(%arg11 : memref<80x128xf32, #tpu.memory_space<vmem>>) offsets(%dma_start3A_48 : memref<80xi32, #tpu.memory_space<vmem>>) semaphore(%arg15 : memref<!tpu.dma_semaphore, #tpu.memory_space<semaphore_mem>>)
    %scan3A_52 = arith.constant 0 : i32
    %scan3A_53 = arith.constant 0 : i32
    %scan3A_54 = arith.constant 25 : i32
    %scan3A_55 = arith.addi %scan3A_53, %scan3A_54 : i32
    %scan3A_56 = arith.constant 1 : i32
    %scan3A_57 = scf.for %scan3A_168 = %scan3A_53 to %scan3A_55 step %scan3A_56 iter_args(%scan3A_169 = %scan3A_52) -> (i32)  : i32 {
      %dma_wait3A = arith.constant 0 : i32
      %dma_wait3A_170 = arith.constant 0 : i32
      %dma_wait3A_171 = tpu.memref_slice %arg2[%dma_wait3A, %dma_wait3A_170] : memref<10000x128xf32, #tpu.memory_space<hbm>> -> memref<80x128xf32, #tpu.memory_space<hbm>>
      %dma_wait3A_172 = arith.constant 0 : i32
      %dma_wait3A_173 = arith.constant 0 : i32
      %dma_wait3A_174 = tpu.memref_slice %arg2[%dma_wait3A_172, %dma_wait3A_173] : memref<10000x128xf32, #tpu.memory_space<hbm>> -> memref<80x128xf32, #tpu.memory_space<hbm>>
      tpu.wait_dma2 semaphore(%arg14 : memref<!tpu.dma_semaphore, #tpu.memory_space<semaphore_mem>>) src(%dma_wait3A_174 : memref<80x128xf32, #tpu.memory_space<hbm>>) dst(%arg10 : memref<80x128xf32, #tpu.memory_space<vmem>>)
      %dma_wait3A_175 = arith.constant 0 : i32
      %dma_wait3A_176 = arith.constant 0 : i32
      %dma_wait3A_177 = tpu.memref_slice %arg3[%dma_wait3A_175, %dma_wait3A_176] : memref<10000x128xf32, #tpu.memory_space<hbm>> -> memref<80x128xf32, #tpu.memory_space<hbm>>
      %dma_wait3A_178 = arith.constant 0 : i32
      %dma_wait3A_179 = arith.constant 0 : i32
      %dma_wait3A_180 = tpu.memref_slice %arg3[%dma_wait3A_178, %dma_wait3A_179] : memref<10000x128xf32, #tpu.memory_space<hbm>> -> memref<80x128xf32, #tpu.memory_space<hbm>>
      tpu.wait_dma2 semaphore(%arg15 : memref<!tpu.dma_semaphore, #tpu.memory_space<semaphore_mem>>) src(%dma_wait3A_180 : memref<80x128xf32, #tpu.memory_space<hbm>>) dst(%arg11 : memref<80x128xf32, #tpu.memory_space<vmem>>)
      %scan3A_181 = arith.constant 0 : i32
      %scan3A_182 = arith.constant 0 : i32
      %scan3A_183 = arith.constant 80 : i32
      %scan3A_184 = arith.addi %scan3A_182, %scan3A_183 : i32
      %scan3A_185 = arith.constant 1 : i32
      %scan3A_186 = scf.for %scan3A_219 = %scan3A_182 to %scan3A_184 step %scan3A_185 iter_args(%scan3A_220 = %scan3A_181) -> (i32)  : i32 {
        %get3A = arith.index_cast %scan3A_219 : i32 to index
        %get3A_221 = arith.constant 0 : index
        %get3A_222 = tpu.vector_load %arg10[%get3A, %get3A_221] {strides = array<i32>} : memref<80x128xf32, #tpu.memory_space<vmem>>, vector<1x16xf32>,
        %get3A_223 = vector.shape_cast %get3A_222 : vector<1x16xf32> to vector<16xf32>
        %get3A_224 = arith.index_cast %scan3A_219 : i32 to index
        %get3A_225 = arith.constant 0 : index
        %get3A_226 = tpu.vector_load %arg11[%get3A_224, %get3A_225] {strides = array<i32>} : memref<80x128xf32, #tpu.memory_space<vmem>>, vector<1x16xf32>,
        %get3A_227 = vector.shape_cast %get3A_226 : vector<1x16xf32> to vector<16xf32>
        %add3A_228 = arith.addf %get3A_223, %get3A_227 : vector<16xf32>
        %max3A = arith.constant 0.000000e+00 : f32
        %max3A_229 = vector.broadcast %max3A : f32 to vector<16xf32>
        %max3A_230 = arith.maximumf %add3A_228, %max3A_229 : vector<16xf32>
        %swap3A = arith.index_cast %scan3A_219 : i32 to index
        %swap3A_231 = arith.constant 0 : index
        %swap3A_232 = tpu.vector_load %arg11[%swap3A, %swap3A_231] {strides = array<i32>} : memref<80x128xf32, #tpu.memory_space<vmem>>, vector<1x16xf32>,
        %swap3A_233 = vector.shape_cast %swap3A_232 : vector<1x16xf32> to vector<16xf32>
        %swap3A_234 = vector.shape_cast %max3A_230 : vector<16xf32> to vector<1x16xf32>
        tpu.vector_store %arg11[%swap3A, %swap3A_231], %swap3A_234 {strides = array<i32>} : memref<80x128xf32, #tpu.memory_space<vmem>>, vector<1x16xf32>,
        %get3A_235 = arith.index_cast %scan3A_219 : i32 to index
        %get3A_236 = arith.constant 16 : index
        %get3A_237 = tpu.vector_load %arg10[%get3A_235, %get3A_236] {strides = array<i32>} : memref<80x128xf32, #tpu.memory_space<vmem>>, vector<1x16xf32>,
        %get3A_238 = vector.shape_cast %get3A_237 : vector<1x16xf32> to vector<16xf32>
        %get3A_239 = arith.index_cast %scan3A_219 : i32 to index
        %get3A_240 = arith.constant 16 : index
        %get3A_241 = tpu.vector_load %arg11[%get3A_239, %get3A_240] {strides = array<i32>} : memref<80x128xf32, #tpu.memory_space<vmem>>, vector<1x16xf32>,
        %get3A_242 = vector.shape_cast %get3A_241 : vector<1x16xf32> to vector<16xf32>
        %add3A_243 = arith.addf %get3A_238, %get3A_242 : vector<16xf32>
        %max3A_244 = arith.constant 0.000000e+00 : f32
        %max3A_245 = vector.broadcast %max3A_244 : f32 to vector<16xf32>
        %max3A_246 = arith.maximumf %add3A_243, %max3A_245 : vector<16xf32>
        %swap3A_247 = arith.index_cast %scan3A_219 : i32 to index
        %swap3A_248 = arith.constant 16 : index
        %swap3A_249 = tpu.vector_load %arg11[%swap3A_247, %swap3A_248] {strides = array<i32>} : memref<80x128xf32, #tpu.memory_space<vmem>>, vector<1x16xf32>,
        %swap3A_250 = vector.shape_cast %swap3A_249 : vector<1x16xf32> to vector<16xf32>
        %swap3A_251 = vector.shape_cast %max3A_246 : vector<16xf32> to vector<1x16xf32>
        tpu.vector_store %arg11[%swap3A_247, %swap3A_248], %swap3A_251 {strides = array<i32>} : memref<80x128xf32, #tpu.memory_space<vmem>>, vector<1x16xf32>,
        %get3A_252 = arith.index_cast %scan3A_219 : i32 to index
        %get3A_253 = arith.constant 32 : index
        %get3A_254 = tpu.vector_load %arg10[%get3A_252, %get3A_253] {strides = array<i32>} : memref<80x128xf32, #tpu.memory_space<vmem>>, vector<1x16xf32>,
        %get3A_255 = vector.shape_cast %get3A_254 : vector<1x16xf32> to vector<16xf32>
        %get3A_256 = arith.index_cast %scan3A_219 : i32 to index
        %get3A_257 = arith.constant 32 : index
        %get3A_258 = tpu.vector_load %arg11[%get3A_256, %get3A_257] {strides = array<i32>} : memref<80x128xf32, #tpu.memory_space<vmem>>, vector<1x16xf32>,
        %get3A_259 = vector.shape_cast %get3A_258 : vector<1x16xf32> to vector<16xf32>
        %add3A_260 = arith.addf %get3A_255, %get3A_259 : vector<16xf32>
        %max3A_261 = arith.constant 0.000000e+00 : f32
        %max3A_262 = vector.broadcast %max3A_261 : f32 to vector<16xf32>
        %max3A_263 = arith.maximumf %add3A_260, %max3A_262 : vector<16xf32>
        %swap3A_264 = arith.index_cast %scan3A_219 : i32 to index
        %swap3A_265 = arith.constant 32 : index
        %swap3A_266 = tpu.vector_load %arg11[%swap3A_264, %swap3A_265] {strides = array<i32>} : memref<80x128xf32, #tpu.memory_space<vmem>>, vector<1x16xf32>,
        %swap3A_267 = vector.shape_cast %swap3A_266 : vector<1x16xf32> to vector<16xf32>
        %swap3A_268 = vector.shape_cast %max3A_263 : vector<16xf32> to vector<1x16xf32>
        tpu.vector_store %arg11[%swap3A_264, %swap3A_265], %swap3A_268 {strides = array<i32>} : memref<80x128xf32, #tpu.memory_space<vmem>>, vector<1x16xf32>,
        %get3A_269 = arith.index_cast %scan3A_219 : i32 to index
        %get3A_270 = arith.constant 48 : index
        %get3A_271 = tpu.vector_load %arg10[%get3A_269, %get3A_270] {strides = array<i32>} : memref<80x128xf32, #tpu.memory_space<vmem>>, vector<1x16xf32>,
        %get3A_272 = vector.shape_cast %get3A_271 : vector<1x16xf32> to vector<16xf32>
        %get3A_273 = arith.index_cast %scan3A_219 : i32 to index
        %get3A_274 = arith.constant 48 : index
        %get3A_275 = tpu.vector_load %arg11[%get3A_273, %get3A_274] {strides = array<i32>} : memref<80x128xf32, #tpu.memory_space<vmem>>, vector<1x16xf32>,
        %get3A_276 = vector.shape_cast %get3A_275 : vector<1x16xf32> to vector<16xf32>
        %add3A_277 = arith.addf %get3A_272, %get3A_276 : vector<16xf32>
        %max3A_278 = arith.constant 0.000000e+00 : f32
        %max3A_279 = vector.broadcast %max3A_278 : f32 to vector<16xf32>
        %max3A_280 = arith.maximumf %add3A_277, %max3A_279 : vector<16xf32>
        %swap3A_281 = arith.index_cast %scan3A_219 : i32 to index
        %swap3A_282 = arith.constant 48 : index
        %swap3A_283 = tpu.vector_load %arg11[%swap3A_281, %swap3A_282] {strides = array<i32>} : memref<80x128xf32, #tpu.memory_space<vmem>>, vector<1x16xf32>,
        %swap3A_284 = vector.shape_cast %swap3A_283 : vector<1x16xf32> to vector<16xf32>
        %swap3A_285 = vector.shape_cast %max3A_280 : vector<16xf32> to vector<1x16xf32>
        tpu.vector_store %arg11[%swap3A_281, %swap3A_282], %swap3A_285 {strides = array<i32>} : memref<80x128xf32, #tpu.memory_space<vmem>>, vector<1x16xf32>,
        %get3A_286 = arith.index_cast %scan3A_219 : i32 to index
        %get3A_287 = arith.constant 64 : index
        %get3A_288 = tpu.vector_load %arg10[%get3A_286, %get3A_287] {strides = array<i32>} : memref<80x128xf32, #tpu.memory_space<vmem>>, vector<1x16xf32>,
        %get3A_289 = vector.shape_cast %get3A_288 : vector<1x16xf32> to vector<16xf32>
        %get3A_290 = arith.index_cast %scan3A_219 : i32 to index
        %get3A_291 = arith.constant 64 : index
        %get3A_292 = tpu.vector_load %arg11[%get3A_290, %get3A_291] {strides = array<i32>} : memref<80x128xf32, #tpu.memory_space<vmem>>, vector<1x16xf32>,
        %get3A_293 = vector.shape_cast %get3A_292 : vector<1x16xf32> to vector<16xf32>
        %add3A_294 = arith.addf %get3A_289, %get3A_293 : vector<16xf32>
        %max3A_295 = arith.constant 0.000000e+00 : f32
        %max3A_296 = vector.broadcast %max3A_295 : f32 to vector<16xf32>
        %max3A_297 = arith.maximumf %add3A_294, %max3A_296 : vector<16xf32>
        %swap3A_298 = arith.index_cast %scan3A_219 : i32 to index
        %swap3A_299 = arith.constant 64 : index
        %swap3A_300 = tpu.vector_load %arg11[%swap3A_298, %swap3A_299] {strides = array<i32>} : memref<80x128xf32, #tpu.memory_space<vmem>>, vector<1x16xf32>,
        %swap3A_301 = vector.shape_cast %swap3A_300 : vector<1x16xf32> to vector<16xf32>
        %swap3A_302 = vector.shape_cast %max3A_297 : vector<16xf32> to vector<1x16xf32>
        tpu.vector_store %arg11[%swap3A_298, %swap3A_299], %swap3A_302 {strides = array<i32>} : memref<80x128xf32, #tpu.memory_space<vmem>>, vector<1x16xf32>,
        %get3A_303 = arith.index_cast %scan3A_219 : i32 to index
        %get3A_304 = arith.constant 80 : index
        %get3A_305 = tpu.vector_load %arg10[%get3A_303, %get3A_304] {strides = array<i32>} : memref<80x128xf32, #tpu.memory_space<vmem>>, vector<1x16xf32>,
        %get3A_306 = vector.shape_cast %get3A_305 : vector<1x16xf32> to vector<16xf32>
        %get3A_307 = arith.index_cast %scan3A_219 : i32 to index
        %get3A_308 = arith.constant 80 : index
        %get3A_309 = tpu.vector_load %arg11[%get3A_307, %get3A_308] {strides = array<i32>} : memref<80x128xf32, #tpu.memory_space<vmem>>, vector<1x16xf32>,
        %get3A_310 = vector.shape_cast %get3A_309 : vector<1x16xf32> to vector<16xf32>
        %add3A_311 = arith.addf %get3A_306, %get3A_310 : vector<16xf32>
        %max3A_312 = arith.constant 0.000000e+00 : f32
        %max3A_313 = vector.broadcast %max3A_312 : f32 to vector<16xf32>
        %max3A_314 = arith.maximumf %add3A_311, %max3A_313 : vector<16xf32>
        %swap3A_315 = arith.index_cast %scan3A_219 : i32 to index
        %swap3A_316 = arith.constant 80 : index
        %swap3A_317 = tpu.vector_load %arg11[%swap3A_315, %swap3A_316] {strides = array<i32>} : memref<80x128xf32, #tpu.memory_space<vmem>>, vector<1x16xf32>,
        %swap3A_318 = vector.shape_cast %swap3A_317 : vector<1x16xf32> to vector<16xf32>
        %swap3A_319 = vector.shape_cast %max3A_314 : vector<16xf32> to vector<1x16xf32>
        tpu.vector_store %arg11[%swap3A_315, %swap3A_316], %swap3A_319 {strides = array<i32>} : memref<80x128xf32, #tpu.memory_space<vmem>>, vector<1x16xf32>,
        %get3A_320 = arith.index_cast %scan3A_219 : i32 to index
        %get3A_321 = arith.constant 96 : index
        %get3A_322 = tpu.vector_load %arg10[%get3A_320, %get3A_321] {strides = array<i32>} : memref<80x128xf32, #tpu.memory_space<vmem>>, vector<1x16xf32>,
        %get3A_323 = vector.shape_cast %get3A_322 : vector<1x16xf32> to vector<16xf32>
        %get3A_324 = arith.index_cast %scan3A_219 : i32 to index
        %get3A_325 = arith.constant 96 : index
        %get3A_326 = tpu.vector_load %arg11[%get3A_324, %get3A_325] {strides = array<i32>} : memref<80x128xf32, #tpu.memory_space<vmem>>, vector<1x16xf32>,
        %get3A_327 = vector.shape_cast %get3A_326 : vector<1x16xf32> to vector<16xf32>
        %add3A_328 = arith.addf %get3A_323, %get3A_327 : vector<16xf32>
        %max3A_329 = arith.constant 0.000000e+00 : f32
        %max3A_330 = vector.broadcast %max3A_329 : f32 to vector<16xf32>
        %max3A_331 = arith.maximumf %add3A_328, %max3A_330 : vector<16xf32>
        %swap3A_332 = arith.index_cast %scan3A_219 : i32 to index
        %swap3A_333 = arith.constant 96 : index
        %swap3A_334 = tpu.vector_load %arg11[%swap3A_332, %swap3A_333] {strides = array<i32>} : memref<80x128xf32, #tpu.memory_space<vmem>>, vector<1x16xf32>,
        %swap3A_335 = vector.shape_cast %swap3A_334 : vector<1x16xf32> to vector<16xf32>
        %swap3A_336 = vector.shape_cast %max3A_331 : vector<16xf32> to vector<1x16xf32>
        tpu.vector_store %arg11[%swap3A_332, %swap3A_333], %swap3A_336 {strides = array<i32>} : memref<80x128xf32, #tpu.memory_space<vmem>>, vector<1x16xf32>,
        %get3A_337 = arith.index_cast %scan3A_219 : i32 to index
        %get3A_338 = arith.constant 112 : index
        %get3A_339 = tpu.vector_load %arg10[%get3A_337, %get3A_338] {strides = array<i32>} : memref<80x128xf32, #tpu.memory_space<vmem>>, vector<1x16xf32>,
        %get3A_340 = vector.shape_cast %get3A_339 : vector<1x16xf32> to vector<16xf32>
        %get3A_341 = arith.index_cast %scan3A_219 : i32 to index
        %get3A_342 = arith.constant 112 : index
        %get3A_343 = tpu.vector_load %arg11[%get3A_341, %get3A_342] {strides = array<i32>} : memref<80x128xf32, #tpu.memory_space<vmem>>, vector<1x16xf32>,
        %get3A_344 = vector.shape_cast %get3A_343 : vector<1x16xf32> to vector<16xf32>
        %add3A_345 = arith.addf %get3A_340, %get3A_344 : vector<16xf32>
        %max3A_346 = arith.constant 0.000000e+00 : f32
        %max3A_347 = vector.broadcast %max3A_346 : f32 to vector<16xf32>
        %max3A_348 = arith.maximumf %add3A_345, %max3A_347 : vector<16xf32>
        %swap3A_349 = arith.index_cast %scan3A_219 : i32 to index
        %swap3A_350 = arith.constant 112 : index
        %swap3A_351 = tpu.vector_load %arg11[%swap3A_349, %swap3A_350] {strides = array<i32>} : memref<80x128xf32, #tpu.memory_space<vmem>>, vector<1x16xf32>,
        %swap3A_352 = vector.shape_cast %swap3A_351 : vector<1x16xf32> to vector<16xf32>
        %swap3A_353 = vector.shape_cast %max3A_348 : vector<16xf32> to vector<1x16xf32>
        tpu.vector_store %arg11[%swap3A_349, %swap3A_350], %swap3A_353 {strides = array<i32>} : memref<80x128xf32, #tpu.memory_space<vmem>>, vector<1x16xf32>,
        %scan3A_354 = arith.constant 0 : i32
        scf.yield %scan3A_354 : i32
      }
      %scan3A_187 = arith.constant 80 : i32
      %add3A_188 = arith.constant 1 : i32
      %add3A_189 = arith.addi %scan3A_168, %add3A_188 : i32
      %lt3A = arith.constant 25 : i32
      %lt3A_190 = arith.cmpi slt, %add3A_189, %lt3A : i32
      %convert_element_type3A = arith.extui %lt3A_190 : i1 to i32
      %cond3A = arith.constant 0 : i32
      %cond3A_191 = arith.cmpi ne, %convert_element_type3A, %cond3A : i32
      scf.if %cond3A_191 {
        %add3A_219 = arith.constant 1 : i32
        %add3A_220 = arith.addi %scan3A_168, %add3A_219 : i32
        %dma_start3A_221 = arith.constant 0 : i32
        %dma_start3A_222 = tpu.memref_slice %arg9[%add3A_220, %dma_start3A_221] : memref<25x80xi32, #tpu.memory_space<vmem>> -> memref<1x80xi32, #tpu.memory_space<vmem>>
        %dma_start3A_223 = tpu.memref_squeeze %dma_start3A_222 : memref<1x80xi32, #tpu.memory_space<vmem>> -> memref<80xi32, #tpu.memory_space<vmem>>
        %dma_start3A_224 = arith.constant 0 : i32
        %dma_start3A_225 = arith.constant 0 : i32
        %dma_start3A_226 = tpu.memref_slice %arg2[%dma_start3A_224, %dma_start3A_225] : memref<10000x128xf32, #tpu.memory_space<hbm>> -> memref<10000x128xf32, #tpu.memory_space<hbm>>
        tpu.enqueue_indirect_dma source(%dma_start3A_226 : memref<10000x128xf32, #tpu.memory_space<hbm>>) target(%arg10 : memref<80x128xf32, #tpu.memory_space<vmem>>) offsets(%dma_start3A_223 : memref<80xi32, #tpu.memory_space<vmem>>) semaphore(%arg14 : memref<!tpu.dma_semaphore, #tpu.memory_space<semaphore_mem>>)
      } else {
      }
      %dma_start3A_192 = arith.constant 0 : i32
      %dma_start3A_193 = tpu.memref_slice %arg9[%scan3A_168, %dma_start3A_192] : memref<25x80xi32, #tpu.memory_space<vmem>> -> memref<1x80xi32, #tpu.memory_space<vmem>>
      %dma_start3A_194 = tpu.memref_squeeze %dma_start3A_193 : memref<1x80xi32, #tpu.memory_space<vmem>> -> memref<80xi32, #tpu.memory_space<vmem>>
      %dma_start3A_195 = arith.constant 0 : i32
      %dma_start3A_196 = arith.constant 0 : i32
      %dma_start3A_197 = tpu.memref_slice %arg13[%dma_start3A_195, %dma_start3A_196] : memref<10240x128xf32, #tpu.memory_space<vmem_shared>> -> memref<10240x128xf32, #tpu.memory_space<vmem_shared>>
      tpu.enqueue_indirect_dma source(%arg11 : memref<80x128xf32, #tpu.memory_space<vmem>>) target(%dma_start3A_197 : memref<10240x128xf32, #tpu.memory_space<vmem_shared>>) offsets(%dma_start3A_194 : memref<80xi32, #tpu.memory_space<vmem>>) semaphore(%arg16 : memref<!tpu.dma_semaphore, #tpu.memory_space<semaphore_mem>>) {add = true}
      %scan3A_198 = arith.constant 0 : i32
      %scan3A_199 = arith.constant 0 : i32
      %scan3A_200 = arith.constant 5 : i32
      %scan3A_201 = arith.addi %scan3A_199, %scan3A_200 : i32
      %scan3A_202 = arith.constant 1 : i32
      %scan3A_203 = scf.for %scan3A_219 = %scan3A_199 to %scan3A_201 step %scan3A_202 iter_args(%scan3A_220 = %scan3A_198) -> (i32)  : i32 {
        %mul3A_221 = arith.constant 16 : i32
        %mul3A_222 = arith.muli %scan3A_219, %mul3A_221 : i32
        %get3A = arith.index_cast %scan3A_168 : i32 to index
        %get3A_223 = arith.index_cast %mul3A_222 : i32 to index
        %get3A_224 = tpu.vector_load %arg9[%get3A, %get3A_223] {strides = array<i32>} : memref<25x80xi32, #tpu.memory_space<vmem>>, vector<1x16xi32>,
        %get3A_225 = vector.shape_cast %get3A_224 : vector<1x16xi32> to vector<16xi32>
        %slice3A = vector.extract_strided_slice %get3A_225 {offsets = [0], sizes = [1], strides = [1]} : vector<16xi32> to vector<1xi32>
        %squeeze3A = vector.extract %slice3A[0] : i32 from vector<1xi32>
        %get3A_226 = arith.index_cast %squeeze3A : i32 to index
        %get3A_227 = tpu.vector_load %arg12[%get3A_226] {strides = array<i32>} : memref<10240xf32, #tpu.memory_space<vmem>>, vector<16xf32>,
        %get3A_228 = vector.shape_cast %get3A_227 : vector<16xf32> to vector<16xf32>
        %add3A_229 = arith.addf %get3A_228, %select_n3A : vector<16xf32>
        %swap3A = arith.index_cast %squeeze3A : i32 to index
        %swap3A_230 = tpu.vector_load %arg12[%swap3A] {strides = array<i32>} : memref<10240xf32, #tpu.memory_space<vmem>>, vector<16xf32>,
        %swap3A_231 = vector.shape_cast %swap3A_230 : vector<16xf32> to vector<16xf32>
        %swap3A_232 = vector.shape_cast %add3A_229 : vector<16xf32> to vector<16xf32>
        tpu.vector_store %arg12[%swap3A], %swap3A_232 {strides = array<i32>} : memref<10240xf32, #tpu.memory_space<vmem>>, vector<16xf32>,
        %slice3A_233 = vector.extract_strided_slice %get3A_225 {offsets = [1], sizes = [1], strides = [1]} : vector<16xi32> to vector<1xi32>
        %squeeze3A_234 = vector.extract %slice3A_233[0] : i32 from vector<1xi32>
        %get3A_235 = arith.index_cast %squeeze3A_234 : i32 to index
        %get3A_236 = tpu.vector_load %arg12[%get3A_235] {strides = array<i32>} : memref<10240xf32, #tpu.memory_space<vmem>>, vector<16xf32>,
        %get3A_237 = vector.shape_cast %get3A_236 : vector<16xf32> to vector<16xf32>
        %add3A_238 = arith.addf %get3A_237, %select_n3A : vector<16xf32>
        %swap3A_239 = arith.index_cast %squeeze3A_234 : i32 to index
        %swap3A_240 = tpu.vector_load %arg12[%swap3A_239] {strides = array<i32>} : memref<10240xf32, #tpu.memory_space<vmem>>, vector<16xf32>,
        %swap3A_241 = vector.shape_cast %swap3A_240 : vector<16xf32> to vector<16xf32>
        %swap3A_242 = vector.shape_cast %add3A_238 : vector<16xf32> to vector<16xf32>
        tpu.vector_store %arg12[%swap3A_239], %swap3A_242 {strides = array<i32>} : memref<10240xf32, #tpu.memory_space<vmem>>, vector<16xf32>,
        %slice3A_243 = vector.extract_strided_slice %get3A_225 {offsets = [2], sizes = [1], strides = [1]} : vector<16xi32> to vector<1xi32>
        %squeeze3A_244 = vector.extract %slice3A_243[0] : i32 from vector<1xi32>
        %get3A_245 = arith.index_cast %squeeze3A_244 : i32 to index
        %get3A_246 = tpu.vector_load %arg12[%get3A_245] {strides = array<i32>} : memref<10240xf32, #tpu.memory_space<vmem>>, vector<16xf32>,
        %get3A_247 = vector.shape_cast %get3A_246 : vector<16xf32> to vector<16xf32>
        %add3A_248 = arith.addf %get3A_247, %select_n3A : vector<16xf32>
        %swap3A_249 = arith.index_cast %squeeze3A_244 : i32 to index
        %swap3A_250 = tpu.vector_load %arg12[%swap3A_249] {strides = array<i32>} : memref<10240xf32, #tpu.memory_space<vmem>>, vector<16xf32>,
        %swap3A_251 = vector.shape_cast %swap3A_250 : vector<16xf32> to vector<16xf32>
        %swap3A_252 = vector.shape_cast %add3A_248 : vector<16xf32> to vector<16xf32>
        tpu.vector_store %arg12[%swap3A_249], %swap3A_252 {strides = array<i32>} : memref<10240xf32, #tpu.memory_space<vmem>>, vector<16xf32>,
        %slice3A_253 = vector.extract_strided_slice %get3A_225 {offsets = [3], sizes = [1], strides = [1]} : vector<16xi32> to vector<1xi32>
        %squeeze3A_254 = vector.extract %slice3A_253[0] : i32 from vector<1xi32>
        %get3A_255 = arith.index_cast %squeeze3A_254 : i32 to index
        %get3A_256 = tpu.vector_load %arg12[%get3A_255] {strides = array<i32>} : memref<10240xf32, #tpu.memory_space<vmem>>, vector<16xf32>,
        %get3A_257 = vector.shape_cast %get3A_256 : vector<16xf32> to vector<16xf32>
        %add3A_258 = arith.addf %get3A_257, %select_n3A : vector<16xf32>
        %swap3A_259 = arith.index_cast %squeeze3A_254 : i32 to index
        %swap3A_260 = tpu.vector_load %arg12[%swap3A_259] {strides = array<i32>} : memref<10240xf32, #tpu.memory_space<vmem>>, vector<16xf32>,
        %swap3A_261 = vector.shape_cast %swap3A_260 : vector<16xf32> to vector<16xf32>
        %swap3A_262 = vector.shape_cast %add3A_258 : vector<16xf32> to vector<16xf32>
        tpu.vector_store %arg12[%swap3A_259], %swap3A_262 {strides = array<i32>} : memref<10240xf32, #tpu.memory_space<vmem>>, vector<16xf32>,
        %slice3A_263 = vector.extract_strided_slice %get3A_225 {offsets = [4], sizes = [1], strides = [1]} : vector<16xi32> to vector<1xi32>
        %squeeze3A_264 = vector.extract %slice3A_263[0] : i32 from vector<1xi32>
        %get3A_265 = arith.index_cast %squeeze3A_264 : i32 to index
        %get3A_266 = tpu.vector_load %arg12[%get3A_265] {strides = array<i32>} : memref<10240xf32, #tpu.memory_space<vmem>>, vector<16xf32>,
        %get3A_267 = vector.shape_cast %get3A_266 : vector<16xf32> to vector<16xf32>
        %add3A_268 = arith.addf %get3A_267, %select_n3A : vector<16xf32>
        %swap3A_269 = arith.index_cast %squeeze3A_264 : i32 to index
        %swap3A_270 = tpu.vector_load %arg12[%swap3A_269] {strides = array<i32>} : memref<10240xf32, #tpu.memory_space<vmem>>, vector<16xf32>,
        %swap3A_271 = vector.shape_cast %swap3A_270 : vector<16xf32> to vector<16xf32>
        %swap3A_272 = vector.shape_cast %add3A_268 : vector<16xf32> to vector<16xf32>
        tpu.vector_store %arg12[%swap3A_269], %swap3A_272 {strides = array<i32>} : memref<10240xf32, #tpu.memory_space<vmem>>, vector<16xf32>,
        %slice3A_273 = vector.extract_strided_slice %get3A_225 {offsets = [5], sizes = [1], strides = [1]} : vector<16xi32> to vector<1xi32>
        %squeeze3A_274 = vector.extract %slice3A_273[0] : i32 from vector<1xi32>
        %get3A_275 = arith.index_cast %squeeze3A_274 : i32 to index
        %get3A_276 = tpu.vector_load %arg12[%get3A_275] {strides = array<i32>} : memref<10240xf32, #tpu.memory_space<vmem>>, vector<16xf32>,
        %get3A_277 = vector.shape_cast %get3A_276 : vector<16xf32> to vector<16xf32>
        %add3A_278 = arith.addf %get3A_277, %select_n3A : vector<16xf32>
        %swap3A_279 = arith.index_cast %squeeze3A_274 : i32 to index
        %swap3A_280 = tpu.vector_load %arg12[%swap3A_279] {strides = array<i32>} : memref<10240xf32, #tpu.memory_space<vmem>>, vector<16xf32>,
        %swap3A_281 = vector.shape_cast %swap3A_280 : vector<16xf32> to vector<16xf32>
        %swap3A_282 = vector.shape_cast %add3A_278 : vector<16xf32> to vector<16xf32>
        tpu.vector_store %arg12[%swap3A_279], %swap3A_282 {strides = array<i32>} : memref<10240xf32, #tpu.memory_space<vmem>>, vector<16xf32>,
        %slice3A_283 = vector.extract_strided_slice %get3A_225 {offsets = [6], sizes = [1], strides = [1]} : vector<16xi32> to vector<1xi32>
        %squeeze3A_284 = vector.extract %slice3A_283[0] : i32 from vector<1xi32>
        %get3A_285 = arith.index_cast %squeeze3A_284 : i32 to index
        %get3A_286 = tpu.vector_load %arg12[%get3A_285] {strides = array<i32>} : memref<10240xf32, #tpu.memory_space<vmem>>, vector<16xf32>,
        %get3A_287 = vector.shape_cast %get3A_286 : vector<16xf32> to vector<16xf32>
        %add3A_288 = arith.addf %get3A_287, %select_n3A : vector<16xf32>
        %swap3A_289 = arith.index_cast %squeeze3A_284 : i32 to index
        %swap3A_290 = tpu.vector_load %arg12[%swap3A_289] {strides = array<i32>} : memref<10240xf32, #tpu.memory_space<vmem>>, vector<16xf32>,
        %swap3A_291 = vector.shape_cast %swap3A_290 : vector<16xf32> to vector<16xf32>
        %swap3A_292 = vector.shape_cast %add3A_288 : vector<16xf32> to vector<16xf32>
        tpu.vector_store %arg12[%swap3A_289], %swap3A_292 {strides = array<i32>} : memref<10240xf32, #tpu.memory_space<vmem>>, vector<16xf32>,
        %slice3A_293 = vector.extract_strided_slice %get3A_225 {offsets = [7], sizes = [1], strides = [1]} : vector<16xi32> to vector<1xi32>
        %squeeze3A_294 = vector.extract %slice3A_293[0] : i32 from vector<1xi32>
        %get3A_295 = arith.index_cast %squeeze3A_294 : i32 to index
        %get3A_296 = tpu.vector_load %arg12[%get3A_295] {strides = array<i32>} : memref<10240xf32, #tpu.memory_space<vmem>>, vector<16xf32>,
        %get3A_297 = vector.shape_cast %get3A_296 : vector<16xf32> to vector<16xf32>
        %add3A_298 = arith.addf %get3A_297, %select_n3A : vector<16xf32>
        %swap3A_299 = arith.index_cast %squeeze3A_294 : i32 to index
        %swap3A_300 = tpu.vector_load %arg12[%swap3A_299] {strides = array<i32>} : memref<10240xf32, #tpu.memory_space<vmem>>, vector<16xf32>,
        %swap3A_301 = vector.shape_cast %swap3A_300 : vector<16xf32> to vector<16xf32>
        %swap3A_302 = vector.shape_cast %add3A_298 : vector<16xf32> to vector<16xf32>
        tpu.vector_store %arg12[%swap3A_299], %swap3A_302 {strides = array<i32>} : memref<10240xf32, #tpu.memory_space<vmem>>, vector<16xf32>,
        %slice3A_303 = vector.extract_strided_slice %get3A_225 {offsets = [8], sizes = [1], strides = [1]} : vector<16xi32> to vector<1xi32>
        %squeeze3A_304 = vector.extract %slice3A_303[0] : i32 from vector<1xi32>
        %get3A_305 = arith.index_cast %squeeze3A_304 : i32 to index
        %get3A_306 = tpu.vector_load %arg12[%get3A_305] {strides = array<i32>} : memref<10240xf32, #tpu.memory_space<vmem>>, vector<16xf32>,
        %get3A_307 = vector.shape_cast %get3A_306 : vector<16xf32> to vector<16xf32>
        %add3A_308 = arith.addf %get3A_307, %select_n3A : vector<16xf32>
        %swap3A_309 = arith.index_cast %squeeze3A_304 : i32 to index
        %swap3A_310 = tpu.vector_load %arg12[%swap3A_309] {strides = array<i32>} : memref<10240xf32, #tpu.memory_space<vmem>>, vector<16xf32>,
        %swap3A_311 = vector.shape_cast %swap3A_310 : vector<16xf32> to vector<16xf32>
        %swap3A_312 = vector.shape_cast %add3A_308 : vector<16xf32> to vector<16xf32>
        tpu.vector_store %arg12[%swap3A_309], %swap3A_312 {strides = array<i32>} : memref<10240xf32, #tpu.memory_space<vmem>>, vector<16xf32>,
        %slice3A_313 = vector.extract_strided_slice %get3A_225 {offsets = [9], sizes = [1], strides = [1]} : vector<16xi32> to vector<1xi32>
        %squeeze3A_314 = vector.extract %slice3A_313[0] : i32 from vector<1xi32>
        %get3A_315 = arith.index_cast %squeeze3A_314 : i32 to index
        %get3A_316 = tpu.vector_load %arg12[%get3A_315] {strides = array<i32>} : memref<10240xf32, #tpu.memory_space<vmem>>, vector<16xf32>,
        %get3A_317 = vector.shape_cast %get3A_316 : vector<16xf32> to vector<16xf32>
        %add3A_318 = arith.addf %get3A_317, %select_n3A : vector<16xf32>
        %swap3A_319 = arith.index_cast %squeeze3A_314 : i32 to index
        %swap3A_320 = tpu.vector_load %arg12[%swap3A_319] {strides = array<i32>} : memref<10240xf32, #tpu.memory_space<vmem>>, vector<16xf32>,
        %swap3A_321 = vector.shape_cast %swap3A_320 : vector<16xf32> to vector<16xf32>
        %swap3A_322 = vector.shape_cast %add3A_318 : vector<16xf32> to vector<16xf32>
        tpu.vector_store %arg12[%swap3A_319], %swap3A_322 {strides = array<i32>} : memref<10240xf32, #tpu.memory_space<vmem>>, vector<16xf32>,
        %slice3A_323 = vector.extract_strided_slice %get3A_225 {offsets = [10], sizes = [1], strides = [1]} : vector<16xi32> to vector<1xi32>
        %squeeze3A_324 = vector.extract %slice3A_323[0] : i32 from vector<1xi32>
        %get3A_325 = arith.index_cast %squeeze3A_324 : i32 to index
        %get3A_326 = tpu.vector_load %arg12[%get3A_325] {strides = array<i32>} : memref<10240xf32, #tpu.memory_space<vmem>>, vector<16xf32>,
        %get3A_327 = vector.shape_cast %get3A_326 : vector<16xf32> to vector<16xf32>
        %add3A_328 = arith.addf %get3A_327, %select_n3A : vector<16xf32>
        %swap3A_329 = arith.index_cast %squeeze3A_324 : i32 to index
        %swap3A_330 = tpu.vector_load %arg12[%swap3A_329] {strides = array<i32>} : memref<10240xf32, #tpu.memory_space<vmem>>, vector<16xf32>,
        %swap3A_331 = vector.shape_cast %swap3A_330 : vector<16xf32> to vector<16xf32>
        %swap3A_332 = vector.shape_cast %add3A_328 : vector<16xf32> to vector<16xf32>
        tpu.vector_store %arg12[%swap3A_329], %swap3A_332 {strides = array<i32>} : memref<10240xf32, #tpu.memory_space<vmem>>, vector<16xf32>,
        %slice3A_333 = vector.extract_strided_slice %get3A_225 {offsets = [11], sizes = [1], strides = [1]} : vector<16xi32> to vector<1xi32>
        %squeeze3A_334 = vector.extract %slice3A_333[0] : i32 from vector<1xi32>
        %get3A_335 = arith.index_cast %squeeze3A_334 : i32 to index
        %get3A_336 = tpu.vector_load %arg12[%get3A_335] {strides = array<i32>} : memref<10240xf32, #tpu.memory_space<vmem>>, vector<16xf32>,
        %get3A_337 = vector.shape_cast %get3A_336 : vector<16xf32> to vector<16xf32>
        %add3A_338 = arith.addf %get3A_337, %select_n3A : vector<16xf32>
        %swap3A_339 = arith.index_cast %squeeze3A_334 : i32 to index
        %swap3A_340 = tpu.vector_load %arg12[%swap3A_339] {strides = array<i32>} : memref<10240xf32, #tpu.memory_space<vmem>>, vector<16xf32>,
        %swap3A_341 = vector.shape_cast %swap3A_340 : vector<16xf32> to vector<16xf32>
        %swap3A_342 = vector.shape_cast %add3A_338 : vector<16xf32> to vector<16xf32>
        tpu.vector_store %arg12[%swap3A_339], %swap3A_342 {strides = array<i32>} : memref<10240xf32, #tpu.memory_space<vmem>>, vector<16xf32>,
        %slice3A_343 = vector.extract_strided_slice %get3A_225 {offsets = [12], sizes = [1], strides = [1]} : vector<16xi32> to vector<1xi32>
        %squeeze3A_344 = vector.extract %slice3A_343[0] : i32 from vector<1xi32>
        %get3A_345 = arith.index_cast %squeeze3A_344 : i32 to index
        %get3A_346 = tpu.vector_load %arg12[%get3A_345] {strides = array<i32>} : memref<10240xf32, #tpu.memory_space<vmem>>, vector<16xf32>,
        %get3A_347 = vector.shape_cast %get3A_346 : vector<16xf32> to vector<16xf32>
        %add3A_348 = arith.addf %get3A_347, %select_n3A : vector<16xf32>
        %swap3A_349 = arith.index_cast %squeeze3A_344 : i32 to index
        %swap3A_350 = tpu.vector_load %arg12[%swap3A_349] {strides = array<i32>} : memref<10240xf32, #tpu.memory_space<vmem>>, vector<16xf32>,
        %swap3A_351 = vector.shape_cast %swap3A_350 : vector<16xf32> to vector<16xf32>
        %swap3A_352 = vector.shape_cast %add3A_348 : vector<16xf32> to vector<16xf32>
        tpu.vector_store %arg12[%swap3A_349], %swap3A_352 {strides = array<i32>} : memref<10240xf32, #tpu.memory_space<vmem>>, vector<16xf32>,
        %slice3A_353 = vector.extract_strided_slice %get3A_225 {offsets = [13], sizes = [1], strides = [1]} : vector<16xi32> to vector<1xi32>
        %squeeze3A_354 = vector.extract %slice3A_353[0] : i32 from vector<1xi32>
        %get3A_355 = arith.index_cast %squeeze3A_354 : i32 to index
        %get3A_356 = tpu.vector_load %arg12[%get3A_355] {strides = array<i32>} : memref<10240xf32, #tpu.memory_space<vmem>>, vector<16xf32>,
        %get3A_357 = vector.shape_cast %get3A_356 : vector<16xf32> to vector<16xf32>
        %add3A_358 = arith.addf %get3A_357, %select_n3A : vector<16xf32>
        %swap3A_359 = arith.index_cast %squeeze3A_354 : i32 to index
        %swap3A_360 = tpu.vector_load %arg12[%swap3A_359] {strides = array<i32>} : memref<10240xf32, #tpu.memory_space<vmem>>, vector<16xf32>,
        %swap3A_361 = vector.shape_cast %swap3A_360 : vector<16xf32> to vector<16xf32>
        %swap3A_362 = vector.shape_cast %add3A_358 : vector<16xf32> to vector<16xf32>
        tpu.vector_store %arg12[%swap3A_359], %swap3A_362 {strides = array<i32>} : memref<10240xf32, #tpu.memory_space<vmem>>, vector<16xf32>,
        %slice3A_363 = vector.extract_strided_slice %get3A_225 {offsets = [14], sizes = [1], strides = [1]} : vector<16xi32> to vector<1xi32>
        %squeeze3A_364 = vector.extract %slice3A_363[0] : i32 from vector<1xi32>
        %get3A_365 = arith.index_cast %squeeze3A_364 : i32 to index
        %get3A_366 = tpu.vector_load %arg12[%get3A_365] {strides = array<i32>} : memref<10240xf32, #tpu.memory_space<vmem>>, vector<16xf32>,
        %get3A_367 = vector.shape_cast %get3A_366 : vector<16xf32> to vector<16xf32>
        %add3A_368 = arith.addf %get3A_367, %select_n3A : vector<16xf32>
        %swap3A_369 = arith.index_cast %squeeze3A_364 : i32 to index
        %swap3A_370 = tpu.vector_load %arg12[%swap3A_369] {strides = array<i32>} : memref<10240xf32, #tpu.memory_space<vmem>>, vector<16xf32>,
        %swap3A_371 = vector.shape_cast %swap3A_370 : vector<16xf32> to vector<16xf32>
        %swap3A_372 = vector.shape_cast %add3A_368 : vector<16xf32> to vector<16xf32>
        tpu.vector_store %arg12[%swap3A_369], %swap3A_372 {strides = array<i32>} : memref<10240xf32, #tpu.memory_space<vmem>>, vector<16xf32>,
        %slice3A_373 = vector.extract_strided_slice %get3A_225 {offsets = [15], sizes = [1], strides = [1]} : vector<16xi32> to vector<1xi32>
        %squeeze3A_374 = vector.extract %slice3A_373[0] : i32 from vector<1xi32>
        %get3A_375 = arith.index_cast %squeeze3A_374 : i32 to index
        %get3A_376 = tpu.vector_load %arg12[%get3A_375] {strides = array<i32>} : memref<10240xf32, #tpu.memory_space<vmem>>, vector<16xf32>,
        %get3A_377 = vector.shape_cast %get3A_376 : vector<16xf32> to vector<16xf32>
        %add3A_378 = arith.addf %get3A_377, %select_n3A : vector<16xf32>
        %swap3A_379 = arith.index_cast %squeeze3A_374 : i32 to index
        %swap3A_380 = tpu.vector_load %arg12[%swap3A_379] {strides = array<i32>} : memref<10240xf32, #tpu.memory_space<vmem>>, vector<16xf32>,
        %swap3A_381 = vector.shape_cast %swap3A_380 : vector<16xf32> to vector<16xf32>
        %swap3A_382 = vector.shape_cast %add3A_378 : vector<16xf32> to vector<16xf32>
        tpu.vector_store %arg12[%swap3A_379], %swap3A_382 {strides = array<i32>} : memref<10240xf32, #tpu.memory_space<vmem>>, vector<16xf32>,
        %scan3A_383 = arith.constant 0 : i32
        scf.yield %scan3A_383 : i32
      }
      %scan3A_204 = arith.constant 5 : i32
      %dma_wait3A_205 = arith.constant 0 : i32
      %dma_wait3A_206 = tpu.memref_slice %arg9[%scan3A_168, %dma_wait3A_205] : memref<25x80xi32, #tpu.memory_space<vmem>> -> memref<1x80xi32, #tpu.memory_space<vmem>>
      %dma_wait3A_207 = tpu.memref_squeeze %dma_wait3A_206 : memref<1x80xi32, #tpu.memory_space<vmem>> -> memref<80xi32, #tpu.memory_space<vmem>>
      %dma_wait3A_208 = arith.constant 0 : i32
      %dma_wait3A_209 = arith.constant 0 : i32
      %dma_wait3A_210 = tpu.memref_slice %arg13[%dma_wait3A_208, %dma_wait3A_209] : memref<10240x128xf32, #tpu.memory_space<vmem_shared>> -> memref<10240x128xf32, #tpu.memory_space<vmem_shared>>
      tpu.wait_indirect_dma semaphore(%arg16 : memref<!tpu.dma_semaphore, #tpu.memory_space<semaphore_mem>>) src(%arg11 : memref<80x128xf32, #tpu.memory_space<vmem>>) dst(%dma_wait3A_210 : memref<10240x128xf32, #tpu.memory_space<vmem_shared>>)
      %add3A_211 = arith.constant 1 : i32
      %add3A_212 = arith.addi %scan3A_168, %add3A_211 : i32
      %lt3A_213 = arith.constant 25 : i32
      %lt3A_214 = arith.cmpi slt, %add3A_212, %lt3A_213 : i32
      %convert_element_type3A_215 = arith.extui %lt3A_214 : i1 to i32
      %cond3A_216 = arith.constant 0 : i32
      %cond3A_217 = arith.cmpi ne, %convert_element_type3A_215, %cond3A_216 : i32
      scf.if %cond3A_217 {
        %add3A_219 = arith.constant 1 : i32
        %add3A_220 = arith.addi %scan3A_168, %add3A_219 : i32
        %dma_start3A_221 = arith.constant 0 : i32
        %dma_start3A_222 = tpu.memref_slice %arg8[%add3A_220, %dma_start3A_221] : memref<25x80xi32, #tpu.memory_space<vmem>> -> memref<1x80xi32, #tpu.memory_space<vmem>>
        %dma_start3A_223 = tpu.memref_squeeze %dma_start3A_222 : memref<1x80xi32, #tpu.memory_space<vmem>> -> memref<80xi32, #tpu.memory_space<vmem>>
        %dma_start3A_224 = arith.constant 0 : i32
        %dma_start3A_225 = arith.constant 0 : i32
        %dma_start3A_226 = tpu.memref_slice %arg3[%dma_start3A_224, %dma_start3A_225] : memref<10000x128xf32, #tpu.memory_space<hbm>> -> memref<10000x128xf32, #tpu.memory_space<hbm>>
        tpu.enqueue_indirect_dma source(%dma_start3A_226 : memref<10000x128xf32, #tpu.memory_space<hbm>>) target(%arg11 : memref<80x128xf32, #tpu.memory_space<vmem>>) offsets(%dma_start3A_223 : memref<80xi32, #tpu.memory_space<vmem>>) semaphore(%arg15 : memref<!tpu.dma_semaphore, #tpu.memory_space<semaphore_mem>>)
      } else {
      }
      %scan3A_218 = arith.constant 0 : i32
      scf.yield %scan3A_218 : i32
    }
    %scan3A_58 = arith.constant 25 : i32
    %run_scoped3A_59 = arith.constant 1 : i32
    "tpu.region"() ({
      %run_scoped3A_168 = tpu.sem_alloc : memref<!tpu.dma_semaphore, #tpu.memory_space<semaphore_mem>>
      %dma_start3A_169 = arith.constant 0 : i32
      %dma_start3A_170 = arith.constant 0 : i32
      %dma_start3A_171 = tpu.memref_slice %arg4[%add3A, %run_scoped3A_59, %dma_start3A_169, %dma_start3A_170] : memref<32x5x25x80xi32, #tpu.memory_space<hbm>> -> memref<1x1x25x80xi32, #tpu.memory_space<hbm>>
      %dma_start3A_172 = tpu.memref_squeeze %dma_start3A_171 : memref<1x1x25x80xi32, #tpu.memory_space<hbm>> -> memref<25x80xi32, #tpu.memory_space<hbm>>
      %dma_start3A_173 = arith.constant 0 : i32
      %dma_start3A_174 = arith.constant 0 : i32
      %dma_start3A_175 = tpu.memref_slice %arg4[%add3A, %run_scoped3A_59, %dma_start3A_173, %dma_start3A_174] : memref<32x5x25x80xi32, #tpu.memory_space<hbm>> -> memref<1x1x25x80xi32, #tpu.memory_space<hbm>>
      %dma_start3A_176 = tpu.memref_squeeze %dma_start3A_175 : memref<1x1x25x80xi32, #tpu.memory_space<hbm>> -> memref<25x80xi32, #tpu.memory_space<hbm>>
      tpu.enqueue_dma source(%dma_start3A_176 : memref<25x80xi32, #tpu.memory_space<hbm>>) target(%arg8 : memref<25x80xi32, #tpu.memory_space<vmem>>) target_semaphore(%run_scoped3A_168 : memref<!tpu.dma_semaphore, #tpu.memory_space<semaphore_mem>>)
      %dma_wait3A = arith.constant 0 : i32
      %dma_wait3A_177 = arith.constant 0 : i32
      %dma_wait3A_178 = tpu.memref_slice %arg4[%add3A, %run_scoped3A_59, %dma_wait3A, %dma_wait3A_177] : memref<32x5x25x80xi32, #tpu.memory_space<hbm>> -> memref<1x1x25x80xi32, #tpu.memory_space<hbm>>
      %dma_wait3A_179 = tpu.memref_squeeze %dma_wait3A_178 : memref<1x1x25x80xi32, #tpu.memory_space<hbm>> -> memref<25x80xi32, #tpu.memory_space<hbm>>
      %dma_wait3A_180 = arith.constant 0 : i32
      %dma_wait3A_181 = arith.constant 0 : i32
      %dma_wait3A_182 = tpu.memref_slice %arg4[%add3A, %run_scoped3A_59, %dma_wait3A_180, %dma_wait3A_181] : memref<32x5x25x80xi32, #tpu.memory_space<hbm>> -> memref<1x1x25x80xi32, #tpu.memory_space<hbm>>
      %dma_wait3A_183 = tpu.memref_squeeze %dma_wait3A_182 : memref<1x1x25x80xi32, #tpu.memory_space<hbm>> -> memref<25x80xi32, #tpu.memory_space<hbm>>
      tpu.wait_dma2 semaphore(%run_scoped3A_168 : memref<!tpu.dma_semaphore, #tpu.memory_space<semaphore_mem>>) src(%dma_wait3A_183 : memref<25x80xi32, #tpu.memory_space<hbm>>) dst(%arg8 : memref<25x80xi32, #tpu.memory_space<vmem>>)
      tpu.yield
    }) : () -> ()
    %run_scoped3A_60 = arith.constant 1 : i32
    "tpu.region"() ({
      %run_scoped3A_168 = tpu.sem_alloc : memref<!tpu.dma_semaphore, #tpu.memory_space<semaphore_mem>>
      %dma_start3A_169 = arith.constant 0 : i32
      %dma_start3A_170 = arith.constant 0 : i32
      %dma_start3A_171 = tpu.memref_slice %arg5[%add3A, %run_scoped3A_60, %dma_start3A_169, %dma_start3A_170] : memref<32x5x25x80xi32, #tpu.memory_space<hbm>> -> memref<1x1x25x80xi32, #tpu.memory_space<hbm>>
      %dma_start3A_172 = tpu.memref_squeeze %dma_start3A_171 : memref<1x1x25x80xi32, #tpu.memory_space<hbm>> -> memref<25x80xi32, #tpu.memory_space<hbm>>
      %dma_start3A_173 = arith.constant 0 : i32
      %dma_start3A_174 = arith.constant 0 : i32
      %dma_start3A_175 = tpu.memref_slice %arg5[%add3A, %run_scoped3A_60, %dma_start3A_173, %dma_start3A_174] : memref<32x5x25x80xi32, #tpu.memory_space<hbm>> -> memref<1x1x25x80xi32, #tpu.memory_space<hbm>>
      %dma_start3A_176 = tpu.memref_squeeze %dma_start3A_175 : memref<1x1x25x80xi32, #tpu.memory_space<hbm>> -> memref<25x80xi32, #tpu.memory_space<hbm>>
      tpu.enqueue_dma source(%dma_start3A_176 : memref<25x80xi32, #tpu.memory_space<hbm>>) target(%arg9 : memref<25x80xi32, #tpu.memory_space<vmem>>) target_semaphore(%run_scoped3A_168 : memref<!tpu.dma_semaphore, #tpu.memory_space<semaphore_mem>>)
      %dma_wait3A = arith.constant 0 : i32
      %dma_wait3A_177 = arith.constant 0 : i32
      %dma_wait3A_178 = tpu.memref_slice %arg5[%add3A, %run_scoped3A_60, %dma_wait3A, %dma_wait3A_177] : memref<32x5x25x80xi32, #tpu.memory_space<hbm>> -> memref<1x1x25x80xi32, #tpu.memory_space<hbm>>
      %dma_wait3A_179 = tpu.memref_squeeze %dma_wait3A_178 : memref<1x1x25x80xi32, #tpu.memory_space<hbm>> -> memref<25x80xi32, #tpu.memory_space<hbm>>
      %dma_wait3A_180 = arith.constant 0 : i32
      %dma_wait3A_181 = arith.constant 0 : i32
      %dma_wait3A_182 = tpu.memref_slice %arg5[%add3A, %run_scoped3A_60, %dma_wait3A_180, %dma_wait3A_181] : memref<32x5x25x80xi32, #tpu.memory_space<hbm>> -> memref<1x1x25x80xi32, #tpu.memory_space<hbm>>
      %dma_wait3A_183 = tpu.memref_squeeze %dma_wait3A_182 : memref<1x1x25x80xi32, #tpu.memory_space<hbm>> -> memref<25x80xi32, #tpu.memory_space<hbm>>
      tpu.wait_dma2 semaphore(%run_scoped3A_168 : memref<!tpu.dma_semaphore, #tpu.memory_space<semaphore_mem>>) src(%dma_wait3A_183 : memref<25x80xi32, #tpu.memory_space<hbm>>) dst(%arg9 : memref<25x80xi32, #tpu.memory_space<vmem>>)
      tpu.yield
    }) : () -> ()
    %dma_start3A_61 = arith.constant 0 : i32
    %dma_start3A_62 = arith.constant 0 : i32
    %dma_start3A_63 = tpu.memref_slice %arg9[%dma_start3A_61, %dma_start3A_62] : memref<25x80xi32, #tpu.memory_space<vmem>> -> memref<1x80xi32, #tpu.memory_space<vmem>>
    %dma_start3A_64 = tpu.memref_squeeze %dma_start3A_63 : memref<1x80xi32, #tpu.memory_space<vmem>> -> memref<80xi32, #tpu.memory_space<vmem>>
    %dma_start3A_65 = arith.constant 0 : i32
    %dma_start3A_66 = arith.constant 0 : i32
    %dma_start3A_67 = tpu.memref_slice %arg2[%dma_start3A_65, %dma_start3A_66] : memref<10000x128xf32, #tpu.memory_space<hbm>> -> memref<10000x128xf32, #tpu.memory_space<hbm>>
    tpu.enqueue_indirect_dma source(%dma_start3A_67 : memref<10000x128xf32, #tpu.memory_space<hbm>>) target(%arg10 : memref<80x128xf32, #tpu.memory_space<vmem>>) offsets(%dma_start3A_64 : memref<80xi32, #tpu.memory_space<vmem>>) semaphore(%arg14 : memref<!tpu.dma_semaphore, #tpu.memory_space<semaphore_mem>>)
    %dma_start3A_68 = arith.constant 0 : i32
    %dma_start3A_69 = arith.constant 0 : i32
    %dma_start3A_70 = tpu.memref_slice %arg8[%dma_start3A_68, %dma_start3A_69] : memref<25x80xi32, #tpu.memory_space<vmem>> -> memref<1x80xi32, #tpu.memory_space<vmem>>
    %dma_start3A_71 = tpu.memref_squeeze %dma_start3A_70 : memref<1x80xi32, #tpu.memory_space<vmem>> -> memref<80xi32, #tpu.memory_space<vmem>>
    %dma_start3A_72 = arith.constant 0 : i32
    %dma_start3A_73 = arith.constant 0 : i32
    %dma_start3A_74 = tpu.memref_slice %arg3[%dma_start3A_72, %dma_start3A_73] : memref<10000x128xf32, #tpu.memory_space<hbm>> -> memref<10000x128xf32, #tpu.memory_space<hbm>>
    tpu.enqueue_indirect_dma source(%dma_start3A_74 : memref<10000x128xf32, #tpu.memory_space<hbm>>) target(%arg11 : memref<80x128xf32, #tpu.memory_space<vmem>>) offsets(%dma_start3A_71 : memref<80xi32, #tpu.memory_space<vmem>>) semaphore(%arg15 : memref<!tpu.dma_semaphore, #tpu.memory_space<semaphore_mem>>)
    %scan3A_75 = arith.constant 0 : i32
    %scan3A_76 = arith.constant 0 : i32
    %scan3A_77 = arith.constant 25 : i32
    %scan3A_78 = arith.addi %scan3A_76, %scan3A_77 : i32
    %scan3A_79 = arith.constant 1 : i32
    %scan3A_80 = scf.for %scan3A_168 = %scan3A_76 to %scan3A_78 step %scan3A_79 iter_args(%scan3A_169 = %scan3A_75) -> (i32)  : i32 {
      %dma_wait3A = arith.constant 0 : i32
      %dma_wait3A_170 = arith.constant 0 : i32
      %dma_wait3A_171 = tpu.memref_slice %arg2[%dma_wait3A, %dma_wait3A_170] : memref<10000x128xf32, #tpu.memory_space<hbm>> -> memref<80x128xf32, #tpu.memory_space<hbm>>
      %dma_wait3A_172 = arith.constant 0 : i32
      %dma_wait3A_173 = arith.constant 0 : i32
      %dma_wait3A_174 = tpu.memref_slice %arg2[%dma_wait3A_172, %dma_wait3A_173] : memref<10000x128xf32, #tpu.memory_space<hbm>> -> memref<80x128xf32, #tpu.memory_space<hbm>>
      tpu.wait_dma2 semaphore(%arg14 : memref<!tpu.dma_semaphore, #tpu.memory_space<semaphore_mem>>) src(%dma_wait3A_174 : memref<80x128xf32, #tpu.memory_space<hbm>>) dst(%arg10 : memref<80x128xf32, #tpu.memory_space<vmem>>)
      %dma_wait3A_175 = arith.constant 0 : i32
      %dma_wait3A_176 = arith.constant 0 : i32
      %dma_wait3A_177 = tpu.memref_slice %arg3[%dma_wait3A_175, %dma_wait3A_176] : memref<10000x128xf32, #tpu.memory_space<hbm>> -> memref<80x128xf32, #tpu.memory_space<hbm>>
      %dma_wait3A_178 = arith.constant 0 : i32
      %dma_wait3A_179 = arith.constant 0 : i32
      %dma_wait3A_180 = tpu.memref_slice %arg3[%dma_wait3A_178, %dma_wait3A_179] : memref<10000x128xf32, #tpu.memory_space<hbm>> -> memref<80x128xf32, #tpu.memory_space<hbm>>
      tpu.wait_dma2 semaphore(%arg15 : memref<!tpu.dma_semaphore, #tpu.memory_space<semaphore_mem>>) src(%dma_wait3A_180 : memref<80x128xf32, #tpu.memory_space<hbm>>) dst(%arg11 : memref<80x128xf32, #tpu.memory_space<vmem>>)
      %scan3A_181 = arith.constant 0 : i32
      %scan3A_182 = arith.constant 0 : i32
      %scan3A_183 = arith.constant 80 : i32
      %scan3A_184 = arith.addi %scan3A_182, %scan3A_183 : i32
      %scan3A_185 = arith.constant 1 : i32
      %scan3A_186 = scf.for %scan3A_219 = %scan3A_182 to %scan3A_184 step %scan3A_185 iter_args(%scan3A_220 = %scan3A_181) -> (i32)  : i32 {
        %get3A = arith.index_cast %scan3A_219 : i32 to index
        %get3A_221 = arith.constant 0 : index
        %get3A_222 = tpu.vector_load %arg10[%get3A, %get3A_221] {strides = array<i32>} : memref<80x128xf32, #tpu.memory_space<vmem>>, vector<1x16xf32>,
        %get3A_223 = vector.shape_cast %get3A_222 : vector<1x16xf32> to vector<16xf32>
        %get3A_224 = arith.index_cast %scan3A_219 : i32 to index
        %get3A_225 = arith.constant 0 : index
        %get3A_226 = tpu.vector_load %arg11[%get3A_224, %get3A_225] {strides = array<i32>} : memref<80x128xf32, #tpu.memory_space<vmem>>, vector<1x16xf32>,
        %get3A_227 = vector.shape_cast %get3A_226 : vector<1x16xf32> to vector<16xf32>
        %add3A_228 = arith.addf %get3A_223, %get3A_227 : vector<16xf32>
        %max3A = arith.constant 0.000000e+00 : f32
        %max3A_229 = vector.broadcast %max3A : f32 to vector<16xf32>
        %max3A_230 = arith.maximumf %add3A_228, %max3A_229 : vector<16xf32>
        %swap3A = arith.index_cast %scan3A_219 : i32 to index
        %swap3A_231 = arith.constant 0 : index
        %swap3A_232 = tpu.vector_load %arg11[%swap3A, %swap3A_231] {strides = array<i32>} : memref<80x128xf32, #tpu.memory_space<vmem>>, vector<1x16xf32>,
        %swap3A_233 = vector.shape_cast %swap3A_232 : vector<1x16xf32> to vector<16xf32>
        %swap3A_234 = vector.shape_cast %max3A_230 : vector<16xf32> to vector<1x16xf32>
        tpu.vector_store %arg11[%swap3A, %swap3A_231], %swap3A_234 {strides = array<i32>} : memref<80x128xf32, #tpu.memory_space<vmem>>, vector<1x16xf32>,
        %get3A_235 = arith.index_cast %scan3A_219 : i32 to index
        %get3A_236 = arith.constant 16 : index
        %get3A_237 = tpu.vector_load %arg10[%get3A_235, %get3A_236] {strides = array<i32>} : memref<80x128xf32, #tpu.memory_space<vmem>>, vector<1x16xf32>,
        %get3A_238 = vector.shape_cast %get3A_237 : vector<1x16xf32> to vector<16xf32>
        %get3A_239 = arith.index_cast %scan3A_219 : i32 to index
        %get3A_240 = arith.constant 16 : index
        %get3A_241 = tpu.vector_load %arg11[%get3A_239, %get3A_240] {strides = array<i32>} : memref<80x128xf32, #tpu.memory_space<vmem>>, vector<1x16xf32>,
        %get3A_242 = vector.shape_cast %get3A_241 : vector<1x16xf32> to vector<16xf32>
        %add3A_243 = arith.addf %get3A_238, %get3A_242 : vector<16xf32>
        %max3A_244 = arith.constant 0.000000e+00 : f32
        %max3A_245 = vector.broadcast %max3A_244 : f32 to vector<16xf32>
        %max3A_246 = arith.maximumf %add3A_243, %max3A_245 : vector<16xf32>
        %swap3A_247 = arith.index_cast %scan3A_219 : i32 to index
        %swap3A_248 = arith.constant 16 : index
        %swap3A_249 = tpu.vector_load %arg11[%swap3A_247, %swap3A_248] {strides = array<i32>} : memref<80x128xf32, #tpu.memory_space<vmem>>, vector<1x16xf32>,
        %swap3A_250 = vector.shape_cast %swap3A_249 : vector<1x16xf32> to vector<16xf32>
        %swap3A_251 = vector.shape_cast %max3A_246 : vector<16xf32> to vector<1x16xf32>
        tpu.vector_store %arg11[%swap3A_247, %swap3A_248], %swap3A_251 {strides = array<i32>} : memref<80x128xf32, #tpu.memory_space<vmem>>, vector<1x16xf32>,
        %get3A_252 = arith.index_cast %scan3A_219 : i32 to index
        %get3A_253 = arith.constant 32 : index
        %get3A_254 = tpu.vector_load %arg10[%get3A_252, %get3A_253] {strides = array<i32>} : memref<80x128xf32, #tpu.memory_space<vmem>>, vector<1x16xf32>,
        %get3A_255 = vector.shape_cast %get3A_254 : vector<1x16xf32> to vector<16xf32>
        %get3A_256 = arith.index_cast %scan3A_219 : i32 to index
        %get3A_257 = arith.constant 32 : index
        %get3A_258 = tpu.vector_load %arg11[%get3A_256, %get3A_257] {strides = array<i32>} : memref<80x128xf32, #tpu.memory_space<vmem>>, vector<1x16xf32>,
        %get3A_259 = vector.shape_cast %get3A_258 : vector<1x16xf32> to vector<16xf32>
        %add3A_260 = arith.addf %get3A_255, %get3A_259 : vector<16xf32>
        %max3A_261 = arith.constant 0.000000e+00 : f32
        %max3A_262 = vector.broadcast %max3A_261 : f32 to vector<16xf32>
        %max3A_263 = arith.maximumf %add3A_260, %max3A_262 : vector<16xf32>
        %swap3A_264 = arith.index_cast %scan3A_219 : i32 to index
        %swap3A_265 = arith.constant 32 : index
        %swap3A_266 = tpu.vector_load %arg11[%swap3A_264, %swap3A_265] {strides = array<i32>} : memref<80x128xf32, #tpu.memory_space<vmem>>, vector<1x16xf32>,
        %swap3A_267 = vector.shape_cast %swap3A_266 : vector<1x16xf32> to vector<16xf32>
        %swap3A_268 = vector.shape_cast %max3A_263 : vector<16xf32> to vector<1x16xf32>
        tpu.vector_store %arg11[%swap3A_264, %swap3A_265], %swap3A_268 {strides = array<i32>} : memref<80x128xf32, #tpu.memory_space<vmem>>, vector<1x16xf32>,
        %get3A_269 = arith.index_cast %scan3A_219 : i32 to index
        %get3A_270 = arith.constant 48 : index
        %get3A_271 = tpu.vector_load %arg10[%get3A_269, %get3A_270] {strides = array<i32>} : memref<80x128xf32, #tpu.memory_space<vmem>>, vector<1x16xf32>,
        %get3A_272 = vector.shape_cast %get3A_271 : vector<1x16xf32> to vector<16xf32>
        %get3A_273 = arith.index_cast %scan3A_219 : i32 to index
        %get3A_274 = arith.constant 48 : index
        %get3A_275 = tpu.vector_load %arg11[%get3A_273, %get3A_274] {strides = array<i32>} : memref<80x128xf32, #tpu.memory_space<vmem>>, vector<1x16xf32>,
        %get3A_276 = vector.shape_cast %get3A_275 : vector<1x16xf32> to vector<16xf32>
        %add3A_277 = arith.addf %get3A_272, %get3A_276 : vector<16xf32>
        %max3A_278 = arith.constant 0.000000e+00 : f32
        %max3A_279 = vector.broadcast %max3A_278 : f32 to vector<16xf32>
        %max3A_280 = arith.maximumf %add3A_277, %max3A_279 : vector<16xf32>
        %swap3A_281 = arith.index_cast %scan3A_219 : i32 to index
        %swap3A_282 = arith.constant 48 : index
        %swap3A_283 = tpu.vector_load %arg11[%swap3A_281, %swap3A_282] {strides = array<i32>} : memref<80x128xf32, #tpu.memory_space<vmem>>, vector<1x16xf32>,
        %swap3A_284 = vector.shape_cast %swap3A_283 : vector<1x16xf32> to vector<16xf32>
        %swap3A_285 = vector.shape_cast %max3A_280 : vector<16xf32> to vector<1x16xf32>
        tpu.vector_store %arg11[%swap3A_281, %swap3A_282], %swap3A_285 {strides = array<i32>} : memref<80x128xf32, #tpu.memory_space<vmem>>, vector<1x16xf32>,
        %get3A_286 = arith.index_cast %scan3A_219 : i32 to index
        %get3A_287 = arith.constant 64 : index
        %get3A_288 = tpu.vector_load %arg10[%get3A_286, %get3A_287] {strides = array<i32>} : memref<80x128xf32, #tpu.memory_space<vmem>>, vector<1x16xf32>,
        %get3A_289 = vector.shape_cast %get3A_288 : vector<1x16xf32> to vector<16xf32>
        %get3A_290 = arith.index_cast %scan3A_219 : i32 to index
        %get3A_291 = arith.constant 64 : index
        %get3A_292 = tpu.vector_load %arg11[%get3A_290, %get3A_291] {strides = array<i32>} : memref<80x128xf32, #tpu.memory_space<vmem>>, vector<1x16xf32>,
        %get3A_293 = vector.shape_cast %get3A_292 : vector<1x16xf32> to vector<16xf32>
        %add3A_294 = arith.addf %get3A_289, %get3A_293 : vector<16xf32>
        %max3A_295 = arith.constant 0.000000e+00 : f32
        %max3A_296 = vector.broadcast %max3A_295 : f32 to vector<16xf32>
        %max3A_297 = arith.maximumf %add3A_294, %max3A_296 : vector<16xf32>
        %swap3A_298 = arith.index_cast %scan3A_219 : i32 to index
        %swap3A_299 = arith.constant 64 : index
        %swap3A_300 = tpu.vector_load %arg11[%swap3A_298, %swap3A_299] {strides = array<i32>} : memref<80x128xf32, #tpu.memory_space<vmem>>, vector<1x16xf32>,
        %swap3A_301 = vector.shape_cast %swap3A_300 : vector<1x16xf32> to vector<16xf32>
        %swap3A_302 = vector.shape_cast %max3A_297 : vector<16xf32> to vector<1x16xf32>
        tpu.vector_store %arg11[%swap3A_298, %swap3A_299], %swap3A_302 {strides = array<i32>} : memref<80x128xf32, #tpu.memory_space<vmem>>, vector<1x16xf32>,
        %get3A_303 = arith.index_cast %scan3A_219 : i32 to index
        %get3A_304 = arith.constant 80 : index
        %get3A_305 = tpu.vector_load %arg10[%get3A_303, %get3A_304] {strides = array<i32>} : memref<80x128xf32, #tpu.memory_space<vmem>>, vector<1x16xf32>,
        %get3A_306 = vector.shape_cast %get3A_305 : vector<1x16xf32> to vector<16xf32>
        %get3A_307 = arith.index_cast %scan3A_219 : i32 to index
        %get3A_308 = arith.constant 80 : index
        %get3A_309 = tpu.vector_load %arg11[%get3A_307, %get3A_308] {strides = array<i32>} : memref<80x128xf32, #tpu.memory_space<vmem>>, vector<1x16xf32>,
        %get3A_310 = vector.shape_cast %get3A_309 : vector<1x16xf32> to vector<16xf32>
        %add3A_311 = arith.addf %get3A_306, %get3A_310 : vector<16xf32>
        %max3A_312 = arith.constant 0.000000e+00 : f32
        %max3A_313 = vector.broadcast %max3A_312 : f32 to vector<16xf32>
        %max3A_314 = arith.maximumf %add3A_311, %max3A_313 : vector<16xf32>
        %swap3A_315 = arith.index_cast %scan3A_219 : i32 to index
        %swap3A_316 = arith.constant 80 : index
        %swap3A_317 = tpu.vector_load %arg11[%swap3A_315, %swap3A_316] {strides = array<i32>} : memref<80x128xf32, #tpu.memory_space<vmem>>, vector<1x16xf32>,
        %swap3A_318 = vector.shape_cast %swap3A_317 : vector<1x16xf32> to vector<16xf32>
        %swap3A_319 = vector.shape_cast %max3A_314 : vector<16xf32> to vector<1x16xf32>
        tpu.vector_store %arg11[%swap3A_315, %swap3A_316], %swap3A_319 {strides = array<i32>} : memref<80x128xf32, #tpu.memory_space<vmem>>, vector<1x16xf32>,
        %get3A_320 = arith.index_cast %scan3A_219 : i32 to index
        %get3A_321 = arith.constant 96 : index
        %get3A_322 = tpu.vector_load %arg10[%get3A_320, %get3A_321] {strides = array<i32>} : memref<80x128xf32, #tpu.memory_space<vmem>>, vector<1x16xf32>,
        %get3A_323 = vector.shape_cast %get3A_322 : vector<1x16xf32> to vector<16xf32>
        %get3A_324 = arith.index_cast %scan3A_219 : i32 to index
        %get3A_325 = arith.constant 96 : index
        %get3A_326 = tpu.vector_load %arg11[%get3A_324, %get3A_325] {strides = array<i32>} : memref<80x128xf32, #tpu.memory_space<vmem>>, vector<1x16xf32>,
        %get3A_327 = vector.shape_cast %get3A_326 : vector<1x16xf32> to vector<16xf32>
        %add3A_328 = arith.addf %get3A_323, %get3A_327 : vector<16xf32>
        %max3A_329 = arith.constant 0.000000e+00 : f32
        %max3A_330 = vector.broadcast %max3A_329 : f32 to vector<16xf32>
        %max3A_331 = arith.maximumf %add3A_328, %max3A_330 : vector<16xf32>
        %swap3A_332 = arith.index_cast %scan3A_219 : i32 to index
        %swap3A_333 = arith.constant 96 : index
        %swap3A_334 = tpu.vector_load %arg11[%swap3A_332, %swap3A_333] {strides = array<i32>} : memref<80x128xf32, #tpu.memory_space<vmem>>, vector<1x16xf32>,
        %swap3A_335 = vector.shape_cast %swap3A_334 : vector<1x16xf32> to vector<16xf32>
        %swap3A_336 = vector.shape_cast %max3A_331 : vector<16xf32> to vector<1x16xf32>
        tpu.vector_store %arg11[%swap3A_332, %swap3A_333], %swap3A_336 {strides = array<i32>} : memref<80x128xf32, #tpu.memory_space<vmem>>, vector<1x16xf32>,
        %get3A_337 = arith.index_cast %scan3A_219 : i32 to index
        %get3A_338 = arith.constant 112 : index
        %get3A_339 = tpu.vector_load %arg10[%get3A_337, %get3A_338] {strides = array<i32>} : memref<80x128xf32, #tpu.memory_space<vmem>>, vector<1x16xf32>,
        %get3A_340 = vector.shape_cast %get3A_339 : vector<1x16xf32> to vector<16xf32>
        %get3A_341 = arith.index_cast %scan3A_219 : i32 to index
        %get3A_342 = arith.constant 112 : index
        %get3A_343 = tpu.vector_load %arg11[%get3A_341, %get3A_342] {strides = array<i32>} : memref<80x128xf32, #tpu.memory_space<vmem>>, vector<1x16xf32>,
        %get3A_344 = vector.shape_cast %get3A_343 : vector<1x16xf32> to vector<16xf32>
        %add3A_345 = arith.addf %get3A_340, %get3A_344 : vector<16xf32>
        %max3A_346 = arith.constant 0.000000e+00 : f32
        %max3A_347 = vector.broadcast %max3A_346 : f32 to vector<16xf32>
        %max3A_348 = arith.maximumf %add3A_345, %max3A_347 : vector<16xf32>
        %swap3A_349 = arith.index_cast %scan3A_219 : i32 to index
        %swap3A_350 = arith.constant 112 : index
        %swap3A_351 = tpu.vector_load %arg11[%swap3A_349, %swap3A_350] {strides = array<i32>} : memref<80x128xf32, #tpu.memory_space<vmem>>, vector<1x16xf32>,
        %swap3A_352 = vector.shape_cast %swap3A_351 : vector<1x16xf32> to vector<16xf32>
        %swap3A_353 = vector.shape_cast %max3A_348 : vector<16xf32> to vector<1x16xf32>
        tpu.vector_store %arg11[%swap3A_349, %swap3A_350], %swap3A_353 {strides = array<i32>} : memref<80x128xf32, #tpu.memory_space<vmem>>, vector<1x16xf32>,
        %scan3A_354 = arith.constant 0 : i32
        scf.yield %scan3A_354 : i32
      }
      %scan3A_187 = arith.constant 80 : i32
      %add3A_188 = arith.constant 1 : i32
      %add3A_189 = arith.addi %scan3A_168, %add3A_188 : i32
      %lt3A = arith.constant 25 : i32
      %lt3A_190 = arith.cmpi slt, %add3A_189, %lt3A : i32
      %convert_element_type3A = arith.extui %lt3A_190 : i1 to i32
      %cond3A = arith.constant 0 : i32
      %cond3A_191 = arith.cmpi ne, %convert_element_type3A, %cond3A : i32
      scf.if %cond3A_191 {
        %add3A_219 = arith.constant 1 : i32
        %add3A_220 = arith.addi %scan3A_168, %add3A_219 : i32
        %dma_start3A_221 = arith.constant 0 : i32
        %dma_start3A_222 = tpu.memref_slice %arg9[%add3A_220, %dma_start3A_221] : memref<25x80xi32, #tpu.memory_space<vmem>> -> memref<1x80xi32, #tpu.memory_space<vmem>>
        %dma_start3A_223 = tpu.memref_squeeze %dma_start3A_222 : memref<1x80xi32, #tpu.memory_space<vmem>> -> memref<80xi32, #tpu.memory_space<vmem>>
        %dma_start3A_224 = arith.constant 0 : i32
        %dma_start3A_225 = arith.constant 0 : i32
        %dma_start3A_226 = tpu.memref_slice %arg2[%dma_start3A_224, %dma_start3A_225] : memref<10000x128xf32, #tpu.memory_space<hbm>> -> memref<10000x128xf32, #tpu.memory_space<hbm>>
        tpu.enqueue_indirect_dma source(%dma_start3A_226 : memref<10000x128xf32, #tpu.memory_space<hbm>>) target(%arg10 : memref<80x128xf32, #tpu.memory_space<vmem>>) offsets(%dma_start3A_223 : memref<80xi32, #tpu.memory_space<vmem>>) semaphore(%arg14 : memref<!tpu.dma_semaphore, #tpu.memory_space<semaphore_mem>>)
      } else {
      }
      %dma_start3A_192 = arith.constant 0 : i32
      %dma_start3A_193 = tpu.memref_slice %arg9[%scan3A_168, %dma_start3A_192] : memref<25x80xi32, #tpu.memory_space<vmem>> -> memref<1x80xi32, #tpu.memory_space<vmem>>
      %dma_start3A_194 = tpu.memref_squeeze %dma_start3A_193 : memref<1x80xi32, #tpu.memory_space<vmem>> -> memref<80xi32, #tpu.memory_space<vmem>>
      %dma_start3A_195 = arith.constant 0 : i32
      %dma_start3A_196 = arith.constant 0 : i32
      %dma_start3A_197 = tpu.memref_slice %arg13[%dma_start3A_195, %dma_start3A_196] : memref<10240x128xf32, #tpu.memory_space<vmem_shared>> -> memref<10240x128xf32, #tpu.memory_space<vmem_shared>>
      tpu.enqueue_indirect_dma source(%arg11 : memref<80x128xf32, #tpu.memory_space<vmem>>) target(%dma_start3A_197 : memref<10240x128xf32, #tpu.memory_space<vmem_shared>>) offsets(%dma_start3A_194 : memref<80xi32, #tpu.memory_space<vmem>>) semaphore(%arg16 : memref<!tpu.dma_semaphore, #tpu.memory_space<semaphore_mem>>) {add = true}
      %scan3A_198 = arith.constant 0 : i32
      %scan3A_199 = arith.constant 0 : i32
      %scan3A_200 = arith.constant 5 : i32
      %scan3A_201 = arith.addi %scan3A_199, %scan3A_200 : i32
      %scan3A_202 = arith.constant 1 : i32
      %scan3A_203 = scf.for %scan3A_219 = %scan3A_199 to %scan3A_201 step %scan3A_202 iter_args(%scan3A_220 = %scan3A_198) -> (i32)  : i32 {
        %mul3A_221 = arith.constant 16 : i32
        %mul3A_222 = arith.muli %scan3A_219, %mul3A_221 : i32
        %get3A = arith.index_cast %scan3A_168 : i32 to index
        %get3A_223 = arith.index_cast %mul3A_222 : i32 to index
        %get3A_224 = tpu.vector_load %arg9[%get3A, %get3A_223] {strides = array<i32>} : memref<25x80xi32, #tpu.memory_space<vmem>>, vector<1x16xi32>,
        %get3A_225 = vector.shape_cast %get3A_224 : vector<1x16xi32> to vector<16xi32>
        %slice3A = vector.extract_strided_slice %get3A_225 {offsets = [0], sizes = [1], strides = [1]} : vector<16xi32> to vector<1xi32>
        %squeeze3A = vector.extract %slice3A[0] : i32 from vector<1xi32>
        %get3A_226 = arith.index_cast %squeeze3A : i32 to index
        %get3A_227 = tpu.vector_load %arg12[%get3A_226] {strides = array<i32>} : memref<10240xf32, #tpu.memory_space<vmem>>, vector<16xf32>,
        %get3A_228 = vector.shape_cast %get3A_227 : vector<16xf32> to vector<16xf32>
        %add3A_229 = arith.addf %get3A_228, %select_n3A : vector<16xf32>
        %swap3A = arith.index_cast %squeeze3A : i32 to index
        %swap3A_230 = tpu.vector_load %arg12[%swap3A] {strides = array<i32>} : memref<10240xf32, #tpu.memory_space<vmem>>, vector<16xf32>,
        %swap3A_231 = vector.shape_cast %swap3A_230 : vector<16xf32> to vector<16xf32>
        %swap3A_232 = vector.shape_cast %add3A_229 : vector<16xf32> to vector<16xf32>
        tpu.vector_store %arg12[%swap3A], %swap3A_232 {strides = array<i32>} : memref<10240xf32, #tpu.memory_space<vmem>>, vector<16xf32>,
        %slice3A_233 = vector.extract_strided_slice %get3A_225 {offsets = [1], sizes = [1], strides = [1]} : vector<16xi32> to vector<1xi32>
        %squeeze3A_234 = vector.extract %slice3A_233[0] : i32 from vector<1xi32>
        %get3A_235 = arith.index_cast %squeeze3A_234 : i32 to index
        %get3A_236 = tpu.vector_load %arg12[%get3A_235] {strides = array<i32>} : memref<10240xf32, #tpu.memory_space<vmem>>, vector<16xf32>,
        %get3A_237 = vector.shape_cast %get3A_236 : vector<16xf32> to vector<16xf32>
        %add3A_238 = arith.addf %get3A_237, %select_n3A : vector<16xf32>
        %swap3A_239 = arith.index_cast %squeeze3A_234 : i32 to index
        %swap3A_240 = tpu.vector_load %arg12[%swap3A_239] {strides = array<i32>} : memref<10240xf32, #tpu.memory_space<vmem>>, vector<16xf32>,
        %swap3A_241 = vector.shape_cast %swap3A_240 : vector<16xf32> to vector<16xf32>
        %swap3A_242 = vector.shape_cast %add3A_238 : vector<16xf32> to vector<16xf32>
        tpu.vector_store %arg12[%swap3A_239], %swap3A_242 {strides = array<i32>} : memref<10240xf32, #tpu.memory_space<vmem>>, vector<16xf32>,
        %slice3A_243 = vector.extract_strided_slice %get3A_225 {offsets = [2], sizes = [1], strides = [1]} : vector<16xi32> to vector<1xi32>
        %squeeze3A_244 = vector.extract %slice3A_243[0] : i32 from vector<1xi32>
        %get3A_245 = arith.index_cast %squeeze3A_244 : i32 to index
        %get3A_246 = tpu.vector_load %arg12[%get3A_245] {strides = array<i32>} : memref<10240xf32, #tpu.memory_space<vmem>>, vector<16xf32>,
        %get3A_247 = vector.shape_cast %get3A_246 : vector<16xf32> to vector<16xf32>
        %add3A_248 = arith.addf %get3A_247, %select_n3A : vector<16xf32>
        %swap3A_249 = arith.index_cast %squeeze3A_244 : i32 to index
        %swap3A_250 = tpu.vector_load %arg12[%swap3A_249] {strides = array<i32>} : memref<10240xf32, #tpu.memory_space<vmem>>, vector<16xf32>,
        %swap3A_251 = vector.shape_cast %swap3A_250 : vector<16xf32> to vector<16xf32>
        %swap3A_252 = vector.shape_cast %add3A_248 : vector<16xf32> to vector<16xf32>
        tpu.vector_store %arg12[%swap3A_249], %swap3A_252 {strides = array<i32>} : memref<10240xf32, #tpu.memory_space<vmem>>, vector<16xf32>,
        %slice3A_253 = vector.extract_strided_slice %get3A_225 {offsets = [3], sizes = [1], strides = [1]} : vector<16xi32> to vector<1xi32>
        %squeeze3A_254 = vector.extract %slice3A_253[0] : i32 from vector<1xi32>
        %get3A_255 = arith.index_cast %squeeze3A_254 : i32 to index
        %get3A_256 = tpu.vector_load %arg12[%get3A_255] {strides = array<i32>} : memref<10240xf32, #tpu.memory_space<vmem>>, vector<16xf32>,
        %get3A_257 = vector.shape_cast %get3A_256 : vector<16xf32> to vector<16xf32>
        %add3A_258 = arith.addf %get3A_257, %select_n3A : vector<16xf32>
        %swap3A_259 = arith.index_cast %squeeze3A_254 : i32 to index
        %swap3A_260 = tpu.vector_load %arg12[%swap3A_259] {strides = array<i32>} : memref<10240xf32, #tpu.memory_space<vmem>>, vector<16xf32>,
        %swap3A_261 = vector.shape_cast %swap3A_260 : vector<16xf32> to vector<16xf32>
        %swap3A_262 = vector.shape_cast %add3A_258 : vector<16xf32> to vector<16xf32>
        tpu.vector_store %arg12[%swap3A_259], %swap3A_262 {strides = array<i32>} : memref<10240xf32, #tpu.memory_space<vmem>>, vector<16xf32>,
        %slice3A_263 = vector.extract_strided_slice %get3A_225 {offsets = [4], sizes = [1], strides = [1]} : vector<16xi32> to vector<1xi32>
        %squeeze3A_264 = vector.extract %slice3A_263[0] : i32 from vector<1xi32>
        %get3A_265 = arith.index_cast %squeeze3A_264 : i32 to index
        %get3A_266 = tpu.vector_load %arg12[%get3A_265] {strides = array<i32>} : memref<10240xf32, #tpu.memory_space<vmem>>, vector<16xf32>,
        %get3A_267 = vector.shape_cast %get3A_266 : vector<16xf32> to vector<16xf32>
        %add3A_268 = arith.addf %get3A_267, %select_n3A : vector<16xf32>
        %swap3A_269 = arith.index_cast %squeeze3A_264 : i32 to index
        %swap3A_270 = tpu.vector_load %arg12[%swap3A_269] {strides = array<i32>} : memref<10240xf32, #tpu.memory_space<vmem>>, vector<16xf32>,
        %swap3A_271 = vector.shape_cast %swap3A_270 : vector<16xf32> to vector<16xf32>
        %swap3A_272 = vector.shape_cast %add3A_268 : vector<16xf32> to vector<16xf32>
        tpu.vector_store %arg12[%swap3A_269], %swap3A_272 {strides = array<i32>} : memref<10240xf32, #tpu.memory_space<vmem>>, vector<16xf32>,
        %slice3A_273 = vector.extract_strided_slice %get3A_225 {offsets = [5], sizes = [1], strides = [1]} : vector<16xi32> to vector<1xi32>
        %squeeze3A_274 = vector.extract %slice3A_273[0] : i32 from vector<1xi32>
        %get3A_275 = arith.index_cast %squeeze3A_274 : i32 to index
        %get3A_276 = tpu.vector_load %arg12[%get3A_275] {strides = array<i32>} : memref<10240xf32, #tpu.memory_space<vmem>>, vector<16xf32>,
        %get3A_277 = vector.shape_cast %get3A_276 : vector<16xf32> to vector<16xf32>
        %add3A_278 = arith.addf %get3A_277, %select_n3A : vector<16xf32>
        %swap3A_279 = arith.index_cast %squeeze3A_274 : i32 to index
        %swap3A_280 = tpu.vector_load %arg12[%swap3A_279] {strides = array<i32>} : memref<10240xf32, #tpu.memory_space<vmem>>, vector<16xf32>,
        %swap3A_281 = vector.shape_cast %swap3A_280 : vector<16xf32> to vector<16xf32>
        %swap3A_282 = vector.shape_cast %add3A_278 : vector<16xf32> to vector<16xf32>
        tpu.vector_store %arg12[%swap3A_279], %swap3A_282 {strides = array<i32>} : memref<10240xf32, #tpu.memory_space<vmem>>, vector<16xf32>,
        %slice3A_283 = vector.extract_strided_slice %get3A_225 {offsets = [6], sizes = [1], strides = [1]} : vector<16xi32> to vector<1xi32>
        %squeeze3A_284 = vector.extract %slice3A_283[0] : i32 from vector<1xi32>
        %get3A_285 = arith.index_cast %squeeze3A_284 : i32 to index
        %get3A_286 = tpu.vector_load %arg12[%get3A_285] {strides = array<i32>} : memref<10240xf32, #tpu.memory_space<vmem>>, vector<16xf32>,
        %get3A_287 = vector.shape_cast %get3A_286 : vector<16xf32> to vector<16xf32>
        %add3A_288 = arith.addf %get3A_287, %select_n3A : vector<16xf32>
        %swap3A_289 = arith.index_cast %squeeze3A_284 : i32 to index
        %swap3A_290 = tpu.vector_load %arg12[%swap3A_289] {strides = array<i32>} : memref<10240xf32, #tpu.memory_space<vmem>>, vector<16xf32>,
        %swap3A_291 = vector.shape_cast %swap3A_290 : vector<16xf32> to vector<16xf32>
        %swap3A_292 = vector.shape_cast %add3A_288 : vector<16xf32> to vector<16xf32>
        tpu.vector_store %arg12[%swap3A_289], %swap3A_292 {strides = array<i32>} : memref<10240xf32, #tpu.memory_space<vmem>>, vector<16xf32>,
        %slice3A_293 = vector.extract_strided_slice %get3A_225 {offsets = [7], sizes = [1], strides = [1]} : vector<16xi32> to vector<1xi32>
        %squeeze3A_294 = vector.extract %slice3A_293[0] : i32 from vector<1xi32>
        %get3A_295 = arith.index_cast %squeeze3A_294 : i32 to index
        %get3A_296 = tpu.vector_load %arg12[%get3A_295] {strides = array<i32>} : memref<10240xf32, #tpu.memory_space<vmem>>, vector<16xf32>,
        %get3A_297 = vector.shape_cast %get3A_296 : vector<16xf32> to vector<16xf32>
        %add3A_298 = arith.addf %get3A_297, %select_n3A : vector<16xf32>
        %swap3A_299 = arith.index_cast %squeeze3A_294 : i32 to index
        %swap3A_300 = tpu.vector_load %arg12[%swap3A_299] {strides = array<i32>} : memref<10240xf32, #tpu.memory_space<vmem>>, vector<16xf32>,
        %swap3A_301 = vector.shape_cast %swap3A_300 : vector<16xf32> to vector<16xf32>
        %swap3A_302 = vector.shape_cast %add3A_298 : vector<16xf32> to vector<16xf32>
        tpu.vector_store %arg12[%swap3A_299], %swap3A_302 {strides = array<i32>} : memref<10240xf32, #tpu.memory_space<vmem>>, vector<16xf32>,
        %slice3A_303 = vector.extract_strided_slice %get3A_225 {offsets = [8], sizes = [1], strides = [1]} : vector<16xi32> to vector<1xi32>
        %squeeze3A_304 = vector.extract %slice3A_303[0] : i32 from vector<1xi32>
        %get3A_305 = arith.index_cast %squeeze3A_304 : i32 to index
        %get3A_306 = tpu.vector_load %arg12[%get3A_305] {strides = array<i32>} : memref<10240xf32, #tpu.memory_space<vmem>>, vector<16xf32>,
        %get3A_307 = vector.shape_cast %get3A_306 : vector<16xf32> to vector<16xf32>
        %add3A_308 = arith.addf %get3A_307, %select_n3A : vector<16xf32>
        %swap3A_309 = arith.index_cast %squeeze3A_304 : i32 to index
        %swap3A_310 = tpu.vector_load %arg12[%swap3A_309] {strides = array<i32>} : memref<10240xf32, #tpu.memory_space<vmem>>, vector<16xf32>,
        %swap3A_311 = vector.shape_cast %swap3A_310 : vector<16xf32> to vector<16xf32>
        %swap3A_312 = vector.shape_cast %add3A_308 : vector<16xf32> to vector<16xf32>
        tpu.vector_store %arg12[%swap3A_309], %swap3A_312 {strides = array<i32>} : memref<10240xf32, #tpu.memory_space<vmem>>, vector<16xf32>,
        %slice3A_313 = vector.extract_strided_slice %get3A_225 {offsets = [9], sizes = [1], strides = [1]} : vector<16xi32> to vector<1xi32>
        %squeeze3A_314 = vector.extract %slice3A_313[0] : i32 from vector<1xi32>
        %get3A_315 = arith.index_cast %squeeze3A_314 : i32 to index
        %get3A_316 = tpu.vector_load %arg12[%get3A_315] {strides = array<i32>} : memref<10240xf32, #tpu.memory_space<vmem>>, vector<16xf32>,
        %get3A_317 = vector.shape_cast %get3A_316 : vector<16xf32> to vector<16xf32>
        %add3A_318 = arith.addf %get3A_317, %select_n3A : vector<16xf32>
        %swap3A_319 = arith.index_cast %squeeze3A_314 : i32 to index
        %swap3A_320 = tpu.vector_load %arg12[%swap3A_319] {strides = array<i32>} : memref<10240xf32, #tpu.memory_space<vmem>>, vector<16xf32>,
        %swap3A_321 = vector.shape_cast %swap3A_320 : vector<16xf32> to vector<16xf32>
        %swap3A_322 = vector.shape_cast %add3A_318 : vector<16xf32> to vector<16xf32>
        tpu.vector_store %arg12[%swap3A_319], %swap3A_322 {strides = array<i32>} : memref<10240xf32, #tpu.memory_space<vmem>>, vector<16xf32>,
        %slice3A_323 = vector.extract_strided_slice %get3A_225 {offsets = [10], sizes = [1], strides = [1]} : vector<16xi32> to vector<1xi32>
        %squeeze3A_324 = vector.extract %slice3A_323[0] : i32 from vector<1xi32>
        %get3A_325 = arith.index_cast %squeeze3A_324 : i32 to index
        %get3A_326 = tpu.vector_load %arg12[%get3A_325] {strides = array<i32>} : memref<10240xf32, #tpu.memory_space<vmem>>, vector<16xf32>,
        %get3A_327 = vector.shape_cast %get3A_326 : vector<16xf32> to vector<16xf32>
        %add3A_328 = arith.addf %get3A_327, %select_n3A : vector<16xf32>
        %swap3A_329 = arith.index_cast %squeeze3A_324 : i32 to index
        %swap3A_330 = tpu.vector_load %arg12[%swap3A_329] {strides = array<i32>} : memref<10240xf32, #tpu.memory_space<vmem>>, vector<16xf32>,
        %swap3A_331 = vector.shape_cast %swap3A_330 : vector<16xf32> to vector<16xf32>
        %swap3A_332 = vector.shape_cast %add3A_328 : vector<16xf32> to vector<16xf32>
        tpu.vector_store %arg12[%swap3A_329], %swap3A_332 {strides = array<i32>} : memref<10240xf32, #tpu.memory_space<vmem>>, vector<16xf32>,
        %slice3A_333 = vector.extract_strided_slice %get3A_225 {offsets = [11], sizes = [1], strides = [1]} : vector<16xi32> to vector<1xi32>
        %squeeze3A_334 = vector.extract %slice3A_333[0] : i32 from vector<1xi32>
        %get3A_335 = arith.index_cast %squeeze3A_334 : i32 to index
        %get3A_336 = tpu.vector_load %arg12[%get3A_335] {strides = array<i32>} : memref<10240xf32, #tpu.memory_space<vmem>>, vector<16xf32>,
        %get3A_337 = vector.shape_cast %get3A_336 : vector<16xf32> to vector<16xf32>
        %add3A_338 = arith.addf %get3A_337, %select_n3A : vector<16xf32>
        %swap3A_339 = arith.index_cast %squeeze3A_334 : i32 to index
        %swap3A_340 = tpu.vector_load %arg12[%swap3A_339] {strides = array<i32>} : memref<10240xf32, #tpu.memory_space<vmem>>, vector<16xf32>,
        %swap3A_341 = vector.shape_cast %swap3A_340 : vector<16xf32> to vector<16xf32>
        %swap3A_342 = vector.shape_cast %add3A_338 : vector<16xf32> to vector<16xf32>
        tpu.vector_store %arg12[%swap3A_339], %swap3A_342 {strides = array<i32>} : memref<10240xf32, #tpu.memory_space<vmem>>, vector<16xf32>,
        %slice3A_343 = vector.extract_strided_slice %get3A_225 {offsets = [12], sizes = [1], strides = [1]} : vector<16xi32> to vector<1xi32>
        %squeeze3A_344 = vector.extract %slice3A_343[0] : i32 from vector<1xi32>
        %get3A_345 = arith.index_cast %squeeze3A_344 : i32 to index
        %get3A_346 = tpu.vector_load %arg12[%get3A_345] {strides = array<i32>} : memref<10240xf32, #tpu.memory_space<vmem>>, vector<16xf32>,
        %get3A_347 = vector.shape_cast %get3A_346 : vector<16xf32> to vector<16xf32>
        %add3A_348 = arith.addf %get3A_347, %select_n3A : vector<16xf32>
        %swap3A_349 = arith.index_cast %squeeze3A_344 : i32 to index
        %swap3A_350 = tpu.vector_load %arg12[%swap3A_349] {strides = array<i32>} : memref<10240xf32, #tpu.memory_space<vmem>>, vector<16xf32>,
        %swap3A_351 = vector.shape_cast %swap3A_350 : vector<16xf32> to vector<16xf32>
        %swap3A_352 = vector.shape_cast %add3A_348 : vector<16xf32> to vector<16xf32>
        tpu.vector_store %arg12[%swap3A_349], %swap3A_352 {strides = array<i32>} : memref<10240xf32, #tpu.memory_space<vmem>>, vector<16xf32>,
        %slice3A_353 = vector.extract_strided_slice %get3A_225 {offsets = [13], sizes = [1], strides = [1]} : vector<16xi32> to vector<1xi32>
        %squeeze3A_354 = vector.extract %slice3A_353[0] : i32 from vector<1xi32>
        %get3A_355 = arith.index_cast %squeeze3A_354 : i32 to index
        %get3A_356 = tpu.vector_load %arg12[%get3A_355] {strides = array<i32>} : memref<10240xf32, #tpu.memory_space<vmem>>, vector<16xf32>,
        %get3A_357 = vector.shape_cast %get3A_356 : vector<16xf32> to vector<16xf32>
        %add3A_358 = arith.addf %get3A_357, %select_n3A : vector<16xf32>
        %swap3A_359 = arith.index_cast %squeeze3A_354 : i32 to index
        %swap3A_360 = tpu.vector_load %arg12[%swap3A_359] {strides = array<i32>} : memref<10240xf32, #tpu.memory_space<vmem>>, vector<16xf32>,
        %swap3A_361 = vector.shape_cast %swap3A_360 : vector<16xf32> to vector<16xf32>
        %swap3A_362 = vector.shape_cast %add3A_358 : vector<16xf32> to vector<16xf32>
        tpu.vector_store %arg12[%swap3A_359], %swap3A_362 {strides = array<i32>} : memref<10240xf32, #tpu.memory_space<vmem>>, vector<16xf32>,
        %slice3A_363 = vector.extract_strided_slice %get3A_225 {offsets = [14], sizes = [1], strides = [1]} : vector<16xi32> to vector<1xi32>
        %squeeze3A_364 = vector.extract %slice3A_363[0] : i32 from vector<1xi32>
        %get3A_365 = arith.index_cast %squeeze3A_364 : i32 to index
        %get3A_366 = tpu.vector_load %arg12[%get3A_365] {strides = array<i32>} : memref<10240xf32, #tpu.memory_space<vmem>>, vector<16xf32>,
        %get3A_367 = vector.shape_cast %get3A_366 : vector<16xf32> to vector<16xf32>
        %add3A_368 = arith.addf %get3A_367, %select_n3A : vector<16xf32>
        %swap3A_369 = arith.index_cast %squeeze3A_364 : i32 to index
        %swap3A_370 = tpu.vector_load %arg12[%swap3A_369] {strides = array<i32>} : memref<10240xf32, #tpu.memory_space<vmem>>, vector<16xf32>,
        %swap3A_371 = vector.shape_cast %swap3A_370 : vector<16xf32> to vector<16xf32>
        %swap3A_372 = vector.shape_cast %add3A_368 : vector<16xf32> to vector<16xf32>
        tpu.vector_store %arg12[%swap3A_369], %swap3A_372 {strides = array<i32>} : memref<10240xf32, #tpu.memory_space<vmem>>, vector<16xf32>,
        %slice3A_373 = vector.extract_strided_slice %get3A_225 {offsets = [15], sizes = [1], strides = [1]} : vector<16xi32> to vector<1xi32>
        %squeeze3A_374 = vector.extract %slice3A_373[0] : i32 from vector<1xi32>
        %get3A_375 = arith.index_cast %squeeze3A_374 : i32 to index
        %get3A_376 = tpu.vector_load %arg12[%get3A_375] {strides = array<i32>} : memref<10240xf32, #tpu.memory_space<vmem>>, vector<16xf32>,
        %get3A_377 = vector.shape_cast %get3A_376 : vector<16xf32> to vector<16xf32>
        %add3A_378 = arith.addf %get3A_377, %select_n3A : vector<16xf32>
        %swap3A_379 = arith.index_cast %squeeze3A_374 : i32 to index
        %swap3A_380 = tpu.vector_load %arg12[%swap3A_379] {strides = array<i32>} : memref<10240xf32, #tpu.memory_space<vmem>>, vector<16xf32>,
        %swap3A_381 = vector.shape_cast %swap3A_380 : vector<16xf32> to vector<16xf32>
        %swap3A_382 = vector.shape_cast %add3A_378 : vector<16xf32> to vector<16xf32>
        tpu.vector_store %arg12[%swap3A_379], %swap3A_382 {strides = array<i32>} : memref<10240xf32, #tpu.memory_space<vmem>>, vector<16xf32>,
        %scan3A_383 = arith.constant 0 : i32
        scf.yield %scan3A_383 : i32
      }
      %scan3A_204 = arith.constant 5 : i32
      %dma_wait3A_205 = arith.constant 0 : i32
      %dma_wait3A_206 = tpu.memref_slice %arg9[%scan3A_168, %dma_wait3A_205] : memref<25x80xi32, #tpu.memory_space<vmem>> -> memref<1x80xi32, #tpu.memory_space<vmem>>
      %dma_wait3A_207 = tpu.memref_squeeze %dma_wait3A_206 : memref<1x80xi32, #tpu.memory_space<vmem>> -> memref<80xi32, #tpu.memory_space<vmem>>
      %dma_wait3A_208 = arith.constant 0 : i32
      %dma_wait3A_209 = arith.constant 0 : i32
      %dma_wait3A_210 = tpu.memref_slice %arg13[%dma_wait3A_208, %dma_wait3A_209] : memref<10240x128xf32, #tpu.memory_space<vmem_shared>> -> memref<10240x128xf32, #tpu.memory_space<vmem_shared>>
      tpu.wait_indirect_dma semaphore(%arg16 : memref<!tpu.dma_semaphore, #tpu.memory_space<semaphore_mem>>) src(%arg11 : memref<80x128xf32, #tpu.memory_space<vmem>>) dst(%dma_wait3A_210 : memref<10240x128xf32, #tpu.memory_space<vmem_shared>>)
      %add3A_211 = arith.constant 1 : i32
      %add3A_212 = arith.addi %scan3A_168, %add3A_211 : i32
      %lt3A_213 = arith.constant 25 : i32
      %lt3A_214 = arith.cmpi slt, %add3A_212, %lt3A_213 : i32
      %convert_element_type3A_215 = arith.extui %lt3A_214 : i1 to i32
      %cond3A_216 = arith.constant 0 : i32
      %cond3A_217 = arith.cmpi ne, %convert_element_type3A_215, %cond3A_216 : i32
      scf.if %cond3A_217 {
        %add3A_219 = arith.constant 1 : i32
        %add3A_220 = arith.addi %scan3A_168, %add3A_219 : i32
        %dma_start3A_221 = arith.constant 0 : i32
        %dma_start3A_222 = tpu.memref_slice %arg8[%add3A_220, %dma_start3A_221] : memref<25x80xi32, #tpu.memory_space<vmem>> -> memref<1x80xi32, #tpu.memory_space<vmem>>
        %dma_start3A_223 = tpu.memref_squeeze %dma_start3A_222 : memref<1x80xi32, #tpu.memory_space<vmem>> -> memref<80xi32, #tpu.memory_space<vmem>>
        %dma_start3A_224 = arith.constant 0 : i32
        %dma_start3A_225 = arith.constant 0 : i32
        %dma_start3A_226 = tpu.memref_slice %arg3[%dma_start3A_224, %dma_start3A_225] : memref<10000x128xf32, #tpu.memory_space<hbm>> -> memref<10000x128xf32, #tpu.memory_space<hbm>>
        tpu.enqueue_indirect_dma source(%dma_start3A_226 : memref<10000x128xf32, #tpu.memory_space<hbm>>) target(%arg11 : memref<80x128xf32, #tpu.memory_space<vmem>>) offsets(%dma_start3A_223 : memref<80xi32, #tpu.memory_space<vmem>>) semaphore(%arg15 : memref<!tpu.dma_semaphore, #tpu.memory_space<semaphore_mem>>)
      } else {
      }
      %scan3A_218 = arith.constant 0 : i32
      scf.yield %scan3A_218 : i32
    }
    %scan3A_81 = arith.constant 25 : i32
    %run_scoped3A_82 = arith.constant 2 : i32
    "tpu.region"() ({
      %run_scoped3A_168 = tpu.sem_alloc : memref<!tpu.dma_semaphore, #tpu.memory_space<semaphore_mem>>
      %dma_start3A_169 = arith.constant 0 : i32
      %dma_start3A_170 = arith.constant 0 : i32
      %dma_start3A_171 = tpu.memref_slice %arg4[%add3A, %run_scoped3A_82, %dma_start3A_169, %dma_start3A_170] : memref<32x5x25x80xi32, #tpu.memory_space<hbm>> -> memref<1x1x25x80xi32, #tpu.memory_space<hbm>>
      %dma_start3A_172 = tpu.memref_squeeze %dma_start3A_171 : memref<1x1x25x80xi32, #tpu.memory_space<hbm>> -> memref<25x80xi32, #tpu.memory_space<hbm>>
      %dma_start3A_173 = arith.constant 0 : i32
      %dma_start3A_174 = arith.constant 0 : i32
      %dma_start3A_175 = tpu.memref_slice %arg4[%add3A, %run_scoped3A_82, %dma_start3A_173, %dma_start3A_174] : memref<32x5x25x80xi32, #tpu.memory_space<hbm>> -> memref<1x1x25x80xi32, #tpu.memory_space<hbm>>
      %dma_start3A_176 = tpu.memref_squeeze %dma_start3A_175 : memref<1x1x25x80xi32, #tpu.memory_space<hbm>> -> memref<25x80xi32, #tpu.memory_space<hbm>>
      tpu.enqueue_dma source(%dma_start3A_176 : memref<25x80xi32, #tpu.memory_space<hbm>>) target(%arg8 : memref<25x80xi32, #tpu.memory_space<vmem>>) target_semaphore(%run_scoped3A_168 : memref<!tpu.dma_semaphore, #tpu.memory_space<semaphore_mem>>)
      %dma_wait3A = arith.constant 0 : i32
      %dma_wait3A_177 = arith.constant 0 : i32
      %dma_wait3A_178 = tpu.memref_slice %arg4[%add3A, %run_scoped3A_82, %dma_wait3A, %dma_wait3A_177] : memref<32x5x25x80xi32, #tpu.memory_space<hbm>> -> memref<1x1x25x80xi32, #tpu.memory_space<hbm>>
      %dma_wait3A_179 = tpu.memref_squeeze %dma_wait3A_178 : memref<1x1x25x80xi32, #tpu.memory_space<hbm>> -> memref<25x80xi32, #tpu.memory_space<hbm>>
      %dma_wait3A_180 = arith.constant 0 : i32
      %dma_wait3A_181 = arith.constant 0 : i32
      %dma_wait3A_182 = tpu.memref_slice %arg4[%add3A, %run_scoped3A_82, %dma_wait3A_180, %dma_wait3A_181] : memref<32x5x25x80xi32, #tpu.memory_space<hbm>> -> memref<1x1x25x80xi32, #tpu.memory_space<hbm>>
      %dma_wait3A_183 = tpu.memref_squeeze %dma_wait3A_182 : memref<1x1x25x80xi32, #tpu.memory_space<hbm>> -> memref<25x80xi32, #tpu.memory_space<hbm>>
      tpu.wait_dma2 semaphore(%run_scoped3A_168 : memref<!tpu.dma_semaphore, #tpu.memory_space<semaphore_mem>>) src(%dma_wait3A_183 : memref<25x80xi32, #tpu.memory_space<hbm>>) dst(%arg8 : memref<25x80xi32, #tpu.memory_space<vmem>>)
      tpu.yield
    }) : () -> ()
    %run_scoped3A_83 = arith.constant 2 : i32
    "tpu.region"() ({
      %run_scoped3A_168 = tpu.sem_alloc : memref<!tpu.dma_semaphore, #tpu.memory_space<semaphore_mem>>
      %dma_start3A_169 = arith.constant 0 : i32
      %dma_start3A_170 = arith.constant 0 : i32
      %dma_start3A_171 = tpu.memref_slice %arg5[%add3A, %run_scoped3A_83, %dma_start3A_169, %dma_start3A_170] : memref<32x5x25x80xi32, #tpu.memory_space<hbm>> -> memref<1x1x25x80xi32, #tpu.memory_space<hbm>>
      %dma_start3A_172 = tpu.memref_squeeze %dma_start3A_171 : memref<1x1x25x80xi32, #tpu.memory_space<hbm>> -> memref<25x80xi32, #tpu.memory_space<hbm>>
      %dma_start3A_173 = arith.constant 0 : i32
      %dma_start3A_174 = arith.constant 0 : i32
      %dma_start3A_175 = tpu.memref_slice %arg5[%add3A, %run_scoped3A_83, %dma_start3A_173, %dma_start3A_174] : memref<32x5x25x80xi32, #tpu.memory_space<hbm>> -> memref<1x1x25x80xi32, #tpu.memory_space<hbm>>
      %dma_start3A_176 = tpu.memref_squeeze %dma_start3A_175 : memref<1x1x25x80xi32, #tpu.memory_space<hbm>> -> memref<25x80xi32, #tpu.memory_space<hbm>>
      tpu.enqueue_dma source(%dma_start3A_176 : memref<25x80xi32, #tpu.memory_space<hbm>>) target(%arg9 : memref<25x80xi32, #tpu.memory_space<vmem>>) target_semaphore(%run_scoped3A_168 : memref<!tpu.dma_semaphore, #tpu.memory_space<semaphore_mem>>)
      %dma_wait3A = arith.constant 0 : i32
      %dma_wait3A_177 = arith.constant 0 : i32
      %dma_wait3A_178 = tpu.memref_slice %arg5[%add3A, %run_scoped3A_83, %dma_wait3A, %dma_wait3A_177] : memref<32x5x25x80xi32, #tpu.memory_space<hbm>> -> memref<1x1x25x80xi32, #tpu.memory_space<hbm>>
      %dma_wait3A_179 = tpu.memref_squeeze %dma_wait3A_178 : memref<1x1x25x80xi32, #tpu.memory_space<hbm>> -> memref<25x80xi32, #tpu.memory_space<hbm>>
      %dma_wait3A_180 = arith.constant 0 : i32
      %dma_wait3A_181 = arith.constant 0 : i32
      %dma_wait3A_182 = tpu.memref_slice %arg5[%add3A, %run_scoped3A_83, %dma_wait3A_180, %dma_wait3A_181] : memref<32x5x25x80xi32, #tpu.memory_space<hbm>> -> memref<1x1x25x80xi32, #tpu.memory_space<hbm>>
      %dma_wait3A_183 = tpu.memref_squeeze %dma_wait3A_182 : memref<1x1x25x80xi32, #tpu.memory_space<hbm>> -> memref<25x80xi32, #tpu.memory_space<hbm>>
      tpu.wait_dma2 semaphore(%run_scoped3A_168 : memref<!tpu.dma_semaphore, #tpu.memory_space<semaphore_mem>>) src(%dma_wait3A_183 : memref<25x80xi32, #tpu.memory_space<hbm>>) dst(%arg9 : memref<25x80xi32, #tpu.memory_space<vmem>>)
      tpu.yield
    }) : () -> ()
    %dma_start3A_84 = arith.constant 0 : i32
    %dma_start3A_85 = arith.constant 0 : i32
    %dma_start3A_86 = tpu.memref_slice %arg9[%dma_start3A_84, %dma_start3A_85] : memref<25x80xi32, #tpu.memory_space<vmem>> -> memref<1x80xi32, #tpu.memory_space<vmem>>
    %dma_start3A_87 = tpu.memref_squeeze %dma_start3A_86 : memref<1x80xi32, #tpu.memory_space<vmem>> -> memref<80xi32, #tpu.memory_space<vmem>>
    %dma_start3A_88 = arith.constant 0 : i32
    %dma_start3A_89 = arith.constant 0 : i32
    %dma_start3A_90 = tpu.memref_slice %arg2[%dma_start3A_88, %dma_start3A_89] : memref<10000x128xf32, #tpu.memory_space<hbm>> -> memref<10000x128xf32, #tpu.memory_space<hbm>>
    tpu.enqueue_indirect_dma source(%dma_start3A_90 : memref<10000x128xf32, #tpu.memory_space<hbm>>) target(%arg10 : memref<80x128xf32, #tpu.memory_space<vmem>>) offsets(%dma_start3A_87 : memref<80xi32, #tpu.memory_space<vmem>>) semaphore(%arg14 : memref<!tpu.dma_semaphore, #tpu.memory_space<semaphore_mem>>)
    %dma_start3A_91 = arith.constant 0 : i32
    %dma_start3A_92 = arith.constant 0 : i32
    %dma_start3A_93 = tpu.memref_slice %arg8[%dma_start3A_91, %dma_start3A_92] : memref<25x80xi32, #tpu.memory_space<vmem>> -> memref<1x80xi32, #tpu.memory_space<vmem>>
    %dma_start3A_94 = tpu.memref_squeeze %dma_start3A_93 : memref<1x80xi32, #tpu.memory_space<vmem>> -> memref<80xi32, #tpu.memory_space<vmem>>
    %dma_start3A_95 = arith.constant 0 : i32
    %dma_start3A_96 = arith.constant 0 : i32
    %dma_start3A_97 = tpu.memref_slice %arg3[%dma_start3A_95, %dma_start3A_96] : memref<10000x128xf32, #tpu.memory_space<hbm>> -> memref<10000x128xf32, #tpu.memory_space<hbm>>
    tpu.enqueue_indirect_dma source(%dma_start3A_97 : memref<10000x128xf32, #tpu.memory_space<hbm>>) target(%arg11 : memref<80x128xf32, #tpu.memory_space<vmem>>) offsets(%dma_start3A_94 : memref<80xi32, #tpu.memory_space<vmem>>) semaphore(%arg15 : memref<!tpu.dma_semaphore, #tpu.memory_space<semaphore_mem>>)
    %scan3A_98 = arith.constant 0 : i32
    %scan3A_99 = arith.constant 0 : i32
    %scan3A_100 = arith.constant 25 : i32
    %scan3A_101 = arith.addi %scan3A_99, %scan3A_100 : i32
    %scan3A_102 = arith.constant 1 : i32
    %scan3A_103 = scf.for %scan3A_168 = %scan3A_99 to %scan3A_101 step %scan3A_102 iter_args(%scan3A_169 = %scan3A_98) -> (i32)  : i32 {
      %dma_wait3A = arith.constant 0 : i32
      %dma_wait3A_170 = arith.constant 0 : i32
      %dma_wait3A_171 = tpu.memref_slice %arg2[%dma_wait3A, %dma_wait3A_170] : memref<10000x128xf32, #tpu.memory_space<hbm>> -> memref<80x128xf32, #tpu.memory_space<hbm>>
      %dma_wait3A_172 = arith.constant 0 : i32
      %dma_wait3A_173 = arith.constant 0 : i32
      %dma_wait3A_174 = tpu.memref_slice %arg2[%dma_wait3A_172, %dma_wait3A_173] : memref<10000x128xf32, #tpu.memory_space<hbm>> -> memref<80x128xf32, #tpu.memory_space<hbm>>
      tpu.wait_dma2 semaphore(%arg14 : memref<!tpu.dma_semaphore, #tpu.memory_space<semaphore_mem>>) src(%dma_wait3A_174 : memref<80x128xf32, #tpu.memory_space<hbm>>) dst(%arg10 : memref<80x128xf32, #tpu.memory_space<vmem>>)
      %dma_wait3A_175 = arith.constant 0 : i32
      %dma_wait3A_176 = arith.constant 0 : i32
      %dma_wait3A_177 = tpu.memref_slice %arg3[%dma_wait3A_175, %dma_wait3A_176] : memref<10000x128xf32, #tpu.memory_space<hbm>> -> memref<80x128xf32, #tpu.memory_space<hbm>>
      %dma_wait3A_178 = arith.constant 0 : i32
      %dma_wait3A_179 = arith.constant 0 : i32
      %dma_wait3A_180 = tpu.memref_slice %arg3[%dma_wait3A_178, %dma_wait3A_179] : memref<10000x128xf32, #tpu.memory_space<hbm>> -> memref<80x128xf32, #tpu.memory_space<hbm>>
      tpu.wait_dma2 semaphore(%arg15 : memref<!tpu.dma_semaphore, #tpu.memory_space<semaphore_mem>>) src(%dma_wait3A_180 : memref<80x128xf32, #tpu.memory_space<hbm>>) dst(%arg11 : memref<80x128xf32, #tpu.memory_space<vmem>>)
      %scan3A_181 = arith.constant 0 : i32
      %scan3A_182 = arith.constant 0 : i32
      %scan3A_183 = arith.constant 80 : i32
      %scan3A_184 = arith.addi %scan3A_182, %scan3A_183 : i32
      %scan3A_185 = arith.constant 1 : i32
      %scan3A_186 = scf.for %scan3A_219 = %scan3A_182 to %scan3A_184 step %scan3A_185 iter_args(%scan3A_220 = %scan3A_181) -> (i32)  : i32 {
        %get3A = arith.index_cast %scan3A_219 : i32 to index
        %get3A_221 = arith.constant 0 : index
        %get3A_222 = tpu.vector_load %arg10[%get3A, %get3A_221] {strides = array<i32>} : memref<80x128xf32, #tpu.memory_space<vmem>>, vector<1x16xf32>,
        %get3A_223 = vector.shape_cast %get3A_222 : vector<1x16xf32> to vector<16xf32>
        %get3A_224 = arith.index_cast %scan3A_219 : i32 to index
        %get3A_225 = arith.constant 0 : index
        %get3A_226 = tpu.vector_load %arg11[%get3A_224, %get3A_225] {strides = array<i32>} : memref<80x128xf32, #tpu.memory_space<vmem>>, vector<1x16xf32>,
        %get3A_227 = vector.shape_cast %get3A_226 : vector<1x16xf32> to vector<16xf32>
        %add3A_228 = arith.addf %get3A_223, %get3A_227 : vector<16xf32>
        %max3A = arith.constant 0.000000e+00 : f32
        %max3A_229 = vector.broadcast %max3A : f32 to vector<16xf32>
        %max3A_230 = arith.maximumf %add3A_228, %max3A_229 : vector<16xf32>
        %swap3A = arith.index_cast %scan3A_219 : i32 to index
        %swap3A_231 = arith.constant 0 : index
        %swap3A_232 = tpu.vector_load %arg11[%swap3A, %swap3A_231] {strides = array<i32>} : memref<80x128xf32, #tpu.memory_space<vmem>>, vector<1x16xf32>,
        %swap3A_233 = vector.shape_cast %swap3A_232 : vector<1x16xf32> to vector<16xf32>
        %swap3A_234 = vector.shape_cast %max3A_230 : vector<16xf32> to vector<1x16xf32>
        tpu.vector_store %arg11[%swap3A, %swap3A_231], %swap3A_234 {strides = array<i32>} : memref<80x128xf32, #tpu.memory_space<vmem>>, vector<1x16xf32>,
        %get3A_235 = arith.index_cast %scan3A_219 : i32 to index
        %get3A_236 = arith.constant 16 : index
        %get3A_237 = tpu.vector_load %arg10[%get3A_235, %get3A_236] {strides = array<i32>} : memref<80x128xf32, #tpu.memory_space<vmem>>, vector<1x16xf32>,
        %get3A_238 = vector.shape_cast %get3A_237 : vector<1x16xf32> to vector<16xf32>
        %get3A_239 = arith.index_cast %scan3A_219 : i32 to index
        %get3A_240 = arith.constant 16 : index
        %get3A_241 = tpu.vector_load %arg11[%get3A_239, %get3A_240] {strides = array<i32>} : memref<80x128xf32, #tpu.memory_space<vmem>>, vector<1x16xf32>,
        %get3A_242 = vector.shape_cast %get3A_241 : vector<1x16xf32> to vector<16xf32>
        %add3A_243 = arith.addf %get3A_238, %get3A_242 : vector<16xf32>
        %max3A_244 = arith.constant 0.000000e+00 : f32
        %max3A_245 = vector.broadcast %max3A_244 : f32 to vector<16xf32>
        %max3A_246 = arith.maximumf %add3A_243, %max3A_245 : vector<16xf32>
        %swap3A_247 = arith.index_cast %scan3A_219 : i32 to index
        %swap3A_248 = arith.constant 16 : index
        %swap3A_249 = tpu.vector_load %arg11[%swap3A_247, %swap3A_248] {strides = array<i32>} : memref<80x128xf32, #tpu.memory_space<vmem>>, vector<1x16xf32>,
        %swap3A_250 = vector.shape_cast %swap3A_249 : vector<1x16xf32> to vector<16xf32>
        %swap3A_251 = vector.shape_cast %max3A_246 : vector<16xf32> to vector<1x16xf32>
        tpu.vector_store %arg11[%swap3A_247, %swap3A_248], %swap3A_251 {strides = array<i32>} : memref<80x128xf32, #tpu.memory_space<vmem>>, vector<1x16xf32>,
        %get3A_252 = arith.index_cast %scan3A_219 : i32 to index
        %get3A_253 = arith.constant 32 : index
        %get3A_254 = tpu.vector_load %arg10[%get3A_252, %get3A_253] {strides = array<i32>} : memref<80x128xf32, #tpu.memory_space<vmem>>, vector<1x16xf32>,
        %get3A_255 = vector.shape_cast %get3A_254 : vector<1x16xf32> to vector<16xf32>
        %get3A_256 = arith.index_cast %scan3A_219 : i32 to index
        %get3A_257 = arith.constant 32 : index
        %get3A_258 = tpu.vector_load %arg11[%get3A_256, %get3A_257] {strides = array<i32>} : memref<80x128xf32, #tpu.memory_space<vmem>>, vector<1x16xf32>,
        %get3A_259 = vector.shape_cast %get3A_258 : vector<1x16xf32> to vector<16xf32>
        %add3A_260 = arith.addf %get3A_255, %get3A_259 : vector<16xf32>
        %max3A_261 = arith.constant 0.000000e+00 : f32
        %max3A_262 = vector.broadcast %max3A_261 : f32 to vector<16xf32>
        %max3A_263 = arith.maximumf %add3A_260, %max3A_262 : vector<16xf32>
        %swap3A_264 = arith.index_cast %scan3A_219 : i32 to index
        %swap3A_265 = arith.constant 32 : index
        %swap3A_266 = tpu.vector_load %arg11[%swap3A_264, %swap3A_265] {strides = array<i32>} : memref<80x128xf32, #tpu.memory_space<vmem>>, vector<1x16xf32>,
        %swap3A_267 = vector.shape_cast %swap3A_266 : vector<1x16xf32> to vector<16xf32>
        %swap3A_268 = vector.shape_cast %max3A_263 : vector<16xf32> to vector<1x16xf32>
        tpu.vector_store %arg11[%swap3A_264, %swap3A_265], %swap3A_268 {strides = array<i32>} : memref<80x128xf32, #tpu.memory_space<vmem>>, vector<1x16xf32>,
        %get3A_269 = arith.index_cast %scan3A_219 : i32 to index
        %get3A_270 = arith.constant 48 : index
        %get3A_271 = tpu.vector_load %arg10[%get3A_269, %get3A_270] {strides = array<i32>} : memref<80x128xf32, #tpu.memory_space<vmem>>, vector<1x16xf32>,
        %get3A_272 = vector.shape_cast %get3A_271 : vector<1x16xf32> to vector<16xf32>
        %get3A_273 = arith.index_cast %scan3A_219 : i32 to index
        %get3A_274 = arith.constant 48 : index
        %get3A_275 = tpu.vector_load %arg11[%get3A_273, %get3A_274] {strides = array<i32>} : memref<80x128xf32, #tpu.memory_space<vmem>>, vector<1x16xf32>,
        %get3A_276 = vector.shape_cast %get3A_275 : vector<1x16xf32> to vector<16xf32>
        %add3A_277 = arith.addf %get3A_272, %get3A_276 : vector<16xf32>
        %max3A_278 = arith.constant 0.000000e+00 : f32
        %max3A_279 = vector.broadcast %max3A_278 : f32 to vector<16xf32>
        %max3A_280 = arith.maximumf %add3A_277, %max3A_279 : vector<16xf32>
        %swap3A_281 = arith.index_cast %scan3A_219 : i32 to index
        %swap3A_282 = arith.constant 48 : index
        %swap3A_283 = tpu.vector_load %arg11[%swap3A_281, %swap3A_282] {strides = array<i32>} : memref<80x128xf32, #tpu.memory_space<vmem>>, vector<1x16xf32>,
        %swap3A_284 = vector.shape_cast %swap3A_283 : vector<1x16xf32> to vector<16xf32>
        %swap3A_285 = vector.shape_cast %max3A_280 : vector<16xf32> to vector<1x16xf32>
        tpu.vector_store %arg11[%swap3A_281, %swap3A_282], %swap3A_285 {strides = array<i32>} : memref<80x128xf32, #tpu.memory_space<vmem>>, vector<1x16xf32>,
        %get3A_286 = arith.index_cast %scan3A_219 : i32 to index
        %get3A_287 = arith.constant 64 : index
        %get3A_288 = tpu.vector_load %arg10[%get3A_286, %get3A_287] {strides = array<i32>} : memref<80x128xf32, #tpu.memory_space<vmem>>, vector<1x16xf32>,
        %get3A_289 = vector.shape_cast %get3A_288 : vector<1x16xf32> to vector<16xf32>
        %get3A_290 = arith.index_cast %scan3A_219 : i32 to index
        %get3A_291 = arith.constant 64 : index
        %get3A_292 = tpu.vector_load %arg11[%get3A_290, %get3A_291] {strides = array<i32>} : memref<80x128xf32, #tpu.memory_space<vmem>>, vector<1x16xf32>,
        %get3A_293 = vector.shape_cast %get3A_292 : vector<1x16xf32> to vector<16xf32>
        %add3A_294 = arith.addf %get3A_289, %get3A_293 : vector<16xf32>
        %max3A_295 = arith.constant 0.000000e+00 : f32
        %max3A_296 = vector.broadcast %max3A_295 : f32 to vector<16xf32>
        %max3A_297 = arith.maximumf %add3A_294, %max3A_296 : vector<16xf32>
        %swap3A_298 = arith.index_cast %scan3A_219 : i32 to index
        %swap3A_299 = arith.constant 64 : index
        %swap3A_300 = tpu.vector_load %arg11[%swap3A_298, %swap3A_299] {strides = array<i32>} : memref<80x128xf32, #tpu.memory_space<vmem>>, vector<1x16xf32>,
        %swap3A_301 = vector.shape_cast %swap3A_300 : vector<1x16xf32> to vector<16xf32>
        %swap3A_302 = vector.shape_cast %max3A_297 : vector<16xf32> to vector<1x16xf32>
        tpu.vector_store %arg11[%swap3A_298, %swap3A_299], %swap3A_302 {strides = array<i32>} : memref<80x128xf32, #tpu.memory_space<vmem>>, vector<1x16xf32>,
        %get3A_303 = arith.index_cast %scan3A_219 : i32 to index
        %get3A_304 = arith.constant 80 : index
        %get3A_305 = tpu.vector_load %arg10[%get3A_303, %get3A_304] {strides = array<i32>} : memref<80x128xf32, #tpu.memory_space<vmem>>, vector<1x16xf32>,
        %get3A_306 = vector.shape_cast %get3A_305 : vector<1x16xf32> to vector<16xf32>
        %get3A_307 = arith.index_cast %scan3A_219 : i32 to index
        %get3A_308 = arith.constant 80 : index
        %get3A_309 = tpu.vector_load %arg11[%get3A_307, %get3A_308] {strides = array<i32>} : memref<80x128xf32, #tpu.memory_space<vmem>>, vector<1x16xf32>,
        %get3A_310 = vector.shape_cast %get3A_309 : vector<1x16xf32> to vector<16xf32>
        %add3A_311 = arith.addf %get3A_306, %get3A_310 : vector<16xf32>
        %max3A_312 = arith.constant 0.000000e+00 : f32
        %max3A_313 = vector.broadcast %max3A_312 : f32 to vector<16xf32>
        %max3A_314 = arith.maximumf %add3A_311, %max3A_313 : vector<16xf32>
        %swap3A_315 = arith.index_cast %scan3A_219 : i32 to index
        %swap3A_316 = arith.constant 80 : index
        %swap3A_317 = tpu.vector_load %arg11[%swap3A_315, %swap3A_316] {strides = array<i32>} : memref<80x128xf32, #tpu.memory_space<vmem>>, vector<1x16xf32>,
        %swap3A_318 = vector.shape_cast %swap3A_317 : vector<1x16xf32> to vector<16xf32>
        %swap3A_319 = vector.shape_cast %max3A_314 : vector<16xf32> to vector<1x16xf32>
        tpu.vector_store %arg11[%swap3A_315, %swap3A_316], %swap3A_319 {strides = array<i32>} : memref<80x128xf32, #tpu.memory_space<vmem>>, vector<1x16xf32>,
        %get3A_320 = arith.index_cast %scan3A_219 : i32 to index
        %get3A_321 = arith.constant 96 : index
        %get3A_322 = tpu.vector_load %arg10[%get3A_320, %get3A_321] {strides = array<i32>} : memref<80x128xf32, #tpu.memory_space<vmem>>, vector<1x16xf32>,
        %get3A_323 = vector.shape_cast %get3A_322 : vector<1x16xf32> to vector<16xf32>
        %get3A_324 = arith.index_cast %scan3A_219 : i32 to index
        %get3A_325 = arith.constant 96 : index
        %get3A_326 = tpu.vector_load %arg11[%get3A_324, %get3A_325] {strides = array<i32>} : memref<80x128xf32, #tpu.memory_space<vmem>>, vector<1x16xf32>,
        %get3A_327 = vector.shape_cast %get3A_326 : vector<1x16xf32> to vector<16xf32>
        %add3A_328 = arith.addf %get3A_323, %get3A_327 : vector<16xf32>
        %max3A_329 = arith.constant 0.000000e+00 : f32
        %max3A_330 = vector.broadcast %max3A_329 : f32 to vector<16xf32>
        %max3A_331 = arith.maximumf %add3A_328, %max3A_330 : vector<16xf32>
        %swap3A_332 = arith.index_cast %scan3A_219 : i32 to index
        %swap3A_333 = arith.constant 96 : index
        %swap3A_334 = tpu.vector_load %arg11[%swap3A_332, %swap3A_333] {strides = array<i32>} : memref<80x128xf32, #tpu.memory_space<vmem>>, vector<1x16xf32>,
        %swap3A_335 = vector.shape_cast %swap3A_334 : vector<1x16xf32> to vector<16xf32>
        %swap3A_336 = vector.shape_cast %max3A_331 : vector<16xf32> to vector<1x16xf32>
        tpu.vector_store %arg11[%swap3A_332, %swap3A_333], %swap3A_336 {strides = array<i32>} : memref<80x128xf32, #tpu.memory_space<vmem>>, vector<1x16xf32>,
        %get3A_337 = arith.index_cast %scan3A_219 : i32 to index
        %get3A_338 = arith.constant 112 : index
        %get3A_339 = tpu.vector_load %arg10[%get3A_337, %get3A_338] {strides = array<i32>} : memref<80x128xf32, #tpu.memory_space<vmem>>, vector<1x16xf32>,
        %get3A_340 = vector.shape_cast %get3A_339 : vector<1x16xf32> to vector<16xf32>
        %get3A_341 = arith.index_cast %scan3A_219 : i32 to index
        %get3A_342 = arith.constant 112 : index
        %get3A_343 = tpu.vector_load %arg11[%get3A_341, %get3A_342] {strides = array<i32>} : memref<80x128xf32, #tpu.memory_space<vmem>>, vector<1x16xf32>,
        %get3A_344 = vector.shape_cast %get3A_343 : vector<1x16xf32> to vector<16xf32>
        %add3A_345 = arith.addf %get3A_340, %get3A_344 : vector<16xf32>
        %max3A_346 = arith.constant 0.000000e+00 : f32
        %max3A_347 = vector.broadcast %max3A_346 : f32 to vector<16xf32>
        %max3A_348 = arith.maximumf %add3A_345, %max3A_347 : vector<16xf32>
        %swap3A_349 = arith.index_cast %scan3A_219 : i32 to index
        %swap3A_350 = arith.constant 112 : index
        %swap3A_351 = tpu.vector_load %arg11[%swap3A_349, %swap3A_350] {strides = array<i32>} : memref<80x128xf32, #tpu.memory_space<vmem>>, vector<1x16xf32>,
        %swap3A_352 = vector.shape_cast %swap3A_351 : vector<1x16xf32> to vector<16xf32>
        %swap3A_353 = vector.shape_cast %max3A_348 : vector<16xf32> to vector<1x16xf32>
        tpu.vector_store %arg11[%swap3A_349, %swap3A_350], %swap3A_353 {strides = array<i32>} : memref<80x128xf32, #tpu.memory_space<vmem>>, vector<1x16xf32>,
        %scan3A_354 = arith.constant 0 : i32
        scf.yield %scan3A_354 : i32
      }
      %scan3A_187 = arith.constant 80 : i32
      %add3A_188 = arith.constant 1 : i32
      %add3A_189 = arith.addi %scan3A_168, %add3A_188 : i32
      %lt3A = arith.constant 25 : i32
      %lt3A_190 = arith.cmpi slt, %add3A_189, %lt3A : i32
      %convert_element_type3A = arith.extui %lt3A_190 : i1 to i32
      %cond3A = arith.constant 0 : i32
      %cond3A_191 = arith.cmpi ne, %convert_element_type3A, %cond3A : i32
      scf.if %cond3A_191 {
        %add3A_219 = arith.constant 1 : i32
        %add3A_220 = arith.addi %scan3A_168, %add3A_219 : i32
        %dma_start3A_221 = arith.constant 0 : i32
        %dma_start3A_222 = tpu.memref_slice %arg9[%add3A_220, %dma_start3A_221] : memref<25x80xi32, #tpu.memory_space<vmem>> -> memref<1x80xi32, #tpu.memory_space<vmem>>
        %dma_start3A_223 = tpu.memref_squeeze %dma_start3A_222 : memref<1x80xi32, #tpu.memory_space<vmem>> -> memref<80xi32, #tpu.memory_space<vmem>>
        %dma_start3A_224 = arith.constant 0 : i32
        %dma_start3A_225 = arith.constant 0 : i32
        %dma_start3A_226 = tpu.memref_slice %arg2[%dma_start3A_224, %dma_start3A_225] : memref<10000x128xf32, #tpu.memory_space<hbm>> -> memref<10000x128xf32, #tpu.memory_space<hbm>>
        tpu.enqueue_indirect_dma source(%dma_start3A_226 : memref<10000x128xf32, #tpu.memory_space<hbm>>) target(%arg10 : memref<80x128xf32, #tpu.memory_space<vmem>>) offsets(%dma_start3A_223 : memref<80xi32, #tpu.memory_space<vmem>>) semaphore(%arg14 : memref<!tpu.dma_semaphore, #tpu.memory_space<semaphore_mem>>)
      } else {
      }
      %dma_start3A_192 = arith.constant 0 : i32
      %dma_start3A_193 = tpu.memref_slice %arg9[%scan3A_168, %dma_start3A_192] : memref<25x80xi32, #tpu.memory_space<vmem>> -> memref<1x80xi32, #tpu.memory_space<vmem>>
      %dma_start3A_194 = tpu.memref_squeeze %dma_start3A_193 : memref<1x80xi32, #tpu.memory_space<vmem>> -> memref<80xi32, #tpu.memory_space<vmem>>
      %dma_start3A_195 = arith.constant 0 : i32
      %dma_start3A_196 = arith.constant 0 : i32
      %dma_start3A_197 = tpu.memref_slice %arg13[%dma_start3A_195, %dma_start3A_196] : memref<10240x128xf32, #tpu.memory_space<vmem_shared>> -> memref<10240x128xf32, #tpu.memory_space<vmem_shared>>
      tpu.enqueue_indirect_dma source(%arg11 : memref<80x128xf32, #tpu.memory_space<vmem>>) target(%dma_start3A_197 : memref<10240x128xf32, #tpu.memory_space<vmem_shared>>) offsets(%dma_start3A_194 : memref<80xi32, #tpu.memory_space<vmem>>) semaphore(%arg16 : memref<!tpu.dma_semaphore, #tpu.memory_space<semaphore_mem>>) {add = true}
      %scan3A_198 = arith.constant 0 : i32
      %scan3A_199 = arith.constant 0 : i32
      %scan3A_200 = arith.constant 5 : i32
      %scan3A_201 = arith.addi %scan3A_199, %scan3A_200 : i32
      %scan3A_202 = arith.constant 1 : i32
      %scan3A_203 = scf.for %scan3A_219 = %scan3A_199 to %scan3A_201 step %scan3A_202 iter_args(%scan3A_220 = %scan3A_198) -> (i32)  : i32 {
        %mul3A_221 = arith.constant 16 : i32
        %mul3A_222 = arith.muli %scan3A_219, %mul3A_221 : i32
        %get3A = arith.index_cast %scan3A_168 : i32 to index
        %get3A_223 = arith.index_cast %mul3A_222 : i32 to index
        %get3A_224 = tpu.vector_load %arg9[%get3A, %get3A_223] {strides = array<i32>} : memref<25x80xi32, #tpu.memory_space<vmem>>, vector<1x16xi32>,
        %get3A_225 = vector.shape_cast %get3A_224 : vector<1x16xi32> to vector<16xi32>
        %slice3A = vector.extract_strided_slice %get3A_225 {offsets = [0], sizes = [1], strides = [1]} : vector<16xi32> to vector<1xi32>
        %squeeze3A = vector.extract %slice3A[0] : i32 from vector<1xi32>
        %get3A_226 = arith.index_cast %squeeze3A : i32 to index
        %get3A_227 = tpu.vector_load %arg12[%get3A_226] {strides = array<i32>} : memref<10240xf32, #tpu.memory_space<vmem>>, vector<16xf32>,
        %get3A_228 = vector.shape_cast %get3A_227 : vector<16xf32> to vector<16xf32>
        %add3A_229 = arith.addf %get3A_228, %select_n3A : vector<16xf32>
        %swap3A = arith.index_cast %squeeze3A : i32 to index
        %swap3A_230 = tpu.vector_load %arg12[%swap3A] {strides = array<i32>} : memref<10240xf32, #tpu.memory_space<vmem>>, vector<16xf32>,
        %swap3A_231 = vector.shape_cast %swap3A_230 : vector<16xf32> to vector<16xf32>
        %swap3A_232 = vector.shape_cast %add3A_229 : vector<16xf32> to vector<16xf32>
        tpu.vector_store %arg12[%swap3A], %swap3A_232 {strides = array<i32>} : memref<10240xf32, #tpu.memory_space<vmem>>, vector<16xf32>,
        %slice3A_233 = vector.extract_strided_slice %get3A_225 {offsets = [1], sizes = [1], strides = [1]} : vector<16xi32> to vector<1xi32>
        %squeeze3A_234 = vector.extract %slice3A_233[0] : i32 from vector<1xi32>
        %get3A_235 = arith.index_cast %squeeze3A_234 : i32 to index
        %get3A_236 = tpu.vector_load %arg12[%get3A_235] {strides = array<i32>} : memref<10240xf32, #tpu.memory_space<vmem>>, vector<16xf32>,
        %get3A_237 = vector.shape_cast %get3A_236 : vector<16xf32> to vector<16xf32>
        %add3A_238 = arith.addf %get3A_237, %select_n3A : vector<16xf32>
        %swap3A_239 = arith.index_cast %squeeze3A_234 : i32 to index
        %swap3A_240 = tpu.vector_load %arg12[%swap3A_239] {strides = array<i32>} : memref<10240xf32, #tpu.memory_space<vmem>>, vector<16xf32>,
        %swap3A_241 = vector.shape_cast %swap3A_240 : vector<16xf32> to vector<16xf32>
        %swap3A_242 = vector.shape_cast %add3A_238 : vector<16xf32> to vector<16xf32>
        tpu.vector_store %arg12[%swap3A_239], %swap3A_242 {strides = array<i32>} : memref<10240xf32, #tpu.memory_space<vmem>>, vector<16xf32>,
        %slice3A_243 = vector.extract_strided_slice %get3A_225 {offsets = [2], sizes = [1], strides = [1]} : vector<16xi32> to vector<1xi32>
        %squeeze3A_244 = vector.extract %slice3A_243[0] : i32 from vector<1xi32>
        %get3A_245 = arith.index_cast %squeeze3A_244 : i32 to index
        %get3A_246 = tpu.vector_load %arg12[%get3A_245] {strides = array<i32>} : memref<10240xf32, #tpu.memory_space<vmem>>, vector<16xf32>,
        %get3A_247 = vector.shape_cast %get3A_246 : vector<16xf32> to vector<16xf32>
        %add3A_248 = arith.addf %get3A_247, %select_n3A : vector<16xf32>
        %swap3A_249 = arith.index_cast %squeeze3A_244 : i32 to index
        %swap3A_250 = tpu.vector_load %arg12[%swap3A_249] {strides = array<i32>} : memref<10240xf32, #tpu.memory_space<vmem>>, vector<16xf32>,
        %swap3A_251 = vector.shape_cast %swap3A_250 : vector<16xf32> to vector<16xf32>
        %swap3A_252 = vector.shape_cast %add3A_248 : vector<16xf32> to vector<16xf32>
        tpu.vector_store %arg12[%swap3A_249], %swap3A_252 {strides = array<i32>} : memref<10240xf32, #tpu.memory_space<vmem>>, vector<16xf32>,
        %slice3A_253 = vector.extract_strided_slice %get3A_225 {offsets = [3], sizes = [1], strides = [1]} : vector<16xi32> to vector<1xi32>
        %squeeze3A_254 = vector.extract %slice3A_253[0] : i32 from vector<1xi32>
        %get3A_255 = arith.index_cast %squeeze3A_254 : i32 to index
        %get3A_256 = tpu.vector_load %arg12[%get3A_255] {strides = array<i32>} : memref<10240xf32, #tpu.memory_space<vmem>>, vector<16xf32>,
        %get3A_257 = vector.shape_cast %get3A_256 : vector<16xf32> to vector<16xf32>
        %add3A_258 = arith.addf %get3A_257, %select_n3A : vector<16xf32>
        %swap3A_259 = arith.index_cast %squeeze3A_254 : i32 to index
        %swap3A_260 = tpu.vector_load %arg12[%swap3A_259] {strides = array<i32>} : memref<10240xf32, #tpu.memory_space<vmem>>, vector<16xf32>,
        %swap3A_261 = vector.shape_cast %swap3A_260 : vector<16xf32> to vector<16xf32>
        %swap3A_262 = vector.shape_cast %add3A_258 : vector<16xf32> to vector<16xf32>
        tpu.vector_store %arg12[%swap3A_259], %swap3A_262 {strides = array<i32>} : memref<10240xf32, #tpu.memory_space<vmem>>, vector<16xf32>,
        %slice3A_263 = vector.extract_strided_slice %get3A_225 {offsets = [4], sizes = [1], strides = [1]} : vector<16xi32> to vector<1xi32>
        %squeeze3A_264 = vector.extract %slice3A_263[0] : i32 from vector<1xi32>
        %get3A_265 = arith.index_cast %squeeze3A_264 : i32 to index
        %get3A_266 = tpu.vector_load %arg12[%get3A_265] {strides = array<i32>} : memref<10240xf32, #tpu.memory_space<vmem>>, vector<16xf32>,
        %get3A_267 = vector.shape_cast %get3A_266 : vector<16xf32> to vector<16xf32>
        %add3A_268 = arith.addf %get3A_267, %select_n3A : vector<16xf32>
        %swap3A_269 = arith.index_cast %squeeze3A_264 : i32 to index
        %swap3A_270 = tpu.vector_load %arg12[%swap3A_269] {strides = array<i32>} : memref<10240xf32, #tpu.memory_space<vmem>>, vector<16xf32>,
        %swap3A_271 = vector.shape_cast %swap3A_270 : vector<16xf32> to vector<16xf32>
        %swap3A_272 = vector.shape_cast %add3A_268 : vector<16xf32> to vector<16xf32>
        tpu.vector_store %arg12[%swap3A_269], %swap3A_272 {strides = array<i32>} : memref<10240xf32, #tpu.memory_space<vmem>>, vector<16xf32>,
        %slice3A_273 = vector.extract_strided_slice %get3A_225 {offsets = [5], sizes = [1], strides = [1]} : vector<16xi32> to vector<1xi32>
        %squeeze3A_274 = vector.extract %slice3A_273[0] : i32 from vector<1xi32>
        %get3A_275 = arith.index_cast %squeeze3A_274 : i32 to index
        %get3A_276 = tpu.vector_load %arg12[%get3A_275] {strides = array<i32>} : memref<10240xf32, #tpu.memory_space<vmem>>, vector<16xf32>,
        %get3A_277 = vector.shape_cast %get3A_276 : vector<16xf32> to vector<16xf32>
        %add3A_278 = arith.addf %get3A_277, %select_n3A : vector<16xf32>
        %swap3A_279 = arith.index_cast %squeeze3A_274 : i32 to index
        %swap3A_280 = tpu.vector_load %arg12[%swap3A_279] {strides = array<i32>} : memref<10240xf32, #tpu.memory_space<vmem>>, vector<16xf32>,
        %swap3A_281 = vector.shape_cast %swap3A_280 : vector<16xf32> to vector<16xf32>
        %swap3A_282 = vector.shape_cast %add3A_278 : vector<16xf32> to vector<16xf32>
        tpu.vector_store %arg12[%swap3A_279], %swap3A_282 {strides = array<i32>} : memref<10240xf32, #tpu.memory_space<vmem>>, vector<16xf32>,
        %slice3A_283 = vector.extract_strided_slice %get3A_225 {offsets = [6], sizes = [1], strides = [1]} : vector<16xi32> to vector<1xi32>
        %squeeze3A_284 = vector.extract %slice3A_283[0] : i32 from vector<1xi32>
        %get3A_285 = arith.index_cast %squeeze3A_284 : i32 to index
        %get3A_286 = tpu.vector_load %arg12[%get3A_285] {strides = array<i32>} : memref<10240xf32, #tpu.memory_space<vmem>>, vector<16xf32>,
        %get3A_287 = vector.shape_cast %get3A_286 : vector<16xf32> to vector<16xf32>
        %add3A_288 = arith.addf %get3A_287, %select_n3A : vector<16xf32>
        %swap3A_289 = arith.index_cast %squeeze3A_284 : i32 to index
        %swap3A_290 = tpu.vector_load %arg12[%swap3A_289] {strides = array<i32>} : memref<10240xf32, #tpu.memory_space<vmem>>, vector<16xf32>,
        %swap3A_291 = vector.shape_cast %swap3A_290 : vector<16xf32> to vector<16xf32>
        %swap3A_292 = vector.shape_cast %add3A_288 : vector<16xf32> to vector<16xf32>
        tpu.vector_store %arg12[%swap3A_289], %swap3A_292 {strides = array<i32>} : memref<10240xf32, #tpu.memory_space<vmem>>, vector<16xf32>,
        %slice3A_293 = vector.extract_strided_slice %get3A_225 {offsets = [7], sizes = [1], strides = [1]} : vector<16xi32> to vector<1xi32>
        %squeeze3A_294 = vector.extract %slice3A_293[0] : i32 from vector<1xi32>
        %get3A_295 = arith.index_cast %squeeze3A_294 : i32 to index
        %get3A_296 = tpu.vector_load %arg12[%get3A_295] {strides = array<i32>} : memref<10240xf32, #tpu.memory_space<vmem>>, vector<16xf32>,
        %get3A_297 = vector.shape_cast %get3A_296 : vector<16xf32> to vector<16xf32>
        %add3A_298 = arith.addf %get3A_297, %select_n3A : vector<16xf32>
        %swap3A_299 = arith.index_cast %squeeze3A_294 : i32 to index
        %swap3A_300 = tpu.vector_load %arg12[%swap3A_299] {strides = array<i32>} : memref<10240xf32, #tpu.memory_space<vmem>>, vector<16xf32>,
        %swap3A_301 = vector.shape_cast %swap3A_300 : vector<16xf32> to vector<16xf32>
        %swap3A_302 = vector.shape_cast %add3A_298 : vector<16xf32> to vector<16xf32>
        tpu.vector_store %arg12[%swap3A_299], %swap3A_302 {strides = array<i32>} : memref<10240xf32, #tpu.memory_space<vmem>>, vector<16xf32>,
        %slice3A_303 = vector.extract_strided_slice %get3A_225 {offsets = [8], sizes = [1], strides = [1]} : vector<16xi32> to vector<1xi32>
        %squeeze3A_304 = vector.extract %slice3A_303[0] : i32 from vector<1xi32>
        %get3A_305 = arith.index_cast %squeeze3A_304 : i32 to index
        %get3A_306 = tpu.vector_load %arg12[%get3A_305] {strides = array<i32>} : memref<10240xf32, #tpu.memory_space<vmem>>, vector<16xf32>,
        %get3A_307 = vector.shape_cast %get3A_306 : vector<16xf32> to vector<16xf32>
        %add3A_308 = arith.addf %get3A_307, %select_n3A : vector<16xf32>
        %swap3A_309 = arith.index_cast %squeeze3A_304 : i32 to index
        %swap3A_310 = tpu.vector_load %arg12[%swap3A_309] {strides = array<i32>} : memref<10240xf32, #tpu.memory_space<vmem>>, vector<16xf32>,
        %swap3A_311 = vector.shape_cast %swap3A_310 : vector<16xf32> to vector<16xf32>
        %swap3A_312 = vector.shape_cast %add3A_308 : vector<16xf32> to vector<16xf32>
        tpu.vector_store %arg12[%swap3A_309], %swap3A_312 {strides = array<i32>} : memref<10240xf32, #tpu.memory_space<vmem>>, vector<16xf32>,
        %slice3A_313 = vector.extract_strided_slice %get3A_225 {offsets = [9], sizes = [1], strides = [1]} : vector<16xi32> to vector<1xi32>
        %squeeze3A_314 = vector.extract %slice3A_313[0] : i32 from vector<1xi32>
        %get3A_315 = arith.index_cast %squeeze3A_314 : i32 to index
        %get3A_316 = tpu.vector_load %arg12[%get3A_315] {strides = array<i32>} : memref<10240xf32, #tpu.memory_space<vmem>>, vector<16xf32>,
        %get3A_317 = vector.shape_cast %get3A_316 : vector<16xf32> to vector<16xf32>
        %add3A_318 = arith.addf %get3A_317, %select_n3A : vector<16xf32>
        %swap3A_319 = arith.index_cast %squeeze3A_314 : i32 to index
        %swap3A_320 = tpu.vector_load %arg12[%swap3A_319] {strides = array<i32>} : memref<10240xf32, #tpu.memory_space<vmem>>, vector<16xf32>,
        %swap3A_321 = vector.shape_cast %swap3A_320 : vector<16xf32> to vector<16xf32>
        %swap3A_322 = vector.shape_cast %add3A_318 : vector<16xf32> to vector<16xf32>
        tpu.vector_store %arg12[%swap3A_319], %swap3A_322 {strides = array<i32>} : memref<10240xf32, #tpu.memory_space<vmem>>, vector<16xf32>,
        %slice3A_323 = vector.extract_strided_slice %get3A_225 {offsets = [10], sizes = [1], strides = [1]} : vector<16xi32> to vector<1xi32>
        %squeeze3A_324 = vector.extract %slice3A_323[0] : i32 from vector<1xi32>
        %get3A_325 = arith.index_cast %squeeze3A_324 : i32 to index
        %get3A_326 = tpu.vector_load %arg12[%get3A_325] {strides = array<i32>} : memref<10240xf32, #tpu.memory_space<vmem>>, vector<16xf32>,
        %get3A_327 = vector.shape_cast %get3A_326 : vector<16xf32> to vector<16xf32>
        %add3A_328 = arith.addf %get3A_327, %select_n3A : vector<16xf32>
        %swap3A_329 = arith.index_cast %squeeze3A_324 : i32 to index
        %swap3A_330 = tpu.vector_load %arg12[%swap3A_329] {strides = array<i32>} : memref<10240xf32, #tpu.memory_space<vmem>>, vector<16xf32>,
        %swap3A_331 = vector.shape_cast %swap3A_330 : vector<16xf32> to vector<16xf32>
        %swap3A_332 = vector.shape_cast %add3A_328 : vector<16xf32> to vector<16xf32>
        tpu.vector_store %arg12[%swap3A_329], %swap3A_332 {strides = array<i32>} : memref<10240xf32, #tpu.memory_space<vmem>>, vector<16xf32>,
        %slice3A_333 = vector.extract_strided_slice %get3A_225 {offsets = [11], sizes = [1], strides = [1]} : vector<16xi32> to vector<1xi32>
        %squeeze3A_334 = vector.extract %slice3A_333[0] : i32 from vector<1xi32>
        %get3A_335 = arith.index_cast %squeeze3A_334 : i32 to index
        %get3A_336 = tpu.vector_load %arg12[%get3A_335] {strides = array<i32>} : memref<10240xf32, #tpu.memory_space<vmem>>, vector<16xf32>,
        %get3A_337 = vector.shape_cast %get3A_336 : vector<16xf32> to vector<16xf32>
        %add3A_338 = arith.addf %get3A_337, %select_n3A : vector<16xf32>
        %swap3A_339 = arith.index_cast %squeeze3A_334 : i32 to index
        %swap3A_340 = tpu.vector_load %arg12[%swap3A_339] {strides = array<i32>} : memref<10240xf32, #tpu.memory_space<vmem>>, vector<16xf32>,
        %swap3A_341 = vector.shape_cast %swap3A_340 : vector<16xf32> to vector<16xf32>
        %swap3A_342 = vector.shape_cast %add3A_338 : vector<16xf32> to vector<16xf32>
        tpu.vector_store %arg12[%swap3A_339], %swap3A_342 {strides = array<i32>} : memref<10240xf32, #tpu.memory_space<vmem>>, vector<16xf32>,
        %slice3A_343 = vector.extract_strided_slice %get3A_225 {offsets = [12], sizes = [1], strides = [1]} : vector<16xi32> to vector<1xi32>
        %squeeze3A_344 = vector.extract %slice3A_343[0] : i32 from vector<1xi32>
        %get3A_345 = arith.index_cast %squeeze3A_344 : i32 to index
        %get3A_346 = tpu.vector_load %arg12[%get3A_345] {strides = array<i32>} : memref<10240xf32, #tpu.memory_space<vmem>>, vector<16xf32>,
        %get3A_347 = vector.shape_cast %get3A_346 : vector<16xf32> to vector<16xf32>
        %add3A_348 = arith.addf %get3A_347, %select_n3A : vector<16xf32>
        %swap3A_349 = arith.index_cast %squeeze3A_344 : i32 to index
        %swap3A_350 = tpu.vector_load %arg12[%swap3A_349] {strides = array<i32>} : memref<10240xf32, #tpu.memory_space<vmem>>, vector<16xf32>,
        %swap3A_351 = vector.shape_cast %swap3A_350 : vector<16xf32> to vector<16xf32>
        %swap3A_352 = vector.shape_cast %add3A_348 : vector<16xf32> to vector<16xf32>
        tpu.vector_store %arg12[%swap3A_349], %swap3A_352 {strides = array<i32>} : memref<10240xf32, #tpu.memory_space<vmem>>, vector<16xf32>,
        %slice3A_353 = vector.extract_strided_slice %get3A_225 {offsets = [13], sizes = [1], strides = [1]} : vector<16xi32> to vector<1xi32>
        %squeeze3A_354 = vector.extract %slice3A_353[0] : i32 from vector<1xi32>
        %get3A_355 = arith.index_cast %squeeze3A_354 : i32 to index
        %get3A_356 = tpu.vector_load %arg12[%get3A_355] {strides = array<i32>} : memref<10240xf32, #tpu.memory_space<vmem>>, vector<16xf32>,
        %get3A_357 = vector.shape_cast %get3A_356 : vector<16xf32> to vector<16xf32>
        %add3A_358 = arith.addf %get3A_357, %select_n3A : vector<16xf32>
        %swap3A_359 = arith.index_cast %squeeze3A_354 : i32 to index
        %swap3A_360 = tpu.vector_load %arg12[%swap3A_359] {strides = array<i32>} : memref<10240xf32, #tpu.memory_space<vmem>>, vector<16xf32>,
        %swap3A_361 = vector.shape_cast %swap3A_360 : vector<16xf32> to vector<16xf32>
        %swap3A_362 = vector.shape_cast %add3A_358 : vector<16xf32> to vector<16xf32>
        tpu.vector_store %arg12[%swap3A_359], %swap3A_362 {strides = array<i32>} : memref<10240xf32, #tpu.memory_space<vmem>>, vector<16xf32>,
        %slice3A_363 = vector.extract_strided_slice %get3A_225 {offsets = [14], sizes = [1], strides = [1]} : vector<16xi32> to vector<1xi32>
        %squeeze3A_364 = vector.extract %slice3A_363[0] : i32 from vector<1xi32>
        %get3A_365 = arith.index_cast %squeeze3A_364 : i32 to index
        %get3A_366 = tpu.vector_load %arg12[%get3A_365] {strides = array<i32>} : memref<10240xf32, #tpu.memory_space<vmem>>, vector<16xf32>,
        %get3A_367 = vector.shape_cast %get3A_366 : vector<16xf32> to vector<16xf32>
        %add3A_368 = arith.addf %get3A_367, %select_n3A : vector<16xf32>
        %swap3A_369 = arith.index_cast %squeeze3A_364 : i32 to index
        %swap3A_370 = tpu.vector_load %arg12[%swap3A_369] {strides = array<i32>} : memref<10240xf32, #tpu.memory_space<vmem>>, vector<16xf32>,
        %swap3A_371 = vector.shape_cast %swap3A_370 : vector<16xf32> to vector<16xf32>
        %swap3A_372 = vector.shape_cast %add3A_368 : vector<16xf32> to vector<16xf32>
        tpu.vector_store %arg12[%swap3A_369], %swap3A_372 {strides = array<i32>} : memref<10240xf32, #tpu.memory_space<vmem>>, vector<16xf32>,
        %slice3A_373 = vector.extract_strided_slice %get3A_225 {offsets = [15], sizes = [1], strides = [1]} : vector<16xi32> to vector<1xi32>
        %squeeze3A_374 = vector.extract %slice3A_373[0] : i32 from vector<1xi32>
        %get3A_375 = arith.index_cast %squeeze3A_374 : i32 to index
        %get3A_376 = tpu.vector_load %arg12[%get3A_375] {strides = array<i32>} : memref<10240xf32, #tpu.memory_space<vmem>>, vector<16xf32>,
        %get3A_377 = vector.shape_cast %get3A_376 : vector<16xf32> to vector<16xf32>
        %add3A_378 = arith.addf %get3A_377, %select_n3A : vector<16xf32>
        %swap3A_379 = arith.index_cast %squeeze3A_374 : i32 to index
        %swap3A_380 = tpu.vector_load %arg12[%swap3A_379] {strides = array<i32>} : memref<10240xf32, #tpu.memory_space<vmem>>, vector<16xf32>,
        %swap3A_381 = vector.shape_cast %swap3A_380 : vector<16xf32> to vector<16xf32>
        %swap3A_382 = vector.shape_cast %add3A_378 : vector<16xf32> to vector<16xf32>
        tpu.vector_store %arg12[%swap3A_379], %swap3A_382 {strides = array<i32>} : memref<10240xf32, #tpu.memory_space<vmem>>, vector<16xf32>,
        %scan3A_383 = arith.constant 0 : i32
        scf.yield %scan3A_383 : i32
      }
      %scan3A_204 = arith.constant 5 : i32
      %dma_wait3A_205 = arith.constant 0 : i32
      %dma_wait3A_206 = tpu.memref_slice %arg9[%scan3A_168, %dma_wait3A_205] : memref<25x80xi32, #tpu.memory_space<vmem>> -> memref<1x80xi32, #tpu.memory_space<vmem>>
      %dma_wait3A_207 = tpu.memref_squeeze %dma_wait3A_206 : memref<1x80xi32, #tpu.memory_space<vmem>> -> memref<80xi32, #tpu.memory_space<vmem>>
      %dma_wait3A_208 = arith.constant 0 : i32
      %dma_wait3A_209 = arith.constant 0 : i32
      %dma_wait3A_210 = tpu.memref_slice %arg13[%dma_wait3A_208, %dma_wait3A_209] : memref<10240x128xf32, #tpu.memory_space<vmem_shared>> -> memref<10240x128xf32, #tpu.memory_space<vmem_shared>>
      tpu.wait_indirect_dma semaphore(%arg16 : memref<!tpu.dma_semaphore, #tpu.memory_space<semaphore_mem>>) src(%arg11 : memref<80x128xf32, #tpu.memory_space<vmem>>) dst(%dma_wait3A_210 : memref<10240x128xf32, #tpu.memory_space<vmem_shared>>)
      %add3A_211 = arith.constant 1 : i32
      %add3A_212 = arith.addi %scan3A_168, %add3A_211 : i32
      %lt3A_213 = arith.constant 25 : i32
      %lt3A_214 = arith.cmpi slt, %add3A_212, %lt3A_213 : i32
      %convert_element_type3A_215 = arith.extui %lt3A_214 : i1 to i32
      %cond3A_216 = arith.constant 0 : i32
      %cond3A_217 = arith.cmpi ne, %convert_element_type3A_215, %cond3A_216 : i32
      scf.if %cond3A_217 {
        %add3A_219 = arith.constant 1 : i32
        %add3A_220 = arith.addi %scan3A_168, %add3A_219 : i32
        %dma_start3A_221 = arith.constant 0 : i32
        %dma_start3A_222 = tpu.memref_slice %arg8[%add3A_220, %dma_start3A_221] : memref<25x80xi32, #tpu.memory_space<vmem>> -> memref<1x80xi32, #tpu.memory_space<vmem>>
        %dma_start3A_223 = tpu.memref_squeeze %dma_start3A_222 : memref<1x80xi32, #tpu.memory_space<vmem>> -> memref<80xi32, #tpu.memory_space<vmem>>
        %dma_start3A_224 = arith.constant 0 : i32
        %dma_start3A_225 = arith.constant 0 : i32
        %dma_start3A_226 = tpu.memref_slice %arg3[%dma_start3A_224, %dma_start3A_225] : memref<10000x128xf32, #tpu.memory_space<hbm>> -> memref<10000x128xf32, #tpu.memory_space<hbm>>
        tpu.enqueue_indirect_dma source(%dma_start3A_226 : memref<10000x128xf32, #tpu.memory_space<hbm>>) target(%arg11 : memref<80x128xf32, #tpu.memory_space<vmem>>) offsets(%dma_start3A_223 : memref<80xi32, #tpu.memory_space<vmem>>) semaphore(%arg15 : memref<!tpu.dma_semaphore, #tpu.memory_space<semaphore_mem>>)
      } else {
      }
      %scan3A_218 = arith.constant 0 : i32
      scf.yield %scan3A_218 : i32
    }
    %scan3A_104 = arith.constant 25 : i32
    %run_scoped3A_105 = arith.constant 3 : i32
    "tpu.region"() ({
      %run_scoped3A_168 = tpu.sem_alloc : memref<!tpu.dma_semaphore, #tpu.memory_space<semaphore_mem>>
      %dma_start3A_169 = arith.constant 0 : i32
      %dma_start3A_170 = arith.constant 0 : i32
      %dma_start3A_171 = tpu.memref_slice %arg4[%add3A, %run_scoped3A_105, %dma_start3A_169, %dma_start3A_170] : memref<32x5x25x80xi32, #tpu.memory_space<hbm>> -> memref<1x1x25x80xi32, #tpu.memory_space<hbm>>
      %dma_start3A_172 = tpu.memref_squeeze %dma_start3A_171 : memref<1x1x25x80xi32, #tpu.memory_space<hbm>> -> memref<25x80xi32, #tpu.memory_space<hbm>>
      %dma_start3A_173 = arith.constant 0 : i32
      %dma_start3A_174 = arith.constant 0 : i32
      %dma_start3A_175 = tpu.memref_slice %arg4[%add3A, %run_scoped3A_105, %dma_start3A_173, %dma_start3A_174] : memref<32x5x25x80xi32, #tpu.memory_space<hbm>> -> memref<1x1x25x80xi32, #tpu.memory_space<hbm>>
      %dma_start3A_176 = tpu.memref_squeeze %dma_start3A_175 : memref<1x1x25x80xi32, #tpu.memory_space<hbm>> -> memref<25x80xi32, #tpu.memory_space<hbm>>
      tpu.enqueue_dma source(%dma_start3A_176 : memref<25x80xi32, #tpu.memory_space<hbm>>) target(%arg8 : memref<25x80xi32, #tpu.memory_space<vmem>>) target_semaphore(%run_scoped3A_168 : memref<!tpu.dma_semaphore, #tpu.memory_space<semaphore_mem>>)
      %dma_wait3A = arith.constant 0 : i32
      %dma_wait3A_177 = arith.constant 0 : i32
      %dma_wait3A_178 = tpu.memref_slice %arg4[%add3A, %run_scoped3A_105, %dma_wait3A, %dma_wait3A_177] : memref<32x5x25x80xi32, #tpu.memory_space<hbm>> -> memref<1x1x25x80xi32, #tpu.memory_space<hbm>>
      %dma_wait3A_179 = tpu.memref_squeeze %dma_wait3A_178 : memref<1x1x25x80xi32, #tpu.memory_space<hbm>> -> memref<25x80xi32, #tpu.memory_space<hbm>>
      %dma_wait3A_180 = arith.constant 0 : i32
      %dma_wait3A_181 = arith.constant 0 : i32
      %dma_wait3A_182 = tpu.memref_slice %arg4[%add3A, %run_scoped3A_105, %dma_wait3A_180, %dma_wait3A_181] : memref<32x5x25x80xi32, #tpu.memory_space<hbm>> -> memref<1x1x25x80xi32, #tpu.memory_space<hbm>>
      %dma_wait3A_183 = tpu.memref_squeeze %dma_wait3A_182 : memref<1x1x25x80xi32, #tpu.memory_space<hbm>> -> memref<25x80xi32, #tpu.memory_space<hbm>>
      tpu.wait_dma2 semaphore(%run_scoped3A_168 : memref<!tpu.dma_semaphore, #tpu.memory_space<semaphore_mem>>) src(%dma_wait3A_183 : memref<25x80xi32, #tpu.memory_space<hbm>>) dst(%arg8 : memref<25x80xi32, #tpu.memory_space<vmem>>)
      tpu.yield
    }) : () -> ()
    %run_scoped3A_106 = arith.constant 3 : i32
    "tpu.region"() ({
      %run_scoped3A_168 = tpu.sem_alloc : memref<!tpu.dma_semaphore, #tpu.memory_space<semaphore_mem>>
      %dma_start3A_169 = arith.constant 0 : i32
      %dma_start3A_170 = arith.constant 0 : i32
      %dma_start3A_171 = tpu.memref_slice %arg5[%add3A, %run_scoped3A_106, %dma_start3A_169, %dma_start3A_170] : memref<32x5x25x80xi32, #tpu.memory_space<hbm>> -> memref<1x1x25x80xi32, #tpu.memory_space<hbm>>
      %dma_start3A_172 = tpu.memref_squeeze %dma_start3A_171 : memref<1x1x25x80xi32, #tpu.memory_space<hbm>> -> memref<25x80xi32, #tpu.memory_space<hbm>>
      %dma_start3A_173 = arith.constant 0 : i32
      %dma_start3A_174 = arith.constant 0 : i32
      %dma_start3A_175 = tpu.memref_slice %arg5[%add3A, %run_scoped3A_106, %dma_start3A_173, %dma_start3A_174] : memref<32x5x25x80xi32, #tpu.memory_space<hbm>> -> memref<1x1x25x80xi32, #tpu.memory_space<hbm>>
      %dma_start3A_176 = tpu.memref_squeeze %dma_start3A_175 : memref<1x1x25x80xi32, #tpu.memory_space<hbm>> -> memref<25x80xi32, #tpu.memory_space<hbm>>
      tpu.enqueue_dma source(%dma_start3A_176 : memref<25x80xi32, #tpu.memory_space<hbm>>) target(%arg9 : memref<25x80xi32, #tpu.memory_space<vmem>>) target_semaphore(%run_scoped3A_168 : memref<!tpu.dma_semaphore, #tpu.memory_space<semaphore_mem>>)
      %dma_wait3A = arith.constant 0 : i32
      %dma_wait3A_177 = arith.constant 0 : i32
      %dma_wait3A_178 = tpu.memref_slice %arg5[%add3A, %run_scoped3A_106, %dma_wait3A, %dma_wait3A_177] : memref<32x5x25x80xi32, #tpu.memory_space<hbm>> -> memref<1x1x25x80xi32, #tpu.memory_space<hbm>>
      %dma_wait3A_179 = tpu.memref_squeeze %dma_wait3A_178 : memref<1x1x25x80xi32, #tpu.memory_space<hbm>> -> memref<25x80xi32, #tpu.memory_space<hbm>>
      %dma_wait3A_180 = arith.constant 0 : i32
      %dma_wait3A_181 = arith.constant 0 : i32
      %dma_wait3A_182 = tpu.memref_slice %arg5[%add3A, %run_scoped3A_106, %dma_wait3A_180, %dma_wait3A_181] : memref<32x5x25x80xi32, #tpu.memory_space<hbm>> -> memref<1x1x25x80xi32, #tpu.memory_space<hbm>>
      %dma_wait3A_183 = tpu.memref_squeeze %dma_wait3A_182 : memref<1x1x25x80xi32, #tpu.memory_space<hbm>> -> memref<25x80xi32, #tpu.memory_space<hbm>>
      tpu.wait_dma2 semaphore(%run_scoped3A_168 : memref<!tpu.dma_semaphore, #tpu.memory_space<semaphore_mem>>) src(%dma_wait3A_183 : memref<25x80xi32, #tpu.memory_space<hbm>>) dst(%arg9 : memref<25x80xi32, #tpu.memory_space<vmem>>)
      tpu.yield
    }) : () -> ()
    %dma_start3A_107 = arith.constant 0 : i32
    %dma_start3A_108 = arith.constant 0 : i32
    %dma_start3A_109 = tpu.memref_slice %arg9[%dma_start3A_107, %dma_start3A_108] : memref<25x80xi32, #tpu.memory_space<vmem>> -> memref<1x80xi32, #tpu.memory_space<vmem>>
    %dma_start3A_110 = tpu.memref_squeeze %dma_start3A_109 : memref<1x80xi32, #tpu.memory_space<vmem>> -> memref<80xi32, #tpu.memory_space<vmem>>
    %dma_start3A_111 = arith.constant 0 : i32
    %dma_start3A_112 = arith.constant 0 : i32
    %dma_start3A_113 = tpu.memref_slice %arg2[%dma_start3A_111, %dma_start3A_112] : memref<10000x128xf32, #tpu.memory_space<hbm>> -> memref<10000x128xf32, #tpu.memory_space<hbm>>
    tpu.enqueue_indirect_dma source(%dma_start3A_113 : memref<10000x128xf32, #tpu.memory_space<hbm>>) target(%arg10 : memref<80x128xf32, #tpu.memory_space<vmem>>) offsets(%dma_start3A_110 : memref<80xi32, #tpu.memory_space<vmem>>) semaphore(%arg14 : memref<!tpu.dma_semaphore, #tpu.memory_space<semaphore_mem>>)
    %dma_start3A_114 = arith.constant 0 : i32
    %dma_start3A_115 = arith.constant 0 : i32
    %dma_start3A_116 = tpu.memref_slice %arg8[%dma_start3A_114, %dma_start3A_115] : memref<25x80xi32, #tpu.memory_space<vmem>> -> memref<1x80xi32, #tpu.memory_space<vmem>>
    %dma_start3A_117 = tpu.memref_squeeze %dma_start3A_116 : memref<1x80xi32, #tpu.memory_space<vmem>> -> memref<80xi32, #tpu.memory_space<vmem>>
    %dma_start3A_118 = arith.constant 0 : i32
    %dma_start3A_119 = arith.constant 0 : i32
    %dma_start3A_120 = tpu.memref_slice %arg3[%dma_start3A_118, %dma_start3A_119] : memref<10000x128xf32, #tpu.memory_space<hbm>> -> memref<10000x128xf32, #tpu.memory_space<hbm>>
    tpu.enqueue_indirect_dma source(%dma_start3A_120 : memref<10000x128xf32, #tpu.memory_space<hbm>>) target(%arg11 : memref<80x128xf32, #tpu.memory_space<vmem>>) offsets(%dma_start3A_117 : memref<80xi32, #tpu.memory_space<vmem>>) semaphore(%arg15 : memref<!tpu.dma_semaphore, #tpu.memory_space<semaphore_mem>>)
    %scan3A_121 = arith.constant 0 : i32
    %scan3A_122 = arith.constant 0 : i32
    %scan3A_123 = arith.constant 25 : i32
    %scan3A_124 = arith.addi %scan3A_122, %scan3A_123 : i32
    %scan3A_125 = arith.constant 1 : i32
    %scan3A_126 = scf.for %scan3A_168 = %scan3A_122 to %scan3A_124 step %scan3A_125 iter_args(%scan3A_169 = %scan3A_121) -> (i32)  : i32 {
      %dma_wait3A = arith.constant 0 : i32
      %dma_wait3A_170 = arith.constant 0 : i32
      %dma_wait3A_171 = tpu.memref_slice %arg2[%dma_wait3A, %dma_wait3A_170] : memref<10000x128xf32, #tpu.memory_space<hbm>> -> memref<80x128xf32, #tpu.memory_space<hbm>>
      %dma_wait3A_172 = arith.constant 0 : i32
      %dma_wait3A_173 = arith.constant 0 : i32
      %dma_wait3A_174 = tpu.memref_slice %arg2[%dma_wait3A_172, %dma_wait3A_173] : memref<10000x128xf32, #tpu.memory_space<hbm>> -> memref<80x128xf32, #tpu.memory_space<hbm>>
      tpu.wait_dma2 semaphore(%arg14 : memref<!tpu.dma_semaphore, #tpu.memory_space<semaphore_mem>>) src(%dma_wait3A_174 : memref<80x128xf32, #tpu.memory_space<hbm>>) dst(%arg10 : memref<80x128xf32, #tpu.memory_space<vmem>>)
      %dma_wait3A_175 = arith.constant 0 : i32
      %dma_wait3A_176 = arith.constant 0 : i32
      %dma_wait3A_177 = tpu.memref_slice %arg3[%dma_wait3A_175, %dma_wait3A_176] : memref<10000x128xf32, #tpu.memory_space<hbm>> -> memref<80x128xf32, #tpu.memory_space<hbm>>
      %dma_wait3A_178 = arith.constant 0 : i32
      %dma_wait3A_179 = arith.constant 0 : i32
      %dma_wait3A_180 = tpu.memref_slice %arg3[%dma_wait3A_178, %dma_wait3A_179] : memref<10000x128xf32, #tpu.memory_space<hbm>> -> memref<80x128xf32, #tpu.memory_space<hbm>>
      tpu.wait_dma2 semaphore(%arg15 : memref<!tpu.dma_semaphore, #tpu.memory_space<semaphore_mem>>) src(%dma_wait3A_180 : memref<80x128xf32, #tpu.memory_space<hbm>>) dst(%arg11 : memref<80x128xf32, #tpu.memory_space<vmem>>)
      %scan3A_181 = arith.constant 0 : i32
      %scan3A_182 = arith.constant 0 : i32
      %scan3A_183 = arith.constant 80 : i32
      %scan3A_184 = arith.addi %scan3A_182, %scan3A_183 : i32
      %scan3A_185 = arith.constant 1 : i32
      %scan3A_186 = scf.for %scan3A_219 = %scan3A_182 to %scan3A_184 step %scan3A_185 iter_args(%scan3A_220 = %scan3A_181) -> (i32)  : i32 {
        %get3A = arith.index_cast %scan3A_219 : i32 to index
        %get3A_221 = arith.constant 0 : index
        %get3A_222 = tpu.vector_load %arg10[%get3A, %get3A_221] {strides = array<i32>} : memref<80x128xf32, #tpu.memory_space<vmem>>, vector<1x16xf32>,
        %get3A_223 = vector.shape_cast %get3A_222 : vector<1x16xf32> to vector<16xf32>
        %get3A_224 = arith.index_cast %scan3A_219 : i32 to index
        %get3A_225 = arith.constant 0 : index
        %get3A_226 = tpu.vector_load %arg11[%get3A_224, %get3A_225] {strides = array<i32>} : memref<80x128xf32, #tpu.memory_space<vmem>>, vector<1x16xf32>,
        %get3A_227 = vector.shape_cast %get3A_226 : vector<1x16xf32> to vector<16xf32>
        %add3A_228 = arith.addf %get3A_223, %get3A_227 : vector<16xf32>
        %max3A = arith.constant 0.000000e+00 : f32
        %max3A_229 = vector.broadcast %max3A : f32 to vector<16xf32>
        %max3A_230 = arith.maximumf %add3A_228, %max3A_229 : vector<16xf32>
        %swap3A = arith.index_cast %scan3A_219 : i32 to index
        %swap3A_231 = arith.constant 0 : index
        %swap3A_232 = tpu.vector_load %arg11[%swap3A, %swap3A_231] {strides = array<i32>} : memref<80x128xf32, #tpu.memory_space<vmem>>, vector<1x16xf32>,
        %swap3A_233 = vector.shape_cast %swap3A_232 : vector<1x16xf32> to vector<16xf32>
        %swap3A_234 = vector.shape_cast %max3A_230 : vector<16xf32> to vector<1x16xf32>
        tpu.vector_store %arg11[%swap3A, %swap3A_231], %swap3A_234 {strides = array<i32>} : memref<80x128xf32, #tpu.memory_space<vmem>>, vector<1x16xf32>,
        %get3A_235 = arith.index_cast %scan3A_219 : i32 to index
        %get3A_236 = arith.constant 16 : index
        %get3A_237 = tpu.vector_load %arg10[%get3A_235, %get3A_236] {strides = array<i32>} : memref<80x128xf32, #tpu.memory_space<vmem>>, vector<1x16xf32>,
        %get3A_238 = vector.shape_cast %get3A_237 : vector<1x16xf32> to vector<16xf32>
        %get3A_239 = arith.index_cast %scan3A_219 : i32 to index
        %get3A_240 = arith.constant 16 : index
        %get3A_241 = tpu.vector_load %arg11[%get3A_239, %get3A_240] {strides = array<i32>} : memref<80x128xf32, #tpu.memory_space<vmem>>, vector<1x16xf32>,
        %get3A_242 = vector.shape_cast %get3A_241 : vector<1x16xf32> to vector<16xf32>
        %add3A_243 = arith.addf %get3A_238, %get3A_242 : vector<16xf32>
        %max3A_244 = arith.constant 0.000000e+00 : f32
        %max3A_245 = vector.broadcast %max3A_244 : f32 to vector<16xf32>
        %max3A_246 = arith.maximumf %add3A_243, %max3A_245 : vector<16xf32>
        %swap3A_247 = arith.index_cast %scan3A_219 : i32 to index
        %swap3A_248 = arith.constant 16 : index
        %swap3A_249 = tpu.vector_load %arg11[%swap3A_247, %swap3A_248] {strides = array<i32>} : memref<80x128xf32, #tpu.memory_space<vmem>>, vector<1x16xf32>,
        %swap3A_250 = vector.shape_cast %swap3A_249 : vector<1x16xf32> to vector<16xf32>
        %swap3A_251 = vector.shape_cast %max3A_246 : vector<16xf32> to vector<1x16xf32>
        tpu.vector_store %arg11[%swap3A_247, %swap3A_248], %swap3A_251 {strides = array<i32>} : memref<80x128xf32, #tpu.memory_space<vmem>>, vector<1x16xf32>,
        %get3A_252 = arith.index_cast %scan3A_219 : i32 to index
        %get3A_253 = arith.constant 32 : index
        %get3A_254 = tpu.vector_load %arg10[%get3A_252, %get3A_253] {strides = array<i32>} : memref<80x128xf32, #tpu.memory_space<vmem>>, vector<1x16xf32>,
        %get3A_255 = vector.shape_cast %get3A_254 : vector<1x16xf32> to vector<16xf32>
        %get3A_256 = arith.index_cast %scan3A_219 : i32 to index
        %get3A_257 = arith.constant 32 : index
        %get3A_258 = tpu.vector_load %arg11[%get3A_256, %get3A_257] {strides = array<i32>} : memref<80x128xf32, #tpu.memory_space<vmem>>, vector<1x16xf32>,
        %get3A_259 = vector.shape_cast %get3A_258 : vector<1x16xf32> to vector<16xf32>
        %add3A_260 = arith.addf %get3A_255, %get3A_259 : vector<16xf32>
        %max3A_261 = arith.constant 0.000000e+00 : f32
        %max3A_262 = vector.broadcast %max3A_261 : f32 to vector<16xf32>
        %max3A_263 = arith.maximumf %add3A_260, %max3A_262 : vector<16xf32>
        %swap3A_264 = arith.index_cast %scan3A_219 : i32 to index
        %swap3A_265 = arith.constant 32 : index
        %swap3A_266 = tpu.vector_load %arg11[%swap3A_264, %swap3A_265] {strides = array<i32>} : memref<80x128xf32, #tpu.memory_space<vmem>>, vector<1x16xf32>,
        %swap3A_267 = vector.shape_cast %swap3A_266 : vector<1x16xf32> to vector<16xf32>
        %swap3A_268 = vector.shape_cast %max3A_263 : vector<16xf32> to vector<1x16xf32>
        tpu.vector_store %arg11[%swap3A_264, %swap3A_265], %swap3A_268 {strides = array<i32>} : memref<80x128xf32, #tpu.memory_space<vmem>>, vector<1x16xf32>,
        %get3A_269 = arith.index_cast %scan3A_219 : i32 to index
        %get3A_270 = arith.constant 48 : index
        %get3A_271 = tpu.vector_load %arg10[%get3A_269, %get3A_270] {strides = array<i32>} : memref<80x128xf32, #tpu.memory_space<vmem>>, vector<1x16xf32>,
        %get3A_272 = vector.shape_cast %get3A_271 : vector<1x16xf32> to vector<16xf32>
        %get3A_273 = arith.index_cast %scan3A_219 : i32 to index
        %get3A_274 = arith.constant 48 : index
        %get3A_275 = tpu.vector_load %arg11[%get3A_273, %get3A_274] {strides = array<i32>} : memref<80x128xf32, #tpu.memory_space<vmem>>, vector<1x16xf32>,
        %get3A_276 = vector.shape_cast %get3A_275 : vector<1x16xf32> to vector<16xf32>
        %add3A_277 = arith.addf %get3A_272, %get3A_276 : vector<16xf32>
        %max3A_278 = arith.constant 0.000000e+00 : f32
        %max3A_279 = vector.broadcast %max3A_278 : f32 to vector<16xf32>
        %max3A_280 = arith.maximumf %add3A_277, %max3A_279 : vector<16xf32>
        %swap3A_281 = arith.index_cast %scan3A_219 : i32 to index
        %swap3A_282 = arith.constant 48 : index
        %swap3A_283 = tpu.vector_load %arg11[%swap3A_281, %swap3A_282] {strides = array<i32>} : memref<80x128xf32, #tpu.memory_space<vmem>>, vector<1x16xf32>,
        %swap3A_284 = vector.shape_cast %swap3A_283 : vector<1x16xf32> to vector<16xf32>
        %swap3A_285 = vector.shape_cast %max3A_280 : vector<16xf32> to vector<1x16xf32>
        tpu.vector_store %arg11[%swap3A_281, %swap3A_282], %swap3A_285 {strides = array<i32>} : memref<80x128xf32, #tpu.memory_space<vmem>>, vector<1x16xf32>,
        %get3A_286 = arith.index_cast %scan3A_219 : i32 to index
        %get3A_287 = arith.constant 64 : index
        %get3A_288 = tpu.vector_load %arg10[%get3A_286, %get3A_287] {strides = array<i32>} : memref<80x128xf32, #tpu.memory_space<vmem>>, vector<1x16xf32>,
        %get3A_289 = vector.shape_cast %get3A_288 : vector<1x16xf32> to vector<16xf32>
        %get3A_290 = arith.index_cast %scan3A_219 : i32 to index
        %get3A_291 = arith.constant 64 : index
        %get3A_292 = tpu.vector_load %arg11[%get3A_290, %get3A_291] {strides = array<i32>} : memref<80x128xf32, #tpu.memory_space<vmem>>, vector<1x16xf32>,
        %get3A_293 = vector.shape_cast %get3A_292 : vector<1x16xf32> to vector<16xf32>
        %add3A_294 = arith.addf %get3A_289, %get3A_293 : vector<16xf32>
        %max3A_295 = arith.constant 0.000000e+00 : f32
        %max3A_296 = vector.broadcast %max3A_295 : f32 to vector<16xf32>
        %max3A_297 = arith.maximumf %add3A_294, %max3A_296 : vector<16xf32>
        %swap3A_298 = arith.index_cast %scan3A_219 : i32 to index
        %swap3A_299 = arith.constant 64 : index
        %swap3A_300 = tpu.vector_load %arg11[%swap3A_298, %swap3A_299] {strides = array<i32>} : memref<80x128xf32, #tpu.memory_space<vmem>>, vector<1x16xf32>,
        %swap3A_301 = vector.shape_cast %swap3A_300 : vector<1x16xf32> to vector<16xf32>
        %swap3A_302 = vector.shape_cast %max3A_297 : vector<16xf32> to vector<1x16xf32>
        tpu.vector_store %arg11[%swap3A_298, %swap3A_299], %swap3A_302 {strides = array<i32>} : memref<80x128xf32, #tpu.memory_space<vmem>>, vector<1x16xf32>,
        %get3A_303 = arith.index_cast %scan3A_219 : i32 to index
        %get3A_304 = arith.constant 80 : index
        %get3A_305 = tpu.vector_load %arg10[%get3A_303, %get3A_304] {strides = array<i32>} : memref<80x128xf32, #tpu.memory_space<vmem>>, vector<1x16xf32>,
        %get3A_306 = vector.shape_cast %get3A_305 : vector<1x16xf32> to vector<16xf32>
        %get3A_307 = arith.index_cast %scan3A_219 : i32 to index
        %get3A_308 = arith.constant 80 : index
        %get3A_309 = tpu.vector_load %arg11[%get3A_307, %get3A_308] {strides = array<i32>} : memref<80x128xf32, #tpu.memory_space<vmem>>, vector<1x16xf32>,
        %get3A_310 = vector.shape_cast %get3A_309 : vector<1x16xf32> to vector<16xf32>
        %add3A_311 = arith.addf %get3A_306, %get3A_310 : vector<16xf32>
        %max3A_312 = arith.constant 0.000000e+00 : f32
        %max3A_313 = vector.broadcast %max3A_312 : f32 to vector<16xf32>
        %max3A_314 = arith.maximumf %add3A_311, %max3A_313 : vector<16xf32>
        %swap3A_315 = arith.index_cast %scan3A_219 : i32 to index
        %swap3A_316 = arith.constant 80 : index
        %swap3A_317 = tpu.vector_load %arg11[%swap3A_315, %swap3A_316] {strides = array<i32>} : memref<80x128xf32, #tpu.memory_space<vmem>>, vector<1x16xf32>,
        %swap3A_318 = vector.shape_cast %swap3A_317 : vector<1x16xf32> to vector<16xf32>
        %swap3A_319 = vector.shape_cast %max3A_314 : vector<16xf32> to vector<1x16xf32>
        tpu.vector_store %arg11[%swap3A_315, %swap3A_316], %swap3A_319 {strides = array<i32>} : memref<80x128xf32, #tpu.memory_space<vmem>>, vector<1x16xf32>,
        %get3A_320 = arith.index_cast %scan3A_219 : i32 to index
        %get3A_321 = arith.constant 96 : index
        %get3A_322 = tpu.vector_load %arg10[%get3A_320, %get3A_321] {strides = array<i32>} : memref<80x128xf32, #tpu.memory_space<vmem>>, vector<1x16xf32>,
        %get3A_323 = vector.shape_cast %get3A_322 : vector<1x16xf32> to vector<16xf32>
        %get3A_324 = arith.index_cast %scan3A_219 : i32 to index
        %get3A_325 = arith.constant 96 : index
        %get3A_326 = tpu.vector_load %arg11[%get3A_324, %get3A_325] {strides = array<i32>} : memref<80x128xf32, #tpu.memory_space<vmem>>, vector<1x16xf32>,
        %get3A_327 = vector.shape_cast %get3A_326 : vector<1x16xf32> to vector<16xf32>
        %add3A_328 = arith.addf %get3A_323, %get3A_327 : vector<16xf32>
        %max3A_329 = arith.constant 0.000000e+00 : f32
        %max3A_330 = vector.broadcast %max3A_329 : f32 to vector<16xf32>
        %max3A_331 = arith.maximumf %add3A_328, %max3A_330 : vector<16xf32>
        %swap3A_332 = arith.index_cast %scan3A_219 : i32 to index
        %swap3A_333 = arith.constant 96 : index
        %swap3A_334 = tpu.vector_load %arg11[%swap3A_332, %swap3A_333] {strides = array<i32>} : memref<80x128xf32, #tpu.memory_space<vmem>>, vector<1x16xf32>,
        %swap3A_335 = vector.shape_cast %swap3A_334 : vector<1x16xf32> to vector<16xf32>
        %swap3A_336 = vector.shape_cast %max3A_331 : vector<16xf32> to vector<1x16xf32>
        tpu.vector_store %arg11[%swap3A_332, %swap3A_333], %swap3A_336 {strides = array<i32>} : memref<80x128xf32, #tpu.memory_space<vmem>>, vector<1x16xf32>,
        %get3A_337 = arith.index_cast %scan3A_219 : i32 to index
        %get3A_338 = arith.constant 112 : index
        %get3A_339 = tpu.vector_load %arg10[%get3A_337, %get3A_338] {strides = array<i32>} : memref<80x128xf32, #tpu.memory_space<vmem>>, vector<1x16xf32>,
        %get3A_340 = vector.shape_cast %get3A_339 : vector<1x16xf32> to vector<16xf32>
        %get3A_341 = arith.index_cast %scan3A_219 : i32 to index
        %get3A_342 = arith.constant 112 : index
        %get3A_343 = tpu.vector_load %arg11[%get3A_341, %get3A_342] {strides = array<i32>} : memref<80x128xf32, #tpu.memory_space<vmem>>, vector<1x16xf32>,
        %get3A_344 = vector.shape_cast %get3A_343 : vector<1x16xf32> to vector<16xf32>
        %add3A_345 = arith.addf %get3A_340, %get3A_344 : vector<16xf32>
        %max3A_346 = arith.constant 0.000000e+00 : f32
        %max3A_347 = vector.broadcast %max3A_346 : f32 to vector<16xf32>
        %max3A_348 = arith.maximumf %add3A_345, %max3A_347 : vector<16xf32>
        %swap3A_349 = arith.index_cast %scan3A_219 : i32 to index
        %swap3A_350 = arith.constant 112 : index
        %swap3A_351 = tpu.vector_load %arg11[%swap3A_349, %swap3A_350] {strides = array<i32>} : memref<80x128xf32, #tpu.memory_space<vmem>>, vector<1x16xf32>,
        %swap3A_352 = vector.shape_cast %swap3A_351 : vector<1x16xf32> to vector<16xf32>
        %swap3A_353 = vector.shape_cast %max3A_348 : vector<16xf32> to vector<1x16xf32>
        tpu.vector_store %arg11[%swap3A_349, %swap3A_350], %swap3A_353 {strides = array<i32>} : memref<80x128xf32, #tpu.memory_space<vmem>>, vector<1x16xf32>,
        %scan3A_354 = arith.constant 0 : i32
        scf.yield %scan3A_354 : i32
      }
      %scan3A_187 = arith.constant 80 : i32
      %add3A_188 = arith.constant 1 : i32
      %add3A_189 = arith.addi %scan3A_168, %add3A_188 : i32
      %lt3A = arith.constant 25 : i32
      %lt3A_190 = arith.cmpi slt, %add3A_189, %lt3A : i32
      %convert_element_type3A = arith.extui %lt3A_190 : i1 to i32
      %cond3A = arith.constant 0 : i32
      %cond3A_191 = arith.cmpi ne, %convert_element_type3A, %cond3A : i32
      scf.if %cond3A_191 {
        %add3A_219 = arith.constant 1 : i32
        %add3A_220 = arith.addi %scan3A_168, %add3A_219 : i32
        %dma_start3A_221 = arith.constant 0 : i32
        %dma_start3A_222 = tpu.memref_slice %arg9[%add3A_220, %dma_start3A_221] : memref<25x80xi32, #tpu.memory_space<vmem>> -> memref<1x80xi32, #tpu.memory_space<vmem>>
        %dma_start3A_223 = tpu.memref_squeeze %dma_start3A_222 : memref<1x80xi32, #tpu.memory_space<vmem>> -> memref<80xi32, #tpu.memory_space<vmem>>
        %dma_start3A_224 = arith.constant 0 : i32
        %dma_start3A_225 = arith.constant 0 : i32
        %dma_start3A_226 = tpu.memref_slice %arg2[%dma_start3A_224, %dma_start3A_225] : memref<10000x128xf32, #tpu.memory_space<hbm>> -> memref<10000x128xf32, #tpu.memory_space<hbm>>
        tpu.enqueue_indirect_dma source(%dma_start3A_226 : memref<10000x128xf32, #tpu.memory_space<hbm>>) target(%arg10 : memref<80x128xf32, #tpu.memory_space<vmem>>) offsets(%dma_start3A_223 : memref<80xi32, #tpu.memory_space<vmem>>) semaphore(%arg14 : memref<!tpu.dma_semaphore, #tpu.memory_space<semaphore_mem>>)
      } else {
      }
      %dma_start3A_192 = arith.constant 0 : i32
      %dma_start3A_193 = tpu.memref_slice %arg9[%scan3A_168, %dma_start3A_192] : memref<25x80xi32, #tpu.memory_space<vmem>> -> memref<1x80xi32, #tpu.memory_space<vmem>>
      %dma_start3A_194 = tpu.memref_squeeze %dma_start3A_193 : memref<1x80xi32, #tpu.memory_space<vmem>> -> memref<80xi32, #tpu.memory_space<vmem>>
      %dma_start3A_195 = arith.constant 0 : i32
      %dma_start3A_196 = arith.constant 0 : i32
      %dma_start3A_197 = tpu.memref_slice %arg13[%dma_start3A_195, %dma_start3A_196] : memref<10240x128xf32, #tpu.memory_space<vmem_shared>> -> memref<10240x128xf32, #tpu.memory_space<vmem_shared>>
      tpu.enqueue_indirect_dma source(%arg11 : memref<80x128xf32, #tpu.memory_space<vmem>>) target(%dma_start3A_197 : memref<10240x128xf32, #tpu.memory_space<vmem_shared>>) offsets(%dma_start3A_194 : memref<80xi32, #tpu.memory_space<vmem>>) semaphore(%arg16 : memref<!tpu.dma_semaphore, #tpu.memory_space<semaphore_mem>>) {add = true}
      %scan3A_198 = arith.constant 0 : i32
      %scan3A_199 = arith.constant 0 : i32
      %scan3A_200 = arith.constant 5 : i32
      %scan3A_201 = arith.addi %scan3A_199, %scan3A_200 : i32
      %scan3A_202 = arith.constant 1 : i32
      %scan3A_203 = scf.for %scan3A_219 = %scan3A_199 to %scan3A_201 step %scan3A_202 iter_args(%scan3A_220 = %scan3A_198) -> (i32)  : i32 {
        %mul3A_221 = arith.constant 16 : i32
        %mul3A_222 = arith.muli %scan3A_219, %mul3A_221 : i32
        %get3A = arith.index_cast %scan3A_168 : i32 to index
        %get3A_223 = arith.index_cast %mul3A_222 : i32 to index
        %get3A_224 = tpu.vector_load %arg9[%get3A, %get3A_223] {strides = array<i32>} : memref<25x80xi32, #tpu.memory_space<vmem>>, vector<1x16xi32>,
        %get3A_225 = vector.shape_cast %get3A_224 : vector<1x16xi32> to vector<16xi32>
        %slice3A = vector.extract_strided_slice %get3A_225 {offsets = [0], sizes = [1], strides = [1]} : vector<16xi32> to vector<1xi32>
        %squeeze3A = vector.extract %slice3A[0] : i32 from vector<1xi32>
        %get3A_226 = arith.index_cast %squeeze3A : i32 to index
        %get3A_227 = tpu.vector_load %arg12[%get3A_226] {strides = array<i32>} : memref<10240xf32, #tpu.memory_space<vmem>>, vector<16xf32>,
        %get3A_228 = vector.shape_cast %get3A_227 : vector<16xf32> to vector<16xf32>
        %add3A_229 = arith.addf %get3A_228, %select_n3A : vector<16xf32>
        %swap3A = arith.index_cast %squeeze3A : i32 to index
        %swap3A_230 = tpu.vector_load %arg12[%swap3A] {strides = array<i32>} : memref<10240xf32, #tpu.memory_space<vmem>>, vector<16xf32>,
        %swap3A_231 = vector.shape_cast %swap3A_230 : vector<16xf32> to vector<16xf32>
        %swap3A_232 = vector.shape_cast %add3A_229 : vector<16xf32> to vector<16xf32>
        tpu.vector_store %arg12[%swap3A], %swap3A_232 {strides = array<i32>} : memref<10240xf32, #tpu.memory_space<vmem>>, vector<16xf32>,
        %slice3A_233 = vector.extract_strided_slice %get3A_225 {offsets = [1], sizes = [1], strides = [1]} : vector<16xi32> to vector<1xi32>
        %squeeze3A_234 = vector.extract %slice3A_233[0] : i32 from vector<1xi32>
        %get3A_235 = arith.index_cast %squeeze3A_234 : i32 to index
        %get3A_236 = tpu.vector_load %arg12[%get3A_235] {strides = array<i32>} : memref<10240xf32, #tpu.memory_space<vmem>>, vector<16xf32>,
        %get3A_237 = vector.shape_cast %get3A_236 : vector<16xf32> to vector<16xf32>
        %add3A_238 = arith.addf %get3A_237, %select_n3A : vector<16xf32>
        %swap3A_239 = arith.index_cast %squeeze3A_234 : i32 to index
        %swap3A_240 = tpu.vector_load %arg12[%swap3A_239] {strides = array<i32>} : memref<10240xf32, #tpu.memory_space<vmem>>, vector<16xf32>,
        %swap3A_241 = vector.shape_cast %swap3A_240 : vector<16xf32> to vector<16xf32>
        %swap3A_242 = vector.shape_cast %add3A_238 : vector<16xf32> to vector<16xf32>
        tpu.vector_store %arg12[%swap3A_239], %swap3A_242 {strides = array<i32>} : memref<10240xf32, #tpu.memory_space<vmem>>, vector<16xf32>,
        %slice3A_243 = vector.extract_strided_slice %get3A_225 {offsets = [2], sizes = [1], strides = [1]} : vector<16xi32> to vector<1xi32>
        %squeeze3A_244 = vector.extract %slice3A_243[0] : i32 from vector<1xi32>
        %get3A_245 = arith.index_cast %squeeze3A_244 : i32 to index
        %get3A_246 = tpu.vector_load %arg12[%get3A_245] {strides = array<i32>} : memref<10240xf32, #tpu.memory_space<vmem>>, vector<16xf32>,
        %get3A_247 = vector.shape_cast %get3A_246 : vector<16xf32> to vector<16xf32>
        %add3A_248 = arith.addf %get3A_247, %select_n3A : vector<16xf32>
        %swap3A_249 = arith.index_cast %squeeze3A_244 : i32 to index
        %swap3A_250 = tpu.vector_load %arg12[%swap3A_249] {strides = array<i32>} : memref<10240xf32, #tpu.memory_space<vmem>>, vector<16xf32>,
        %swap3A_251 = vector.shape_cast %swap3A_250 : vector<16xf32> to vector<16xf32>
        %swap3A_252 = vector.shape_cast %add3A_248 : vector<16xf32> to vector<16xf32>
        tpu.vector_store %arg12[%swap3A_249], %swap3A_252 {strides = array<i32>} : memref<10240xf32, #tpu.memory_space<vmem>>, vector<16xf32>,
        %slice3A_253 = vector.extract_strided_slice %get3A_225 {offsets = [3], sizes = [1], strides = [1]} : vector<16xi32> to vector<1xi32>
        %squeeze3A_254 = vector.extract %slice3A_253[0] : i32 from vector<1xi32>
        %get3A_255 = arith.index_cast %squeeze3A_254 : i32 to index
        %get3A_256 = tpu.vector_load %arg12[%get3A_255] {strides = array<i32>} : memref<10240xf32, #tpu.memory_space<vmem>>, vector<16xf32>,
        %get3A_257 = vector.shape_cast %get3A_256 : vector<16xf32> to vector<16xf32>
        %add3A_258 = arith.addf %get3A_257, %select_n3A : vector<16xf32>
        %swap3A_259 = arith.index_cast %squeeze3A_254 : i32 to index
        %swap3A_260 = tpu.vector_load %arg12[%swap3A_259] {strides = array<i32>} : memref<10240xf32, #tpu.memory_space<vmem>>, vector<16xf32>,
        %swap3A_261 = vector.shape_cast %swap3A_260 : vector<16xf32> to vector<16xf32>
        %swap3A_262 = vector.shape_cast %add3A_258 : vector<16xf32> to vector<16xf32>
        tpu.vector_store %arg12[%swap3A_259], %swap3A_262 {strides = array<i32>} : memref<10240xf32, #tpu.memory_space<vmem>>, vector<16xf32>,
        %slice3A_263 = vector.extract_strided_slice %get3A_225 {offsets = [4], sizes = [1], strides = [1]} : vector<16xi32> to vector<1xi32>
        %squeeze3A_264 = vector.extract %slice3A_263[0] : i32 from vector<1xi32>
        %get3A_265 = arith.index_cast %squeeze3A_264 : i32 to index
        %get3A_266 = tpu.vector_load %arg12[%get3A_265] {strides = array<i32>} : memref<10240xf32, #tpu.memory_space<vmem>>, vector<16xf32>,
        %get3A_267 = vector.shape_cast %get3A_266 : vector<16xf32> to vector<16xf32>
        %add3A_268 = arith.addf %get3A_267, %select_n3A : vector<16xf32>
        %swap3A_269 = arith.index_cast %squeeze3A_264 : i32 to index
        %swap3A_270 = tpu.vector_load %arg12[%swap3A_269] {strides = array<i32>} : memref<10240xf32, #tpu.memory_space<vmem>>, vector<16xf32>,
        %swap3A_271 = vector.shape_cast %swap3A_270 : vector<16xf32> to vector<16xf32>
        %swap3A_272 = vector.shape_cast %add3A_268 : vector<16xf32> to vector<16xf32>
        tpu.vector_store %arg12[%swap3A_269], %swap3A_272 {strides = array<i32>} : memref<10240xf32, #tpu.memory_space<vmem>>, vector<16xf32>,
        %slice3A_273 = vector.extract_strided_slice %get3A_225 {offsets = [5], sizes = [1], strides = [1]} : vector<16xi32> to vector<1xi32>
        %squeeze3A_274 = vector.extract %slice3A_273[0] : i32 from vector<1xi32>
        %get3A_275 = arith.index_cast %squeeze3A_274 : i32 to index
        %get3A_276 = tpu.vector_load %arg12[%get3A_275] {strides = array<i32>} : memref<10240xf32, #tpu.memory_space<vmem>>, vector<16xf32>,
        %get3A_277 = vector.shape_cast %get3A_276 : vector<16xf32> to vector<16xf32>
        %add3A_278 = arith.addf %get3A_277, %select_n3A : vector<16xf32>
        %swap3A_279 = arith.index_cast %squeeze3A_274 : i32 to index
        %swap3A_280 = tpu.vector_load %arg12[%swap3A_279] {strides = array<i32>} : memref<10240xf32, #tpu.memory_space<vmem>>, vector<16xf32>,
        %swap3A_281 = vector.shape_cast %swap3A_280 : vector<16xf32> to vector<16xf32>
        %swap3A_282 = vector.shape_cast %add3A_278 : vector<16xf32> to vector<16xf32>
        tpu.vector_store %arg12[%swap3A_279], %swap3A_282 {strides = array<i32>} : memref<10240xf32, #tpu.memory_space<vmem>>, vector<16xf32>,
        %slice3A_283 = vector.extract_strided_slice %get3A_225 {offsets = [6], sizes = [1], strides = [1]} : vector<16xi32> to vector<1xi32>
        %squeeze3A_284 = vector.extract %slice3A_283[0] : i32 from vector<1xi32>
        %get3A_285 = arith.index_cast %squeeze3A_284 : i32 to index
        %get3A_286 = tpu.vector_load %arg12[%get3A_285] {strides = array<i32>} : memref<10240xf32, #tpu.memory_space<vmem>>, vector<16xf32>,
        %get3A_287 = vector.shape_cast %get3A_286 : vector<16xf32> to vector<16xf32>
        %add3A_288 = arith.addf %get3A_287, %select_n3A : vector<16xf32>
        %swap3A_289 = arith.index_cast %squeeze3A_284 : i32 to index
        %swap3A_290 = tpu.vector_load %arg12[%swap3A_289] {strides = array<i32>} : memref<10240xf32, #tpu.memory_space<vmem>>, vector<16xf32>,
        %swap3A_291 = vector.shape_cast %swap3A_290 : vector<16xf32> to vector<16xf32>
        %swap3A_292 = vector.shape_cast %add3A_288 : vector<16xf32> to vector<16xf32>
        tpu.vector_store %arg12[%swap3A_289], %swap3A_292 {strides = array<i32>} : memref<10240xf32, #tpu.memory_space<vmem>>, vector<16xf32>,
        %slice3A_293 = vector.extract_strided_slice %get3A_225 {offsets = [7], sizes = [1], strides = [1]} : vector<16xi32> to vector<1xi32>
        %squeeze3A_294 = vector.extract %slice3A_293[0] : i32 from vector<1xi32>
        %get3A_295 = arith.index_cast %squeeze3A_294 : i32 to index
        %get3A_296 = tpu.vector_load %arg12[%get3A_295] {strides = array<i32>} : memref<10240xf32, #tpu.memory_space<vmem>>, vector<16xf32>,
        %get3A_297 = vector.shape_cast %get3A_296 : vector<16xf32> to vector<16xf32>
        %add3A_298 = arith.addf %get3A_297, %select_n3A : vector<16xf32>
        %swap3A_299 = arith.index_cast %squeeze3A_294 : i32 to index
        %swap3A_300 = tpu.vector_load %arg12[%swap3A_299] {strides = array<i32>} : memref<10240xf32, #tpu.memory_space<vmem>>, vector<16xf32>,
        %swap3A_301 = vector.shape_cast %swap3A_300 : vector<16xf32> to vector<16xf32>
        %swap3A_302 = vector.shape_cast %add3A_298 : vector<16xf32> to vector<16xf32>
        tpu.vector_store %arg12[%swap3A_299], %swap3A_302 {strides = array<i32>} : memref<10240xf32, #tpu.memory_space<vmem>>, vector<16xf32>,
        %slice3A_303 = vector.extract_strided_slice %get3A_225 {offsets = [8], sizes = [1], strides = [1]} : vector<16xi32> to vector<1xi32>
        %squeeze3A_304 = vector.extract %slice3A_303[0] : i32 from vector<1xi32>
        %get3A_305 = arith.index_cast %squeeze3A_304 : i32 to index
        %get3A_306 = tpu.vector_load %arg12[%get3A_305] {strides = array<i32>} : memref<10240xf32, #tpu.memory_space<vmem>>, vector<16xf32>,
        %get3A_307 = vector.shape_cast %get3A_306 : vector<16xf32> to vector<16xf32>
        %add3A_308 = arith.addf %get3A_307, %select_n3A : vector<16xf32>
        %swap3A_309 = arith.index_cast %squeeze3A_304 : i32 to index
        %swap3A_310 = tpu.vector_load %arg12[%swap3A_309] {strides = array<i32>} : memref<10240xf32, #tpu.memory_space<vmem>>, vector<16xf32>,
        %swap3A_311 = vector.shape_cast %swap3A_310 : vector<16xf32> to vector<16xf32>
        %swap3A_312 = vector.shape_cast %add3A_308 : vector<16xf32> to vector<16xf32>
        tpu.vector_store %arg12[%swap3A_309], %swap3A_312 {strides = array<i32>} : memref<10240xf32, #tpu.memory_space<vmem>>, vector<16xf32>,
        %slice3A_313 = vector.extract_strided_slice %get3A_225 {offsets = [9], sizes = [1], strides = [1]} : vector<16xi32> to vector<1xi32>
        %squeeze3A_314 = vector.extract %slice3A_313[0] : i32 from vector<1xi32>
        %get3A_315 = arith.index_cast %squeeze3A_314 : i32 to index
        %get3A_316 = tpu.vector_load %arg12[%get3A_315] {strides = array<i32>} : memref<10240xf32, #tpu.memory_space<vmem>>, vector<16xf32>,
        %get3A_317 = vector.shape_cast %get3A_316 : vector<16xf32> to vector<16xf32>
        %add3A_318 = arith.addf %get3A_317, %select_n3A : vector<16xf32>
        %swap3A_319 = arith.index_cast %squeeze3A_314 : i32 to index
        %swap3A_320 = tpu.vector_load %arg12[%swap3A_319] {strides = array<i32>} : memref<10240xf32, #tpu.memory_space<vmem>>, vector<16xf32>,
        %swap3A_321 = vector.shape_cast %swap3A_320 : vector<16xf32> to vector<16xf32>
        %swap3A_322 = vector.shape_cast %add3A_318 : vector<16xf32> to vector<16xf32>
        tpu.vector_store %arg12[%swap3A_319], %swap3A_322 {strides = array<i32>} : memref<10240xf32, #tpu.memory_space<vmem>>, vector<16xf32>,
        %slice3A_323 = vector.extract_strided_slice %get3A_225 {offsets = [10], sizes = [1], strides = [1]} : vector<16xi32> to vector<1xi32>
        %squeeze3A_324 = vector.extract %slice3A_323[0] : i32 from vector<1xi32>
        %get3A_325 = arith.index_cast %squeeze3A_324 : i32 to index
        %get3A_326 = tpu.vector_load %arg12[%get3A_325] {strides = array<i32>} : memref<10240xf32, #tpu.memory_space<vmem>>, vector<16xf32>,
        %get3A_327 = vector.shape_cast %get3A_326 : vector<16xf32> to vector<16xf32>
        %add3A_328 = arith.addf %get3A_327, %select_n3A : vector<16xf32>
        %swap3A_329 = arith.index_cast %squeeze3A_324 : i32 to index
        %swap3A_330 = tpu.vector_load %arg12[%swap3A_329] {strides = array<i32>} : memref<10240xf32, #tpu.memory_space<vmem>>, vector<16xf32>,
        %swap3A_331 = vector.shape_cast %swap3A_330 : vector<16xf32> to vector<16xf32>
        %swap3A_332 = vector.shape_cast %add3A_328 : vector<16xf32> to vector<16xf32>
        tpu.vector_store %arg12[%swap3A_329], %swap3A_332 {strides = array<i32>} : memref<10240xf32, #tpu.memory_space<vmem>>, vector<16xf32>,
        %slice3A_333 = vector.extract_strided_slice %get3A_225 {offsets = [11], sizes = [1], strides = [1]} : vector<16xi32> to vector<1xi32>
        %squeeze3A_334 = vector.extract %slice3A_333[0] : i32 from vector<1xi32>
        %get3A_335 = arith.index_cast %squeeze3A_334 : i32 to index
        %get3A_336 = tpu.vector_load %arg12[%get3A_335] {strides = array<i32>} : memref<10240xf32, #tpu.memory_space<vmem>>, vector<16xf32>,
        %get3A_337 = vector.shape_cast %get3A_336 : vector<16xf32> to vector<16xf32>
        %add3A_338 = arith.addf %get3A_337, %select_n3A : vector<16xf32>
        %swap3A_339 = arith.index_cast %squeeze3A_334 : i32 to index
        %swap3A_340 = tpu.vector_load %arg12[%swap3A_339] {strides = array<i32>} : memref<10240xf32, #tpu.memory_space<vmem>>, vector<16xf32>,
        %swap3A_341 = vector.shape_cast %swap3A_340 : vector<16xf32> to vector<16xf32>
        %swap3A_342 = vector.shape_cast %add3A_338 : vector<16xf32> to vector<16xf32>
        tpu.vector_store %arg12[%swap3A_339], %swap3A_342 {strides = array<i32>} : memref<10240xf32, #tpu.memory_space<vmem>>, vector<16xf32>,
        %slice3A_343 = vector.extract_strided_slice %get3A_225 {offsets = [12], sizes = [1], strides = [1]} : vector<16xi32> to vector<1xi32>
        %squeeze3A_344 = vector.extract %slice3A_343[0] : i32 from vector<1xi32>
        %get3A_345 = arith.index_cast %squeeze3A_344 : i32 to index
        %get3A_346 = tpu.vector_load %arg12[%get3A_345] {strides = array<i32>} : memref<10240xf32, #tpu.memory_space<vmem>>, vector<16xf32>,
        %get3A_347 = vector.shape_cast %get3A_346 : vector<16xf32> to vector<16xf32>
        %add3A_348 = arith.addf %get3A_347, %select_n3A : vector<16xf32>
        %swap3A_349 = arith.index_cast %squeeze3A_344 : i32 to index
        %swap3A_350 = tpu.vector_load %arg12[%swap3A_349] {strides = array<i32>} : memref<10240xf32, #tpu.memory_space<vmem>>, vector<16xf32>,
        %swap3A_351 = vector.shape_cast %swap3A_350 : vector<16xf32> to vector<16xf32>
        %swap3A_352 = vector.shape_cast %add3A_348 : vector<16xf32> to vector<16xf32>
        tpu.vector_store %arg12[%swap3A_349], %swap3A_352 {strides = array<i32>} : memref<10240xf32, #tpu.memory_space<vmem>>, vector<16xf32>,
        %slice3A_353 = vector.extract_strided_slice %get3A_225 {offsets = [13], sizes = [1], strides = [1]} : vector<16xi32> to vector<1xi32>
        %squeeze3A_354 = vector.extract %slice3A_353[0] : i32 from vector<1xi32>
        %get3A_355 = arith.index_cast %squeeze3A_354 : i32 to index
        %get3A_356 = tpu.vector_load %arg12[%get3A_355] {strides = array<i32>} : memref<10240xf32, #tpu.memory_space<vmem>>, vector<16xf32>,
        %get3A_357 = vector.shape_cast %get3A_356 : vector<16xf32> to vector<16xf32>
        %add3A_358 = arith.addf %get3A_357, %select_n3A : vector<16xf32>
        %swap3A_359 = arith.index_cast %squeeze3A_354 : i32 to index
        %swap3A_360 = tpu.vector_load %arg12[%swap3A_359] {strides = array<i32>} : memref<10240xf32, #tpu.memory_space<vmem>>, vector<16xf32>,
        %swap3A_361 = vector.shape_cast %swap3A_360 : vector<16xf32> to vector<16xf32>
        %swap3A_362 = vector.shape_cast %add3A_358 : vector<16xf32> to vector<16xf32>
        tpu.vector_store %arg12[%swap3A_359], %swap3A_362 {strides = array<i32>} : memref<10240xf32, #tpu.memory_space<vmem>>, vector<16xf32>,
        %slice3A_363 = vector.extract_strided_slice %get3A_225 {offsets = [14], sizes = [1], strides = [1]} : vector<16xi32> to vector<1xi32>
        %squeeze3A_364 = vector.extract %slice3A_363[0] : i32 from vector<1xi32>
        %get3A_365 = arith.index_cast %squeeze3A_364 : i32 to index
        %get3A_366 = tpu.vector_load %arg12[%get3A_365] {strides = array<i32>} : memref<10240xf32, #tpu.memory_space<vmem>>, vector<16xf32>,
        %get3A_367 = vector.shape_cast %get3A_366 : vector<16xf32> to vector<16xf32>
        %add3A_368 = arith.addf %get3A_367, %select_n3A : vector<16xf32>
        %swap3A_369 = arith.index_cast %squeeze3A_364 : i32 to index
        %swap3A_370 = tpu.vector_load %arg12[%swap3A_369] {strides = array<i32>} : memref<10240xf32, #tpu.memory_space<vmem>>, vector<16xf32>,
        %swap3A_371 = vector.shape_cast %swap3A_370 : vector<16xf32> to vector<16xf32>
        %swap3A_372 = vector.shape_cast %add3A_368 : vector<16xf32> to vector<16xf32>
        tpu.vector_store %arg12[%swap3A_369], %swap3A_372 {strides = array<i32>} : memref<10240xf32, #tpu.memory_space<vmem>>, vector<16xf32>,
        %slice3A_373 = vector.extract_strided_slice %get3A_225 {offsets = [15], sizes = [1], strides = [1]} : vector<16xi32> to vector<1xi32>
        %squeeze3A_374 = vector.extract %slice3A_373[0] : i32 from vector<1xi32>
        %get3A_375 = arith.index_cast %squeeze3A_374 : i32 to index
        %get3A_376 = tpu.vector_load %arg12[%get3A_375] {strides = array<i32>} : memref<10240xf32, #tpu.memory_space<vmem>>, vector<16xf32>,
        %get3A_377 = vector.shape_cast %get3A_376 : vector<16xf32> to vector<16xf32>
        %add3A_378 = arith.addf %get3A_377, %select_n3A : vector<16xf32>
        %swap3A_379 = arith.index_cast %squeeze3A_374 : i32 to index
        %swap3A_380 = tpu.vector_load %arg12[%swap3A_379] {strides = array<i32>} : memref<10240xf32, #tpu.memory_space<vmem>>, vector<16xf32>,
        %swap3A_381 = vector.shape_cast %swap3A_380 : vector<16xf32> to vector<16xf32>
        %swap3A_382 = vector.shape_cast %add3A_378 : vector<16xf32> to vector<16xf32>
        tpu.vector_store %arg12[%swap3A_379], %swap3A_382 {strides = array<i32>} : memref<10240xf32, #tpu.memory_space<vmem>>, vector<16xf32>,
        %scan3A_383 = arith.constant 0 : i32
        scf.yield %scan3A_383 : i32
      }
      %scan3A_204 = arith.constant 5 : i32
      %dma_wait3A_205 = arith.constant 0 : i32
      %dma_wait3A_206 = tpu.memref_slice %arg9[%scan3A_168, %dma_wait3A_205] : memref<25x80xi32, #tpu.memory_space<vmem>> -> memref<1x80xi32, #tpu.memory_space<vmem>>
      %dma_wait3A_207 = tpu.memref_squeeze %dma_wait3A_206 : memref<1x80xi32, #tpu.memory_space<vmem>> -> memref<80xi32, #tpu.memory_space<vmem>>
      %dma_wait3A_208 = arith.constant 0 : i32
      %dma_wait3A_209 = arith.constant 0 : i32
      %dma_wait3A_210 = tpu.memref_slice %arg13[%dma_wait3A_208, %dma_wait3A_209] : memref<10240x128xf32, #tpu.memory_space<vmem_shared>> -> memref<10240x128xf32, #tpu.memory_space<vmem_shared>>
      tpu.wait_indirect_dma semaphore(%arg16 : memref<!tpu.dma_semaphore, #tpu.memory_space<semaphore_mem>>) src(%arg11 : memref<80x128xf32, #tpu.memory_space<vmem>>) dst(%dma_wait3A_210 : memref<10240x128xf32, #tpu.memory_space<vmem_shared>>)
      %add3A_211 = arith.constant 1 : i32
      %add3A_212 = arith.addi %scan3A_168, %add3A_211 : i32
      %lt3A_213 = arith.constant 25 : i32
      %lt3A_214 = arith.cmpi slt, %add3A_212, %lt3A_213 : i32
      %convert_element_type3A_215 = arith.extui %lt3A_214 : i1 to i32
      %cond3A_216 = arith.constant 0 : i32
      %cond3A_217 = arith.cmpi ne, %convert_element_type3A_215, %cond3A_216 : i32
      scf.if %cond3A_217 {
        %add3A_219 = arith.constant 1 : i32
        %add3A_220 = arith.addi %scan3A_168, %add3A_219 : i32
        %dma_start3A_221 = arith.constant 0 : i32
        %dma_start3A_222 = tpu.memref_slice %arg8[%add3A_220, %dma_start3A_221] : memref<25x80xi32, #tpu.memory_space<vmem>> -> memref<1x80xi32, #tpu.memory_space<vmem>>
        %dma_start3A_223 = tpu.memref_squeeze %dma_start3A_222 : memref<1x80xi32, #tpu.memory_space<vmem>> -> memref<80xi32, #tpu.memory_space<vmem>>
        %dma_start3A_224 = arith.constant 0 : i32
        %dma_start3A_225 = arith.constant 0 : i32
        %dma_start3A_226 = tpu.memref_slice %arg3[%dma_start3A_224, %dma_start3A_225] : memref<10000x128xf32, #tpu.memory_space<hbm>> -> memref<10000x128xf32, #tpu.memory_space<hbm>>
        tpu.enqueue_indirect_dma source(%dma_start3A_226 : memref<10000x128xf32, #tpu.memory_space<hbm>>) target(%arg11 : memref<80x128xf32, #tpu.memory_space<vmem>>) offsets(%dma_start3A_223 : memref<80xi32, #tpu.memory_space<vmem>>) semaphore(%arg15 : memref<!tpu.dma_semaphore, #tpu.memory_space<semaphore_mem>>)
      } else {
      }
      %scan3A_218 = arith.constant 0 : i32
      scf.yield %scan3A_218 : i32
    }
    %scan3A_127 = arith.constant 25 : i32
    %run_scoped3A_128 = arith.constant 4 : i32
    "tpu.region"() ({
      %run_scoped3A_168 = tpu.sem_alloc : memref<!tpu.dma_semaphore, #tpu.memory_space<semaphore_mem>>
      %dma_start3A_169 = arith.constant 0 : i32
      %dma_start3A_170 = arith.constant 0 : i32
      %dma_start3A_171 = tpu.memref_slice %arg4[%add3A, %run_scoped3A_128, %dma_start3A_169, %dma_start3A_170] : memref<32x5x25x80xi32, #tpu.memory_space<hbm>> -> memref<1x1x25x80xi32, #tpu.memory_space<hbm>>
      %dma_start3A_172 = tpu.memref_squeeze %dma_start3A_171 : memref<1x1x25x80xi32, #tpu.memory_space<hbm>> -> memref<25x80xi32, #tpu.memory_space<hbm>>
      %dma_start3A_173 = arith.constant 0 : i32
      %dma_start3A_174 = arith.constant 0 : i32
      %dma_start3A_175 = tpu.memref_slice %arg4[%add3A, %run_scoped3A_128, %dma_start3A_173, %dma_start3A_174] : memref<32x5x25x80xi32, #tpu.memory_space<hbm>> -> memref<1x1x25x80xi32, #tpu.memory_space<hbm>>
      %dma_start3A_176 = tpu.memref_squeeze %dma_start3A_175 : memref<1x1x25x80xi32, #tpu.memory_space<hbm>> -> memref<25x80xi32, #tpu.memory_space<hbm>>
      tpu.enqueue_dma source(%dma_start3A_176 : memref<25x80xi32, #tpu.memory_space<hbm>>) target(%arg8 : memref<25x80xi32, #tpu.memory_space<vmem>>) target_semaphore(%run_scoped3A_168 : memref<!tpu.dma_semaphore, #tpu.memory_space<semaphore_mem>>)
      %dma_wait3A = arith.constant 0 : i32
      %dma_wait3A_177 = arith.constant 0 : i32
      %dma_wait3A_178 = tpu.memref_slice %arg4[%add3A, %run_scoped3A_128, %dma_wait3A, %dma_wait3A_177] : memref<32x5x25x80xi32, #tpu.memory_space<hbm>> -> memref<1x1x25x80xi32, #tpu.memory_space<hbm>>
      %dma_wait3A_179 = tpu.memref_squeeze %dma_wait3A_178 : memref<1x1x25x80xi32, #tpu.memory_space<hbm>> -> memref<25x80xi32, #tpu.memory_space<hbm>>
      %dma_wait3A_180 = arith.constant 0 : i32
      %dma_wait3A_181 = arith.constant 0 : i32
      %dma_wait3A_182 = tpu.memref_slice %arg4[%add3A, %run_scoped3A_128, %dma_wait3A_180, %dma_wait3A_181] : memref<32x5x25x80xi32, #tpu.memory_space<hbm>> -> memref<1x1x25x80xi32, #tpu.memory_space<hbm>>
      %dma_wait3A_183 = tpu.memref_squeeze %dma_wait3A_182 : memref<1x1x25x80xi32, #tpu.memory_space<hbm>> -> memref<25x80xi32, #tpu.memory_space<hbm>>
      tpu.wait_dma2 semaphore(%run_scoped3A_168 : memref<!tpu.dma_semaphore, #tpu.memory_space<semaphore_mem>>) src(%dma_wait3A_183 : memref<25x80xi32, #tpu.memory_space<hbm>>) dst(%arg8 : memref<25x80xi32, #tpu.memory_space<vmem>>)
      tpu.yield
    }) : () -> ()
    %run_scoped3A_129 = arith.constant 4 : i32
    "tpu.region"() ({
      %run_scoped3A_168 = tpu.sem_alloc : memref<!tpu.dma_semaphore, #tpu.memory_space<semaphore_mem>>
      %dma_start3A_169 = arith.constant 0 : i32
      %dma_start3A_170 = arith.constant 0 : i32
      %dma_start3A_171 = tpu.memref_slice %arg5[%add3A, %run_scoped3A_129, %dma_start3A_169, %dma_start3A_170] : memref<32x5x25x80xi32, #tpu.memory_space<hbm>> -> memref<1x1x25x80xi32, #tpu.memory_space<hbm>>
      %dma_start3A_172 = tpu.memref_squeeze %dma_start3A_171 : memref<1x1x25x80xi32, #tpu.memory_space<hbm>> -> memref<25x80xi32, #tpu.memory_space<hbm>>
      %dma_start3A_173 = arith.constant 0 : i32
      %dma_start3A_174 = arith.constant 0 : i32
      %dma_start3A_175 = tpu.memref_slice %arg5[%add3A, %run_scoped3A_129, %dma_start3A_173, %dma_start3A_174] : memref<32x5x25x80xi32, #tpu.memory_space<hbm>> -> memref<1x1x25x80xi32, #tpu.memory_space<hbm>>
      %dma_start3A_176 = tpu.memref_squeeze %dma_start3A_175 : memref<1x1x25x80xi32, #tpu.memory_space<hbm>> -> memref<25x80xi32, #tpu.memory_space<hbm>>
      tpu.enqueue_dma source(%dma_start3A_176 : memref<25x80xi32, #tpu.memory_space<hbm>>) target(%arg9 : memref<25x80xi32, #tpu.memory_space<vmem>>) target_semaphore(%run_scoped3A_168 : memref<!tpu.dma_semaphore, #tpu.memory_space<semaphore_mem>>)
      %dma_wait3A = arith.constant 0 : i32
      %dma_wait3A_177 = arith.constant 0 : i32
      %dma_wait3A_178 = tpu.memref_slice %arg5[%add3A, %run_scoped3A_129, %dma_wait3A, %dma_wait3A_177] : memref<32x5x25x80xi32, #tpu.memory_space<hbm>> -> memref<1x1x25x80xi32, #tpu.memory_space<hbm>>
      %dma_wait3A_179 = tpu.memref_squeeze %dma_wait3A_178 : memref<1x1x25x80xi32, #tpu.memory_space<hbm>> -> memref<25x80xi32, #tpu.memory_space<hbm>>
      %dma_wait3A_180 = arith.constant 0 : i32
      %dma_wait3A_181 = arith.constant 0 : i32
      %dma_wait3A_182 = tpu.memref_slice %arg5[%add3A, %run_scoped3A_129, %dma_wait3A_180, %dma_wait3A_181] : memref<32x5x25x80xi32, #tpu.memory_space<hbm>> -> memref<1x1x25x80xi32, #tpu.memory_space<hbm>>
      %dma_wait3A_183 = tpu.memref_squeeze %dma_wait3A_182 : memref<1x1x25x80xi32, #tpu.memory_space<hbm>> -> memref<25x80xi32, #tpu.memory_space<hbm>>
      tpu.wait_dma2 semaphore(%run_scoped3A_168 : memref<!tpu.dma_semaphore, #tpu.memory_space<semaphore_mem>>) src(%dma_wait3A_183 : memref<25x80xi32, #tpu.memory_space<hbm>>) dst(%arg9 : memref<25x80xi32, #tpu.memory_space<vmem>>)
      tpu.yield
    }) : () -> ()
    %dma_start3A_130 = arith.constant 0 : i32
    %dma_start3A_131 = arith.constant 0 : i32
    %dma_start3A_132 = tpu.memref_slice %arg9[%dma_start3A_130, %dma_start3A_131] : memref<25x80xi32, #tpu.memory_space<vmem>> -> memref<1x80xi32, #tpu.memory_space<vmem>>
    %dma_start3A_133 = tpu.memref_squeeze %dma_start3A_132 : memref<1x80xi32, #tpu.memory_space<vmem>> -> memref<80xi32, #tpu.memory_space<vmem>>
    %dma_start3A_134 = arith.constant 0 : i32
    %dma_start3A_135 = arith.constant 0 : i32
    %dma_start3A_136 = tpu.memref_slice %arg2[%dma_start3A_134, %dma_start3A_135] : memref<10000x128xf32, #tpu.memory_space<hbm>> -> memref<10000x128xf32, #tpu.memory_space<hbm>>
    tpu.enqueue_indirect_dma source(%dma_start3A_136 : memref<10000x128xf32, #tpu.memory_space<hbm>>) target(%arg10 : memref<80x128xf32, #tpu.memory_space<vmem>>) offsets(%dma_start3A_133 : memref<80xi32, #tpu.memory_space<vmem>>) semaphore(%arg14 : memref<!tpu.dma_semaphore, #tpu.memory_space<semaphore_mem>>)
    %dma_start3A_137 = arith.constant 0 : i32
    %dma_start3A_138 = arith.constant 0 : i32
    %dma_start3A_139 = tpu.memref_slice %arg8[%dma_start3A_137, %dma_start3A_138] : memref<25x80xi32, #tpu.memory_space<vmem>> -> memref<1x80xi32, #tpu.memory_space<vmem>>
    %dma_start3A_140 = tpu.memref_squeeze %dma_start3A_139 : memref<1x80xi32, #tpu.memory_space<vmem>> -> memref<80xi32, #tpu.memory_space<vmem>>
    %dma_start3A_141 = arith.constant 0 : i32
    %dma_start3A_142 = arith.constant 0 : i32
    %dma_start3A_143 = tpu.memref_slice %arg3[%dma_start3A_141, %dma_start3A_142] : memref<10000x128xf32, #tpu.memory_space<hbm>> -> memref<10000x128xf32, #tpu.memory_space<hbm>>
    tpu.enqueue_indirect_dma source(%dma_start3A_143 : memref<10000x128xf32, #tpu.memory_space<hbm>>) target(%arg11 : memref<80x128xf32, #tpu.memory_space<vmem>>) offsets(%dma_start3A_140 : memref<80xi32, #tpu.memory_space<vmem>>) semaphore(%arg15 : memref<!tpu.dma_semaphore, #tpu.memory_space<semaphore_mem>>)
    %scan3A_144 = arith.constant 0 : i32
    %scan3A_145 = arith.constant 0 : i32
    %scan3A_146 = arith.constant 25 : i32
    %scan3A_147 = arith.addi %scan3A_145, %scan3A_146 : i32
    %scan3A_148 = arith.constant 1 : i32
    %scan3A_149 = scf.for %scan3A_168 = %scan3A_145 to %scan3A_147 step %scan3A_148 iter_args(%scan3A_169 = %scan3A_144) -> (i32)  : i32 {
      %dma_wait3A = arith.constant 0 : i32
      %dma_wait3A_170 = arith.constant 0 : i32
      %dma_wait3A_171 = tpu.memref_slice %arg2[%dma_wait3A, %dma_wait3A_170] : memref<10000x128xf32, #tpu.memory_space<hbm>> -> memref<80x128xf32, #tpu.memory_space<hbm>>
      %dma_wait3A_172 = arith.constant 0 : i32
      %dma_wait3A_173 = arith.constant 0 : i32
      %dma_wait3A_174 = tpu.memref_slice %arg2[%dma_wait3A_172, %dma_wait3A_173] : memref<10000x128xf32, #tpu.memory_space<hbm>> -> memref<80x128xf32, #tpu.memory_space<hbm>>
      tpu.wait_dma2 semaphore(%arg14 : memref<!tpu.dma_semaphore, #tpu.memory_space<semaphore_mem>>) src(%dma_wait3A_174 : memref<80x128xf32, #tpu.memory_space<hbm>>) dst(%arg10 : memref<80x128xf32, #tpu.memory_space<vmem>>)
      %dma_wait3A_175 = arith.constant 0 : i32
      %dma_wait3A_176 = arith.constant 0 : i32
      %dma_wait3A_177 = tpu.memref_slice %arg3[%dma_wait3A_175, %dma_wait3A_176] : memref<10000x128xf32, #tpu.memory_space<hbm>> -> memref<80x128xf32, #tpu.memory_space<hbm>>
      %dma_wait3A_178 = arith.constant 0 : i32
      %dma_wait3A_179 = arith.constant 0 : i32
      %dma_wait3A_180 = tpu.memref_slice %arg3[%dma_wait3A_178, %dma_wait3A_179] : memref<10000x128xf32, #tpu.memory_space<hbm>> -> memref<80x128xf32, #tpu.memory_space<hbm>>
      tpu.wait_dma2 semaphore(%arg15 : memref<!tpu.dma_semaphore, #tpu.memory_space<semaphore_mem>>) src(%dma_wait3A_180 : memref<80x128xf32, #tpu.memory_space<hbm>>) dst(%arg11 : memref<80x128xf32, #tpu.memory_space<vmem>>)
      %scan3A_181 = arith.constant 0 : i32
      %scan3A_182 = arith.constant 0 : i32
      %scan3A_183 = arith.constant 80 : i32
      %scan3A_184 = arith.addi %scan3A_182, %scan3A_183 : i32
      %scan3A_185 = arith.constant 1 : i32
      %scan3A_186 = scf.for %scan3A_219 = %scan3A_182 to %scan3A_184 step %scan3A_185 iter_args(%scan3A_220 = %scan3A_181) -> (i32)  : i32 {
        %get3A = arith.index_cast %scan3A_219 : i32 to index
        %get3A_221 = arith.constant 0 : index
        %get3A_222 = tpu.vector_load %arg10[%get3A, %get3A_221] {strides = array<i32>} : memref<80x128xf32, #tpu.memory_space<vmem>>, vector<1x16xf32>,
        %get3A_223 = vector.shape_cast %get3A_222 : vector<1x16xf32> to vector<16xf32>
        %get3A_224 = arith.index_cast %scan3A_219 : i32 to index
        %get3A_225 = arith.constant 0 : index
        %get3A_226 = tpu.vector_load %arg11[%get3A_224, %get3A_225] {strides = array<i32>} : memref<80x128xf32, #tpu.memory_space<vmem>>, vector<1x16xf32>,
        %get3A_227 = vector.shape_cast %get3A_226 : vector<1x16xf32> to vector<16xf32>
        %add3A_228 = arith.addf %get3A_223, %get3A_227 : vector<16xf32>
        %max3A = arith.constant 0.000000e+00 : f32
        %max3A_229 = vector.broadcast %max3A : f32 to vector<16xf32>
        %max3A_230 = arith.maximumf %add3A_228, %max3A_229 : vector<16xf32>
        %swap3A = arith.index_cast %scan3A_219 : i32 to index
        %swap3A_231 = arith.constant 0 : index
        %swap3A_232 = tpu.vector_load %arg11[%swap3A, %swap3A_231] {strides = array<i32>} : memref<80x128xf32, #tpu.memory_space<vmem>>, vector<1x16xf32>,
        %swap3A_233 = vector.shape_cast %swap3A_232 : vector<1x16xf32> to vector<16xf32>
        %swap3A_234 = vector.shape_cast %max3A_230 : vector<16xf32> to vector<1x16xf32>
        tpu.vector_store %arg11[%swap3A, %swap3A_231], %swap3A_234 {strides = array<i32>} : memref<80x128xf32, #tpu.memory_space<vmem>>, vector<1x16xf32>,
        %get3A_235 = arith.index_cast %scan3A_219 : i32 to index
        %get3A_236 = arith.constant 16 : index
        %get3A_237 = tpu.vector_load %arg10[%get3A_235, %get3A_236] {strides = array<i32>} : memref<80x128xf32, #tpu.memory_space<vmem>>, vector<1x16xf32>,
        %get3A_238 = vector.shape_cast %get3A_237 : vector<1x16xf32> to vector<16xf32>
        %get3A_239 = arith.index_cast %scan3A_219 : i32 to index
        %get3A_240 = arith.constant 16 : index
        %get3A_241 = tpu.vector_load %arg11[%get3A_239, %get3A_240] {strides = array<i32>} : memref<80x128xf32, #tpu.memory_space<vmem>>, vector<1x16xf32>,
        %get3A_242 = vector.shape_cast %get3A_241 : vector<1x16xf32> to vector<16xf32>
        %add3A_243 = arith.addf %get3A_238, %get3A_242 : vector<16xf32>
        %max3A_244 = arith.constant 0.000000e+00 : f32
        %max3A_245 = vector.broadcast %max3A_244 : f32 to vector<16xf32>
        %max3A_246 = arith.maximumf %add3A_243, %max3A_245 : vector<16xf32>
        %swap3A_247 = arith.index_cast %scan3A_219 : i32 to index
        %swap3A_248 = arith.constant 16 : index
        %swap3A_249 = tpu.vector_load %arg11[%swap3A_247, %swap3A_248] {strides = array<i32>} : memref<80x128xf32, #tpu.memory_space<vmem>>, vector<1x16xf32>,
        %swap3A_250 = vector.shape_cast %swap3A_249 : vector<1x16xf32> to vector<16xf32>
        %swap3A_251 = vector.shape_cast %max3A_246 : vector<16xf32> to vector<1x16xf32>
        tpu.vector_store %arg11[%swap3A_247, %swap3A_248], %swap3A_251 {strides = array<i32>} : memref<80x128xf32, #tpu.memory_space<vmem>>, vector<1x16xf32>,
        %get3A_252 = arith.index_cast %scan3A_219 : i32 to index
        %get3A_253 = arith.constant 32 : index
        %get3A_254 = tpu.vector_load %arg10[%get3A_252, %get3A_253] {strides = array<i32>} : memref<80x128xf32, #tpu.memory_space<vmem>>, vector<1x16xf32>,
        %get3A_255 = vector.shape_cast %get3A_254 : vector<1x16xf32> to vector<16xf32>
        %get3A_256 = arith.index_cast %scan3A_219 : i32 to index
        %get3A_257 = arith.constant 32 : index
        %get3A_258 = tpu.vector_load %arg11[%get3A_256, %get3A_257] {strides = array<i32>} : memref<80x128xf32, #tpu.memory_space<vmem>>, vector<1x16xf32>,
        %get3A_259 = vector.shape_cast %get3A_258 : vector<1x16xf32> to vector<16xf32>
        %add3A_260 = arith.addf %get3A_255, %get3A_259 : vector<16xf32>
        %max3A_261 = arith.constant 0.000000e+00 : f32
        %max3A_262 = vector.broadcast %max3A_261 : f32 to vector<16xf32>
        %max3A_263 = arith.maximumf %add3A_260, %max3A_262 : vector<16xf32>
        %swap3A_264 = arith.index_cast %scan3A_219 : i32 to index
        %swap3A_265 = arith.constant 32 : index
        %swap3A_266 = tpu.vector_load %arg11[%swap3A_264, %swap3A_265] {strides = array<i32>} : memref<80x128xf32, #tpu.memory_space<vmem>>, vector<1x16xf32>,
        %swap3A_267 = vector.shape_cast %swap3A_266 : vector<1x16xf32> to vector<16xf32>
        %swap3A_268 = vector.shape_cast %max3A_263 : vector<16xf32> to vector<1x16xf32>
        tpu.vector_store %arg11[%swap3A_264, %swap3A_265], %swap3A_268 {strides = array<i32>} : memref<80x128xf32, #tpu.memory_space<vmem>>, vector<1x16xf32>,
        %get3A_269 = arith.index_cast %scan3A_219 : i32 to index
        %get3A_270 = arith.constant 48 : index
        %get3A_271 = tpu.vector_load %arg10[%get3A_269, %get3A_270] {strides = array<i32>} : memref<80x128xf32, #tpu.memory_space<vmem>>, vector<1x16xf32>,
        %get3A_272 = vector.shape_cast %get3A_271 : vector<1x16xf32> to vector<16xf32>
        %get3A_273 = arith.index_cast %scan3A_219 : i32 to index
        %get3A_274 = arith.constant 48 : index
        %get3A_275 = tpu.vector_load %arg11[%get3A_273, %get3A_274] {strides = array<i32>} : memref<80x128xf32, #tpu.memory_space<vmem>>, vector<1x16xf32>,
        %get3A_276 = vector.shape_cast %get3A_275 : vector<1x16xf32> to vector<16xf32>
        %add3A_277 = arith.addf %get3A_272, %get3A_276 : vector<16xf32>
        %max3A_278 = arith.constant 0.000000e+00 : f32
        %max3A_279 = vector.broadcast %max3A_278 : f32 to vector<16xf32>
        %max3A_280 = arith.maximumf %add3A_277, %max3A_279 : vector<16xf32>
        %swap3A_281 = arith.index_cast %scan3A_219 : i32 to index
        %swap3A_282 = arith.constant 48 : index
        %swap3A_283 = tpu.vector_load %arg11[%swap3A_281, %swap3A_282] {strides = array<i32>} : memref<80x128xf32, #tpu.memory_space<vmem>>, vector<1x16xf32>,
        %swap3A_284 = vector.shape_cast %swap3A_283 : vector<1x16xf32> to vector<16xf32>
        %swap3A_285 = vector.shape_cast %max3A_280 : vector<16xf32> to vector<1x16xf32>
        tpu.vector_store %arg11[%swap3A_281, %swap3A_282], %swap3A_285 {strides = array<i32>} : memref<80x128xf32, #tpu.memory_space<vmem>>, vector<1x16xf32>,
        %get3A_286 = arith.index_cast %scan3A_219 : i32 to index
        %get3A_287 = arith.constant 64 : index
        %get3A_288 = tpu.vector_load %arg10[%get3A_286, %get3A_287] {strides = array<i32>} : memref<80x128xf32, #tpu.memory_space<vmem>>, vector<1x16xf32>,
        %get3A_289 = vector.shape_cast %get3A_288 : vector<1x16xf32> to vector<16xf32>
        %get3A_290 = arith.index_cast %scan3A_219 : i32 to index
        %get3A_291 = arith.constant 64 : index
        %get3A_292 = tpu.vector_load %arg11[%get3A_290, %get3A_291] {strides = array<i32>} : memref<80x128xf32, #tpu.memory_space<vmem>>, vector<1x16xf32>,
        %get3A_293 = vector.shape_cast %get3A_292 : vector<1x16xf32> to vector<16xf32>
        %add3A_294 = arith.addf %get3A_289, %get3A_293 : vector<16xf32>
        %max3A_295 = arith.constant 0.000000e+00 : f32
        %max3A_296 = vector.broadcast %max3A_295 : f32 to vector<16xf32>
        %max3A_297 = arith.maximumf %add3A_294, %max3A_296 : vector<16xf32>
        %swap3A_298 = arith.index_cast %scan3A_219 : i32 to index
        %swap3A_299 = arith.constant 64 : index
        %swap3A_300 = tpu.vector_load %arg11[%swap3A_298, %swap3A_299] {strides = array<i32>} : memref<80x128xf32, #tpu.memory_space<vmem>>, vector<1x16xf32>,
        %swap3A_301 = vector.shape_cast %swap3A_300 : vector<1x16xf32> to vector<16xf32>
        %swap3A_302 = vector.shape_cast %max3A_297 : vector<16xf32> to vector<1x16xf32>
        tpu.vector_store %arg11[%swap3A_298, %swap3A_299], %swap3A_302 {strides = array<i32>} : memref<80x128xf32, #tpu.memory_space<vmem>>, vector<1x16xf32>,
        %get3A_303 = arith.index_cast %scan3A_219 : i32 to index
        %get3A_304 = arith.constant 80 : index
        %get3A_305 = tpu.vector_load %arg10[%get3A_303, %get3A_304] {strides = array<i32>} : memref<80x128xf32, #tpu.memory_space<vmem>>, vector<1x16xf32>,
        %get3A_306 = vector.shape_cast %get3A_305 : vector<1x16xf32> to vector<16xf32>
        %get3A_307 = arith.index_cast %scan3A_219 : i32 to index
        %get3A_308 = arith.constant 80 : index
        %get3A_309 = tpu.vector_load %arg11[%get3A_307, %get3A_308] {strides = array<i32>} : memref<80x128xf32, #tpu.memory_space<vmem>>, vector<1x16xf32>,
        %get3A_310 = vector.shape_cast %get3A_309 : vector<1x16xf32> to vector<16xf32>
        %add3A_311 = arith.addf %get3A_306, %get3A_310 : vector<16xf32>
        %max3A_312 = arith.constant 0.000000e+00 : f32
        %max3A_313 = vector.broadcast %max3A_312 : f32 to vector<16xf32>
        %max3A_314 = arith.maximumf %add3A_311, %max3A_313 : vector<16xf32>
        %swap3A_315 = arith.index_cast %scan3A_219 : i32 to index
        %swap3A_316 = arith.constant 80 : index
        %swap3A_317 = tpu.vector_load %arg11[%swap3A_315, %swap3A_316] {strides = array<i32>} : memref<80x128xf32, #tpu.memory_space<vmem>>, vector<1x16xf32>,
        %swap3A_318 = vector.shape_cast %swap3A_317 : vector<1x16xf32> to vector<16xf32>
        %swap3A_319 = vector.shape_cast %max3A_314 : vector<16xf32> to vector<1x16xf32>
        tpu.vector_store %arg11[%swap3A_315, %swap3A_316], %swap3A_319 {strides = array<i32>} : memref<80x128xf32, #tpu.memory_space<vmem>>, vector<1x16xf32>,
        %get3A_320 = arith.index_cast %scan3A_219 : i32 to index
        %get3A_321 = arith.constant 96 : index
        %get3A_322 = tpu.vector_load %arg10[%get3A_320, %get3A_321] {strides = array<i32>} : memref<80x128xf32, #tpu.memory_space<vmem>>, vector<1x16xf32>,
        %get3A_323 = vector.shape_cast %get3A_322 : vector<1x16xf32> to vector<16xf32>
        %get3A_324 = arith.index_cast %scan3A_219 : i32 to index
        %get3A_325 = arith.constant 96 : index
        %get3A_326 = tpu.vector_load %arg11[%get3A_324, %get3A_325] {strides = array<i32>} : memref<80x128xf32, #tpu.memory_space<vmem>>, vector<1x16xf32>,
        %get3A_327 = vector.shape_cast %get3A_326 : vector<1x16xf32> to vector<16xf32>
        %add3A_328 = arith.addf %get3A_323, %get3A_327 : vector<16xf32>
        %max3A_329 = arith.constant 0.000000e+00 : f32
        %max3A_330 = vector.broadcast %max3A_329 : f32 to vector<16xf32>
        %max3A_331 = arith.maximumf %add3A_328, %max3A_330 : vector<16xf32>
        %swap3A_332 = arith.index_cast %scan3A_219 : i32 to index
        %swap3A_333 = arith.constant 96 : index
        %swap3A_334 = tpu.vector_load %arg11[%swap3A_332, %swap3A_333] {strides = array<i32>} : memref<80x128xf32, #tpu.memory_space<vmem>>, vector<1x16xf32>,
        %swap3A_335 = vector.shape_cast %swap3A_334 : vector<1x16xf32> to vector<16xf32>
        %swap3A_336 = vector.shape_cast %max3A_331 : vector<16xf32> to vector<1x16xf32>
        tpu.vector_store %arg11[%swap3A_332, %swap3A_333], %swap3A_336 {strides = array<i32>} : memref<80x128xf32, #tpu.memory_space<vmem>>, vector<1x16xf32>,
        %get3A_337 = arith.index_cast %scan3A_219 : i32 to index
        %get3A_338 = arith.constant 112 : index
        %get3A_339 = tpu.vector_load %arg10[%get3A_337, %get3A_338] {strides = array<i32>} : memref<80x128xf32, #tpu.memory_space<vmem>>, vector<1x16xf32>,
        %get3A_340 = vector.shape_cast %get3A_339 : vector<1x16xf32> to vector<16xf32>
        %get3A_341 = arith.index_cast %scan3A_219 : i32 to index
        %get3A_342 = arith.constant 112 : index
        %get3A_343 = tpu.vector_load %arg11[%get3A_341, %get3A_342] {strides = array<i32>} : memref<80x128xf32, #tpu.memory_space<vmem>>, vector<1x16xf32>,
        %get3A_344 = vector.shape_cast %get3A_343 : vector<1x16xf32> to vector<16xf32>
        %add3A_345 = arith.addf %get3A_340, %get3A_344 : vector<16xf32>
        %max3A_346 = arith.constant 0.000000e+00 : f32
        %max3A_347 = vector.broadcast %max3A_346 : f32 to vector<16xf32>
        %max3A_348 = arith.maximumf %add3A_345, %max3A_347 : vector<16xf32>
        %swap3A_349 = arith.index_cast %scan3A_219 : i32 to index
        %swap3A_350 = arith.constant 112 : index
        %swap3A_351 = tpu.vector_load %arg11[%swap3A_349, %swap3A_350] {strides = array<i32>} : memref<80x128xf32, #tpu.memory_space<vmem>>, vector<1x16xf32>,
        %swap3A_352 = vector.shape_cast %swap3A_351 : vector<1x16xf32> to vector<16xf32>
        %swap3A_353 = vector.shape_cast %max3A_348 : vector<16xf32> to vector<1x16xf32>
        tpu.vector_store %arg11[%swap3A_349, %swap3A_350], %swap3A_353 {strides = array<i32>} : memref<80x128xf32, #tpu.memory_space<vmem>>, vector<1x16xf32>,
        %scan3A_354 = arith.constant 0 : i32
        scf.yield %scan3A_354 : i32
      }
      %scan3A_187 = arith.constant 80 : i32
      %add3A_188 = arith.constant 1 : i32
      %add3A_189 = arith.addi %scan3A_168, %add3A_188 : i32
      %lt3A = arith.constant 25 : i32
      %lt3A_190 = arith.cmpi slt, %add3A_189, %lt3A : i32
      %convert_element_type3A = arith.extui %lt3A_190 : i1 to i32
      %cond3A = arith.constant 0 : i32
      %cond3A_191 = arith.cmpi ne, %convert_element_type3A, %cond3A : i32
      scf.if %cond3A_191 {
        %add3A_219 = arith.constant 1 : i32
        %add3A_220 = arith.addi %scan3A_168, %add3A_219 : i32
        %dma_start3A_221 = arith.constant 0 : i32
        %dma_start3A_222 = tpu.memref_slice %arg9[%add3A_220, %dma_start3A_221] : memref<25x80xi32, #tpu.memory_space<vmem>> -> memref<1x80xi32, #tpu.memory_space<vmem>>
        %dma_start3A_223 = tpu.memref_squeeze %dma_start3A_222 : memref<1x80xi32, #tpu.memory_space<vmem>> -> memref<80xi32, #tpu.memory_space<vmem>>
        %dma_start3A_224 = arith.constant 0 : i32
        %dma_start3A_225 = arith.constant 0 : i32
        %dma_start3A_226 = tpu.memref_slice %arg2[%dma_start3A_224, %dma_start3A_225] : memref<10000x128xf32, #tpu.memory_space<hbm>> -> memref<10000x128xf32, #tpu.memory_space<hbm>>
        tpu.enqueue_indirect_dma source(%dma_start3A_226 : memref<10000x128xf32, #tpu.memory_space<hbm>>) target(%arg10 : memref<80x128xf32, #tpu.memory_space<vmem>>) offsets(%dma_start3A_223 : memref<80xi32, #tpu.memory_space<vmem>>) semaphore(%arg14 : memref<!tpu.dma_semaphore, #tpu.memory_space<semaphore_mem>>)
      } else {
      }
      %dma_start3A_192 = arith.constant 0 : i32
      %dma_start3A_193 = tpu.memref_slice %arg9[%scan3A_168, %dma_start3A_192] : memref<25x80xi32, #tpu.memory_space<vmem>> -> memref<1x80xi32, #tpu.memory_space<vmem>>
      %dma_start3A_194 = tpu.memref_squeeze %dma_start3A_193 : memref<1x80xi32, #tpu.memory_space<vmem>> -> memref<80xi32, #tpu.memory_space<vmem>>
      %dma_start3A_195 = arith.constant 0 : i32
      %dma_start3A_196 = arith.constant 0 : i32
      %dma_start3A_197 = tpu.memref_slice %arg13[%dma_start3A_195, %dma_start3A_196] : memref<10240x128xf32, #tpu.memory_space<vmem_shared>> -> memref<10240x128xf32, #tpu.memory_space<vmem_shared>>
      tpu.enqueue_indirect_dma source(%arg11 : memref<80x128xf32, #tpu.memory_space<vmem>>) target(%dma_start3A_197 : memref<10240x128xf32, #tpu.memory_space<vmem_shared>>) offsets(%dma_start3A_194 : memref<80xi32, #tpu.memory_space<vmem>>) semaphore(%arg16 : memref<!tpu.dma_semaphore, #tpu.memory_space<semaphore_mem>>) {add = true}
      %scan3A_198 = arith.constant 0 : i32
      %scan3A_199 = arith.constant 0 : i32
      %scan3A_200 = arith.constant 5 : i32
      %scan3A_201 = arith.addi %scan3A_199, %scan3A_200 : i32
      %scan3A_202 = arith.constant 1 : i32
      %scan3A_203 = scf.for %scan3A_219 = %scan3A_199 to %scan3A_201 step %scan3A_202 iter_args(%scan3A_220 = %scan3A_198) -> (i32)  : i32 {
        %mul3A_221 = arith.constant 16 : i32
        %mul3A_222 = arith.muli %scan3A_219, %mul3A_221 : i32
        %get3A = arith.index_cast %scan3A_168 : i32 to index
        %get3A_223 = arith.index_cast %mul3A_222 : i32 to index
        %get3A_224 = tpu.vector_load %arg9[%get3A, %get3A_223] {strides = array<i32>} : memref<25x80xi32, #tpu.memory_space<vmem>>, vector<1x16xi32>,
        %get3A_225 = vector.shape_cast %get3A_224 : vector<1x16xi32> to vector<16xi32>
        %slice3A = vector.extract_strided_slice %get3A_225 {offsets = [0], sizes = [1], strides = [1]} : vector<16xi32> to vector<1xi32>
        %squeeze3A = vector.extract %slice3A[0] : i32 from vector<1xi32>
        %get3A_226 = arith.index_cast %squeeze3A : i32 to index
        %get3A_227 = tpu.vector_load %arg12[%get3A_226] {strides = array<i32>} : memref<10240xf32, #tpu.memory_space<vmem>>, vector<16xf32>,
        %get3A_228 = vector.shape_cast %get3A_227 : vector<16xf32> to vector<16xf32>
        %add3A_229 = arith.addf %get3A_228, %select_n3A : vector<16xf32>
        %swap3A = arith.index_cast %squeeze3A : i32 to index
        %swap3A_230 = tpu.vector_load %arg12[%swap3A] {strides = array<i32>} : memref<10240xf32, #tpu.memory_space<vmem>>, vector<16xf32>,
        %swap3A_231 = vector.shape_cast %swap3A_230 : vector<16xf32> to vector<16xf32>
        %swap3A_232 = vector.shape_cast %add3A_229 : vector<16xf32> to vector<16xf32>
        tpu.vector_store %arg12[%swap3A], %swap3A_232 {strides = array<i32>} : memref<10240xf32, #tpu.memory_space<vmem>>, vector<16xf32>,
        %slice3A_233 = vector.extract_strided_slice %get3A_225 {offsets = [1], sizes = [1], strides = [1]} : vector<16xi32> to vector<1xi32>
        %squeeze3A_234 = vector.extract %slice3A_233[0] : i32 from vector<1xi32>
        %get3A_235 = arith.index_cast %squeeze3A_234 : i32 to index
        %get3A_236 = tpu.vector_load %arg12[%get3A_235] {strides = array<i32>} : memref<10240xf32, #tpu.memory_space<vmem>>, vector<16xf32>,
        %get3A_237 = vector.shape_cast %get3A_236 : vector<16xf32> to vector<16xf32>
        %add3A_238 = arith.addf %get3A_237, %select_n3A : vector<16xf32>
        %swap3A_239 = arith.index_cast %squeeze3A_234 : i32 to index
        %swap3A_240 = tpu.vector_load %arg12[%swap3A_239] {strides = array<i32>} : memref<10240xf32, #tpu.memory_space<vmem>>, vector<16xf32>,
        %swap3A_241 = vector.shape_cast %swap3A_240 : vector<16xf32> to vector<16xf32>
        %swap3A_242 = vector.shape_cast %add3A_238 : vector<16xf32> to vector<16xf32>
        tpu.vector_store %arg12[%swap3A_239], %swap3A_242 {strides = array<i32>} : memref<10240xf32, #tpu.memory_space<vmem>>, vector<16xf32>,
        %slice3A_243 = vector.extract_strided_slice %get3A_225 {offsets = [2], sizes = [1], strides = [1]} : vector<16xi32> to vector<1xi32>
        %squeeze3A_244 = vector.extract %slice3A_243[0] : i32 from vector<1xi32>
        %get3A_245 = arith.index_cast %squeeze3A_244 : i32 to index
        %get3A_246 = tpu.vector_load %arg12[%get3A_245] {strides = array<i32>} : memref<10240xf32, #tpu.memory_space<vmem>>, vector<16xf32>,
        %get3A_247 = vector.shape_cast %get3A_246 : vector<16xf32> to vector<16xf32>
        %add3A_248 = arith.addf %get3A_247, %select_n3A : vector<16xf32>
        %swap3A_249 = arith.index_cast %squeeze3A_244 : i32 to index
        %swap3A_250 = tpu.vector_load %arg12[%swap3A_249] {strides = array<i32>} : memref<10240xf32, #tpu.memory_space<vmem>>, vector<16xf32>,
        %swap3A_251 = vector.shape_cast %swap3A_250 : vector<16xf32> to vector<16xf32>
        %swap3A_252 = vector.shape_cast %add3A_248 : vector<16xf32> to vector<16xf32>
        tpu.vector_store %arg12[%swap3A_249], %swap3A_252 {strides = array<i32>} : memref<10240xf32, #tpu.memory_space<vmem>>, vector<16xf32>,
        %slice3A_253 = vector.extract_strided_slice %get3A_225 {offsets = [3], sizes = [1], strides = [1]} : vector<16xi32> to vector<1xi32>
        %squeeze3A_254 = vector.extract %slice3A_253[0] : i32 from vector<1xi32>
        %get3A_255 = arith.index_cast %squeeze3A_254 : i32 to index
        %get3A_256 = tpu.vector_load %arg12[%get3A_255] {strides = array<i32>} : memref<10240xf32, #tpu.memory_space<vmem>>, vector<16xf32>,
        %get3A_257 = vector.shape_cast %get3A_256 : vector<16xf32> to vector<16xf32>
        %add3A_258 = arith.addf %get3A_257, %select_n3A : vector<16xf32>
        %swap3A_259 = arith.index_cast %squeeze3A_254 : i32 to index
        %swap3A_260 = tpu.vector_load %arg12[%swap3A_259] {strides = array<i32>} : memref<10240xf32, #tpu.memory_space<vmem>>, vector<16xf32>,
        %swap3A_261 = vector.shape_cast %swap3A_260 : vector<16xf32> to vector<16xf32>
        %swap3A_262 = vector.shape_cast %add3A_258 : vector<16xf32> to vector<16xf32>
        tpu.vector_store %arg12[%swap3A_259], %swap3A_262 {strides = array<i32>} : memref<10240xf32, #tpu.memory_space<vmem>>, vector<16xf32>,
        %slice3A_263 = vector.extract_strided_slice %get3A_225 {offsets = [4], sizes = [1], strides = [1]} : vector<16xi32> to vector<1xi32>
        %squeeze3A_264 = vector.extract %slice3A_263[0] : i32 from vector<1xi32>
        %get3A_265 = arith.index_cast %squeeze3A_264 : i32 to index
        %get3A_266 = tpu.vector_load %arg12[%get3A_265] {strides = array<i32>} : memref<10240xf32, #tpu.memory_space<vmem>>, vector<16xf32>,
        %get3A_267 = vector.shape_cast %get3A_266 : vector<16xf32> to vector<16xf32>
        %add3A_268 = arith.addf %get3A_267, %select_n3A : vector<16xf32>
        %swap3A_269 = arith.index_cast %squeeze3A_264 : i32 to index
        %swap3A_270 = tpu.vector_load %arg12[%swap3A_269] {strides = array<i32>} : memref<10240xf32, #tpu.memory_space<vmem>>, vector<16xf32>,
        %swap3A_271 = vector.shape_cast %swap3A_270 : vector<16xf32> to vector<16xf32>
        %swap3A_272 = vector.shape_cast %add3A_268 : vector<16xf32> to vector<16xf32>
        tpu.vector_store %arg12[%swap3A_269], %swap3A_272 {strides = array<i32>} : memref<10240xf32, #tpu.memory_space<vmem>>, vector<16xf32>,
        %slice3A_273 = vector.extract_strided_slice %get3A_225 {offsets = [5], sizes = [1], strides = [1]} : vector<16xi32> to vector<1xi32>
        %squeeze3A_274 = vector.extract %slice3A_273[0] : i32 from vector<1xi32>
        %get3A_275 = arith.index_cast %squeeze3A_274 : i32 to index
        %get3A_276 = tpu.vector_load %arg12[%get3A_275] {strides = array<i32>} : memref<10240xf32, #tpu.memory_space<vmem>>, vector<16xf32>,
        %get3A_277 = vector.shape_cast %get3A_276 : vector<16xf32> to vector<16xf32>
        %add3A_278 = arith.addf %get3A_277, %select_n3A : vector<16xf32>
        %swap3A_279 = arith.index_cast %squeeze3A_274 : i32 to index
        %swap3A_280 = tpu.vector_load %arg12[%swap3A_279] {strides = array<i32>} : memref<10240xf32, #tpu.memory_space<vmem>>, vector<16xf32>,
        %swap3A_281 = vector.shape_cast %swap3A_280 : vector<16xf32> to vector<16xf32>
        %swap3A_282 = vector.shape_cast %add3A_278 : vector<16xf32> to vector<16xf32>
        tpu.vector_store %arg12[%swap3A_279], %swap3A_282 {strides = array<i32>} : memref<10240xf32, #tpu.memory_space<vmem>>, vector<16xf32>,
        %slice3A_283 = vector.extract_strided_slice %get3A_225 {offsets = [6], sizes = [1], strides = [1]} : vector<16xi32> to vector<1xi32>
        %squeeze3A_284 = vector.extract %slice3A_283[0] : i32 from vector<1xi32>
        %get3A_285 = arith.index_cast %squeeze3A_284 : i32 to index
        %get3A_286 = tpu.vector_load %arg12[%get3A_285] {strides = array<i32>} : memref<10240xf32, #tpu.memory_space<vmem>>, vector<16xf32>,
        %get3A_287 = vector.shape_cast %get3A_286 : vector<16xf32> to vector<16xf32>
        %add3A_288 = arith.addf %get3A_287, %select_n3A : vector<16xf32>
        %swap3A_289 = arith.index_cast %squeeze3A_284 : i32 to index
        %swap3A_290 = tpu.vector_load %arg12[%swap3A_289] {strides = array<i32>} : memref<10240xf32, #tpu.memory_space<vmem>>, vector<16xf32>,
        %swap3A_291 = vector.shape_cast %swap3A_290 : vector<16xf32> to vector<16xf32>
        %swap3A_292 = vector.shape_cast %add3A_288 : vector<16xf32> to vector<16xf32>
        tpu.vector_store %arg12[%swap3A_289], %swap3A_292 {strides = array<i32>} : memref<10240xf32, #tpu.memory_space<vmem>>, vector<16xf32>,
        %slice3A_293 = vector.extract_strided_slice %get3A_225 {offsets = [7], sizes = [1], strides = [1]} : vector<16xi32> to vector<1xi32>
        %squeeze3A_294 = vector.extract %slice3A_293[0] : i32 from vector<1xi32>
        %get3A_295 = arith.index_cast %squeeze3A_294 : i32 to index
        %get3A_296 = tpu.vector_load %arg12[%get3A_295] {strides = array<i32>} : memref<10240xf32, #tpu.memory_space<vmem>>, vector<16xf32>,
        %get3A_297 = vector.shape_cast %get3A_296 : vector<16xf32> to vector<16xf32>
        %add3A_298 = arith.addf %get3A_297, %select_n3A : vector<16xf32>
        %swap3A_299 = arith.index_cast %squeeze3A_294 : i32 to index
        %swap3A_300 = tpu.vector_load %arg12[%swap3A_299] {strides = array<i32>} : memref<10240xf32, #tpu.memory_space<vmem>>, vector<16xf32>,
        %swap3A_301 = vector.shape_cast %swap3A_300 : vector<16xf32> to vector<16xf32>
        %swap3A_302 = vector.shape_cast %add3A_298 : vector<16xf32> to vector<16xf32>
        tpu.vector_store %arg12[%swap3A_299], %swap3A_302 {strides = array<i32>} : memref<10240xf32, #tpu.memory_space<vmem>>, vector<16xf32>,
        %slice3A_303 = vector.extract_strided_slice %get3A_225 {offsets = [8], sizes = [1], strides = [1]} : vector<16xi32> to vector<1xi32>
        %squeeze3A_304 = vector.extract %slice3A_303[0] : i32 from vector<1xi32>
        %get3A_305 = arith.index_cast %squeeze3A_304 : i32 to index
        %get3A_306 = tpu.vector_load %arg12[%get3A_305] {strides = array<i32>} : memref<10240xf32, #tpu.memory_space<vmem>>, vector<16xf32>,
        %get3A_307 = vector.shape_cast %get3A_306 : vector<16xf32> to vector<16xf32>
        %add3A_308 = arith.addf %get3A_307, %select_n3A : vector<16xf32>
        %swap3A_309 = arith.index_cast %squeeze3A_304 : i32 to index
        %swap3A_310 = tpu.vector_load %arg12[%swap3A_309] {strides = array<i32>} : memref<10240xf32, #tpu.memory_space<vmem>>, vector<16xf32>,
        %swap3A_311 = vector.shape_cast %swap3A_310 : vector<16xf32> to vector<16xf32>
        %swap3A_312 = vector.shape_cast %add3A_308 : vector<16xf32> to vector<16xf32>
        tpu.vector_store %arg12[%swap3A_309], %swap3A_312 {strides = array<i32>} : memref<10240xf32, #tpu.memory_space<vmem>>, vector<16xf32>,
        %slice3A_313 = vector.extract_strided_slice %get3A_225 {offsets = [9], sizes = [1], strides = [1]} : vector<16xi32> to vector<1xi32>
        %squeeze3A_314 = vector.extract %slice3A_313[0] : i32 from vector<1xi32>
        %get3A_315 = arith.index_cast %squeeze3A_314 : i32 to index
        %get3A_316 = tpu.vector_load %arg12[%get3A_315] {strides = array<i32>} : memref<10240xf32, #tpu.memory_space<vmem>>, vector<16xf32>,
        %get3A_317 = vector.shape_cast %get3A_316 : vector<16xf32> to vector<16xf32>
        %add3A_318 = arith.addf %get3A_317, %select_n3A : vector<16xf32>
        %swap3A_319 = arith.index_cast %squeeze3A_314 : i32 to index
        %swap3A_320 = tpu.vector_load %arg12[%swap3A_319] {strides = array<i32>} : memref<10240xf32, #tpu.memory_space<vmem>>, vector<16xf32>,
        %swap3A_321 = vector.shape_cast %swap3A_320 : vector<16xf32> to vector<16xf32>
        %swap3A_322 = vector.shape_cast %add3A_318 : vector<16xf32> to vector<16xf32>
        tpu.vector_store %arg12[%swap3A_319], %swap3A_322 {strides = array<i32>} : memref<10240xf32, #tpu.memory_space<vmem>>, vector<16xf32>,
        %slice3A_323 = vector.extract_strided_slice %get3A_225 {offsets = [10], sizes = [1], strides = [1]} : vector<16xi32> to vector<1xi32>
        %squeeze3A_324 = vector.extract %slice3A_323[0] : i32 from vector<1xi32>
        %get3A_325 = arith.index_cast %squeeze3A_324 : i32 to index
        %get3A_326 = tpu.vector_load %arg12[%get3A_325] {strides = array<i32>} : memref<10240xf32, #tpu.memory_space<vmem>>, vector<16xf32>,
        %get3A_327 = vector.shape_cast %get3A_326 : vector<16xf32> to vector<16xf32>
        %add3A_328 = arith.addf %get3A_327, %select_n3A : vector<16xf32>
        %swap3A_329 = arith.index_cast %squeeze3A_324 : i32 to index
        %swap3A_330 = tpu.vector_load %arg12[%swap3A_329] {strides = array<i32>} : memref<10240xf32, #tpu.memory_space<vmem>>, vector<16xf32>,
        %swap3A_331 = vector.shape_cast %swap3A_330 : vector<16xf32> to vector<16xf32>
        %swap3A_332 = vector.shape_cast %add3A_328 : vector<16xf32> to vector<16xf32>
        tpu.vector_store %arg12[%swap3A_329], %swap3A_332 {strides = array<i32>} : memref<10240xf32, #tpu.memory_space<vmem>>, vector<16xf32>,
        %slice3A_333 = vector.extract_strided_slice %get3A_225 {offsets = [11], sizes = [1], strides = [1]} : vector<16xi32> to vector<1xi32>
        %squeeze3A_334 = vector.extract %slice3A_333[0] : i32 from vector<1xi32>
        %get3A_335 = arith.index_cast %squeeze3A_334 : i32 to index
        %get3A_336 = tpu.vector_load %arg12[%get3A_335] {strides = array<i32>} : memref<10240xf32, #tpu.memory_space<vmem>>, vector<16xf32>,
        %get3A_337 = vector.shape_cast %get3A_336 : vector<16xf32> to vector<16xf32>
        %add3A_338 = arith.addf %get3A_337, %select_n3A : vector<16xf32>
        %swap3A_339 = arith.index_cast %squeeze3A_334 : i32 to index
        %swap3A_340 = tpu.vector_load %arg12[%swap3A_339] {strides = array<i32>} : memref<10240xf32, #tpu.memory_space<vmem>>, vector<16xf32>,
        %swap3A_341 = vector.shape_cast %swap3A_340 : vector<16xf32> to vector<16xf32>
        %swap3A_342 = vector.shape_cast %add3A_338 : vector<16xf32> to vector<16xf32>
        tpu.vector_store %arg12[%swap3A_339], %swap3A_342 {strides = array<i32>} : memref<10240xf32, #tpu.memory_space<vmem>>, vector<16xf32>,
        %slice3A_343 = vector.extract_strided_slice %get3A_225 {offsets = [12], sizes = [1], strides = [1]} : vector<16xi32> to vector<1xi32>
        %squeeze3A_344 = vector.extract %slice3A_343[0] : i32 from vector<1xi32>
        %get3A_345 = arith.index_cast %squeeze3A_344 : i32 to index
        %get3A_346 = tpu.vector_load %arg12[%get3A_345] {strides = array<i32>} : memref<10240xf32, #tpu.memory_space<vmem>>, vector<16xf32>,
        %get3A_347 = vector.shape_cast %get3A_346 : vector<16xf32> to vector<16xf32>
        %add3A_348 = arith.addf %get3A_347, %select_n3A : vector<16xf32>
        %swap3A_349 = arith.index_cast %squeeze3A_344 : i32 to index
        %swap3A_350 = tpu.vector_load %arg12[%swap3A_349] {strides = array<i32>} : memref<10240xf32, #tpu.memory_space<vmem>>, vector<16xf32>,
        %swap3A_351 = vector.shape_cast %swap3A_350 : vector<16xf32> to vector<16xf32>
        %swap3A_352 = vector.shape_cast %add3A_348 : vector<16xf32> to vector<16xf32>
        tpu.vector_store %arg12[%swap3A_349], %swap3A_352 {strides = array<i32>} : memref<10240xf32, #tpu.memory_space<vmem>>, vector<16xf32>,
        %slice3A_353 = vector.extract_strided_slice %get3A_225 {offsets = [13], sizes = [1], strides = [1]} : vector<16xi32> to vector<1xi32>
        %squeeze3A_354 = vector.extract %slice3A_353[0] : i32 from vector<1xi32>
        %get3A_355 = arith.index_cast %squeeze3A_354 : i32 to index
        %get3A_356 = tpu.vector_load %arg12[%get3A_355] {strides = array<i32>} : memref<10240xf32, #tpu.memory_space<vmem>>, vector<16xf32>,
        %get3A_357 = vector.shape_cast %get3A_356 : vector<16xf32> to vector<16xf32>
        %add3A_358 = arith.addf %get3A_357, %select_n3A : vector<16xf32>
        %swap3A_359 = arith.index_cast %squeeze3A_354 : i32 to index
        %swap3A_360 = tpu.vector_load %arg12[%swap3A_359] {strides = array<i32>} : memref<10240xf32, #tpu.memory_space<vmem>>, vector<16xf32>,
        %swap3A_361 = vector.shape_cast %swap3A_360 : vector<16xf32> to vector<16xf32>
        %swap3A_362 = vector.shape_cast %add3A_358 : vector<16xf32> to vector<16xf32>
        tpu.vector_store %arg12[%swap3A_359], %swap3A_362 {strides = array<i32>} : memref<10240xf32, #tpu.memory_space<vmem>>, vector<16xf32>,
        %slice3A_363 = vector.extract_strided_slice %get3A_225 {offsets = [14], sizes = [1], strides = [1]} : vector<16xi32> to vector<1xi32>
        %squeeze3A_364 = vector.extract %slice3A_363[0] : i32 from vector<1xi32>
        %get3A_365 = arith.index_cast %squeeze3A_364 : i32 to index
        %get3A_366 = tpu.vector_load %arg12[%get3A_365] {strides = array<i32>} : memref<10240xf32, #tpu.memory_space<vmem>>, vector<16xf32>,
        %get3A_367 = vector.shape_cast %get3A_366 : vector<16xf32> to vector<16xf32>
        %add3A_368 = arith.addf %get3A_367, %select_n3A : vector<16xf32>
        %swap3A_369 = arith.index_cast %squeeze3A_364 : i32 to index
        %swap3A_370 = tpu.vector_load %arg12[%swap3A_369] {strides = array<i32>} : memref<10240xf32, #tpu.memory_space<vmem>>, vector<16xf32>,
        %swap3A_371 = vector.shape_cast %swap3A_370 : vector<16xf32> to vector<16xf32>
        %swap3A_372 = vector.shape_cast %add3A_368 : vector<16xf32> to vector<16xf32>
        tpu.vector_store %arg12[%swap3A_369], %swap3A_372 {strides = array<i32>} : memref<10240xf32, #tpu.memory_space<vmem>>, vector<16xf32>,
        %slice3A_373 = vector.extract_strided_slice %get3A_225 {offsets = [15], sizes = [1], strides = [1]} : vector<16xi32> to vector<1xi32>
        %squeeze3A_374 = vector.extract %slice3A_373[0] : i32 from vector<1xi32>
        %get3A_375 = arith.index_cast %squeeze3A_374 : i32 to index
        %get3A_376 = tpu.vector_load %arg12[%get3A_375] {strides = array<i32>} : memref<10240xf32, #tpu.memory_space<vmem>>, vector<16xf32>,
        %get3A_377 = vector.shape_cast %get3A_376 : vector<16xf32> to vector<16xf32>
        %add3A_378 = arith.addf %get3A_377, %select_n3A : vector<16xf32>
        %swap3A_379 = arith.index_cast %squeeze3A_374 : i32 to index
        %swap3A_380 = tpu.vector_load %arg12[%swap3A_379] {strides = array<i32>} : memref<10240xf32, #tpu.memory_space<vmem>>, vector<16xf32>,
        %swap3A_381 = vector.shape_cast %swap3A_380 : vector<16xf32> to vector<16xf32>
        %swap3A_382 = vector.shape_cast %add3A_378 : vector<16xf32> to vector<16xf32>
        tpu.vector_store %arg12[%swap3A_379], %swap3A_382 {strides = array<i32>} : memref<10240xf32, #tpu.memory_space<vmem>>, vector<16xf32>,
        %scan3A_383 = arith.constant 0 : i32
        scf.yield %scan3A_383 : i32
      }
      %scan3A_204 = arith.constant 5 : i32
      %dma_wait3A_205 = arith.constant 0 : i32
      %dma_wait3A_206 = tpu.memref_slice %arg9[%scan3A_168, %dma_wait3A_205] : memref<25x80xi32, #tpu.memory_space<vmem>> -> memref<1x80xi32, #tpu.memory_space<vmem>>
      %dma_wait3A_207 = tpu.memref_squeeze %dma_wait3A_206 : memref<1x80xi32, #tpu.memory_space<vmem>> -> memref<80xi32, #tpu.memory_space<vmem>>
      %dma_wait3A_208 = arith.constant 0 : i32
      %dma_wait3A_209 = arith.constant 0 : i32
      %dma_wait3A_210 = tpu.memref_slice %arg13[%dma_wait3A_208, %dma_wait3A_209] : memref<10240x128xf32, #tpu.memory_space<vmem_shared>> -> memref<10240x128xf32, #tpu.memory_space<vmem_shared>>
      tpu.wait_indirect_dma semaphore(%arg16 : memref<!tpu.dma_semaphore, #tpu.memory_space<semaphore_mem>>) src(%arg11 : memref<80x128xf32, #tpu.memory_space<vmem>>) dst(%dma_wait3A_210 : memref<10240x128xf32, #tpu.memory_space<vmem_shared>>)
      %add3A_211 = arith.constant 1 : i32
      %add3A_212 = arith.addi %scan3A_168, %add3A_211 : i32
      %lt3A_213 = arith.constant 25 : i32
      %lt3A_214 = arith.cmpi slt, %add3A_212, %lt3A_213 : i32
      %convert_element_type3A_215 = arith.extui %lt3A_214 : i1 to i32
      %cond3A_216 = arith.constant 0 : i32
      %cond3A_217 = arith.cmpi ne, %convert_element_type3A_215, %cond3A_216 : i32
      scf.if %cond3A_217 {
        %add3A_219 = arith.constant 1 : i32
        %add3A_220 = arith.addi %scan3A_168, %add3A_219 : i32
        %dma_start3A_221 = arith.constant 0 : i32
        %dma_start3A_222 = tpu.memref_slice %arg8[%add3A_220, %dma_start3A_221] : memref<25x80xi32, #tpu.memory_space<vmem>> -> memref<1x80xi32, #tpu.memory_space<vmem>>
        %dma_start3A_223 = tpu.memref_squeeze %dma_start3A_222 : memref<1x80xi32, #tpu.memory_space<vmem>> -> memref<80xi32, #tpu.memory_space<vmem>>
        %dma_start3A_224 = arith.constant 0 : i32
        %dma_start3A_225 = arith.constant 0 : i32
        %dma_start3A_226 = tpu.memref_slice %arg3[%dma_start3A_224, %dma_start3A_225] : memref<10000x128xf32, #tpu.memory_space<hbm>> -> memref<10000x128xf32, #tpu.memory_space<hbm>>
        tpu.enqueue_indirect_dma source(%dma_start3A_226 : memref<10000x128xf32, #tpu.memory_space<hbm>>) target(%arg11 : memref<80x128xf32, #tpu.memory_space<vmem>>) offsets(%dma_start3A_223 : memref<80xi32, #tpu.memory_space<vmem>>) semaphore(%arg15 : memref<!tpu.dma_semaphore, #tpu.memory_space<semaphore_mem>>)
      } else {
      }
      %scan3A_218 = arith.constant 0 : i32
      scf.yield %scan3A_218 : i32
    }
    %scan3A_150 = arith.constant 25 : i32
    %barrier3A_151 = arith.constant 0 : index
    tpu.barrier barrier_id(%barrier3A_151)
    %add3A_152 = arith.constant 0 : i32
    %add3A_153 = arith.addi %mul3A_21, %add3A_152 : i32
    "tpu.region"() ({
      %run_scoped3A_168 = tpu.sem_alloc : memref<!tpu.dma_semaphore, #tpu.memory_space<semaphore_mem>>
      %dma_start3A_169 = arith.constant 0 : i32
      %dma_start3A_170 = tpu.memref_slice %arg13[%add3A_153, %dma_start3A_169] : memref<10240x128xf32, #tpu.memory_space<vmem_shared>> -> memref<80x128xf32, #tpu.memory_space<vmem_shared>>
      %dma_start3A_171 = arith.constant 0 : i32
      %dma_start3A_172 = tpu.memref_slice %arg13[%add3A_153, %dma_start3A_171] : memref<10240x128xf32, #tpu.memory_space<vmem_shared>> -> memref<80x128xf32, #tpu.memory_space<vmem_shared>>
      tpu.enqueue_dma source(%dma_start3A_172 : memref<80x128xf32, #tpu.memory_space<vmem_shared>>) target(%arg10 : memref<80x128xf32, #tpu.memory_space<vmem>>) target_semaphore(%run_scoped3A_168 : memref<!tpu.dma_semaphore, #tpu.memory_space<semaphore_mem>>)
      %dma_wait3A = arith.constant 0 : i32
      %dma_wait3A_173 = tpu.memref_slice %arg13[%add3A_153, %dma_wait3A] : memref<10240x128xf32, #tpu.memory_space<vmem_shared>> -> memref<80x128xf32, #tpu.memory_space<vmem_shared>>
      %dma_wait3A_174 = arith.constant 0 : i32
      %dma_wait3A_175 = tpu.memref_slice %arg13[%add3A_153, %dma_wait3A_174] : memref<10240x128xf32, #tpu.memory_space<vmem_shared>> -> memref<80x128xf32, #tpu.memory_space<vmem_shared>>
      tpu.wait_dma2 semaphore(%run_scoped3A_168 : memref<!tpu.dma_semaphore, #tpu.memory_space<semaphore_mem>>) src(%dma_wait3A_175 : memref<80x128xf32, #tpu.memory_space<vmem_shared>>) dst(%arg10 : memref<80x128xf32, #tpu.memory_space<vmem>>)
      tpu.yield
    }) : () -> ()
    "tpu.region"() ({
      %run_scoped3A_168 = tpu.sem_alloc : memref<!tpu.dma_semaphore, #tpu.memory_space<semaphore_mem>>
      %dma_start3A_169 = arith.constant 0 : i32
      %dma_start3A_170 = tpu.memref_slice %arg6[%arg0, %add3A_153, %dma_start3A_169] : memref<2x10240x128xf32, #tpu.memory_space<hbm>> -> memref<1x80x128xf32, #tpu.memory_space<hbm>>
      %dma_start3A_171 = tpu.memref_squeeze %dma_start3A_170 : memref<1x80x128xf32, #tpu.memory_space<hbm>> -> memref<80x128xf32, #tpu.memory_space<hbm>>
      %dma_start3A_172 = arith.constant 0 : i32
      %dma_start3A_173 = tpu.memref_slice %arg6[%arg0, %add3A_153, %dma_start3A_172] : memref<2x10240x128xf32, #tpu.memory_space<hbm>> -> memref<1x80x128xf32, #tpu.memory_space<hbm>>
      %dma_start3A_174 = tpu.memref_squeeze %dma_start3A_173 : memref<1x80x128xf32, #tpu.memory_space<hbm>> -> memref<80x128xf32, #tpu.memory_space<hbm>>
      tpu.enqueue_dma source(%arg10 : memref<80x128xf32, #tpu.memory_space<vmem>>) target(%dma_start3A_174 : memref<80x128xf32, #tpu.memory_space<hbm>>) target_semaphore(%run_scoped3A_168 : memref<!tpu.dma_semaphore, #tpu.memory_space<semaphore_mem>>)
      %dma_wait3A = arith.constant 0 : i32
      %dma_wait3A_175 = tpu.memref_slice %arg6[%arg0, %add3A_153, %dma_wait3A] : memref<2x10240x128xf32, #tpu.memory_space<hbm>> -> memref<1x80x128xf32, #tpu.memory_space<hbm>>
      %dma_wait3A_176 = tpu.memref_squeeze %dma_wait3A_175 : memref<1x80x128xf32, #tpu.memory_space<hbm>> -> memref<80x128xf32, #tpu.memory_space<hbm>>
      %dma_wait3A_177 = arith.constant 0 : i32
      %dma_wait3A_178 = tpu.memref_slice %arg6[%arg0, %add3A_153, %dma_wait3A_177] : memref<2x10240x128xf32, #tpu.memory_space<hbm>> -> memref<1x80x128xf32, #tpu.memory_space<hbm>>
      %dma_wait3A_179 = tpu.memref_squeeze %dma_wait3A_178 : memref<1x80x128xf32, #tpu.memory_space<hbm>> -> memref<80x128xf32, #tpu.memory_space<hbm>>
      tpu.wait_dma2 semaphore(%run_scoped3A_168 : memref<!tpu.dma_semaphore, #tpu.memory_space<semaphore_mem>>) src(%arg10 : memref<80x128xf32, #tpu.memory_space<vmem>>) dst(%dma_wait3A_179 : memref<80x128xf32, #tpu.memory_space<hbm>>)
      tpu.yield
    }) : () -> ()
    %add3A_154 = arith.constant 80 : i32
    %add3A_155 = arith.addi %mul3A_21, %add3A_154 : i32
    "tpu.region"() ({
      %run_scoped3A_168 = tpu.sem_alloc : memref<!tpu.dma_semaphore, #tpu.memory_space<semaphore_mem>>
      %dma_start3A_169 = arith.constant 0 : i32
      %dma_start3A_170 = tpu.memref_slice %arg13[%add3A_155, %dma_start3A_169] : memref<10240x128xf32, #tpu.memory_space<vmem_shared>> -> memref<80x128xf32, #tpu.memory_space<vmem_shared>>
      %dma_start3A_171 = arith.constant 0 : i32
      %dma_start3A_172 = tpu.memref_slice %arg13[%add3A_155, %dma_start3A_171] : memref<10240x128xf32, #tpu.memory_space<vmem_shared>> -> memref<80x128xf32, #tpu.memory_space<vmem_shared>>
      tpu.enqueue_dma source(%dma_start3A_172 : memref<80x128xf32, #tpu.memory_space<vmem_shared>>) target(%arg10 : memref<80x128xf32, #tpu.memory_space<vmem>>) target_semaphore(%run_scoped3A_168 : memref<!tpu.dma_semaphore, #tpu.memory_space<semaphore_mem>>)
      %dma_wait3A = arith.constant 0 : i32
      %dma_wait3A_173 = tpu.memref_slice %arg13[%add3A_155, %dma_wait3A] : memref<10240x128xf32, #tpu.memory_space<vmem_shared>> -> memref<80x128xf32, #tpu.memory_space<vmem_shared>>
      %dma_wait3A_174 = arith.constant 0 : i32
      %dma_wait3A_175 = tpu.memref_slice %arg13[%add3A_155, %dma_wait3A_174] : memref<10240x128xf32, #tpu.memory_space<vmem_shared>> -> memref<80x128xf32, #tpu.memory_space<vmem_shared>>
      tpu.wait_dma2 semaphore(%run_scoped3A_168 : memref<!tpu.dma_semaphore, #tpu.memory_space<semaphore_mem>>) src(%dma_wait3A_175 : memref<80x128xf32, #tpu.memory_space<vmem_shared>>) dst(%arg10 : memref<80x128xf32, #tpu.memory_space<vmem>>)
      tpu.yield
    }) : () -> ()
    "tpu.region"() ({
      %run_scoped3A_168 = tpu.sem_alloc : memref<!tpu.dma_semaphore, #tpu.memory_space<semaphore_mem>>
      %dma_start3A_169 = arith.constant 0 : i32
      %dma_start3A_170 = tpu.memref_slice %arg6[%arg0, %add3A_155, %dma_start3A_169] : memref<2x10240x128xf32, #tpu.memory_space<hbm>> -> memref<1x80x128xf32, #tpu.memory_space<hbm>>
      %dma_start3A_171 = tpu.memref_squeeze %dma_start3A_170 : memref<1x80x128xf32, #tpu.memory_space<hbm>> -> memref<80x128xf32, #tpu.memory_space<hbm>>
      %dma_start3A_172 = arith.constant 0 : i32
      %dma_start3A_173 = tpu.memref_slice %arg6[%arg0, %add3A_155, %dma_start3A_172] : memref<2x10240x128xf32, #tpu.memory_space<hbm>> -> memref<1x80x128xf32, #tpu.memory_space<hbm>>
      %dma_start3A_174 = tpu.memref_squeeze %dma_start3A_173 : memref<1x80x128xf32, #tpu.memory_space<hbm>> -> memref<80x128xf32, #tpu.memory_space<hbm>>
      tpu.enqueue_dma source(%arg10 : memref<80x128xf32, #tpu.memory_space<vmem>>) target(%dma_start3A_174 : memref<80x128xf32, #tpu.memory_space<hbm>>) target_semaphore(%run_scoped3A_168 : memref<!tpu.dma_semaphore, #tpu.memory_space<semaphore_mem>>)
      %dma_wait3A = arith.constant 0 : i32
      %dma_wait3A_175 = tpu.memref_slice %arg6[%arg0, %add3A_155, %dma_wait3A] : memref<2x10240x128xf32, #tpu.memory_space<hbm>> -> memref<1x80x128xf32, #tpu.memory_space<hbm>>
      %dma_wait3A_176 = tpu.memref_squeeze %dma_wait3A_175 : memref<1x80x128xf32, #tpu.memory_space<hbm>> -> memref<80x128xf32, #tpu.memory_space<hbm>>
      %dma_wait3A_177 = arith.constant 0 : i32
      %dma_wait3A_178 = tpu.memref_slice %arg6[%arg0, %add3A_155, %dma_wait3A_177] : memref<2x10240x128xf32, #tpu.memory_space<hbm>> -> memref<1x80x128xf32, #tpu.memory_space<hbm>>
      %dma_wait3A_179 = tpu.memref_squeeze %dma_wait3A_178 : memref<1x80x128xf32, #tpu.memory_space<hbm>> -> memref<80x128xf32, #tpu.memory_space<hbm>>
      tpu.wait_dma2 semaphore(%run_scoped3A_168 : memref<!tpu.dma_semaphore, #tpu.memory_space<semaphore_mem>>) src(%arg10 : memref<80x128xf32, #tpu.memory_space<vmem>>) dst(%dma_wait3A_179 : memref<80x128xf32, #tpu.memory_space<hbm>>)
      tpu.yield
    }) : () -> ()
    %add3A_156 = arith.constant 160 : i32
    %add3A_157 = arith.addi %mul3A_21, %add3A_156 : i32
    "tpu.region"() ({
      %run_scoped3A_168 = tpu.sem_alloc : memref<!tpu.dma_semaphore, #tpu.memory_space<semaphore_mem>>
      %dma_start3A_169 = arith.constant 0 : i32
      %dma_start3A_170 = tpu.memref_slice %arg13[%add3A_157, %dma_start3A_169] : memref<10240x128xf32, #tpu.memory_space<vmem_shared>> -> memref<80x128xf32, #tpu.memory_space<vmem_shared>>
      %dma_start3A_171 = arith.constant 0 : i32
      %dma_start3A_172 = tpu.memref_slice %arg13[%add3A_157, %dma_start3A_171] : memref<10240x128xf32, #tpu.memory_space<vmem_shared>> -> memref<80x128xf32, #tpu.memory_space<vmem_shared>>
      tpu.enqueue_dma source(%dma_start3A_172 : memref<80x128xf32, #tpu.memory_space<vmem_shared>>) target(%arg10 : memref<80x128xf32, #tpu.memory_space<vmem>>) target_semaphore(%run_scoped3A_168 : memref<!tpu.dma_semaphore, #tpu.memory_space<semaphore_mem>>)
      %dma_wait3A = arith.constant 0 : i32
      %dma_wait3A_173 = tpu.memref_slice %arg13[%add3A_157, %dma_wait3A] : memref<10240x128xf32, #tpu.memory_space<vmem_shared>> -> memref<80x128xf32, #tpu.memory_space<vmem_shared>>
      %dma_wait3A_174 = arith.constant 0 : i32
      %dma_wait3A_175 = tpu.memref_slice %arg13[%add3A_157, %dma_wait3A_174] : memref<10240x128xf32, #tpu.memory_space<vmem_shared>> -> memref<80x128xf32, #tpu.memory_space<vmem_shared>>
      tpu.wait_dma2 semaphore(%run_scoped3A_168 : memref<!tpu.dma_semaphore, #tpu.memory_space<semaphore_mem>>) src(%dma_wait3A_175 : memref<80x128xf32, #tpu.memory_space<vmem_shared>>) dst(%arg10 : memref<80x128xf32, #tpu.memory_space<vmem>>)
      tpu.yield
    }) : () -> ()
    "tpu.region"() ({
      %run_scoped3A_168 = tpu.sem_alloc : memref<!tpu.dma_semaphore, #tpu.memory_space<semaphore_mem>>
      %dma_start3A_169 = arith.constant 0 : i32
      %dma_start3A_170 = tpu.memref_slice %arg6[%arg0, %add3A_157, %dma_start3A_169] : memref<2x10240x128xf32, #tpu.memory_space<hbm>> -> memref<1x80x128xf32, #tpu.memory_space<hbm>>
      %dma_start3A_171 = tpu.memref_squeeze %dma_start3A_170 : memref<1x80x128xf32, #tpu.memory_space<hbm>> -> memref<80x128xf32, #tpu.memory_space<hbm>>
      %dma_start3A_172 = arith.constant 0 : i32
      %dma_start3A_173 = tpu.memref_slice %arg6[%arg0, %add3A_157, %dma_start3A_172] : memref<2x10240x128xf32, #tpu.memory_space<hbm>> -> memref<1x80x128xf32, #tpu.memory_space<hbm>>
      %dma_start3A_174 = tpu.memref_squeeze %dma_start3A_173 : memref<1x80x128xf32, #tpu.memory_space<hbm>> -> memref<80x128xf32, #tpu.memory_space<hbm>>
      tpu.enqueue_dma source(%arg10 : memref<80x128xf32, #tpu.memory_space<vmem>>) target(%dma_start3A_174 : memref<80x128xf32, #tpu.memory_space<hbm>>) target_semaphore(%run_scoped3A_168 : memref<!tpu.dma_semaphore, #tpu.memory_space<semaphore_mem>>)
      %dma_wait3A = arith.constant 0 : i32
      %dma_wait3A_175 = tpu.memref_slice %arg6[%arg0, %add3A_157, %dma_wait3A] : memref<2x10240x128xf32, #tpu.memory_space<hbm>> -> memref<1x80x128xf32, #tpu.memory_space<hbm>>
      %dma_wait3A_176 = tpu.memref_squeeze %dma_wait3A_175 : memref<1x80x128xf32, #tpu.memory_space<hbm>> -> memref<80x128xf32, #tpu.memory_space<hbm>>
      %dma_wait3A_177 = arith.constant 0 : i32
      %dma_wait3A_178 = tpu.memref_slice %arg6[%arg0, %add3A_157, %dma_wait3A_177] : memref<2x10240x128xf32, #tpu.memory_space<hbm>> -> memref<1x80x128xf32, #tpu.memory_space<hbm>>
      %dma_wait3A_179 = tpu.memref_squeeze %dma_wait3A_178 : memref<1x80x128xf32, #tpu.memory_space<hbm>> -> memref<80x128xf32, #tpu.memory_space<hbm>>
      tpu.wait_dma2 semaphore(%run_scoped3A_168 : memref<!tpu.dma_semaphore, #tpu.memory_space<semaphore_mem>>) src(%arg10 : memref<80x128xf32, #tpu.memory_space<vmem>>) dst(%dma_wait3A_179 : memref<80x128xf32, #tpu.memory_space<hbm>>)
      tpu.yield
    }) : () -> ()
    %add3A_158 = arith.constant 240 : i32
    %add3A_159 = arith.addi %mul3A_21, %add3A_158 : i32
    "tpu.region"() ({
      %run_scoped3A_168 = tpu.sem_alloc : memref<!tpu.dma_semaphore, #tpu.memory_space<semaphore_mem>>
      %dma_start3A_169 = arith.constant 0 : i32
      %dma_start3A_170 = tpu.memref_slice %arg13[%add3A_159, %dma_start3A_169] : memref<10240x128xf32, #tpu.memory_space<vmem_shared>> -> memref<80x128xf32, #tpu.memory_space<vmem_shared>>
      %dma_start3A_171 = arith.constant 0 : i32
      %dma_start3A_172 = tpu.memref_slice %arg13[%add3A_159, %dma_start3A_171] : memref<10240x128xf32, #tpu.memory_space<vmem_shared>> -> memref<80x128xf32, #tpu.memory_space<vmem_shared>>
      tpu.enqueue_dma source(%dma_start3A_172 : memref<80x128xf32, #tpu.memory_space<vmem_shared>>) target(%arg10 : memref<80x128xf32, #tpu.memory_space<vmem>>) target_semaphore(%run_scoped3A_168 : memref<!tpu.dma_semaphore, #tpu.memory_space<semaphore_mem>>)
      %dma_wait3A = arith.constant 0 : i32
      %dma_wait3A_173 = tpu.memref_slice %arg13[%add3A_159, %dma_wait3A] : memref<10240x128xf32, #tpu.memory_space<vmem_shared>> -> memref<80x128xf32, #tpu.memory_space<vmem_shared>>
      %dma_wait3A_174 = arith.constant 0 : i32
      %dma_wait3A_175 = tpu.memref_slice %arg13[%add3A_159, %dma_wait3A_174] : memref<10240x128xf32, #tpu.memory_space<vmem_shared>> -> memref<80x128xf32, #tpu.memory_space<vmem_shared>>
      tpu.wait_dma2 semaphore(%run_scoped3A_168 : memref<!tpu.dma_semaphore, #tpu.memory_space<semaphore_mem>>) src(%dma_wait3A_175 : memref<80x128xf32, #tpu.memory_space<vmem_shared>>) dst(%arg10 : memref<80x128xf32, #tpu.memory_space<vmem>>)
      tpu.yield
    }) : () -> ()
    "tpu.region"() ({
      %run_scoped3A_168 = tpu.sem_alloc : memref<!tpu.dma_semaphore, #tpu.memory_space<semaphore_mem>>
      %dma_start3A_169 = arith.constant 0 : i32
      %dma_start3A_170 = tpu.memref_slice %arg6[%arg0, %add3A_159, %dma_start3A_169] : memref<2x10240x128xf32, #tpu.memory_space<hbm>> -> memref<1x80x128xf32, #tpu.memory_space<hbm>>
      %dma_start3A_171 = tpu.memref_squeeze %dma_start3A_170 : memref<1x80x128xf32, #tpu.memory_space<hbm>> -> memref<80x128xf32, #tpu.memory_space<hbm>>
      %dma_start3A_172 = arith.constant 0 : i32
      %dma_start3A_173 = tpu.memref_slice %arg6[%arg0, %add3A_159, %dma_start3A_172] : memref<2x10240x128xf32, #tpu.memory_space<hbm>> -> memref<1x80x128xf32, #tpu.memory_space<hbm>>
      %dma_start3A_174 = tpu.memref_squeeze %dma_start3A_173 : memref<1x80x128xf32, #tpu.memory_space<hbm>> -> memref<80x128xf32, #tpu.memory_space<hbm>>
      tpu.enqueue_dma source(%arg10 : memref<80x128xf32, #tpu.memory_space<vmem>>) target(%dma_start3A_174 : memref<80x128xf32, #tpu.memory_space<hbm>>) target_semaphore(%run_scoped3A_168 : memref<!tpu.dma_semaphore, #tpu.memory_space<semaphore_mem>>)
      %dma_wait3A = arith.constant 0 : i32
      %dma_wait3A_175 = tpu.memref_slice %arg6[%arg0, %add3A_159, %dma_wait3A] : memref<2x10240x128xf32, #tpu.memory_space<hbm>> -> memref<1x80x128xf32, #tpu.memory_space<hbm>>
      %dma_wait3A_176 = tpu.memref_squeeze %dma_wait3A_175 : memref<1x80x128xf32, #tpu.memory_space<hbm>> -> memref<80x128xf32, #tpu.memory_space<hbm>>
      %dma_wait3A_177 = arith.constant 0 : i32
      %dma_wait3A_178 = tpu.memref_slice %arg6[%arg0, %add3A_159, %dma_wait3A_177] : memref<2x10240x128xf32, #tpu.memory_space<hbm>> -> memref<1x80x128xf32, #tpu.memory_space<hbm>>
      %dma_wait3A_179 = tpu.memref_squeeze %dma_wait3A_178 : memref<1x80x128xf32, #tpu.memory_space<hbm>> -> memref<80x128xf32, #tpu.memory_space<hbm>>
      tpu.wait_dma2 semaphore(%run_scoped3A_168 : memref<!tpu.dma_semaphore, #tpu.memory_space<semaphore_mem>>) src(%arg10 : memref<80x128xf32, #tpu.memory_space<vmem>>) dst(%dma_wait3A_179 : memref<80x128xf32, #tpu.memory_space<hbm>>)
      tpu.yield
    }) : () -> ()
    %add3A_160 = arith.constant 320 : i32
    %add3A_161 = arith.addi %mul3A_21, %add3A_160 : i32
    "tpu.region"() ({
      %run_scoped3A_168 = tpu.sem_alloc : memref<!tpu.dma_semaphore, #tpu.memory_space<semaphore_mem>>
      %dma_start3A_169 = arith.constant 0 : i32
      %dma_start3A_170 = tpu.memref_slice %arg13[%add3A_161, %dma_start3A_169] : memref<10240x128xf32, #tpu.memory_space<vmem_shared>> -> memref<80x128xf32, #tpu.memory_space<vmem_shared>>
      %dma_start3A_171 = arith.constant 0 : i32
      %dma_start3A_172 = tpu.memref_slice %arg13[%add3A_161, %dma_start3A_171] : memref<10240x128xf32, #tpu.memory_space<vmem_shared>> -> memref<80x128xf32, #tpu.memory_space<vmem_shared>>
      tpu.enqueue_dma source(%dma_start3A_172 : memref<80x128xf32, #tpu.memory_space<vmem_shared>>) target(%arg10 : memref<80x128xf32, #tpu.memory_space<vmem>>) target_semaphore(%run_scoped3A_168 : memref<!tpu.dma_semaphore, #tpu.memory_space<semaphore_mem>>)
      %dma_wait3A = arith.constant 0 : i32
      %dma_wait3A_173 = tpu.memref_slice %arg13[%add3A_161, %dma_wait3A] : memref<10240x128xf32, #tpu.memory_space<vmem_shared>> -> memref<80x128xf32, #tpu.memory_space<vmem_shared>>
      %dma_wait3A_174 = arith.constant 0 : i32
      %dma_wait3A_175 = tpu.memref_slice %arg13[%add3A_161, %dma_wait3A_174] : memref<10240x128xf32, #tpu.memory_space<vmem_shared>> -> memref<80x128xf32, #tpu.memory_space<vmem_shared>>
      tpu.wait_dma2 semaphore(%run_scoped3A_168 : memref<!tpu.dma_semaphore, #tpu.memory_space<semaphore_mem>>) src(%dma_wait3A_175 : memref<80x128xf32, #tpu.memory_space<vmem_shared>>) dst(%arg10 : memref<80x128xf32, #tpu.memory_space<vmem>>)
      tpu.yield
    }) : () -> ()
    "tpu.region"() ({
      %run_scoped3A_168 = tpu.sem_alloc : memref<!tpu.dma_semaphore, #tpu.memory_space<semaphore_mem>>
      %dma_start3A_169 = arith.constant 0 : i32
      %dma_start3A_170 = tpu.memref_slice %arg6[%arg0, %add3A_161, %dma_start3A_169] : memref<2x10240x128xf32, #tpu.memory_space<hbm>> -> memref<1x80x128xf32, #tpu.memory_space<hbm>>
      %dma_start3A_171 = tpu.memref_squeeze %dma_start3A_170 : memref<1x80x128xf32, #tpu.memory_space<hbm>> -> memref<80x128xf32, #tpu.memory_space<hbm>>
      %dma_start3A_172 = arith.constant 0 : i32
      %dma_start3A_173 = tpu.memref_slice %arg6[%arg0, %add3A_161, %dma_start3A_172] : memref<2x10240x128xf32, #tpu.memory_space<hbm>> -> memref<1x80x128xf32, #tpu.memory_space<hbm>>
      %dma_start3A_174 = tpu.memref_squeeze %dma_start3A_173 : memref<1x80x128xf32, #tpu.memory_space<hbm>> -> memref<80x128xf32, #tpu.memory_space<hbm>>
      tpu.enqueue_dma source(%arg10 : memref<80x128xf32, #tpu.memory_space<vmem>>) target(%dma_start3A_174 : memref<80x128xf32, #tpu.memory_space<hbm>>) target_semaphore(%run_scoped3A_168 : memref<!tpu.dma_semaphore, #tpu.memory_space<semaphore_mem>>)
      %dma_wait3A = arith.constant 0 : i32
      %dma_wait3A_175 = tpu.memref_slice %arg6[%arg0, %add3A_161, %dma_wait3A] : memref<2x10240x128xf32, #tpu.memory_space<hbm>> -> memref<1x80x128xf32, #tpu.memory_space<hbm>>
      %dma_wait3A_176 = tpu.memref_squeeze %dma_wait3A_175 : memref<1x80x128xf32, #tpu.memory_space<hbm>> -> memref<80x128xf32, #tpu.memory_space<hbm>>
      %dma_wait3A_177 = arith.constant 0 : i32
      %dma_wait3A_178 = tpu.memref_slice %arg6[%arg0, %add3A_161, %dma_wait3A_177] : memref<2x10240x128xf32, #tpu.memory_space<hbm>> -> memref<1x80x128xf32, #tpu.memory_space<hbm>>
      %dma_wait3A_179 = tpu.memref_squeeze %dma_wait3A_178 : memref<1x80x128xf32, #tpu.memory_space<hbm>> -> memref<80x128xf32, #tpu.memory_space<hbm>>
      tpu.wait_dma2 semaphore(%run_scoped3A_168 : memref<!tpu.dma_semaphore, #tpu.memory_space<semaphore_mem>>) src(%arg10 : memref<80x128xf32, #tpu.memory_space<vmem>>) dst(%dma_wait3A_179 : memref<80x128xf32, #tpu.memory_space<hbm>>)
      tpu.yield
    }) : () -> ()
    %add3A_162 = arith.constant 400 : i32
    %add3A_163 = arith.addi %mul3A_21, %add3A_162 : i32
    "tpu.region"() ({
      %run_scoped3A_168 = tpu.sem_alloc : memref<!tpu.dma_semaphore, #tpu.memory_space<semaphore_mem>>
      %dma_start3A_169 = arith.constant 0 : i32
      %dma_start3A_170 = tpu.memref_slice %arg13[%add3A_163, %dma_start3A_169] : memref<10240x128xf32, #tpu.memory_space<vmem_shared>> -> memref<80x128xf32, #tpu.memory_space<vmem_shared>>
      %dma_start3A_171 = arith.constant 0 : i32
      %dma_start3A_172 = tpu.memref_slice %arg13[%add3A_163, %dma_start3A_171] : memref<10240x128xf32, #tpu.memory_space<vmem_shared>> -> memref<80x128xf32, #tpu.memory_space<vmem_shared>>
      tpu.enqueue_dma source(%dma_start3A_172 : memref<80x128xf32, #tpu.memory_space<vmem_shared>>) target(%arg10 : memref<80x128xf32, #tpu.memory_space<vmem>>) target_semaphore(%run_scoped3A_168 : memref<!tpu.dma_semaphore, #tpu.memory_space<semaphore_mem>>)
      %dma_wait3A = arith.constant 0 : i32
      %dma_wait3A_173 = tpu.memref_slice %arg13[%add3A_163, %dma_wait3A] : memref<10240x128xf32, #tpu.memory_space<vmem_shared>> -> memref<80x128xf32, #tpu.memory_space<vmem_shared>>
      %dma_wait3A_174 = arith.constant 0 : i32
      %dma_wait3A_175 = tpu.memref_slice %arg13[%add3A_163, %dma_wait3A_174] : memref<10240x128xf32, #tpu.memory_space<vmem_shared>> -> memref<80x128xf32, #tpu.memory_space<vmem_shared>>
      tpu.wait_dma2 semaphore(%run_scoped3A_168 : memref<!tpu.dma_semaphore, #tpu.memory_space<semaphore_mem>>) src(%dma_wait3A_175 : memref<80x128xf32, #tpu.memory_space<vmem_shared>>) dst(%arg10 : memref<80x128xf32, #tpu.memory_space<vmem>>)
      tpu.yield
    }) : () -> ()
    "tpu.region"() ({
      %run_scoped3A_168 = tpu.sem_alloc : memref<!tpu.dma_semaphore, #tpu.memory_space<semaphore_mem>>
      %dma_start3A_169 = arith.constant 0 : i32
      %dma_start3A_170 = tpu.memref_slice %arg6[%arg0, %add3A_163, %dma_start3A_169] : memref<2x10240x128xf32, #tpu.memory_space<hbm>> -> memref<1x80x128xf32, #tpu.memory_space<hbm>>
      %dma_start3A_171 = tpu.memref_squeeze %dma_start3A_170 : memref<1x80x128xf32, #tpu.memory_space<hbm>> -> memref<80x128xf32, #tpu.memory_space<hbm>>
      %dma_start3A_172 = arith.constant 0 : i32
      %dma_start3A_173 = tpu.memref_slice %arg6[%arg0, %add3A_163, %dma_start3A_172] : memref<2x10240x128xf32, #tpu.memory_space<hbm>> -> memref<1x80x128xf32, #tpu.memory_space<hbm>>
      %dma_start3A_174 = tpu.memref_squeeze %dma_start3A_173 : memref<1x80x128xf32, #tpu.memory_space<hbm>> -> memref<80x128xf32, #tpu.memory_space<hbm>>
      tpu.enqueue_dma source(%arg10 : memref<80x128xf32, #tpu.memory_space<vmem>>) target(%dma_start3A_174 : memref<80x128xf32, #tpu.memory_space<hbm>>) target_semaphore(%run_scoped3A_168 : memref<!tpu.dma_semaphore, #tpu.memory_space<semaphore_mem>>)
      %dma_wait3A = arith.constant 0 : i32
      %dma_wait3A_175 = tpu.memref_slice %arg6[%arg0, %add3A_163, %dma_wait3A] : memref<2x10240x128xf32, #tpu.memory_space<hbm>> -> memref<1x80x128xf32, #tpu.memory_space<hbm>>
      %dma_wait3A_176 = tpu.memref_squeeze %dma_wait3A_175 : memref<1x80x128xf32, #tpu.memory_space<hbm>> -> memref<80x128xf32, #tpu.memory_space<hbm>>
      %dma_wait3A_177 = arith.constant 0 : i32
      %dma_wait3A_178 = tpu.memref_slice %arg6[%arg0, %add3A_163, %dma_wait3A_177] : memref<2x10240x128xf32, #tpu.memory_space<hbm>> -> memref<1x80x128xf32, #tpu.memory_space<hbm>>
      %dma_wait3A_179 = tpu.memref_squeeze %dma_wait3A_178 : memref<1x80x128xf32, #tpu.memory_space<hbm>> -> memref<80x128xf32, #tpu.memory_space<hbm>>
      tpu.wait_dma2 semaphore(%run_scoped3A_168 : memref<!tpu.dma_semaphore, #tpu.memory_space<semaphore_mem>>) src(%arg10 : memref<80x128xf32, #tpu.memory_space<vmem>>) dst(%dma_wait3A_179 : memref<80x128xf32, #tpu.memory_space<hbm>>)
      tpu.yield
    }) : () -> ()
    %add3A_164 = arith.constant 480 : i32
    %add3A_165 = arith.addi %mul3A_21, %add3A_164 : i32
    "tpu.region"() ({
      %run_scoped3A_168 = tpu.sem_alloc : memref<!tpu.dma_semaphore, #tpu.memory_space<semaphore_mem>>
      %dma_start3A_169 = arith.constant 0 : i32
      %dma_start3A_170 = tpu.memref_slice %arg13[%add3A_165, %dma_start3A_169] : memref<10240x128xf32, #tpu.memory_space<vmem_shared>> -> memref<80x128xf32, #tpu.memory_space<vmem_shared>>
      %dma_start3A_171 = arith.constant 0 : i32
      %dma_start3A_172 = tpu.memref_slice %arg13[%add3A_165, %dma_start3A_171] : memref<10240x128xf32, #tpu.memory_space<vmem_shared>> -> memref<80x128xf32, #tpu.memory_space<vmem_shared>>
      tpu.enqueue_dma source(%dma_start3A_172 : memref<80x128xf32, #tpu.memory_space<vmem_shared>>) target(%arg10 : memref<80x128xf32, #tpu.memory_space<vmem>>) target_semaphore(%run_scoped3A_168 : memref<!tpu.dma_semaphore, #tpu.memory_space<semaphore_mem>>)
      %dma_wait3A = arith.constant 0 : i32
      %dma_wait3A_173 = tpu.memref_slice %arg13[%add3A_165, %dma_wait3A] : memref<10240x128xf32, #tpu.memory_space<vmem_shared>> -> memref<80x128xf32, #tpu.memory_space<vmem_shared>>
      %dma_wait3A_174 = arith.constant 0 : i32
      %dma_wait3A_175 = tpu.memref_slice %arg13[%add3A_165, %dma_wait3A_174] : memref<10240x128xf32, #tpu.memory_space<vmem_shared>> -> memref<80x128xf32, #tpu.memory_space<vmem_shared>>
      tpu.wait_dma2 semaphore(%run_scoped3A_168 : memref<!tpu.dma_semaphore, #tpu.memory_space<semaphore_mem>>) src(%dma_wait3A_175 : memref<80x128xf32, #tpu.memory_space<vmem_shared>>) dst(%arg10 : memref<80x128xf32, #tpu.memory_space<vmem>>)
      tpu.yield
    }) : () -> ()
    "tpu.region"() ({
      %run_scoped3A_168 = tpu.sem_alloc : memref<!tpu.dma_semaphore, #tpu.memory_space<semaphore_mem>>
      %dma_start3A_169 = arith.constant 0 : i32
      %dma_start3A_170 = tpu.memref_slice %arg6[%arg0, %add3A_165, %dma_start3A_169] : memref<2x10240x128xf32, #tpu.memory_space<hbm>> -> memref<1x80x128xf32, #tpu.memory_space<hbm>>
      %dma_start3A_171 = tpu.memref_squeeze %dma_start3A_170 : memref<1x80x128xf32, #tpu.memory_space<hbm>> -> memref<80x128xf32, #tpu.memory_space<hbm>>
      %dma_start3A_172 = arith.constant 0 : i32
      %dma_start3A_173 = tpu.memref_slice %arg6[%arg0, %add3A_165, %dma_start3A_172] : memref<2x10240x128xf32, #tpu.memory_space<hbm>> -> memref<1x80x128xf32, #tpu.memory_space<hbm>>
      %dma_start3A_174 = tpu.memref_squeeze %dma_start3A_173 : memref<1x80x128xf32, #tpu.memory_space<hbm>> -> memref<80x128xf32, #tpu.memory_space<hbm>>
      tpu.enqueue_dma source(%arg10 : memref<80x128xf32, #tpu.memory_space<vmem>>) target(%dma_start3A_174 : memref<80x128xf32, #tpu.memory_space<hbm>>) target_semaphore(%run_scoped3A_168 : memref<!tpu.dma_semaphore, #tpu.memory_space<semaphore_mem>>)
      %dma_wait3A = arith.constant 0 : i32
      %dma_wait3A_175 = tpu.memref_slice %arg6[%arg0, %add3A_165, %dma_wait3A] : memref<2x10240x128xf32, #tpu.memory_space<hbm>> -> memref<1x80x128xf32, #tpu.memory_space<hbm>>
      %dma_wait3A_176 = tpu.memref_squeeze %dma_wait3A_175 : memref<1x80x128xf32, #tpu.memory_space<hbm>> -> memref<80x128xf32, #tpu.memory_space<hbm>>
      %dma_wait3A_177 = arith.constant 0 : i32
      %dma_wait3A_178 = tpu.memref_slice %arg6[%arg0, %add3A_165, %dma_wait3A_177] : memref<2x10240x128xf32, #tpu.memory_space<hbm>> -> memref<1x80x128xf32, #tpu.memory_space<hbm>>
      %dma_wait3A_179 = tpu.memref_squeeze %dma_wait3A_178 : memref<1x80x128xf32, #tpu.memory_space<hbm>> -> memref<80x128xf32, #tpu.memory_space<hbm>>
      tpu.wait_dma2 semaphore(%run_scoped3A_168 : memref<!tpu.dma_semaphore, #tpu.memory_space<semaphore_mem>>) src(%arg10 : memref<80x128xf32, #tpu.memory_space<vmem>>) dst(%dma_wait3A_179 : memref<80x128xf32, #tpu.memory_space<hbm>>)
      tpu.yield
    }) : () -> ()
    %add3A_166 = arith.constant 560 : i32
    %add3A_167 = arith.addi %mul3A_21, %add3A_166 : i32
    "tpu.region"() ({
      %run_scoped3A_168 = tpu.sem_alloc : memref<!tpu.dma_semaphore, #tpu.memory_space<semaphore_mem>>
      %dma_start3A_169 = arith.constant 0 : i32
      %dma_start3A_170 = tpu.memref_slice %arg13[%add3A_167, %dma_start3A_169] : memref<10240x128xf32, #tpu.memory_space<vmem_shared>> -> memref<80x128xf32, #tpu.memory_space<vmem_shared>>
      %dma_start3A_171 = arith.constant 0 : i32
      %dma_start3A_172 = tpu.memref_slice %arg13[%add3A_167, %dma_start3A_171] : memref<10240x128xf32, #tpu.memory_space<vmem_shared>> -> memref<80x128xf32, #tpu.memory_space<vmem_shared>>
      tpu.enqueue_dma source(%dma_start3A_172 : memref<80x128xf32, #tpu.memory_space<vmem_shared>>) target(%arg10 : memref<80x128xf32, #tpu.memory_space<vmem>>) target_semaphore(%run_scoped3A_168 : memref<!tpu.dma_semaphore, #tpu.memory_space<semaphore_mem>>)
      %dma_wait3A = arith.constant 0 : i32
      %dma_wait3A_173 = tpu.memref_slice %arg13[%add3A_167, %dma_wait3A] : memref<10240x128xf32, #tpu.memory_space<vmem_shared>> -> memref<80x128xf32, #tpu.memory_space<vmem_shared>>
      %dma_wait3A_174 = arith.constant 0 : i32
      %dma_wait3A_175 = tpu.memref_slice %arg13[%add3A_167, %dma_wait3A_174] : memref<10240x128xf32, #tpu.memory_space<vmem_shared>> -> memref<80x128xf32, #tpu.memory_space<vmem_shared>>
      tpu.wait_dma2 semaphore(%run_scoped3A_168 : memref<!tpu.dma_semaphore, #tpu.memory_space<semaphore_mem>>) src(%dma_wait3A_175 : memref<80x128xf32, #tpu.memory_space<vmem_shared>>) dst(%arg10 : memref<80x128xf32, #tpu.memory_space<vmem>>)
      tpu.yield
    }) : () -> ()
    "tpu.region"() ({
      %run_scoped3A_168 = tpu.sem_alloc : memref<!tpu.dma_semaphore, #tpu.memory_space<semaphore_mem>>
      %dma_start3A_169 = arith.constant 0 : i32
      %dma_start3A_170 = tpu.memref_slice %arg6[%arg0, %add3A_167, %dma_start3A_169] : memref<2x10240x128xf32, #tpu.memory_space<hbm>> -> memref<1x80x128xf32, #tpu.memory_space<hbm>>
      %dma_start3A_171 = tpu.memref_squeeze %dma_start3A_170 : memref<1x80x128xf32, #tpu.memory_space<hbm>> -> memref<80x128xf32, #tpu.memory_space<hbm>>
      %dma_start3A_172 = arith.constant 0 : i32
      %dma_start3A_173 = tpu.memref_slice %arg6[%arg0, %add3A_167, %dma_start3A_172] : memref<2x10240x128xf32, #tpu.memory_space<hbm>> -> memref<1x80x128xf32, #tpu.memory_space<hbm>>
      %dma_start3A_174 = tpu.memref_squeeze %dma_start3A_173 : memref<1x80x128xf32, #tpu.memory_space<hbm>> -> memref<80x128xf32, #tpu.memory_space<hbm>>
      tpu.enqueue_dma source(%arg10 : memref<80x128xf32, #tpu.memory_space<vmem>>) target(%dma_start3A_174 : memref<80x128xf32, #tpu.memory_space<hbm>>) target_semaphore(%run_scoped3A_168 : memref<!tpu.dma_semaphore, #tpu.memory_space<semaphore_mem>>)
      %dma_wait3A = arith.constant 0 : i32
      %dma_wait3A_175 = tpu.memref_slice %arg6[%arg0, %add3A_167, %dma_wait3A] : memref<2x10240x128xf32, #tpu.memory_space<hbm>> -> memref<1x80x128xf32, #tpu.memory_space<hbm>>
      %dma_wait3A_176 = tpu.memref_squeeze %dma_wait3A_175 : memref<1x80x128xf32, #tpu.memory_space<hbm>> -> memref<80x128xf32, #tpu.memory_space<hbm>>
      %dma_wait3A_177 = arith.constant 0 : i32
      %dma_wait3A_178 = tpu.memref_slice %arg6[%arg0, %add3A_167, %dma_wait3A_177] : memref<2x10240x128xf32, #tpu.memory_space<hbm>> -> memref<1x80x128xf32, #tpu.memory_space<hbm>>
      %dma_wait3A_179 = tpu.memref_squeeze %dma_wait3A_178 : memref<1x80x128xf32, #tpu.memory_space<hbm>> -> memref<80x128xf32, #tpu.memory_space<hbm>>
      tpu.wait_dma2 semaphore(%run_scoped3A_168 : memref<!tpu.dma_semaphore, #tpu.memory_space<semaphore_mem>>) src(%arg10 : memref<80x128xf32, #tpu.memory_space<vmem>>) dst(%dma_wait3A_179 : memref<80x128xf32, #tpu.memory_space<hbm>>)
      tpu.yield
    }) : () -> ()
    "tpu.region"() ({
      %run_scoped3A_168 = tpu.sem_alloc : memref<!tpu.dma_semaphore, #tpu.memory_space<semaphore_mem>>
      %dma_start3A_169 = arith.constant 0 : i32
      %dma_start3A_170 = tpu.memref_slice %arg7[%add3A, %dma_start3A_169] : memref<32x10240xf32, #tpu.memory_space<hbm>> -> memref<1x10240xf32, #tpu.memory_space<hbm>>
      %dma_start3A_171 = tpu.memref_squeeze %dma_start3A_170 : memref<1x10240xf32, #tpu.memory_space<hbm>> -> memref<10240xf32, #tpu.memory_space<hbm>>
      %dma_start3A_172 = arith.constant 0 : i32
      %dma_start3A_173 = tpu.memref_slice %arg7[%add3A, %dma_start3A_172] : memref<32x10240xf32, #tpu.memory_space<hbm>> -> memref<1x10240xf32, #tpu.memory_space<hbm>>
      %dma_start3A_174 = tpu.memref_squeeze %dma_start3A_173 : memref<1x10240xf32, #tpu.memory_space<hbm>> -> memref<10240xf32, #tpu.memory_space<hbm>>
      tpu.enqueue_dma source(%arg12 : memref<10240xf32, #tpu.memory_space<vmem>>) target(%dma_start3A_174 : memref<10240xf32, #tpu.memory_space<hbm>>) target_semaphore(%run_scoped3A_168 : memref<!tpu.dma_semaphore, #tpu.memory_space<semaphore_mem>>)
      %dma_wait3A = arith.constant 0 : i32
      %dma_wait3A_175 = tpu.memref_slice %arg7[%add3A, %dma_wait3A] : memref<32x10240xf32, #tpu.memory_space<hbm>> -> memref<1x10240xf32, #tpu.memory_space<hbm>>
      %dma_wait3A_176 = tpu.memref_squeeze %dma_wait3A_175 : memref<1x10240xf32, #tpu.memory_space<hbm>> -> memref<10240xf32, #tpu.memory_space<hbm>>
      %dma_wait3A_177 = arith.constant 0 : i32
      %dma_wait3A_178 = tpu.memref_slice %arg7[%add3A, %dma_wait3A_177] : memref<32x10240xf32, #tpu.memory_space<hbm>> -> memref<1x10240xf32, #tpu.memory_space<hbm>>
      %dma_wait3A_179 = tpu.memref_squeeze %dma_wait3A_178 : memref<1x10240xf32, #tpu.memory_space<hbm>> -> memref<10240xf32, #tpu.memory_space<hbm>>
      tpu.wait_dma2 semaphore(%run_scoped3A_168 : memref<!tpu.dma_semaphore, #tpu.memory_space<semaphore_mem>>) src(%arg12 : memref<10240xf32, #tpu.memory_space<vmem>>) dst(%dma_wait3A_179 : memref<10240xf32, #tpu.memory_space<hbm>>)
      tpu.yield
    }) : () -> ()
    return
  }
}

module attributes {stable_mosaic.version = 14 : i64} {
  func.func @_tables_body(%arg0: memref<10000x128xf32, #tpu.memory_space<vmem>>, %arg1: memref<128x256xf32, #tpu.memory_space<vmem>>, %arg2: memref<1x128xf32, #tpu.memory_space<vmem>>, %arg3: memref<10000x128xf32, #tpu.memory_space<vmem>>, %arg4: memref<10000x128xf32, #tpu.memory_space<vmem>>) attributes {dimension_semantics = [], scalar_prefetch = 0 : i64, scratch_operands = 0 : i64, tpu.core_type = #tpu.core_type<tc>} {
    %get3A = arith.constant 0 : index
    %get3A_0 = arith.constant 0 : index
    %get3A_1 = vector.load %arg1[%get3A, %get3A_0] : memref<128x256xf32, #tpu.memory_space<vmem>>, vector<128x128xf32>
    %get3A_2 = arith.constant 0 : index
    %get3A_3 = arith.constant 128 : index
    %get3A_4 = vector.load %arg1[%get3A_2, %get3A_3] : memref<128x256xf32, #tpu.memory_space<vmem>>, vector<128x128xf32>
    %get3A_5 = arith.constant 0 : index
    %get3A_6 = arith.constant 0 : index
    %get3A_7 = vector.load %arg0[%get3A_5, %get3A_6] : memref<10000x128xf32, #tpu.memory_space<vmem>>, vector<10000x128xf32>
    %sub3A = arith.subf %get3A_1, %get3A_4 : vector<128x128xf32>
    %dot_general3A = arith.constant dense<0.000000e+00> : vector<10000x128xf32>
    %dot_general3A_8 = tpu.matmul %get3A_7, %sub3A, %dot_general3A {dimension_numbers = #tpu.dot_dimension_numbers<[1], [1], [0], [0], [0, 0, 1, 0], [], []>, transpose_lhs_hint = false} : vector<10000x128xf32>, vector<128x128xf32>, vector<10000x128xf32> -> vector<10000x128xf32>
    %get3A_9 = arith.constant 0 : index
    %get3A_10 = arith.constant 0 : index
    %get3A_11 = vector.load %arg2[%get3A_9, %get3A_10] : memref<1x128xf32, #tpu.memory_space<vmem>>, vector<1x128xf32>
    %add3A = vector.broadcast %get3A_11 : vector<1x128xf32> to vector<10000x128xf32>
    %add3A_12 = arith.addf %dot_general3A_8, %add3A : vector<10000x128xf32>
    %swap3A = arith.constant 0 : index
    %swap3A_13 = arith.constant 0 : index
    %swap3A_14 = vector.load %arg3[%swap3A, %swap3A_13] : memref<10000x128xf32, #tpu.memory_space<vmem>>, vector<10000x128xf32>
    tpu.vector_store %arg3[%swap3A, %swap3A_13], %add3A_12 {strides = array<i32>} : memref<10000x128xf32, #tpu.memory_space<vmem>>, vector<10000x128xf32>,
    %dot_general3A_15 = arith.constant dense<0.000000e+00> : vector<10000x128xf32>
    %dot_general3A_16 = tpu.matmul %get3A_7, %get3A_4, %dot_general3A_15 {dimension_numbers = #tpu.dot_dimension_numbers<[1], [1], [0], [0], [0, 0, 1, 0], [], []>, transpose_lhs_hint = false} : vector<10000x128xf32>, vector<128x128xf32>, vector<10000x128xf32> -> vector<10000x128xf32>
    %swap3A_17 = arith.constant 0 : index
    %swap3A_18 = arith.constant 0 : index
    %swap3A_19 = vector.load %arg4[%swap3A_17, %swap3A_18] : memref<10000x128xf32, #tpu.memory_space<vmem>>, vector<10000x128xf32>
    tpu.vector_store %arg4[%swap3A_17, %swap3A_18], %dot_general3A_16 {strides = array<i32>} : memref<10000x128xf32, #tpu.memory_space<vmem>>, vector<10000x128xf32>,
    return
  }
}

module attributes {stable_mosaic.version = 14 : i64} {
  func.func @_final_body(%arg0: memref<2x10240x128xf32, #tpu.memory_space<vmem>>, %arg1: memref<32x10240xf32, #tpu.memory_space<vmem>>, %arg2: memref<10000x128xf32, #tpu.memory_space<vmem>>) attributes {dimension_semantics = [], scalar_prefetch = 0 : i64, scratch_operands = 0 : i64, tpu.core_type = #tpu.core_type<tc>} {
    %get3A = arith.constant 0 : index
    %get3A_0 = arith.constant 0 : index
    %get3A_1 = arith.constant 0 : index
    %get3A_2 = vector.load %arg0[%get3A, %get3A_0, %get3A_1] : memref<2x10240x128xf32, #tpu.memory_space<vmem>>, vector<1x10000x128xf32>
    %get3A_3 = vector.shape_cast %get3A_2 : vector<1x10000x128xf32> to vector<10000x128xf32>
    %get3A_4 = arith.constant 1 : index
    %get3A_5 = arith.constant 0 : index
    %get3A_6 = arith.constant 0 : index
    %get3A_7 = vector.load %arg0[%get3A_4, %get3A_5, %get3A_6] : memref<2x10240x128xf32, #tpu.memory_space<vmem>>, vector<1x10000x128xf32>
    %get3A_8 = vector.shape_cast %get3A_7 : vector<1x10000x128xf32> to vector<10000x128xf32>
    %add3A = arith.addf %get3A_3, %get3A_8 : vector<10000x128xf32>
    %get3A_9 = arith.constant 0 : index
    %get3A_10 = arith.constant 0 : index
    %get3A_11 = vector.load %arg1[%get3A_9, %get3A_10] : memref<32x10240xf32, #tpu.memory_space<vmem>>, vector<32x10240xf32>
    %reduce_sum3A = arith.constant dense<0.000000e+00> : vector<10240xf32>
    %reduce_sum3A_12 = vector.multi_reduction <add>, %get3A_11, %reduce_sum3A [0] : vector<32x10240xf32> to vector<10240xf32>
    %slice3A = vector.extract_strided_slice %reduce_sum3A_12 {offsets = [0], sizes = [10000], strides = [1]} : vector<10240xf32> to vector<10000xf32>
    %reshape3A = vector.shape_cast %slice3A : vector<10000xf32> to vector<10000x1xf32>
    %max3A = arith.constant 1.000000e+00 : f32
    %max3A_13 = vector.broadcast %max3A : f32 to vector<10000x1xf32>
    %max3A_14 = arith.maximumf %reshape3A, %max3A_13 : vector<10000x1xf32>
    %div3A = vector.broadcast %max3A_14 : vector<10000x1xf32> to vector<10000x128xf32>
    %div3A_15 = arith.divf %add3A, %div3A : vector<10000x128xf32>
    %swap3A = arith.constant 0 : index
    %swap3A_16 = arith.constant 0 : index
    %swap3A_17 = vector.load %arg2[%swap3A, %swap3A_16] : memref<10000x128xf32, #tpu.memory_space<vmem>>, vector<10000x128xf32>
    tpu.vector_store %arg2[%swap3A, %swap3A_16], %div3A_15 {strides = array<i32>} : memref<10000x128xf32, #tpu.memory_space<vmem>>, vector<10000x128xf32>,
    return
  }
}

</mosaic_0001>

<sc_bundles>
// kernel: kernel.5.cloned.1.call-start
scs
__scs_entry_jumppad:
0x0: {  	(pc) =	sbr.rel $0x88, $3  }
0x1: {  	(tag) =	ssettag $0x0;
	lr =	simm.s32 $0x1  }
0x2: {  	[smem:$0x3F9D] =	sst lr;
	_ =	strace $0xD0000000  }
0x3: {  	_ = 	snop  }
0x4: {  	_ = 	snop  }
0x5: {  	_ = 	snop  }
0x6: {  	_ = 	snop  }
0x7: {  	_ = 	snop  }
__scs_overlays_trampoline_lowered:
0x8: {  	[smem:$0x3FAC] =	sst s0  }
0x9: {  	[smem:$0x3FAD] =	sst s1  }
0xa: {  	[smem:$0x3FAE] =	sst s2  }
0xb: {  	[smem:$0x3FAF] =	sst s3  }
0xc: {  	[smem:$0x3FB0] =	sst s4  }
0xd: {  	[smem:$0x3FB1] =	sst s5  }
0xe: {  	[smem:$0x3FB2] =	sst s6  }
0xf: {  	[smem:$0x3FB3] =	sst s7  }
0x10: {  	[smem:$0x3FB4] =	sst s8  }
0x11: {  	[smem:$0x3FB5] =	sst s9;
	s0 =	simm.s32 @!p0 $0x0  }
0x12: {  	s1 =	sld [smem:$0x3F9B];
	s0 =	simm.s32 @p0 $0x1  }
0x13: {  	[smem:$0x3FB6] =	sst s0;
	s0 =	simm.s32 @!p1 $0x0  }
0x14: {  	s2 =	sld [smem:$0x3F9A];
	s0 =	simm.s32 @p1 $0x1  }
0x15: {  	[smem:$0x3FB7] =	sst s0;
	s0 =	simm.s32 @!p2 $0x0  }
0x16: {  	s3 =	sld [smem:$0x3FDB];
	s0 =	simm.s32 @p2 $0x1  }
0x17: {  	s4 =	simm.s32 $0x1BF5;
	[smem:$0x3FB9] =	sst s0  }
0x18: {  	s0 =	sld [smem:$0x3F9C];
	_ =	swait.ge [sflag:s4], $0x0  }
0x19: {  	s7 =	sld [smem:$0x3F9D]  }
0x1a: {  	s8 =	sadd.s32 $0xFFFFE003, lr  }
0x1b: {  	s9 =	sadd.s32 $0xFFFFFEF7, lr;
	s5 =	simm.s32 $0xFFFFFFFF;
	p2 =	slt.u32 s8, $0xFFFFF086  }
0x1c: {  	p1 =	slt.u32 s9, $0xF7A;
	s5 =	simm.s32 @!p2 $0x0  }
0x1d: {  	s5 =	simm.s32 @p1 $0x1;
	p0 =	seq.s32 s7, s2  }
0x1e: {  	s7 =	smul.u32 @!p0 $0xF7A, s2;
	p2 =	seq.s32 @!p0 s5, $0x0  }
0x1f: {  	s9 =	smul.u32 $0xF7A, s1;
	s8 =	simm.s32 @!p0 $0x1BF5;
	p2 =	por !p2, p0  }
0x20: {  	[sflag:s8] =	ssyncset.s32 @!p0 $0xFFFFF086;
	s6 =	sadd.s32 @!p0 s3, s7;
	s7 =	simm.s32 @!p0 $0x108  }
0x21: {  	s3 =	sadd.s32 s3, s9;
	s6 =	sadd.s32 @!p0 $0x88, s6;
	s7 =	simm.s32 @p2 $0x1082  }
0x22: {  	[simem:s7], [sflag:s8] =	dma.local @!p0 [hbm:s6], $0xF7A  }
0x23: {  	s9 =	sor.u32 $0xD0000000, s2;
	s6 =	simm.s32 $0x108;
	_ =	swait.ge @!p0 [sflag:s8], $0x0  }
0x24: {  	s3 =	sadd.s32 $0x88, s3;
	s6 =	simm.s32 @!p1 $0x1082;
	[sflag:s4] =	ssyncset.s32 $0xFFFFF086  }
0x25: {  	[simem:s6], [sflag:s4] =	dma.local [hbm:s3], $0xF7A  }
0x26: {  	[smem:$0x3F9D] =	sst s1;
	(tag) =	ssettag s2;
	_ =	strace s9  }
0x27: {  	s1 =	sld [smem:$0x3FAD]  }
0x28: {  	s2 =	sld [smem:$0x3FAE]  }
0x29: {  	s4 =	sld [smem:$0x3FB0]  }
0x2a: {  	p0 =	seq.s32 s5, $0x0;
	s5 =	sld [smem:$0x3FB1]  }
0x2b: {  	s6 =	sld [smem:$0x3FB2]  }
0x2c: {  	s7 =	sld [smem:$0x3FB3]  }
0x2d: {  	s3 =	simm.s32 $0x108;
	s8 =	sld [smem:$0x3FB4]  }
0x2e: {  	s3 =	simm.s32 @!p0 $0x1082;
	s9 =	sld [smem:$0x3FB5]  }
0x2f: {  	lr =	sadd.s32 s0, s3;
	s0 =	sld [smem:$0x3FAC]  }
0x30: {  	s3 =	sld [smem:$0x3FAF]  }
0x31: {  	[smem:$0x3FB8] =	sst s10  }
0x32: {  	s10 =	sld [smem:$0x3FB6];
	_ =	sdelay $0x3  }
0x33: {  	p0 =	seq.s32 s10, $0x1;
	s10 =	sld [smem:$0x3FB8];
	_ =	sdelay $0x3  }
0x34: {  	[smem:$0x3FB8] =	sst s10  }
0x35: {  	s10 =	sld [smem:$0x3FB7];
	_ =	sdelay $0x3  }
0x36: {  	p1 =	seq.s32 s10, $0x1;
	s10 =	sld [smem:$0x3FB8];
	_ =	sdelay $0x3  }
0x37: {  	[smem:$0x3FB8] =	sst s10  }
0x38: {  	s10 =	sld [smem:$0x3FB9]  }
0x39: {  	_ = 	snop;
	(pc) =	sbr.ind lr, $3  }
0x3a: {  	_ = 	snop  }
0x3b: {  	_ = 	snop  }
0x3c: {  	p2 =	seq.s32 s10, $0x1;
	s10 =	sld [smem:$0x3FB8]  }
0x3d: {  	_ =	shalt  }
0x3e: {  	_ =	shalt  }
0x3f: {  	_ =	shalt  }
0x40: {  	_ =	shalt  }
0x41: {  	_ =	shalt  }
0x42: {  	_ =	shalt  }
0x43: {  	_ =	shalt  }
0x44: {  	_ =	shalt  }
0x45: {  	_ =	shalt  }
0x46: {  	_ =	shalt  }
0x47: {  	_ =	shalt  }
0x48: {  	_ =	shalt  }
0x49: {  	_ =	shalt  }
0x4a: {  	_ =	shalt  }
0x4b: {  	_ =	shalt  }
0x4c: {  	_ =	shalt  }
0x4d: {  	_ =	shalt  }
0x4e: {  	_ =	shalt  }
0x4f: {  	_ =	shalt  }
0x50: {  	_ =	shalt  }
0x51: {  	_ =	shalt  }
0x52: {  	_ =	shalt  }
0x53: {  	_ =	shalt  }
0x54: {  	_ =	shalt  }
0x55: {  	_ =	shalt  }
0x56: {  	_ =	shalt  }
0x57: {  	_ =	shalt  }
0x58: {  	_ =	shalt  }
0x59: {  	_ =	shalt  }
0x5a: {  	_ =	shalt  }
0x5b: {  	_ =	shalt  }
0x5c: {  	_ =	shalt  }
0x5d: {  	_ =	shalt  }
0x5e: {  	_ =	shalt  }
0x5f: {  	_ =	shalt  }
0x60: {  	_ =	shalt  }
0x61: {  	_ =	shalt  }
0x62: {  	_ =	shalt  }
0x63: {  	_ =	shalt  }
0x64: {  	_ =	shalt  }
0x65: {  	_ =	shalt  }
0x66: {  	_ =	shalt  }
0x67: {  	_ =	shalt  }
0x68: {  	_ =	shalt  }
0x69: {  	_ =	shalt  }
0x6a: {  	_ =	shalt  }
0x6b: {  	_ =	shalt  }
0x6c: {  	_ =	shalt  }
0x6d: {  	_ =	shalt  }
0x6e: {  	_ =	shalt  }
0x6f: {  	_ =	shalt  }
0x70: {  	_ =	shalt  }
0x71: {  	_ =	shalt  }
0x72: {  	_ =	shalt  }
0x73: {  	_ =	shalt  }
0x74: {  	_ =	shalt  }
0x75: {  	_ =	shalt  }
0x76: {  	_ =	shalt  }
0x77: {  	_ =	shalt  }
0x78: {  	_ =	shalt  }
0x79: {  	_ =	shalt  }
0x7a: {  	_ =	shalt  }
0x7b: {  	_ =	shalt  }
0x7c: {  	_ =	shalt  }
0x7d: {  	_ =	shalt  }
0x7e: {  	_ =	shalt  }
0x7f: {  	_ =	shalt  }
0x80: {  	_ =	shalt  }
0x81: {  	_ =	shalt  }
0x82: {  	_ =	shalt  }
0x83: {  	_ =	shalt  }
0x84: {  	_ =	shalt  }
0x85: {  	_ =	shalt  }
0x86: {  	_ =	shalt  }
0x87: {  	_ =	shalt  }
.Lfunc_end0:
.L_simem_size_0:
called_computation_lowered:
.L_overlay_start_0:
0x88: {  	s2 =	sld [smem:$0x3FD9]  }
0x89: {  	s3 =	sld [smem:$0x3FFE];
	_ =	sdelay $0x1  }
0x8a: {  	s1 =	srdreg.scid  }
0x8b: {  	s0 =	sand.u32 $0x1, s1  }
0x8c: {  	s17 =	sshll.u32 s0, $0xA;
	s2 =	sadd.s32 s3, s2  }
0x8d: {  	s2 =	sadd.s32 s2, s17  }
0x8e: {  	[smem:$0x3FC4] =	sst s2  }
0x8f: {  	_ = 	snop  }
0x90: {  	s2 =	sld [smem:$0x3FD0];
	(tm) =	ssettm $0x1  }
0x91: {  	s18 =	sld [smem:$0x3FFB];
	_ =	sdelay $0x3  }
0x92: {  	_ =	strace s18  }
0x93: {  	s3 =	sld [smem:$0x3FFC];
	_ =	sdelay $0x3  }
0x94: {  	_ =	strace s3  }
0x95: {  	s3 =	sld [smem:$0x3FFD];
	_ =	sdelay $0x3  }
0x96: {  	_ =	strace s3  }
0x97: {  	_ =	strace $0x8FFFFFFF  }
0x98: {  	s19 =	sld [smem:$0x3FDB];
	_ =	sdelay $0x1  }
0x99: {  	s4 =	simm.s32 $_scs_section_size  }
0x9a: {  	s5 =	simm.s32 $_size__tile_overlayer_lowered;
	s6 =	simm.s32 $_tile_overlayer_lowered  }
0x9b: {  	s22 =	simm.s32 $0x1BFF;
	s21 =	sshll.u32 s6, $0x1;
	s3 =	sadd.s32 s4, s19  }
0x9c: {  	s7 =	simm.s32 $0x0;
	s20 =	sshll.u32 s5, $0x1;
	s5 =	sadd.s32 s21, s3  }
0x9d: {  	[timem:s7], [sflag:s22] =	dma.local [hbm:s5], s20  }
0x9e: {  	_ =	swait.ge [sflag:s22], s20  }
0x9f: {  	s4 =	ssub.s32 $0x0, s20;
	[sflag:s22] =	ssyncset.done $0x0  }
0xa0: {  	[sflag:s22] =	ssyncadd.s32 s4;
	_ =	sdelay $0x1  }
0xa1: {  	s23 =	simm.s32 $0x1B8B  }
0xa2: {  	_ =	swait.ge [sflag:s23], $0x1  }
0xa3: {  	[sflag:s23] =	ssyncset.done $0x0  }
0xa4: {  	s25 =	simm.s32 $0x1B8E;
	s24 =	sld [smem:$0x3FFE];
	[sflag:s23] =	ssyncadd.s32 $0xFFFFFFFF  }
0xa5: {  	s26 =	simm.s32 $execute0_lowered;
	[smem:$0x3FD2] =	sst s25  }
0xa6: {  	s5 =	sshll.u32 s26, $0x1;
	_ =	strace $0x80000046;
	[dreg:$0x1] =	wrdreg $0xFFFFFFFF  }
0xa7: {  	s28 =	simm.s32 $_size_execute0_lowered;
	s3 =	sadd.s32 s3, s5;
	[dreg:$0x0] =	wrdreg $0x0  }
0xa8: {  	s5 =	sshll.u32 s28, $0x1;
	[dreg:$0x2] =	wrdreg s3  }
0xa9: {  	[dreg:$0x3] =	wrdreg s5  }
0xaa: {  	[dreg:$0x4] =	wrdreg $0xC0  }
0xab: {  	_ =	task [dreg:s7], $0x5FFFF  }
0xac: {  	[dreg:$0x1] =	wrdreg $0xFFFFFFFF  }
0xad: {  	[dreg:$0x0] =	wrdreg $0x60  }
0xae: {  	[dreg:$0x2] =	wrdreg s2  }
0xaf: {  	[dreg:$0x3] =	wrdreg s24  }
0xb0: {  	[dreg:$0x4] =	wrdreg $0x98000  }
0xb1: {  	[dreg:$0x5] =	wrdreg $0x9  }
0xb2: {  	_ =	task.clear_ibuf [dreg:s7], $0x6FFFF;
	_ =	strace $0x90000046  }
0xb3: {  	s29 =	simm.s32 $0x9;
	_ =	strace $0x80000048  }
0xb4: {  	_ =	swait.ge [sflag:s29], $0x1  }
0xb5: {  	[sflag:s29] =	ssyncadd.s32 $0xFFFFFFFF  }
0xb6: {  	_ =	strace $0x90000048  }
0xb7: {  	_ =	sfence  }
0xb8: {  	s30 =	sld [smem:$0x0];
	_ =	sdelay $0x2  }
0xb9: {  	s31 =	sshll.u32 s1, $0xD;
	s1 =	sshrl.u32 s1, $0x2  }
0xba: {  	s3 =	sand.u32 $0x4000, s31;
	s1 =	sadd.s32 s1, s30  }
0xbb: {  	s0 =	sor.u32 s3, s0;
	s1 =	sshll.u32 s1, $0x11  }
0xbc: {  	s0 =	sor.u32 s1, s0  }
0xbd: {  	s0 =	sadd.s32 $0x8F2B, s0  }
0xbe: {  	[sflag:s0] =	ssyncadd.remote.s32 $0x1  }
0xbf: {  	_ =	sfence.sel $0xFFFF  }
0xc0: {  	[dreg:$0x0] =	wrdreg $0xFFFFFFFF;
	(pc) =	sbr.abs _section_cstart, $3  }
0xc1: {  	[dreg:$0x1] =	wrdreg $0xFFFFFFFF  }
0xc2: {  	_ =	task.clear_ibuf [dreg:s7], $0x2FFFF;
	_ =	strace $0x9FFFFFFF  }
0xc3: {  	(tm) =	ssettm $0x7FFFFFFF  }
tec
execute0_lowered:
.L_overlay_start_1:
0x0: {  	(tag) =	ssettag $0x1  }
0x1: {  	s1 =	srdreg.scid;
	s0 =	rddreg [dreg:$0x1]  }
0x2: {  	s22 =	stileid.u32;
	s3 =	sand.u32 $0x1, s1;
	s1 =	simm.s32 $0x0  }
0x3: {  	s5 =	sadd.s32 $0x15600, s0;
	s6 =	sadd.s32 $0x1600, s0;
	s7 =	sshll.u32 s22, $0x7  }
0x4: {  	s10 =	smul.u32 $0x14000, s22;
	s11 =	sadd.s32 $0x50800, s0;
	s2 =	sshll.u32 s3, $0x4  }
0x5: {  	[smem:$0x7FF] =	sst s1;
	s8 =	ssub.s32 $0x2, s3;
	s7 =	sand.u32 $0x380, s7  }
0x6: {  	s3 =	smul.u32 $0x140000, s3;
	s4 =	sor.u32 s22, s2;
	s9 =	sshrl.u32 s8, $0x1  }
0x7: {  	s12 =	sadd.s32 $0x7800, s10;
	s2 =	sshrl.u32 s4, $0x3;
	s4 =	smul.u32 $0x5000, s4  }
0x8: {  	s13 =	sadd.s32 $0xA000, s10;
	s14 =	sadd.s32 $0xC800, s10;
	s2 =	smul.u32 $0x14000, s2  }
0x9: {  	s15 =	sadd.s32 $0xF000, s10;
	s16 =	sadd.s32 $0x11800, s10;
	s4 =	sshrl.u32 s4, $0x3  }
0xa: {  	s7 =	sor.u32 s7, s2;
	s2 =	ssub.s32 s8, s9;
	s17 =	sadd.s32 s5, s4  }
0xb: {  	s21 =	sadd.s32 s6, s4;
	s23 =	sadd.s32 $0x200, s4;
	[dreg:$0x4] =	wrdreg s17  }
0xc: {  	s8 =	sor.u32 $0x2800, s10;
	[dreg:$0x5] =	wrdreg s21;
	s18 =	sadd.s32 s5, s23  }
0xd: {  	s24 =	sadd.s32 $0x400, s4;
	s17 =	sadd.s32 s6, s23;
	[dreg:$0x6] =	wrdreg s18  }
0xe: {  	s26 =	sadd.s32 $0x600, s4;
	s25 =	sadd.s32 s5, s24;
	[dreg:$0x7] =	wrdreg s17  }
0xf: {  	s9 =	sadd.s32 $0x5000, s10;
	s19 =	sadd.s32 s5, s26;
	[dreg:$0x8] =	wrdreg s25  }
0x10: {  	s4 =	sadd.s32 $0x800, s4;
	s20 =	sadd.s32 s6, s26;
	[dreg:$0xa] =	wrdreg s19  }
0x11: {  	s5 =	sadd.s32 s5, s4;
	s21 =	sadd.s32 s10, s3;
	[dreg:$0xb] =	wrdreg s20  }
0x12: {  	s4 =	sadd.s32 s6, s4;
	s26 =	sadd.s32 s3, s9;
	[dreg:$0xc] =	wrdreg s5  }
0x13: {  	s2 =	smax.u32 s2, $0x1;
	s17 =	sadd.s32 s6, s24;
	[dreg:$0xd] =	wrdreg s4  }
0x14: {  	s23 =	sshrl.u32 s21, $0x3;
	s24 =	sadd.s32 s3, s8;
	s5 =	sshrl.u32 s26, $0x3  }
0x15: {  	s6 =	sadd.s32 s3, s12;
	s19 =	sadd.s32 s3, s14;
	s21 =	sadd.s32 s3, s15  }
0x16: {  	[dreg:$0x9] =	wrdreg s17;
	s4 =	sadd.s32 s11, s23;
	s25 =	sshrl.u32 s24, $0x3  }
0x17: {  	s10 =	sshrl.u32 s6, $0x3;
	s17 =	sadd.s32 s3, s13;
	s20 =	sshrl.u32 s19, $0x3  }
0x18: {  	s23 =	sshrl.u32 s21, $0x3;
	s19 =	rddreg [dreg:$0x0];
	s3 =	sadd.s32 s3, s16  }
0x19: {  	s21 =	rddreg [dreg:$0x2];
	s24 =	smul.u32 $0x50000, s22;
	s6 =	simm.s32 $0x4800  }
0x1a: {  	[dreg:$0xe] =	wrdreg s4;
	s4 =	sadd.s32 s11, s25;
	s18 =	sshrl.u32 s17, $0x3  }
0x1b: {  	s3 =	sshrl.u32 s3, $0x3;
	s25 =	sshrl.u32 s7, $0x3;
	s28 =	sadd.s32 s12, s21  }
0x1c: {  	s29 =	sadd.s32 s13, s21;
	s30 =	sadd.s32 s14, s21;
	s31 =	sadd.s32 s15, s21  }
0x1d: {  	s7 =	simm.s32 $0x1;
	[dreg:$0xf] =	wrdreg s4;
	s4 =	sadd.s32 s11, s5  }
0x1e: {  	s22 =	sadd.s32 s11, s3;
	s3 =	sadd.s32 s25, s0;
	s26 =	sshrl.u32 s24, $0x2  }
0x1f: {  	s25 =	sadd.s32 s8, s21;
	s5 =	simm.s32 $0x50;
	s8 =	simm.s32 $0x2  }
0x20: {  	[dreg:$0x10] =	wrdreg s4;
	s4 =	sadd.s32 s11, s10;
	s24 =	sadd.s32 s26, s21  }
0x21: {  	s26 =	sadd.s32 s9, s21;
	s9 =	simm.s32 $0x3;
	s10 =	simm.s32 $0x0  }
0x22: {  	[dreg:$0x11] =	wrdreg s4;
	s4 =	sadd.s32 s11, s18;
	s18 =	sadd.s32 s16, s21  }
0x23: {  	[dreg:$0x12] =	wrdreg s4;
	s4 =	sadd.s32 s11, s20;
	s20 =	sadd.s32 s11, s23  }
0x24: {  	v0 =	vimm.f32 $0.0e+00;
	vm0 =	vcmask $0x300;
	s23 =	sadd.s32 $0x29600, s0;
	s0 =	sadd.s32 $0xA0800, s3;
	[dreg:$0x13] =	wrdreg s4  }
0x25: {  	v1 =	vsel vm0, $0x3F800000, v0;
	s3 =	simm.s32 $0x2000;
	s4 =	simm.s32 $0x4;
	_ =	strace $0x80000047  }
.LBB2_1:
0x26: {  	s11 =	simm.s32 $0x0;
	s12 =	simm.s32 $0x200  }
.LBB2_2:
0x27: {  	p0 =	sne.s32 s12, $0x9E00;
	[tilespmem:s11+$0x2070] =	vst v0  }
0x28: {  	[tilespmem:s11+$0x2000] =	vst v0  }
0x29: {  	[tilespmem:s11+$0x2010] =	vst v0  }
.Ltmp0:
0x2a: {  	[tilespmem:s11+$0x2020] =	vst v0;
	(pc) =	sbr.rel @p0 .LBB2_2-.Ltmp0, $4  }
0x2b: {  	[tilespmem:s11+$0x2030] =	vst v0  }
0x2c: {  	[tilespmem:s11+$0x2040] =	vst v0  }
0x2d: {  	[tilespmem:s11+$0x2050] =	vst v0  }
0x2e: {  	[tilespmem:s11+$0x2060] =	vst v0;
	s11 =	sshra.s32 s12, $0x2;
	s12 =	sadd.s32 $0x200, s12  }
0x2f: {  	[tilespmem:s11+$0x2070] =	vst v0  }
0x30: {  	[tilespmem:s11+$0x2000] =	vst v0  }
0x31: {  	[tilespmem:s11+$0x2010] =	vst v0  }
0x32: {  	[tilespmem:s11+$0x2020] =	vst v0  }
0x33: {  	[tilespmem:s11+$0x2030] =	vst v0  }
0x34: {  	[tilespmem:s11+$0x2040] =	vst v0  }
0x35: {  	[tilespmem:s11+$0x2050] =	vst v0  }
0x36: {  	[tilespmem:s11+$0x2060] =	vst v0;
	s11 =	simm.s32 $0x40;
	s12 =	simm.s32 $0x0  }
.LBB2_4:
0x37: {  	p0 =	sne.s32 s11, $0x9FC0;
	[tilespmem:s12+$0x7000] =	vst v0;
	s12 =	smov.u32 s11;
	s11 =	sadd.s32 $0x40, s11  }
.Ltmp1:
0x38: {  	(pc) =	sbr.rel @p0 .LBB2_4-.Ltmp1, $2  }
0x39: {  	_ =	sdelay $0x2  }
0x3a: {  	s12 =	sshra.s32 s12, $0x2  }
0x3b: {  	[tilespmem:s12+$0x7000] =	vst v0  }
0x3c: {  	[spmem:s24] =	stream.linear.scatter [tilespmem:s3], [sflag:$0x4], $0x2800, $0x38;
	[tilespmem:$0x1D800] =	vst v63  }
0x3d: {  	_ =	swait.ge [sflag:s4], $0x2800  }
0x3e: {  	[sflag:s4] =	ssyncset.done $0x0  }
0x3f: {  	[sflag:s4] =	ssyncadd.s32 $0xFFFFD800  }
0x40: {  	[spmem:s25] =	stream.linear.scatter [tilespmem:s3], [sflag:$0x4], $0x2800, $0x38;
	[tilespmem:$0x1D800] =	vst v63  }
0x41: {  	_ =	swait.ge [sflag:s4], $0x2800  }
0x42: {  	[sflag:s4] =	ssyncset.done $0x0  }
0x43: {  	[sflag:s4] =	ssyncadd.s32 $0xFFFFD800  }
0x44: {  	[spmem:s26] =	stream.linear.scatter [tilespmem:s3], [sflag:$0x4], $0x2800, $0x38;
	[tilespmem:$0x1D800] =	vst v63  }
0x45: {  	_ =	swait.ge [sflag:s4], $0x2800  }
0x46: {  	[sflag:s4] =	ssyncset.done $0x0  }
0x47: {  	[sflag:s4] =	ssyncadd.s32 $0xFFFFD800  }
0x48: {  	[spmem:s28] =	stream.linear.scatter [tilespmem:s3], [sflag:$0x4], $0x2800, $0x38;
	[tilespmem:$0x1D800] =	vst v63  }
0x49: {  	_ =	swait.ge [sflag:s4], $0x2800  }
0x4a: {  	[sflag:s4] =	ssyncset.done $0x0  }
0x4b: {  	[sflag:s4] =	ssyncadd.s32 $0xFFFFD800  }
0x4c: {  	[spmem:s29] =	stream.linear.scatter [tilespmem:s3], [sflag:$0x4], $0x2800, $0x38;
	[tilespmem:$0x1D800] =	vst v63  }
0x4d: {  	_ =	swait.ge [sflag:s4], $0x2800  }
0x4e: {  	[sflag:s4] =	ssyncset.done $0x0  }
0x4f: {  	[sflag:s4] =	ssyncadd.s32 $0xFFFFD800  }
0x50: {  	[spmem:s30] =	stream.linear.scatter [tilespmem:s3], [sflag:$0x4], $0x2800, $0x38;
	[tilespmem:$0x1D800] =	vst v63  }
0x51: {  	_ =	swait.ge [sflag:s4], $0x2800  }
0x52: {  	[sflag:s4] =	ssyncset.done $0x0  }
0x53: {  	[sflag:s4] =	ssyncadd.s32 $0xFFFFD800  }
0x54: {  	[spmem:s31] =	stream.linear.scatter [tilespmem:s3], [sflag:$0x4], $0x2800, $0x38;
	[tilespmem:$0x1D800] =	vst v63  }
0x55: {  	_ =	swait.ge [sflag:s4], $0x2800  }
0x56: {  	[sflag:s4] =	ssyncset.done $0x0  }
0x57: {  	[sflag:s4] =	ssyncadd.s32 $0xFFFFD800  }
0x58: {  	[spmem:s18] =	stream.linear.scatter [tilespmem:s3], [sflag:$0x4], $0x2800, $0x38;
	[tilespmem:$0x1D800] =	vst v63  }
0x59: {  	_ =	swait.ge [sflag:s4], $0x2800  }
0x5a: {  	[sflag:s4] =	ssyncset.done $0x0  }
0x5b: {  	[sflag:s4] =	ssyncadd.s32 $0xFFFFD800  }
0x5c: {  	[bflag:$0x0] =	sbarrier.arrive $0xFFFF  }
0x5d: {  	s14 =	simm.s32 $0x0;
	s11 =	rddreg [dreg:$0x4]  }
0x5e: {  	[tilespmem:s14], [sflag:$0x4] =	stream.linear.gather [hbm4b:s11+s14], $0xC80, $0x38;
	[tilespmem:$0x1D800] =	vst v63  }
0x5f: {  	_ =	swait.ge [sflag:s4], $0xC80  }
0x60: {  	[sflag:s4] =	ssyncset.done $0x0  }
0x61: {  	s11 =	simm.s32 $0x1000;
	s17 =	rddreg [dreg:$0x5];
	[sflag:s4] =	ssyncadd.s32 $0xFFFFF380  }
0x62: {  	[tilespmem:s11], [sflag:$0x4] =	stream.linear.gather [hbm4b:s17+s14], $0xC80, $0x38;
	[tilespmem:$0x1D800] =	vst v63  }
0x63: {  	_ =	swait.ge [sflag:s4], $0xC80  }
0x64: {  	[sflag:s4] =	ssyncset.done $0x0  }
0x65: {  	[sflag:s4] =	ssyncadd.s32 $0xFFFFF380  }
0x66: {  	[tilespmem:s3], [sflag:$0x1] =	stream.indirect.gather [hbm4b:s19+s5], $0x80, s11, s5, $0xb8;
	[tilespmem:$0x1D800] =	vst v63  }
0x67: {  	_ = 	snop  }
0x68: {  	[tilespmem:s6], [sflag:$0x2] =	stream.indirect.gather [hbm4b:s23+s5], $0x80, s14, s5, $0xb8;
	[tilespmem:$0x1D800] =	vst v63  }
.LBB2_6:
0x69: {  	_ =	swait.ge [sflag:s7], $0x2800  }
0x6a: {  	[sflag:s7] =	ssyncset.done $0x0  }
0x6b: {  	[sflag:s7] =	ssyncadd.s32 $0xFFFFD800  }
0x6c: {  	_ =	swait.ge [sflag:s8], $0x2800  }
0x6d: {  	[sflag:s8] =	ssyncset.done $0x0  }
0x6e: {  	s15 =	simm.s32 $0x0;
	[sflag:s8] =	ssyncadd.s32 $0xFFFFD800  }
0x6f: {  	v8 =	vld [tilespmem:s15+$0x2000]  }
0x70: {  	v13 =	vld [tilespmem:s15+$0x2010]  }
0x71: {  	v7 =	vld [tilespmem:s15+$0x2020]  }
0x72: {  	v6 =	vld [tilespmem:s15+$0x2030]  }
0x73: {  	v5 =	vld [tilespmem:s15+$0x2040]  }
0x74: {  	v4 =	vld [tilespmem:s15+$0x2050]  }
0x75: {  	v3 =	vld [tilespmem:s15+$0x2060]  }
0x76: {  	v2 =	vld [tilespmem:s15+$0x2070]  }
0x77: {  	v14 =	vld [tilespmem:s15+$0x4800]  }
0x78: {  	v15 =	vld [tilespmem:s15+$0x4810]  }
0x79: {  	v12 =	vld [tilespmem:s15+$0x4820]  }
0x7a: {  	v11 =	vld [tilespmem:s15+$0x4830]  }
0x7b: {  	v10 =	vld [tilespmem:s15+$0x4840]  }
0x7c: {  	v9 =	vld [tilespmem:s15+$0x4850];
	v14 =	vadd.f32 v14, v8  }
0x7d: {  	s12 =	simm.s32 $0x200;
	v13 =	vadd.f32 v15, v13;
	v8 =	vld [tilespmem:s15+$0x4860]  }
.LBB2_7:
0x7e: {  	s13 =	sshra.s32 s12, $0x2;
	p0 =	sne.s32 s12, $0x9E00;
	v14 =	vmax.f32 v14, $0.0e+00;
	v7 =	vadd.f32 v12, v7;
	v12 =	vld [tilespmem:s15+$0x4870]  }
0x7f: {  	v15 =	vld [tilespmem:s13+$0x2000];
	[tilespmem:s15+$0x4800] =	vst v14;
	v13 =	vmax.f32 v13, $0.0e+00;
	v6 =	vadd.f32 v11, v6  }
0x80: {  	v16 =	vld [tilespmem:s13+$0x2010];
	[tilespmem:s15+$0x4810] =	vst v13;
	v11 =	vmax.f32 v7, $0.0e+00;
	v5 =	vadd.f32 v10, v5  }
0x81: {  	v7 =	vld [tilespmem:s13+$0x2020];
	[tilespmem:s15+$0x4820] =	vst v11;
	v10 =	vmax.f32 v6, $0.0e+00;
	v4 =	vadd.f32 v9, v4  }
0x82: {  	v6 =	vld [tilespmem:s13+$0x2030];
	[tilespmem:s15+$0x4830] =	vst v10;
	v9 =	vmax.f32 v5, $0.0e+00;
	v3 =	vadd.f32 v8, v3  }
0x83: {  	v5 =	vld [tilespmem:s13+$0x2040];
	[tilespmem:s15+$0x4840] =	vst v9;
	v8 =	vmax.f32 v4, $0.0e+00;
	v2 =	vadd.f32 v12, v2  }
0x84: {  	v4 =	vld [tilespmem:s13+$0x2050];
	[tilespmem:s15+$0x4850] =	vst v8;
	v8 =	vmax.f32 v3, $0.0e+00  }
0x85: {  	v3 =	vld [tilespmem:s13+$0x2060];
	[tilespmem:s15+$0x4860] =	vst v8;
	v8 =	vmax.f32 v2, $0.0e+00  }
0x86: {  	v2 =	vld [tilespmem:s13+$0x2070];
	[tilespmem:s15+$0x4870] =	vst v8;
	s15 =	smov.u32 s13  }
0x87: {  	v8 =	vld [tilespmem:s15+$0x4800]  }
0x88: {  	v13 =	vld [tilespmem:s15+$0x4810]  }
.Ltmp2:
0x89: {  	v12 =	vld [tilespmem:s15+$0x4820];
	(pc) =	sbr.rel @p0 .LBB2_7-.Ltmp2, $4  }
0x8a: {  	v11 =	vld [tilespmem:s15+$0x4830]  }
0x8b: {  	v10 =	vld [tilespmem:s15+$0x4840]  }
0x8c: {  	v14 =	vadd.f32 v8, v15;
	v9 =	vld [tilespmem:s15+$0x4850]  }
0x8d: {  	s12 =	sadd.s32 $0x200, s12;
	v13 =	vadd.f32 v13, v16;
	v8 =	vld [tilespmem:s15+$0x4860]  }
0x8e: {  	v14 =	vmax.f32 v14, $0.0e+00;
	v7 =	vadd.f32 v12, v7;
	v63 =	vld [tilespmem:s15+$0x4870]  }
0x8f: {  	[tilespmem:s15+$0x4800] =	vst v14;
	v13 =	vmax.f32 v13, $0.0e+00;
	v6 =	vadd.f32 v11, v6  }
0x90: {  	[tilespmem:s15+$0x4810] =	vst v13;
	v7 =	vmax.f32 v7, $0.0e+00;
	v5 =	vadd.f32 v10, v5  }
0x91: {  	[tilespmem:s15+$0x4820] =	vst v7;
	v6 =	vmax.f32 v6, $0.0e+00;
	v4 =	vadd.f32 v9, v4  }
0x92: {  	[tilespmem:s15+$0x4830] =	vst v6;
	v5 =	vmax.f32 v5, $0.0e+00;
	v3 =	vadd.f32 v8, v3  }
0x93: {  	s12 =	sadd.s32 $0x1, s14;
	p0 =	seq.s32 s14, $0x18;
	[tilespmem:s15+$0x4840] =	vst v5;
	v4 =	vmax.f32 v4, $0.0e+00;
	v2 =	vadd.f32 v63, v2  }
0x94: {  	s13 =	sshll.u32 @!p0 s12, $0x7;
	[tilespmem:s15+$0x4850] =	vst v4;
	v3 =	vmax.f32 v3, $0.0e+00  }
0x95: {  	s13 =	sand.u32 @!p0 $0x3FFFFF80, s13;
	[tilespmem:s15+$0x4860] =	vst v3;
	v2 =	vmax.f32 v2, $0.0e+00  }
0x96: {  	s16 =	simm.s32 @!p0 $0x50;
	s17 =	simm.s32 @!p0 $0x2000;
	[tilespmem:s15+$0x4870] =	vst v2;
	s15 =	sadd.s32 @!p0 $0x1000, s13  }
0x97: {  	v2 =	vmov s11;
	[tilespmem:s17], [sflag:$0x1] =	stream.indirect.gather @!p0 [hbm4b:s19+s16], $0x80, s15, s16, $0xb8;
	[tilespmem:$0x1D800] =	vst v63  }
0x98: {  	s16 =	sshll.u32 s14, $0x7  }
0x99: {  	s14 =	sand.u32 $0x3FFFFF80, s16  }
0x9a: {  	s17 =	simm.s32 $0x0;
	s14 =	sadd.s32 $0x1000, s14  }
0x9b: {  	[spmem:s21] =	stream.indirect.scatter.add.f32 [tilespmem:s6], [sflag:$0x3], $0x80, s14, s5, $0xb8;
	[tilespmem:$0x1D800] =	vst v63  }
0x9c: {  	v3 =	vld.idx.msk [tilespmem:v2+s17+$0x0 ss:$0x1], $0xffff;
	_ =	sdelay $0x4  }
0x9d: {  	v3 =	vadd.s32 $0x7000, v3  }
0x9e: {  	(v2sf) =	vpush v3, $0x0;
	_ =	sdelay $0x7  }
0x9f: {  	(v2sf) =	vpush v3, $0x1;
	_ =	sdelay $0x6  }
0xa0: {  	s15 =	spop (v2sf)  }
0xa1: {  	(v2sf) =	vpush v3, $0x2;
	v4 =	vld [tilespmem:s15+$0x0];
	_ =	sdelay $0x4  }
0xa2: {  	v4 =	vadd.f32 v1, v4;
	_ =	sdelay $0x1  }
0xa3: {  	s16 =	spop (v2sf);
	[tilespmem:s15+$0x0] =	vst v4  }
0xa4: {  	(v2sf) =	vpush v3, $0x3;
	v4 =	vld [tilespmem:s16+$0x0];
	_ =	sdelay $0x4  }
0xa5: {  	v4 =	vadd.f32 v1, v4;
	_ =	sdelay $0x1  }
0xa6: {  	s17 =	spop (v2sf);
	[tilespmem:s16+$0x0] =	vst v4  }
0xa7: {  	(v2sf) =	vpush v3, $0x4;
	v4 =	vld [tilespmem:s17+$0x0];
	_ =	sdelay $0x4  }
0xa8: {  	v4 =	vadd.f32 v1, v4;
	_ =	sdelay $0x1  }
0xa9: {  	s15 =	spop (v2sf);
	[tilespmem:s17+$0x0] =	vst v4  }
0xaa: {  	(v2sf) =	vpush v3, $0x5;
	v4 =	vld [tilespmem:s15+$0x0];
	_ =	sdelay $0x4  }
0xab: {  	v4 =	vadd.f32 v1, v4;
	_ =	sdelay $0x1  }
0xac: {  	s16 =	spop (v2sf);
	[tilespmem:s15+$0x0] =	vst v4  }
0xad: {  	(v2sf) =	vpush v3, $0x6;
	v4 =	vld [tilespmem:s16+$0x0];
	_ =	sdelay $0x4  }
0xae: {  	v4 =	vadd.f32 v1, v4;
	_ =	sdelay $0x1  }
0xaf: {  	s17 =	spop (v2sf);
	[tilespmem:s16+$0x0] =	vst v4  }
0xb0: {  	(v2sf) =	vpush v3, $0x7;
	v4 =	vld [tilespmem:s17+$0x0];
	_ =	sdelay $0x4  }
0xb1: {  	v4 =	vadd.f32 v1, v4;
	_ =	sdelay $0x1  }
0xb2: {  	s15 =	spop (v2sf);
	[tilespmem:s17+$0x0] =	vst v4  }
0xb3: {  	(v2sf) =	vpush v3, $0x8;
	v4 =	vld [tilespmem:s15+$0x0];
	_ =	sdelay $0x4  }
0xb4: {  	v4 =	vadd.f32 v1, v4;
	_ =	sdelay $0x1  }
0xb5: {  	s16 =	spop (v2sf);
	[tilespmem:s15+$0x0] =	vst v4  }
0xb6: {  	(v2sf) =	vpush v3, $0x9;
	v4 =	vld [tilespmem:s16+$0x0];
	_ =	sdelay $0x4  }
0xb7: {  	v4 =	vadd.f32 v1, v4;
	_ =	sdelay $0x1  }
0xb8: {  	s17 =	spop (v2sf);
	[tilespmem:s16+$0x0] =	vst v4  }
0xb9: {  	(v2sf) =	vpush v3, $0xA;
	v4 =	vld [tilespmem:s17+$0x0];
	_ =	sdelay $0x4  }
0xba: {  	v4 =	vadd.f32 v1, v4;
	_ =	sdelay $0x1  }
0xbb: {  	s15 =	spop (v2sf);
	[tilespmem:s17+$0x0] =	vst v4  }
0xbc: {  	(v2sf) =	vpush v3, $0xB;
	v4 =	vld [tilespmem:s15+$0x0];
	_ =	sdelay $0x4  }
0xbd: {  	v4 =	vadd.f32 v1, v4;
	_ =	sdelay $0x1  }
0xbe: {  	s16 =	spop (v2sf);
	[tilespmem:s15+$0x0] =	vst v4  }
0xbf: {  	(v2sf) =	vpush v3, $0xC;
	v4 =	vld [tilespmem:s16+$0x0];
	_ =	sdelay $0x4  }
0xc0: {  	v4 =	vadd.f32 v1, v4;
	_ =	sdelay $0x1  }
0xc1: {  	s17 =	spop (v2sf);
	[tilespmem:s16+$0x0] =	vst v4  }
0xc2: {  	(v2sf) =	vpush v3, $0xD;
	v4 =	vld [tilespmem:s17+$0x0];
	_ =	sdelay $0x4  }
0xc3: {  	v4 =	vadd.f32 v1, v4;
	_ =	sdelay $0x1  }
0xc4: {  	s15 =	spop (v2sf);
	[tilespmem:s17+$0x0] =	vst v4  }
0xc5: {  	(v2sf) =	vpush v3, $0xE;
	v4 =	vld [tilespmem:s15+$0x0];
	_ =	sdelay $0x4  }
0xc6: {  	v4 =	vadd.f32 v1, v4;
	_ =	sdelay $0x1  }
0xc7: {  	s16 =	spop (v2sf);
	[tilespmem:s15+$0x0] =	vst v4  }
0xc8: {  	(v2sf) =	vpush v3, $0xF;
	v4 =	vld [tilespmem:s16+$0x0];
	_ =	sdelay $0x4  }
0xc9: {  	v3 =	vadd.f32 v1, v4;
	_ =	sdelay $0x1  }
0xca: {  	s17 =	spop (v2sf);
	[tilespmem:s16+$0x0] =	vst v3  }
0xcb: {  	v3 =	vld [tilespmem:s17+$0x0];
	_ =	sdelay $0x4  }
0xcc: {  	v3 =	vadd.f32 v1, v3;
	_ =	sdelay $0x1  }
0xcd: {  	s16 =	spop (v2sf);
	[tilespmem:s17+$0x0] =	vst v3  }
0xce: {  	v3 =	vld [tilespmem:s16+$0x0];
	_ =	sdelay $0x4  }
0xcf: {  	s14 =	simm.s32 $0x40;
	s15 =	simm.s32 $0x80;
	v3 =	vadd.f32 v1, v3  }
.LBB2_9:
0xd0: {  	p1 =	sne.s32 s15, $0x100  }
0xd1: {  	s17 =	sshra.s32 s14, $0x2;
	s14 =	smov.u32 s15;
	s15 =	sadd.s32 $0x40, s15;
	[tilespmem:s16+$0x0] =	vst v3  }
0xd2: {  	v3 =	vld.idx.msk [tilespmem:v2+s17+$0x0 ss:$0x1], $0xffff;
	_ =	sdelay $0x5  }
0xd3: {  	v3 =	vadd.s32 $0x7000, v3  }
0xd4: {  	(v2sf) =	vpush v3, $0x0;
	_ =	sdelay $0x7  }
0xd5: {  	(v2sf) =	vpush v3, $0x1;
	_ =	sdelay $0x6  }
0xd6: {  	s16 =	spop (v2sf)  }
0xd7: {  	v4 =	vld [tilespmem:s16+$0x0];
	(v2sf) =	vpush v3, $0x2;
	_ =	sdelay $0x4  }
0xd8: {  	v4 =	vadd.f32 v1, v4;
	_ =	sdelay $0x1  }
0xd9: {  	[tilespmem:s16+$0x0] =	vst v4;
	s16 =	spop (v2sf)  }
0xda: {  	v4 =	vld [tilespmem:s16+$0x0];
	(v2sf) =	vpush v3, $0x3;
	_ =	sdelay $0x4  }
0xdb: {  	v4 =	vadd.f32 v1, v4;
	_ =	sdelay $0x1  }
0xdc: {  	[tilespmem:s16+$0x0] =	vst v4;
	s16 =	spop (v2sf)  }
0xdd: {  	v4 =	vld [tilespmem:s16+$0x0];
	(v2sf) =	vpush v3, $0x4;
	_ =	sdelay $0x4  }
0xde: {  	v4 =	vadd.f32 v1, v4;
	_ =	sdelay $0x1  }
0xdf: {  	[tilespmem:s16+$0x0] =	vst v4;
	s16 =	spop (v2sf)  }
0xe0: {  	v4 =	vld [tilespmem:s16+$0x0];
	(v2sf) =	vpush v3, $0x5;
	_ =	sdelay $0x4  }
0xe1: {  	v4 =	vadd.f32 v1, v4;
	_ =	sdelay $0x1  }
0xe2: {  	[tilespmem:s16+$0x0] =	vst v4;
	s16 =	spop (v2sf)  }
0xe3: {  	v4 =	vld [tilespmem:s16+$0x0];
	(v2sf) =	vpush v3, $0x6;
	_ =	sdelay $0x4  }
0xe4: {  	v4 =	vadd.f32 v1, v4;
	_ =	sdelay $0x1  }
0xe5: {  	[tilespmem:s16+$0x0] =	vst v4;
	s16 =	spop (v2sf)  }
0xe6: {  	v4 =	vld [tilespmem:s16+$0x0];
	(v2sf) =	vpush v3, $0x7;
	_ =	sdelay $0x4  }
0xe7: {  	v4 =	vadd.f32 v1, v4;
	_ =	sdelay $0x1  }
0xe8: {  	[tilespmem:s16+$0x0] =	vst v4;
	s16 =	spop (v2sf)  }
0xe9: {  	v4 =	vld [tilespmem:s16+$0x0];
	(v2sf) =	vpush v3, $0x8;
	_ =	sdelay $0x4  }
0xea: {  	v4 =	vadd.f32 v1, v4;
	_ =	sdelay $0x1  }
0xeb: {  	[tilespmem:s16+$0x0] =	vst v4;
	s16 =	spop (v2sf)  }
0xec: {  	v4 =	vld [tilespmem:s16+$0x0];
	(v2sf) =	vpush v3, $0x9;
	_ =	sdelay $0x4  }
0xed: {  	v4 =	vadd.f32 v1, v4;
	_ =	sdelay $0x1  }
0xee: {  	[tilespmem:s16+$0x0] =	vst v4;
	s16 =	spop (v2sf)  }
0xef: {  	v4 =	vld [tilespmem:s16+$0x0];
	(v2sf) =	vpush v3, $0xA;
	_ =	sdelay $0x4  }
0xf0: {  	v4 =	vadd.f32 v1, v4;
	_ =	sdelay $0x1  }
0xf1: {  	[tilespmem:s16+$0x0] =	vst v4;
	s16 =	spop (v2sf)  }
0xf2: {  	v4 =	vld [tilespmem:s16+$0x0];
	(v2sf) =	vpush v3, $0xB;
	_ =	sdelay $0x4  }
0xf3: {  	v4 =	vadd.f32 v1, v4;
	_ =	sdelay $0x1  }
0xf4: {  	[tilespmem:s16+$0x0] =	vst v4;
	s16 =	spop (v2sf)  }
0xf5: {  	v4 =	vld [tilespmem:s16+$0x0];
	(v2sf) =	vpush v3, $0xC;
	_ =	sdelay $0x4  }
0xf6: {  	v4 =	vadd.f32 v1, v4;
	_ =	sdelay $0x1  }
0xf7: {  	[tilespmem:s16+$0x0] =	vst v4;
	s16 =	spop (v2sf)  }
0xf8: {  	v4 =	vld [tilespmem:s16+$0x0];
	(v2sf) =	vpush v3, $0xD;
	_ =	sdelay $0x4  }
0xf9: {  	v4 =	vadd.f32 v1, v4;
	_ =	sdelay $0x1  }
0xfa: {  	[tilespmem:s16+$0x0] =	vst v4;
	s16 =	spop (v2sf)  }
0xfb: {  	v4 =	vld [tilespmem:s16+$0x0];
	(v2sf) =	vpush v3, $0xE;
	_ =	sdelay $0x4  }
0xfc: {  	v4 =	vadd.f32 v1, v4;
	_ =	sdelay $0x1  }
0xfd: {  	[tilespmem:s16+$0x0] =	vst v4;
	s16 =	spop (v2sf)  }
0xfe: {  	v4 =	vld [tilespmem:s16+$0x0];
	(v2sf) =	vpush v3, $0xF;
	_ =	sdelay $0x4  }
0xff: {  	v3 =	vadd.f32 v1, v4;
	_ =	sdelay $0x1  }
0x100: {  	[tilespmem:s16+$0x0] =	vst v3;
	s16 =	spop (v2sf)  }
0x101: {  	v3 =	vld [tilespmem:s16+$0x0];
	_ =	sdelay $0x4  }
0x102: {  	v3 =	vadd.f32 v1, v3;
	_ =	sdelay $0x1  }
0x103: {  	[tilespmem:s16+$0x0] =	vst v3;
	s16 =	spop (v2sf)  }
0x104: {  	v3 =	vld [tilespmem:s16+$0x0]  }
.Ltmp3:
0x105: {  	(pc) =	sbr.rel @p1 .LBB2_9-.Ltmp3, $2  }
0x106: {  	_ =	sdelay $0x2  }
0x107: {  	v3 =	vadd.f32 v1, v3  }
0x108: {  	_ =	sdelay $0x2  }
0x109: {  	s14 =	sshra.s32 s14, $0x2;
	[tilespmem:s16+$0x0] =	vst v3  }
0x10a: {  	v2 =	vld.idx.msk [tilespmem:v2+s14+$0x0 ss:$0x1], $0xffff;
	_ =	sdelay $0x4  }
0x10b: {  	v2 =	vadd.s32 $0x7000, v2  }
0x10c: {  	(v2sf) =	vpush v2, $0x0;
	_ =	sdelay $0x7  }
0x10d: {  	(v2sf) =	vpush v2, $0x1;
	_ =	sdelay $0x6  }
0x10e: {  	s17 =	spop (v2sf)  }
0x10f: {  	(v2sf) =	vpush v2, $0x2;
	v3 =	vld [tilespmem:s17+$0x0];
	_ =	sdelay $0x4  }
0x110: {  	v3 =	vadd.f32 v1, v3;
	_ =	sdelay $0x1  }
0x111: {  	s15 =	spop (v2sf);
	[tilespmem:s17+$0x0] =	vst v3  }
0x112: {  	(v2sf) =	vpush v2, $0x3;
	v3 =	vld [tilespmem:s15+$0x0];
	_ =	sdelay $0x4  }
0x113: {  	v3 =	vadd.f32 v1, v3;
	_ =	sdelay $0x1  }
0x114: {  	s16 =	spop (v2sf);
	[tilespmem:s15+$0x0] =	vst v3  }
0x115: {  	(v2sf) =	vpush v2, $0x4;
	v3 =	vld [tilespmem:s16+$0x0];
	_ =	sdelay $0x4  }
0x116: {  	v3 =	vadd.f32 v1, v3;
	_ =	sdelay $0x1  }
0x117: {  	s17 =	spop (v2sf);
	[tilespmem:s16+$0x0] =	vst v3  }
0x118: {  	(v2sf) =	vpush v2, $0x5;
	v3 =	vld [tilespmem:s17+$0x0];
	_ =	sdelay $0x4  }
0x119: {  	v3 =	vadd.f32 v1, v3;
	_ =	sdelay $0x1  }
0x11a: {  	s15 =	spop (v2sf);
	[tilespmem:s17+$0x0] =	vst v3  }
0x11b: {  	(v2sf) =	vpush v2, $0x6;
	v3 =	vld [tilespmem:s15+$0x0];
	_ =	sdelay $0x4  }
0x11c: {  	v3 =	vadd.f32 v1, v3;
	_ =	sdelay $0x1  }
0x11d: {  	s16 =	spop (v2sf);
	[tilespmem:s15+$0x0] =	vst v3  }
0x11e: {  	(v2sf) =	vpush v2, $0x7;
	v3 =	vld [tilespmem:s16+$0x0];
	_ =	sdelay $0x4  }
0x11f: {  	v3 =	vadd.f32 v1, v3;
	_ =	sdelay $0x1  }
0x120: {  	s17 =	spop (v2sf);
	[tilespmem:s16+$0x0] =	vst v3  }
0x121: {  	(v2sf) =	vpush v2, $0x8;
	v3 =	vld [tilespmem:s17+$0x0];
	_ =	sdelay $0x4  }
0x122: {  	v3 =	vadd.f32 v1, v3;
	_ =	sdelay $0x1  }
0x123: {  	s15 =	spop (v2sf);
	[tilespmem:s17+$0x0] =	vst v3  }
0x124: {  	(v2sf) =	vpush v2, $0x9;
	v3 =	vld [tilespmem:s15+$0x0];
	_ =	sdelay $0x4  }
0x125: {  	v3 =	vadd.f32 v1, v3;
	_ =	sdelay $0x1  }
0x126: {  	s16 =	spop (v2sf);
	[tilespmem:s15+$0x0] =	vst v3  }
0x127: {  	(v2sf) =	vpush v2, $0xA;
	v3 =	vld [tilespmem:s16+$0x0];
	_ =	sdelay $0x4  }
0x128: {  	v3 =	vadd.f32 v1, v3;
	_ =	sdelay $0x1  }
0x129: {  	s17 =	spop (v2sf);
	[tilespmem:s16+$0x0] =	vst v3  }
0x12a: {  	(v2sf) =	vpush v2, $0xB;
	v3 =	vld [tilespmem:s17+$0x0];
	_ =	sdelay $0x4  }
0x12b: {  	v3 =	vadd.f32 v1, v3;
	_ =	sdelay $0x1  }
0x12c: {  	s15 =	spop (v2sf);
	[tilespmem:s17+$0x0] =	vst v3  }
0x12d: {  	(v2sf) =	vpush v2, $0xC;
	v3 =	vld [tilespmem:s15+$0x0];
	_ =	sdelay $0x4  }
0x12e: {  	v3 =	vadd.f32 v1, v3;
	_ =	sdelay $0x1  }
0x12f: {  	s16 =	spop (v2sf);
	[tilespmem:s15+$0x0] =	vst v3  }
0x130: {  	(v2sf) =	vpush v2, $0xD;
	v3 =	vld [tilespmem:s16+$0x0];
	_ =	sdelay $0x4  }
0x131: {  	v3 =	vadd.f32 v1, v3;
	_ =	sdelay $0x1  }
0x132: {  	s17 =	spop (v2sf);
	[tilespmem:s16+$0x0] =	vst v3  }
0x133: {  	(v2sf) =	vpush v2, $0xE;
	v3 =	vld [tilespmem:s17+$0x0];
	_ =	sdelay $0x4  }
0x134: {  	v3 =	vadd.f32 v1, v3;
	_ =	sdelay $0x1  }
0x135: {  	s15 =	spop (v2sf);
	[tilespmem:s17+$0x0] =	vst v3  }
0x136: {  	(v2sf) =	vpush v2, $0xF;
	v3 =	vld [tilespmem:s15+$0x0];
	_ =	sdelay $0x4  }
0x137: {  	v2 =	vadd.f32 v1, v3;
	_ =	sdelay $0x1  }
0x138: {  	s16 =	spop (v2sf);
	[tilespmem:s15+$0x0] =	vst v2  }
0x139: {  	v2 =	vld [tilespmem:s16+$0x0];
	_ =	sdelay $0x4  }
0x13a: {  	v2 =	vadd.f32 v1, v2;
	_ =	sdelay $0x1  }
0x13b: {  	s17 =	spop (v2sf);
	[tilespmem:s16+$0x0] =	vst v2  }
0x13c: {  	v2 =	vld [tilespmem:s17+$0x0];
	_ =	sdelay $0x4  }
0x13d: {  	v2 =	vadd.f32 v1, v2  }
0x13e: {  	p1 =	sne.s32 @!p0 s12, $0x19  }
0x13f: {  	p1 =	por p0, !p1;
	[tilespmem:s17+$0x0] =	vst v2  }
.Ltmp4:
0x140: {  	_ =	swait.ge [sflag:s9], $0x2800;
	(pc) =	sbr.rel @!p1 .LBB2_6-.Ltmp4, $4  }
0x141: {  	[sflag:s9] =	ssyncset.done $0x0  }
0x142: {  	s14 =	simm.s32 @!p0 $0x50;
	s15 =	simm.s32 @!p0 $0x4800;
	[sflag:s9] =	ssyncadd.s32 $0xFFFFD800  }
0x143: {  	[tilespmem:s15], [sflag:$0x2] =	stream.indirect.gather @!p0 [hbm4b:s23+s14], $0x80, s13, s14, $0xb8;
	[tilespmem:$0x1D800] =	vst v63  }
0x144: {  	s11 =	sadd.s32 @!p0 $0x80, s11;
	s14 =	smov.u32 s12  }
0x145: {  	s14 =	simm.s32 $0x0;
	s11 =	rddreg [dreg:$0x6]  }
0x146: {  	[tilespmem:s14], [sflag:$0x4] =	stream.linear.gather [hbm4b:s11+s14], $0xC80, $0x38;
	[tilespmem:$0x1D800] =	vst v63  }
0x147: {  	_ =	swait.ge [sflag:s4], $0xC80  }
0x148: {  	[sflag:s4] =	ssyncset.done $0x0  }
0x149: {  	s11 =	simm.s32 $0x1000;
	s12 =	rddreg [dreg:$0x7];
	[sflag:s4] =	ssyncadd.s32 $0xFFFFF380  }
0x14a: {  	[tilespmem:s11], [sflag:$0x4] =	stream.linear.gather [hbm4b:s12+s14], $0xC80, $0x38;
	[tilespmem:$0x1D800] =	vst v63  }
0x14b: {  	_ =	swait.ge [sflag:s4], $0xC80  }
0x14c: {  	[sflag:s4] =	ssyncset.done $0x0  }
0x14d: {  	[sflag:s4] =	ssyncadd.s32 $0xFFFFF380  }
0x14e: {  	[tilespmem:s3], [sflag:$0x1] =	stream.indirect.gather [hbm4b:s19+s5], $0x80, s11, s5, $0xb8;
	[tilespmem:$0x1D800] =	vst v63  }
0x14f: {  	_ = 	snop  }
0x150: {  	[tilespmem:s6], [sflag:$0x2] =	stream.indirect.gather [hbm4b:s23+s5], $0x80, s14, s5, $0xb8;
	[tilespmem:$0x1D800] =	vst v63  }
.LBB2_12:
0x151: {  	_ =	swait.ge [sflag:s7], $0x2800  }
0x152: {  	[sflag:s7] =	ssyncset.done $0x0  }
0x153: {  	[sflag:s7] =	ssyncadd.s32 $0xFFFFD800  }
0x154: {  	_ =	swait.ge [sflag:s8], $0x2800  }
0x155: {  	[sflag:s8] =	ssyncset.done $0x0  }
0x156: {  	s15 =	simm.s32 $0x0;
	[sflag:s8] =	ssyncadd.s32 $0xFFFFD800  }
0x157: {  	v8 =	vld [tilespmem:s15+$0x2000]  }
0x158: {  	v13 =	vld [tilespmem:s15+$0x2010]  }
0x159: {  	v7 =	vld [tilespmem:s15+$0x2020]  }
0x15a: {  	v6 =	vld [tilespmem:s15+$0x2030]  }
0x15b: {  	v5 =	vld [tilespmem:s15+$0x2040]  }
0x15c: {  	v4 =	vld [tilespmem:s15+$0x2050]  }
0x15d: {  	v3 =	vld [tilespmem:s15+$0x2060]  }
0x15e: {  	v2 =	vld [tilespmem:s15+$0x2070]  }
0x15f: {  	v14 =	vld [tilespmem:s15+$0x4800]  }
0x160: {  	v15 =	vld [tilespmem:s15+$0x4810]  }
0x161: {  	v12 =	vld [tilespmem:s15+$0x4820]  }
0x162: {  	v11 =	vld [tilespmem:s15+$0x4830]  }
0x163: {  	v10 =	vld [tilespmem:s15+$0x4840]  }
0x164: {  	v9 =	vld [tilespmem:s15+$0x4850];
	v14 =	vadd.f32 v14, v8  }
0x165: {  	s12 =	simm.s32 $0x200;
	v13 =	vadd.f32 v15, v13;
	v8 =	vld [tilespmem:s15+$0x4860]  }
.LBB2_13:
0x166: {  	s13 =	sshra.s32 s12, $0x2;
	p0 =	sne.s32 s12, $0x9E00;
	v14 =	vmax.f32 v14, $0.0e+00;
	v7 =	vadd.f32 v12, v7;
	v12 =	vld [tilespmem:s15+$0x4870]  }
0x167: {  	v15 =	vld [tilespmem:s13+$0x2000];
	[tilespmem:s15+$0x4800] =	vst v14;
	v13 =	vmax.f32 v13, $0.0e+00;
	v6 =	vadd.f32 v11, v6  }
0x168: {  	v16 =	vld [tilespmem:s13+$0x2010];
	[tilespmem:s15+$0x4810] =	vst v13;
	v11 =	vmax.f32 v7, $0.0e+00;
	v5 =	vadd.f32 v10, v5  }
0x169: {  	v7 =	vld [tilespmem:s13+$0x2020];
	[tilespmem:s15+$0x4820] =	vst v11;
	v10 =	vmax.f32 v6, $0.0e+00;
	v4 =	vadd.f32 v9, v4  }
0x16a: {  	v6 =	vld [tilespmem:s13+$0x2030];
	[tilespmem:s15+$0x4830] =	vst v10;
	v9 =	vmax.f32 v5, $0.0e+00;
	v3 =	vadd.f32 v8, v3  }
0x16b: {  	v5 =	vld [tilespmem:s13+$0x2040];
	[tilespmem:s15+$0x4840] =	vst v9;
	v8 =	vmax.f32 v4, $0.0e+00;
	v2 =	vadd.f32 v12, v2  }
0x16c: {  	v4 =	vld [tilespmem:s13+$0x2050];
	[tilespmem:s15+$0x4850] =	vst v8;
	v8 =	vmax.f32 v3, $0.0e+00  }
0x16d: {  	v3 =	vld [tilespmem:s13+$0x2060];
	[tilespmem:s15+$0x4860] =	vst v8;
	v8 =	vmax.f32 v2, $0.0e+00  }
0x16e: {  	v2 =	vld [tilespmem:s13+$0x2070];
	[tilespmem:s15+$0x4870] =	vst v8;
	s15 =	smov.u32 s13  }
0x16f: {  	v8 =	vld [tilespmem:s15+$0x4800]  }
0x170: {  	v13 =	vld [tilespmem:s15+$0x4810]  }
.Ltmp5:
0x171: {  	v12 =	vld [tilespmem:s15+$0x4820];
	(pc) =	sbr.rel @p0 .LBB2_13-.Ltmp5, $4  }
0x172: {  	v11 =	vld [tilespmem:s15+$0x4830]  }
0x173: {  	v10 =	vld [tilespmem:s15+$0x4840]  }
0x174: {  	v14 =	vadd.f32 v8, v15;
	v9 =	vld [tilespmem:s15+$0x4850]  }
0x175: {  	s12 =	sadd.s32 $0x200, s12;
	v13 =	vadd.f32 v13, v16;
	v8 =	vld [tilespmem:s15+$0x4860]  }
0x176: {  	v14 =	vmax.f32 v14, $0.0e+00;
	v7 =	vadd.f32 v12, v7;
	v63 =	vld [tilespmem:s15+$0x4870]  }
0x177: {  	[tilespmem:s15+$0x4800] =	vst v14;
	v13 =	vmax.f32 v13, $0.0e+00;
	v6 =	vadd.f32 v11, v6  }
0x178: {  	[tilespmem:s15+$0x4810] =	vst v13;
	v7 =	vmax.f32 v7, $0.0e+00;
	v5 =	vadd.f32 v10, v5  }
0x179: {  	[tilespmem:s15+$0x4820] =	vst v7;
	v6 =	vmax.f32 v6, $0.0e+00;
	v4 =	vadd.f32 v9, v4  }
0x17a: {  	[tilespmem:s15+$0x4830] =	vst v6;
	v5 =	vmax.f32 v5, $0.0e+00;
	v3 =	vadd.f32 v8, v3  }
0x17b: {  	s12 =	sadd.s32 $0x1, s14;
	p0 =	seq.s32 s14, $0x18;
	[tilespmem:s15+$0x4840] =	vst v5;
	v4 =	vmax.f32 v4, $0.0e+00;
	v2 =	vadd.f32 v63, v2  }
0x17c: {  	s13 =	sshll.u32 @!p0 s12, $0x7;
	[tilespmem:s15+$0x4850] =	vst v4;
	v3 =	vmax.f32 v3, $0.0e+00  }
0x17d: {  	s13 =	sand.u32 @!p0 $0x3FFFFF80, s13;
	[tilespmem:s15+$0x4860] =	vst v3;
	v2 =	vmax.f32 v2, $0.0e+00  }
0x17e: {  	s16 =	simm.s32 @!p0 $0x50;
	s17 =	simm.s32 @!p0 $0x2000;
	[tilespmem:s15+$0x4870] =	vst v2;
	s15 =	sadd.s32 @!p0 $0x1000, s13  }
0x17f: {  	v2 =	vmov s11;
	[tilespmem:s17], [sflag:$0x1] =	stream.indirect.gather @!p0 [hbm4b:s19+s16], $0x80, s15, s16, $0xb8;
	[tilespmem:$0x1D800] =	vst v63  }
0x180: {  	s16 =	sshll.u32 s14, $0x7  }
0x181: {  	s14 =	sand.u32 $0x3FFFFF80, s16  }
0x182: {  	s17 =	simm.s32 $0x0;
	s14 =	sadd.s32 $0x1000, s14  }
0x183: {  	[spmem:s21] =	stream.indirect.scatter.add.f32 [tilespmem:s6], [sflag:$0x3], $0x80, s14, s5, $0xb8;
	[tilespmem:$0x1D800] =	vst v63  }
0x184: {  	v3 =	vld.idx.msk [tilespmem:v2+s17+$0x0 ss:$0x1], $0xffff;
	_ =	sdelay $0x4  }
0x185: {  	v3 =	vadd.s32 $0x7000, v3  }
0x186: {  	(v2sf) =	vpush v3, $0x0;
	_ =	sdelay $0x7  }
0x187: {  	(v2sf) =	vpush v3, $0x1;
	_ =	sdelay $0x6  }
0x188: {  	s15 =	spop (v2sf)  }
0x189: {  	(v2sf) =	vpush v3, $0x2;
	v4 =	vld [tilespmem:s15+$0x0];
	_ =	sdelay $0x4  }
0x18a: {  	v4 =	vadd.f32 v1, v4;
	_ =	sdelay $0x1  }
0x18b: {  	s16 =	spop (v2sf);
	[tilespmem:s15+$0x0] =	vst v4  }
0x18c: {  	(v2sf) =	vpush v3, $0x3;
	v4 =	vld [tilespmem:s16+$0x0];
	_ =	sdelay $0x4  }
0x18d: {  	v4 =	vadd.f32 v1, v4;
	_ =	sdelay $0x1  }
0x18e: {  	s17 =	spop (v2sf);
	[tilespmem:s16+$0x0] =	vst v4  }
0x18f: {  	(v2sf) =	vpush v3, $0x4;
	v4 =	vld [tilespmem:s17+$0x0];
	_ =	sdelay $0x4  }
0x190: {  	v4 =	vadd.f32 v1, v4;
	_ =	sdelay $0x1  }
0x191: {  	s15 =	spop (v2sf);
	[tilespmem:s17+$0x0] =	vst v4  }
0x192: {  	(v2sf) =	vpush v3, $0x5;
	v4 =	vld [tilespmem:s15+$0x0];
	_ =	sdelay $0x4  }
0x193: {  	v4 =	vadd.f32 v1, v4;
	_ =	sdelay $0x1  }
0x194: {  	s16 =	spop (v2sf);
	[tilespmem:s15+$0x0] =	vst v4  }
0x195: {  	(v2sf) =	vpush v3, $0x6;
	v4 =	vld [tilespmem:s16+$0x0];
	_ =	sdelay $0x4  }
0x196: {  	v4 =	vadd.f32 v1, v4;
	_ =	sdelay $0x1  }
0x197: {  	s17 =	spop (v2sf);
	[tilespmem:s16+$0x0] =	vst v4  }
0x198: {  	(v2sf) =	vpush v3, $0x7;
	v4 =	vld [tilespmem:s17+$0x0];
	_ =	sdelay $0x4  }
0x199: {  	v4 =	vadd.f32 v1, v4;
	_ =	sdelay $0x1  }
0x19a: {  	s15 =	spop (v2sf);
	[tilespmem:s17+$0x0] =	vst v4  }
0x19b: {  	(v2sf) =	vpush v3, $0x8;
	v4 =	vld [tilespmem:s15+$0x0];
	_ =	sdelay $0x4  }
0x19c: {  	v4 =	vadd.f32 v1, v4;
	_ =	sdelay $0x1  }
0x19d: {  	s16 =	spop (v2sf);
	[tilespmem:s15+$0x0] =	vst v4  }
0x19e: {  	(v2sf) =	vpush v3, $0x9;
	v4 =	vld [tilespmem:s16+$0x0];
	_ =	sdelay $0x4  }
0x19f: {  	v4 =	vadd.f32 v1, v4;
	_ =	sdelay $0x1  }
0x1a0: {  	s17 =	spop (v2sf);
	[tilespmem:s16+$0x0] =	vst v4  }
0x1a1: {  	(v2sf) =	vpush v3, $0xA;
	v4 =	vld [tilespmem:s17+$0x0];
	_ =	sdelay $0x4  }
0x1a2: {  	v4 =	vadd.f32 v1, v4;
	_ =	sdelay $0x1  }
0x1a3: {  	s15 =	spop (v2sf);
	[tilespmem:s17+$0x0] =	vst v4  }
0x1a4: {  	(v2sf) =	vpush v3, $0xB;
	v4 =	vld [tilespmem:s15+$0x0];
	_ =	sdelay $0x4  }
0x1a5: {  	v4 =	vadd.f32 v1, v4;
	_ =	sdelay $0x1  }
0x1a6: {  	s16 =	spop (v2sf);
	[tilespmem:s15+$0x0] =	vst v4  }
0x1a7: {  	(v2sf) =	vpush v3, $0xC;
	v4 =	vld [tilespmem:s16+$0x0];
	_ =	sdelay $0x4  }
0x1a8: {  	v4 =	vadd.f32 v1, v4;
	_ =	sdelay $0x1  }
0x1a9: {  	s17 =	spop (v2sf);
	[tilespmem:s16+$0x0] =	vst v4  }
0x1aa: {  	(v2sf) =	vpush v3, $0xD;
	v4 =	vld [tilespmem:s17+$0x0];
	_ =	sdelay $0x4  }
0x1ab: {  	v4 =	vadd.f32 v1, v4;
	_ =	sdelay $0x1  }
0x1ac: {  	s15 =	spop (v2sf);
	[tilespmem:s17+$0x0] =	vst v4  }
0x1ad: {  	(v2sf) =	vpush v3, $0xE;
	v4 =	vld [tilespmem:s15+$0x0];
	_ =	sdelay $0x4  }
0x1ae: {  	v4 =	vadd.f32 v1, v4;
	_ =	sdelay $0x1  }
0x1af: {  	s16 =	spop (v2sf);
	[tilespmem:s15+$0x0] =	vst v4  }
0x1b0: {  	(v2sf) =	vpush v3, $0xF;
	v4 =	vld [tilespmem:s16+$0x0];
	_ =	sdelay $0x4  }
0x1b1: {  	v3 =	vadd.f32 v1, v4;
	_ =	sdelay $0x1  }
0x1b2: {  	s17 =	spop (v2sf);
	[tilespmem:s16+$0x0] =	vst v3  }
0x1b3: {  	v3 =	vld [tilespmem:s17+$0x0];
	_ =	sdelay $0x4  }
0x1b4: {  	v3 =	vadd.f32 v1, v3;
	_ =	sdelay $0x1  }
0x1b5: {  	s16 =	spop (v2sf);
	[tilespmem:s17+$0x0] =	vst v3  }
0x1b6: {  	v3 =	vld [tilespmem:s16+$0x0];
	_ =	sdelay $0x4  }
0x1b7: {  	s14 =	simm.s32 $0x40;
	s15 =	simm.s32 $0x80;
	v3 =	vadd.f32 v1, v3  }
.LBB2_15:
0x1b8: {  	p1 =	sne.s32 s15, $0x100  }
0x1b9: {  	s17 =	sshra.s32 s14, $0x2;
	s14 =	smov.u32 s15;
	s15 =	sadd.s32 $0x40, s15;
	[tilespmem:s16+$0x0] =	vst v3  }
0x1ba: {  	v3 =	vld.idx.msk [tilespmem:v2+s17+$0x0 ss:$0x1], $0xffff;
	_ =	sdelay $0x5  }
0x1bb: {  	v3 =	vadd.s32 $0x7000, v3  }
0x1bc: {  	(v2sf) =	vpush v3, $0x0;
	_ =	sdelay $0x7  }
0x1bd: {  	(v2sf) =	vpush v3, $0x1;
	_ =	sdelay $0x6  }
0x1be: {  	s16 =	spop (v2sf)  }
0x1bf: {  	v4 =	vld [tilespmem:s16+$0x0];
	(v2sf) =	vpush v3, $0x2;
	_ =	sdelay $0x4  }
0x1c0: {  	v4 =	vadd.f32 v1, v4;
	_ =	sdelay $0x1  }
0x1c1: {  	[tilespmem:s16+$0x0] =	vst v4;
	s16 =	spop (v2sf)  }
0x1c2: {  	v4 =	vld [tilespmem:s16+$0x0];
	(v2sf) =	vpush v3, $0x3;
	_ =	sdelay $0x4  }
0x1c3: {  	v4 =	vadd.f32 v1, v4;
	_ =	sdelay $0x1  }
0x1c4: {  	[tilespmem:s16+$0x0] =	vst v4;
	s16 =	spop (v2sf)  }
0x1c5: {  	v4 =	vld [tilespmem:s16+$0x0];
	(v2sf) =	vpush v3, $0x4;
	_ =	sdelay $0x4  }
0x1c6: {  	v4 =	vadd.f32 v1, v4;
	_ =	sdelay $0x1  }
0x1c7: {  	[tilespmem:s16+$0x0] =	vst v4;
	s16 =	spop (v2sf)  }
0x1c8: {  	v4 =	vld [tilespmem:s16+$0x0];
	(v2sf) =	vpush v3, $0x5;
	_ =	sdelay $0x4  }
0x1c9: {  	v4 =	vadd.f32 v1, v4;
	_ =	sdelay $0x1  }
0x1ca: {  	[tilespmem:s16+$0x0] =	vst v4;
	s16 =	spop (v2sf)  }
0x1cb: {  	v4 =	vld [tilespmem:s16+$0x0];
	(v2sf) =	vpush v3, $0x6;
	_ =	sdelay $0x4  }
0x1cc: {  	v4 =	vadd.f32 v1, v4;
	_ =	sdelay $0x1  }
0x1cd: {  	[tilespmem:s16+$0x0] =	vst v4;
	s16 =	spop (v2sf)  }
0x1ce: {  	v4 =	vld [tilespmem:s16+$0x0];
	(v2sf) =	vpush v3, $0x7;
	_ =	sdelay $0x4  }
0x1cf: {  	v4 =	vadd.f32 v1, v4;
	_ =	sdelay $0x1  }
0x1d0: {  	[tilespmem:s16+$0x0] =	vst v4;
	s16 =	spop (v2sf)  }
0x1d1: {  	v4 =	vld [tilespmem:s16+$0x0];
	(v2sf) =	vpush v3, $0x8;
	_ =	sdelay $0x4  }
0x1d2: {  	v4 =	vadd.f32 v1, v4;
	_ =	sdelay $0x1  }
0x1d3: {  	[tilespmem:s16+$0x0] =	vst v4;
	s16 =	spop (v2sf)  }
0x1d4: {  	v4 =	vld [tilespmem:s16+$0x0];
	(v2sf) =	vpush v3, $0x9;
	_ =	sdelay $0x4  }
0x1d5: {  	v4 =	vadd.f32 v1, v4;
	_ =	sdelay $0x1  }
0x1d6: {  	[tilespmem:s16+$0x0] =	vst v4;
	s16 =	spop (v2sf)  }
0x1d7: {  	v4 =	vld [tilespmem:s16+$0x0];
	(v2sf) =	vpush v3, $0xA;
	_ =	sdelay $0x4  }
0x1d8: {  	v4 =	vadd.f32 v1, v4;
	_ =	sdelay $0x1  }
0x1d9: {  	[tilespmem:s16+$0x0] =	vst v4;
	s16 =	spop (v2sf)  }
0x1da: {  	v4 =	vld [tilespmem:s16+$0x0];
	(v2sf) =	vpush v3, $0xB;
	_ =	sdelay $0x4  }
0x1db: {  	v4 =	vadd.f32 v1, v4;
	_ =	sdelay $0x1  }
0x1dc: {  	[tilespmem:s16+$0x0] =	vst v4;
	s16 =	spop (v2sf)  }
0x1dd: {  	v4 =	vld [tilespmem:s16+$0x0];
	(v2sf) =	vpush v3, $0xC;
	_ =	sdelay $0x4  }
0x1de: {  	v4 =	vadd.f32 v1, v4;
	_ =	sdelay $0x1  }
0x1df: {  	[tilespmem:s16+$0x0] =	vst v4;
	s16 =	spop (v2sf)  }
0x1e0: {  	v4 =	vld [tilespmem:s16+$0x0];
	(v2sf) =	vpush v3, $0xD;
	_ =	sdelay $0x4  }
0x1e1: {  	v4 =	vadd.f32 v1, v4;
	_ =	sdelay $0x1  }
0x1e2: {  	[tilespmem:s16+$0x0] =	vst v4;
	s16 =	spop (v2sf)  }
0x1e3: {  	v4 =	vld [tilespmem:s16+$0x0];
	(v2sf) =	vpush v3, $0xE;
	_ =	sdelay $0x4  }
0x1e4: {  	v4 =	vadd.f32 v1, v4;
	_ =	sdelay $0x1  }
0x1e5: {  	[tilespmem:s16+$0x0] =	vst v4;
	s16 =	spop (v2sf)  }
0x1e6: {  	v4 =	vld [tilespmem:s16+$0x0];
	(v2sf) =	vpush v3, $0xF;
	_ =	sdelay $0x4  }
0x1e7: {  	v3 =	vadd.f32 v1, v4;
	_ =	sdelay $0x1  }
0x1e8: {  	[tilespmem:s16+$0x0] =	vst v3;
	s16 =	spop (v2sf)  }
0x1e9: {  	v3 =	vld [tilespmem:s16+$0x0];
	_ =	sdelay $0x4  }
0x1ea: {  	v3 =	vadd.f32 v1, v3;
	_ =	sdelay $0x1  }
0x1eb: {  	[tilespmem:s16+$0x0] =	vst v3;
	s16 =	spop (v2sf)  }
0x1ec: {  	v3 =	vld [tilespmem:s16+$0x0]  }
.Ltmp6:
0x1ed: {  	(pc) =	sbr.rel @p1 .LBB2_15-.Ltmp6, $2  }
0x1ee: {  	_ =	sdelay $0x2  }
0x1ef: {  	v3 =	vadd.f32 v1, v3  }
0x1f0: {  	_ =	sdelay $0x2  }
0x1f1: {  	s14 =	sshra.s32 s14, $0x2;
	[tilespmem:s16+$0x0] =	vst v3  }
0x1f2: {  	v2 =	vld.idx.msk [tilespmem:v2+s14+$0x0 ss:$0x1], $0xffff;
	_ =	sdelay $0x4  }
0x1f3: {  	v2 =	vadd.s32 $0x7000, v2  }
0x1f4: {  	(v2sf) =	vpush v2, $0x0;
	_ =	sdelay $0x7  }
0x1f5: {  	(v2sf) =	vpush v2, $0x1;
	_ =	sdelay $0x6  }
0x1f6: {  	s17 =	spop (v2sf)  }
0x1f7: {  	(v2sf) =	vpush v2, $0x2;
	v3 =	vld [tilespmem:s17+$0x0];
	_ =	sdelay $0x4  }
0x1f8: {  	v3 =	vadd.f32 v1, v3;
	_ =	sdelay $0x1  }
0x1f9: {  	s15 =	spop (v2sf);
	[tilespmem:s17+$0x0] =	vst v3  }
0x1fa: {  	(v2sf) =	vpush v2, $0x3;
	v3 =	vld [tilespmem:s15+$0x0];
	_ =	sdelay $0x4  }
0x1fb: {  	v3 =	vadd.f32 v1, v3;
	_ =	sdelay $0x1  }
0x1fc: {  	s16 =	spop (v2sf);
	[tilespmem:s15+$0x0] =	vst v3  }
0x1fd: {  	(v2sf) =	vpush v2, $0x4;
	v3 =	vld [tilespmem:s16+$0x0];
	_ =	sdelay $0x4  }
0x1fe: {  	v3 =	vadd.f32 v1, v3;
	_ =	sdelay $0x1  }
0x1ff: {  	s17 =	spop (v2sf);
	[tilespmem:s16+$0x0] =	vst v3  }
0x200: {  	(v2sf) =	vpush v2, $0x5;
	v3 =	vld [tilespmem:s17+$0x0];
	_ =	sdelay $0x4  }
0x201: {  	v3 =	vadd.f32 v1, v3;
	_ =	sdelay $0x1  }
0x202: {  	s15 =	spop (v2sf);
	[tilespmem:s17+$0x0] =	vst v3  }
0x203: {  	(v2sf) =	vpush v2, $0x6;
	v3 =	vld [tilespmem:s15+$0x0];
	_ =	sdelay $0x4  }
0x204: {  	v3 =	vadd.f32 v1, v3;
	_ =	sdelay $0x1  }
0x205: {  	s16 =	spop (v2sf);
	[tilespmem:s15+$0x0] =	vst v3  }
0x206: {  	(v2sf) =	vpush v2, $0x7;
	v3 =	vld [tilespmem:s16+$0x0];
	_ =	sdelay $0x4  }
0x207: {  	v3 =	vadd.f32 v1, v3;
	_ =	sdelay $0x1  }
0x208: {  	s17 =	spop (v2sf);
	[tilespmem:s16+$0x0] =	vst v3  }
0x209: {  	(v2sf) =	vpush v2, $0x8;
	v3 =	vld [tilespmem:s17+$0x0];
	_ =	sdelay $0x4  }
0x20a: {  	v3 =	vadd.f32 v1, v3;
	_ =	sdelay $0x1  }
0x20b: {  	s15 =	spop (v2sf);
	[tilespmem:s17+$0x0] =	vst v3  }
0x20c: {  	(v2sf) =	vpush v2, $0x9;
	v3 =	vld [tilespmem:s15+$0x0];
	_ =	sdelay $0x4  }
0x20d: {  	v3 =	vadd.f32 v1, v3;
	_ =	sdelay $0x1  }
0x20e: {  	s16 =	spop (v2sf);
	[tilespmem:s15+$0x0] =	vst v3  }
0x20f: {  	(v2sf) =	vpush v2, $0xA;
	v3 =	vld [tilespmem:s16+$0x0];
	_ =	sdelay $0x4  }
0x210: {  	v3 =	vadd.f32 v1, v3;
	_ =	sdelay $0x1  }
0x211: {  	s17 =	spop (v2sf);
	[tilespmem:s16+$0x0] =	vst v3  }
0x212: {  	(v2sf) =	vpush v2, $0xB;
	v3 =	vld [tilespmem:s17+$0x0];
	_ =	sdelay $0x4  }
0x213: {  	v3 =	vadd.f32 v1, v3;
	_ =	sdelay $0x1  }
0x214: {  	s15 =	spop (v2sf);
	[tilespmem:s17+$0x0] =	vst v3  }
0x215: {  	(v2sf) =	vpush v2, $0xC;
	v3 =	vld [tilespmem:s15+$0x0];
	_ =	sdelay $0x4  }
0x216: {  	v3 =	vadd.f32 v1, v3;
	_ =	sdelay $0x1  }
0x217: {  	s16 =	spop (v2sf);
	[tilespmem:s15+$0x0] =	vst v3  }
0x218: {  	(v2sf) =	vpush v2, $0xD;
	v3 =	vld [tilespmem:s16+$0x0];
	_ =	sdelay $0x4  }
0x219: {  	v3 =	vadd.f32 v1, v3;
	_ =	sdelay $0x1  }
0x21a: {  	s17 =	spop (v2sf);
	[tilespmem:s16+$0x0] =	vst v3  }
0x21b: {  	(v2sf) =	vpush v2, $0xE;
	v3 =	vld [tilespmem:s17+$0x0];
	_ =	sdelay $0x4  }
0x21c: {  	v3 =	vadd.f32 v1, v3;
	_ =	sdelay $0x1  }
0x21d: {  	s15 =	spop (v2sf);
	[tilespmem:s17+$0x0] =	vst v3  }
0x21e: {  	(v2sf) =	vpush v2, $0xF;
	v3 =	vld [tilespmem:s15+$0x0];
	_ =	sdelay $0x4  }
0x21f: {  	v2 =	vadd.f32 v1, v3;
	_ =	sdelay $0x1  }
0x220: {  	s16 =	spop (v2sf);
	[tilespmem:s15+$0x0] =	vst v2  }
0x221: {  	v2 =	vld [tilespmem:s16+$0x0];
	_ =	sdelay $0x4  }
0x222: {  	v2 =	vadd.f32 v1, v2;
	_ =	sdelay $0x1  }
0x223: {  	s17 =	spop (v2sf);
	[tilespmem:s16+$0x0] =	vst v2  }
0x224: {  	v2 =	vld [tilespmem:s17+$0x0];
	_ =	sdelay $0x4  }
0x225: {  	v2 =	vadd.f32 v1, v2  }
0x226: {  	p1 =	sne.s32 @!p0 s12, $0x19  }
0x227: {  	p1 =	por p0, !p1;
	[tilespmem:s17+$0x0] =	vst v2  }
.Ltmp7:
0x228: {  	_ =	swait.ge [sflag:s9], $0x2800;
	(pc) =	sbr.rel @!p1 .LBB2_12-.Ltmp7, $4  }
0x229: {  	[sflag:s9] =	ssyncset.done $0x0  }
0x22a: {  	s14 =	simm.s32 @!p0 $0x50;
	s15 =	simm.s32 @!p0 $0x4800;
	[sflag:s9] =	ssyncadd.s32 $0xFFFFD800  }
0x22b: {  	[tilespmem:s15], [sflag:$0x2] =	stream.indirect.gather @!p0 [hbm4b:s23+s14], $0x80, s13, s14, $0xb8;
	[tilespmem:$0x1D800] =	vst v63  }
0x22c: {  	s11 =	sadd.s32 @!p0 $0x80, s11;
	s14 =	smov.u32 s12  }
0x22d: {  	s14 =	simm.s32 $0x0;
	s11 =	rddreg [dreg:$0x8]  }
0x22e: {  	[tilespmem:s14], [sflag:$0x4] =	stream.linear.gather [hbm4b:s11+s14], $0xC80, $0x38;
	[tilespmem:$0x1D800] =	vst v63  }
0x22f: {  	_ =	swait.ge [sflag:s4], $0xC80  }
0x230: {  	[sflag:s4] =	ssyncset.done $0x0  }
0x231: {  	s11 =	simm.s32 $0x1000;
	s12 =	rddreg [dreg:$0x9];
	[sflag:s4] =	ssyncadd.s32 $0xFFFFF380  }
0x232: {  	[tilespmem:s11], [sflag:$0x4] =	stream.linear.gather [hbm4b:s12+s14], $0xC80, $0x38;
	[tilespmem:$0x1D800] =	vst v63  }
0x233: {  	_ =	swait.ge [sflag:s4], $0xC80  }
0x234: {  	[sflag:s4] =	ssyncset.done $0x0  }
0x235: {  	[sflag:s4] =	ssyncadd.s32 $0xFFFFF380  }
0x236: {  	[tilespmem:s3], [sflag:$0x1] =	stream.indirect.gather [hbm4b:s19+s5], $0x80, s11, s5, $0xb8;
	[tilespmem:$0x1D800] =	vst v63  }
0x237: {  	_ = 	snop  }
0x238: {  	[tilespmem:s6], [sflag:$0x2] =	stream.indirect.gather [hbm4b:s23+s5], $0x80, s14, s5, $0xb8;
	[tilespmem:$0x1D800] =	vst v63  }
.LBB2_18:
0x239: {  	_ =	swait.ge [sflag:s7], $0x2800  }
0x23a: {  	[sflag:s7] =	ssyncset.done $0x0  }
0x23b: {  	[sflag:s7] =	ssyncadd.s32 $0xFFFFD800  }
0x23c: {  	_ =	swait.ge [sflag:s8], $0x2800  }
0x23d: {  	[sflag:s8] =	ssyncset.done $0x0  }
0x23e: {  	s15 =	simm.s32 $0x0;
	[sflag:s8] =	ssyncadd.s32 $0xFFFFD800  }
0x23f: {  	v8 =	vld [tilespmem:s15+$0x2000]  }
0x240: {  	v13 =	vld [tilespmem:s15+$0x2010]  }
0x241: {  	v7 =	vld [tilespmem:s15+$0x2020]  }
0x242: {  	v6 =	vld [tilespmem:s15+$0x2030]  }
0x243: {  	v5 =	vld [tilespmem:s15+$0x2040]  }
0x244: {  	v4 =	vld [tilespmem:s15+$0x2050]  }
0x245: {  	v3 =	vld [tilespmem:s15+$0x2060]  }
0x246: {  	v2 =	vld [tilespmem:s15+$0x2070]  }
0x247: {  	v14 =	vld [tilespmem:s15+$0x4800]  }
0x248: {  	v15 =	vld [tilespmem:s15+$0x4810]  }
0x249: {  	v12 =	vld [tilespmem:s15+$0x4820]  }
0x24a: {  	v11 =	vld [tilespmem:s15+$0x4830]  }
0x24b: {  	v10 =	vld [tilespmem:s15+$0x4840]  }
0x24c: {  	v9 =	vld [tilespmem:s15+$0x4850];
	v14 =	vadd.f32 v14, v8  }
0x24d: {  	s12 =	simm.s32 $0x200;
	v13 =	vadd.f32 v15, v13;
	v8 =	vld [tilespmem:s15+$0x4860]  }
.LBB2_19:
0x24e: {  	s13 =	sshra.s32 s12, $0x2;
	p0 =	sne.s32 s12, $0x9E00;
	v14 =	vmax.f32 v14, $0.0e+00;
	v7 =	vadd.f32 v12, v7;
	v12 =	vld [tilespmem:s15+$0x4870]  }
0x24f: {  	v15 =	vld [tilespmem:s13+$0x2000];
	[tilespmem:s15+$0x4800] =	vst v14;
	v13 =	vmax.f32 v13, $0.0e+00;
	v6 =	vadd.f32 v11, v6  }
0x250: {  	v16 =	vld [tilespmem:s13+$0x2010];
	[tilespmem:s15+$0x4810] =	vst v13;
	v11 =	vmax.f32 v7, $0.0e+00;
	v5 =	vadd.f32 v10, v5  }
0x251: {  	v7 =	vld [tilespmem:s13+$0x2020];
	[tilespmem:s15+$0x4820] =	vst v11;
	v10 =	vmax.f32 v6, $0.0e+00;
	v4 =	vadd.f32 v9, v4  }
0x252: {  	v6 =	vld [tilespmem:s13+$0x2030];
	[tilespmem:s15+$0x4830] =	vst v10;
	v9 =	vmax.f32 v5, $0.0e+00;
	v3 =	vadd.f32 v8, v3  }
0x253: {  	v5 =	vld [tilespmem:s13+$0x2040];
	[tilespmem:s15+$0x4840] =	vst v9;
	v8 =	vmax.f32 v4, $0.0e+00;
	v2 =	vadd.f32 v12, v2  }
0x254: {  	v4 =	vld [tilespmem:s13+$0x2050];
	[tilespmem:s15+$0x4850] =	vst v8;
	v8 =	vmax.f32 v3, $0.0e+00  }
0x255: {  	v3 =	vld [tilespmem:s13+$0x2060];
	[tilespmem:s15+$0x4860] =	vst v8;
	v8 =	vmax.f32 v2, $0.0e+00  }
0x256: {  	v2 =	vld [tilespmem:s13+$0x2070];
	[tilespmem:s15+$0x4870] =	vst v8;
	s15 =	smov.u32 s13  }
0x257: {  	v8 =	vld [tilespmem:s15+$0x4800]  }
0x258: {  	v13 =	vld [tilespmem:s15+$0x4810]  }
.Ltmp8:
0x259: {  	v12 =	vld [tilespmem:s15+$0x4820];
	(pc) =	sbr.rel @p0 .LBB2_19-.Ltmp8, $4  }
0x25a: {  	v11 =	vld [tilespmem:s15+$0x4830]  }
0x25b: {  	v10 =	vld [tilespmem:s15+$0x4840]  }
0x25c: {  	v14 =	vadd.f32 v8, v15;
	v9 =	vld [tilespmem:s15+$0x4850]  }
0x25d: {  	s12 =	sadd.s32 $0x200, s12;
	v13 =	vadd.f32 v13, v16;
	v8 =	vld [tilespmem:s15+$0x4860]  }
0x25e: {  	v14 =	vmax.f32 v14, $0.0e+00;
	v7 =	vadd.f32 v12, v7;
	v63 =	vld [tilespmem:s15+$0x4870]  }
0x25f: {  	[tilespmem:s15+$0x4800] =	vst v14;
	v13 =	vmax.f32 v13, $0.0e+00;
	v6 =	vadd.f32 v11, v6  }
0x260: {  	[tilespmem:s15+$0x4810] =	vst v13;
	v7 =	vmax.f32 v7, $0.0e+00;
	v5 =	vadd.f32 v10, v5  }
0x261: {  	[tilespmem:s15+$0x4820] =	vst v7;
	v6 =	vmax.f32 v6, $0.0e+00;
	v4 =	vadd.f32 v9, v4  }
0x262: {  	[tilespmem:s15+$0x4830] =	vst v6;
	v5 =	vmax.f32 v5, $0.0e+00;
	v3 =	vadd.f32 v8, v3  }
0x263: {  	s12 =	sadd.s32 $0x1, s14;
	p0 =	seq.s32 s14, $0x18;
	[tilespmem:s15+$0x4840] =	vst v5;
	v4 =	vmax.f32 v4, $0.0e+00;
	v2 =	vadd.f32 v63, v2  }
0x264: {  	s13 =	sshll.u32 @!p0 s12, $0x7;
	[tilespmem:s15+$0x4850] =	vst v4;
	v3 =	vmax.f32 v3, $0.0e+00  }
0x265: {  	s13 =	sand.u32 @!p0 $0x3FFFFF80, s13;
	[tilespmem:s15+$0x4860] =	vst v3;
	v2 =	vmax.f32 v2, $0.0e+00  }
0x266: {  	s16 =	simm.s32 @!p0 $0x50;
	s17 =	simm.s32 @!p0 $0x2000;
	[tilespmem:s15+$0x4870] =	vst v2;
	s15 =	sadd.s32 @!p0 $0x1000, s13  }
0x267: {  	v2 =	vmov s11;
	[tilespmem:s17], [sflag:$0x1] =	stream.indirect.gather @!p0 [hbm4b:s19+s16], $0x80, s15, s16, $0xb8;
	[tilespmem:$0x1D800] =	vst v63  }
0x268: {  	s16 =	sshll.u32 s14, $0x7  }
0x269: {  	s14 =	sand.u32 $0x3FFFFF80, s16  }
0x26a: {  	s17 =	simm.s32 $0x0;
	s14 =	sadd.s32 $0x1000, s14  }
0x26b: {  	[spmem:s21] =	stream.indirect.scatter.add.f32 [tilespmem:s6], [sflag:$0x3], $0x80, s14, s5, $0xb8;
	[tilespmem:$0x1D800] =	vst v63  }
0x26c: {  	v3 =	vld.idx.msk [tilespmem:v2+s17+$0x0 ss:$0x1], $0xffff;
	_ =	sdelay $0x4  }
0x26d: {  	v3 =	vadd.s32 $0x7000, v3  }
0x26e: {  	(v2sf) =	vpush v3, $0x0;
	_ =	sdelay $0x7  }
0x26f: {  	(v2sf) =	vpush v3, $0x1;
	_ =	sdelay $0x6  }
0x270: {  	s15 =	spop (v2sf)  }
0x271: {  	(v2sf) =	vpush v3, $0x2;
	v4 =	vld [tilespmem:s15+$0x0];
	_ =	sdelay $0x4  }
0x272: {  	v4 =	vadd.f32 v1, v4;
	_ =	sdelay $0x1  }
0x273: {  	s16 =	spop (v2sf);
	[tilespmem:s15+$0x0] =	vst v4  }
0x274: {  	(v2sf) =	vpush v3, $0x3;
	v4 =	vld [tilespmem:s16+$0x0];
	_ =	sdelay $0x4  }
0x275: {  	v4 =	vadd.f32 v1, v4;
	_ =	sdelay $0x1  }
0x276: {  	s17 =	spop (v2sf);
	[tilespmem:s16+$0x0] =	vst v4  }
0x277: {  	(v2sf) =	vpush v3, $0x4;
	v4 =	vld [tilespmem:s17+$0x0];
	_ =	sdelay $0x4  }
0x278: {  	v4 =	vadd.f32 v1, v4;
	_ =	sdelay $0x1  }
0x279: {  	s15 =	spop (v2sf);
	[tilespmem:s17+$0x0] =	vst v4  }
0x27a: {  	(v2sf) =	vpush v3, $0x5;
	v4 =	vld [tilespmem:s15+$0x0];
	_ =	sdelay $0x4  }
0x27b: {  	v4 =	vadd.f32 v1, v4;
	_ =	sdelay $0x1  }
0x27c: {  	s16 =	spop (v2sf);
	[tilespmem:s15+$0x0] =	vst v4  }
0x27d: {  	(v2sf) =	vpush v3, $0x6;
	v4 =	vld [tilespmem:s16+$0x0];
	_ =	sdelay $0x4  }
0x27e: {  	v4 =	vadd.f32 v1, v4;
	_ =	sdelay $0x1  }
0x27f: {  	s17 =	spop (v2sf);
	[tilespmem:s16+$0x0] =	vst v4  }
0x280: {  	(v2sf) =	vpush v3, $0x7;
	v4 =	vld [tilespmem:s17+$0x0];
	_ =	sdelay $0x4  }
0x281: {  	v4 =	vadd.f32 v1, v4;
	_ =	sdelay $0x1  }
0x282: {  	s15 =	spop (v2sf);
	[tilespmem:s17+$0x0] =	vst v4  }
0x283: {  	(v2sf) =	vpush v3, $0x8;
	v4 =	vld [tilespmem:s15+$0x0];
	_ =	sdelay $0x4  }
0x284: {  	v4 =	vadd.f32 v1, v4;
	_ =	sdelay $0x1  }
0x285: {  	s16 =	spop (v2sf);
	[tilespmem:s15+$0x0] =	vst v4  }
0x286: {  	(v2sf) =	vpush v3, $0x9;
	v4 =	vld [tilespmem:s16+$0x0];
	_ =	sdelay $0x4  }
0x287: {  	v4 =	vadd.f32 v1, v4;
	_ =	sdelay $0x1  }
0x288: {  	s17 =	spop (v2sf);
	[tilespmem:s16+$0x0] =	vst v4  }
0x289: {  	(v2sf) =	vpush v3, $0xA;
	v4 =	vld [tilespmem:s17+$0x0];
	_ =	sdelay $0x4  }
0x28a: {  	v4 =	vadd.f32 v1, v4;
	_ =	sdelay $0x1  }
0x28b: {  	s15 =	spop (v2sf);
	[tilespmem:s17+$0x0] =	vst v4  }
0x28c: {  	(v2sf) =	vpush v3, $0xB;
	v4 =	vld [tilespmem:s15+$0x0];
	_ =	sdelay $0x4  }
0x28d: {  	v4 =	vadd.f32 v1, v4;
	_ =	sdelay $0x1  }
0x28e: {  	s16 =	spop (v2sf);
	[tilespmem:s15+$0x0] =	vst v4  }
0x28f: {  	(v2sf) =	vpush v3, $0xC;
	v4 =	vld [tilespmem:s16+$0x0];
	_ =	sdelay $0x4  }
0x290: {  	v4 =	vadd.f32 v1, v4;
	_ =	sdelay $0x1  }
0x291: {  	s17 =	spop (v2sf);
	[tilespmem:s16+$0x0] =	vst v4  }
0x292: {  	(v2sf) =	vpush v3, $0xD;
	v4 =	vld [tilespmem:s17+$0x0];
	_ =	sdelay $0x4  }
0x293: {  	v4 =	vadd.f32 v1, v4;
	_ =	sdelay $0x1  }
0x294: {  	s15 =	spop (v2sf);
	[tilespmem:s17+$0x0] =	vst v4  }
0x295: {  	(v2sf) =	vpush v3, $0xE;
	v4 =	vld [tilespmem:s15+$0x0];
	_ =	sdelay $0x4  }
0x296: {  	v4 =	vadd.f32 v1, v4;
	_ =	sdelay $0x1  }
0x297: {  	s16 =	spop (v2sf);
	[tilespmem:s15+$0x0] =	vst v4  }
0x298: {  	(v2sf) =	vpush v3, $0xF;
	v4 =	vld [tilespmem:s16+$0x0];
	_ =	sdelay $0x4  }
0x299: {  	v3 =	vadd.f32 v1, v4;
	_ =	sdelay $0x1  }
0x29a: {  	s17 =	spop (v2sf);
	[tilespmem:s16+$0x0] =	vst v3  }
0x29b: {  	v3 =	vld [tilespmem:s17+$0x0];
	_ =	sdelay $0x4  }
0x29c: {  	v3 =	vadd.f32 v1, v3;
	_ =	sdelay $0x1  }
0x29d: {  	s16 =	spop (v2sf);
	[tilespmem:s17+$0x0] =	vst v3  }
0x29e: {  	v3 =	vld [tilespmem:s16+$0x0];
	_ =	sdelay $0x4  }
0x29f: {  	s14 =	simm.s32 $0x40;
	s15 =	simm.s32 $0x80;
	v3 =	vadd.f32 v1, v3  }
.LBB2_21:
0x2a0: {  	p1 =	sne.s32 s15, $0x100  }
0x2a1: {  	s17 =	sshra.s32 s14, $0x2;
	s14 =	smov.u32 s15;
	s15 =	sadd.s32 $0x40, s15;
	[tilespmem:s16+$0x0] =	vst v3  }
0x2a2: {  	v3 =	vld.idx.msk [tilespmem:v2+s17+$0x0 ss:$0x1], $0xffff;
	_ =	sdelay $0x5  }
0x2a3: {  	v3 =	vadd.s32 $0x7000, v3  }
0x2a4: {  	(v2sf) =	vpush v3, $0x0;
	_ =	sdelay $0x7  }
0x2a5: {  	(v2sf) =	vpush v3, $0x1;
	_ =	sdelay $0x6  }
0x2a6: {  	s16 =	spop (v2sf)  }
0x2a7: {  	v4 =	vld [tilespmem:s16+$0x0];
	(v2sf) =	vpush v3, $0x2;
	_ =	sdelay $0x4  }
0x2a8: {  	v4 =	vadd.f32 v1, v4;
	_ =	sdelay $0x1  }
0x2a9: {  	[tilespmem:s16+$0x0] =	vst v4;
	s16 =	spop (v2sf)  }
0x2aa: {  	v4 =	vld [tilespmem:s16+$0x0];
	(v2sf) =	vpush v3, $0x3;
	_ =	sdelay $0x4  }
0x2ab: {  	v4 =	vadd.f32 v1, v4;
	_ =	sdelay $0x1  }
0x2ac: {  	[tilespmem:s16+$0x0] =	vst v4;
	s16 =	spop (v2sf)  }
0x2ad: {  	v4 =	vld [tilespmem:s16+$0x0];
	(v2sf) =	vpush v3, $0x4;
	_ =	sdelay $0x4  }
0x2ae: {  	v4 =	vadd.f32 v1, v4;
	_ =	sdelay $0x1  }
0x2af: {  	[tilespmem:s16+$0x0] =	vst v4;
	s16 =	spop (v2sf)  }
0x2b0: {  	v4 =	vld [tilespmem:s16+$0x0];
	(v2sf) =	vpush v3, $0x5;
	_ =	sdelay $0x4  }
0x2b1: {  	v4 =	vadd.f32 v1, v4;
	_ =	sdelay $0x1  }
0x2b2: {  	[tilespmem:s16+$0x0] =	vst v4;
	s16 =	spop (v2sf)  }
0x2b3: {  	v4 =	vld [tilespmem:s16+$0x0];
	(v2sf) =	vpush v3, $0x6;
	_ =	sdelay $0x4  }
0x2b4: {  	v4 =	vadd.f32 v1, v4;
	_ =	sdelay $0x1  }
0x2b5: {  	[tilespmem:s16+$0x0] =	vst v4;
	s16 =	spop (v2sf)  }
0x2b6: {  	v4 =	vld [tilespmem:s16+$0x0];
	(v2sf) =	vpush v3, $0x7;
	_ =	sdelay $0x4  }
0x2b7: {  	v4 =	vadd.f32 v1, v4;
	_ =	sdelay $0x1  }
0x2b8: {  	[tilespmem:s16+$0x0] =	vst v4;
	s16 =	spop (v2sf)  }
0x2b9: {  	v4 =	vld [tilespmem:s16+$0x0];
	(v2sf) =	vpush v3, $0x8;
	_ =	sdelay $0x4  }
0x2ba: {  	v4 =	vadd.f32 v1, v4;
	_ =	sdelay $0x1  }
0x2bb: {  	[tilespmem:s16+$0x0] =	vst v4;
	s16 =	spop (v2sf)  }
0x2bc: {  	v4 =	vld [tilespmem:s16+$0x0];
	(v2sf) =	vpush v3, $0x9;
	_ =	sdelay $0x4  }
0x2bd: {  	v4 =	vadd.f32 v1, v4;
	_ =	sdelay $0x1  }
0x2be: {  	[tilespmem:s16+$0x0] =	vst v4;
	s16 =	spop (v2sf)  }
0x2bf: {  	v4 =	vld [tilespmem:s16+$0x0];
	(v2sf) =	vpush v3, $0xA;
	_ =	sdelay $0x4  }
0x2c0: {  	v4 =	vadd.f32 v1, v4;
	_ =	sdelay $0x1  }
0x2c1: {  	[tilespmem:s16+$0x0] =	vst v4;
	s16 =	spop (v2sf)  }
0x2c2: {  	v4 =	vld [tilespmem:s16+$0x0];
	(v2sf) =	vpush v3, $0xB;
	_ =	sdelay $0x4  }
0x2c3: {  	v4 =	vadd.f32 v1, v4;
	_ =	sdelay $0x1  }
0x2c4: {  	[tilespmem:s16+$0x0] =	vst v4;
	s16 =	spop (v2sf)  }
0x2c5: {  	v4 =	vld [tilespmem:s16+$0x0];
	(v2sf) =	vpush v3, $0xC;
	_ =	sdelay $0x4  }
0x2c6: {  	v4 =	vadd.f32 v1, v4;
	_ =	sdelay $0x1  }
0x2c7: {  	[tilespmem:s16+$0x0] =	vst v4;
	s16 =	spop (v2sf)  }
0x2c8: {  	v4 =	vld [tilespmem:s16+$0x0];
	(v2sf) =	vpush v3, $0xD;
	_ =	sdelay $0x4  }
0x2c9: {  	v4 =	vadd.f32 v1, v4;
	_ =	sdelay $0x1  }
0x2ca: {  	[tilespmem:s16+$0x0] =	vst v4;
	s16 =	spop (v2sf)  }
0x2cb: {  	v4 =	vld [tilespmem:s16+$0x0];
	(v2sf) =	vpush v3, $0xE;
	_ =	sdelay $0x4  }
0x2cc: {  	v4 =	vadd.f32 v1, v4;
	_ =	sdelay $0x1  }
0x2cd: {  	[tilespmem:s16+$0x0] =	vst v4;
	s16 =	spop (v2sf)  }
0x2ce: {  	v4 =	vld [tilespmem:s16+$0x0];
	(v2sf) =	vpush v3, $0xF;
	_ =	sdelay $0x4  }
0x2cf: {  	v3 =	vadd.f32 v1, v4;
	_ =	sdelay $0x1  }
0x2d0: {  	[tilespmem:s16+$0x0] =	vst v3;
	s16 =	spop (v2sf)  }
0x2d1: {  	v3 =	vld [tilespmem:s16+$0x0];
	_ =	sdelay $0x4  }
0x2d2: {  	v3 =	vadd.f32 v1, v3;
	_ =	sdelay $0x1  }
0x2d3: {  	[tilespmem:s16+$0x0] =	vst v3;
	s16 =	spop (v2sf)  }
0x2d4: {  	v3 =	vld [tilespmem:s16+$0x0]  }
.Ltmp9:
0x2d5: {  	(pc) =	sbr.rel @p1 .LBB2_21-.Ltmp9, $2  }
0x2d6: {  	_ =	sdelay $0x2  }
0x2d7: {  	v3 =	vadd.f32 v1, v3  }
0x2d8: {  	_ =	sdelay $0x2  }
0x2d9: {  	s14 =	sshra.s32 s14, $0x2;
	[tilespmem:s16+$0x0] =	vst v3  }
0x2da: {  	v2 =	vld.idx.msk [tilespmem:v2+s14+$0x0 ss:$0x1], $0xffff;
	_ =	sdelay $0x4  }
0x2db: {  	v2 =	vadd.s32 $0x7000, v2  }
0x2dc: {  	(v2sf) =	vpush v2, $0x0;
	_ =	sdelay $0x7  }
0x2dd: {  	(v2sf) =	vpush v2, $0x1;
	_ =	sdelay $0x6  }
0x2de: {  	s17 =	spop (v2sf)  }
0x2df: {  	(v2sf) =	vpush v2, $0x2;
	v3 =	vld [tilespmem:s17+$0x0];
	_ =	sdelay $0x4  }
0x2e0: {  	v3 =	vadd.f32 v1, v3;
	_ =	sdelay $0x1  }
0x2e1: {  	s15 =	spop (v2sf);
	[tilespmem:s17+$0x0] =	vst v3  }
0x2e2: {  	(v2sf) =	vpush v2, $0x3;
	v3 =	vld [tilespmem:s15+$0x0];
	_ =	sdelay $0x4  }
0x2e3: {  	v3 =	vadd.f32 v1, v3;
	_ =	sdelay $0x1  }
0x2e4: {  	s16 =	spop (v2sf);
	[tilespmem:s15+$0x0] =	vst v3  }
0x2e5: {  	(v2sf) =	vpush v2, $0x4;
	v3 =	vld [tilespmem:s16+$0x0];
	_ =	sdelay $0x4  }
0x2e6: {  	v3 =	vadd.f32 v1, v3;
	_ =	sdelay $0x1  }
0x2e7: {  	s17 =	spop (v2sf);
	[tilespmem:s16+$0x0] =	vst v3  }
0x2e8: {  	(v2sf) =	vpush v2, $0x5;
	v3 =	vld [tilespmem:s17+$0x0];
	_ =	sdelay $0x4  }
0x2e9: {  	v3 =	vadd.f32 v1, v3;
	_ =	sdelay $0x1  }
0x2ea: {  	s15 =	spop (v2sf);
	[tilespmem:s17+$0x0] =	vst v3  }
0x2eb: {  	(v2sf) =	vpush v2, $0x6;
	v3 =	vld [tilespmem:s15+$0x0];
	_ =	sdelay $0x4  }
0x2ec: {  	v3 =	vadd.f32 v1, v3;
	_ =	sdelay $0x1  }
0x2ed: {  	s16 =	spop (v2sf);
	[tilespmem:s15+$0x0] =	vst v3  }
0x2ee: {  	(v2sf) =	vpush v2, $0x7;
	v3 =	vld [tilespmem:s16+$0x0];
	_ =	sdelay $0x4  }
0x2ef: {  	v3 =	vadd.f32 v1, v3;
	_ =	sdelay $0x1  }
0x2f0: {  	s17 =	spop (v2sf);
	[tilespmem:s16+$0x0] =	vst v3  }
0x2f1: {  	(v2sf) =	vpush v2, $0x8;
	v3 =	vld [tilespmem:s17+$0x0];
	_ =	sdelay $0x4  }
0x2f2: {  	v3 =	vadd.f32 v1, v3;
	_ =	sdelay $0x1  }
0x2f3: {  	s15 =	spop (v2sf);
	[tilespmem:s17+$0x0] =	vst v3  }
0x2f4: {  	(v2sf) =	vpush v2, $0x9;
	v3 =	vld [tilespmem:s15+$0x0];
	_ =	sdelay $0x4  }
0x2f5: {  	v3 =	vadd.f32 v1, v3;
	_ =	sdelay $0x1  }
0x2f6: {  	s16 =	spop (v2sf);
	[tilespmem:s15+$0x0] =	vst v3  }
0x2f7: {  	(v2sf) =	vpush v2, $0xA;
	v3 =	vld [tilespmem:s16+$0x0];
	_ =	sdelay $0x4  }
0x2f8: {  	v3 =	vadd.f32 v1, v3;
	_ =	sdelay $0x1  }
0x2f9: {  	s17 =	spop (v2sf);
	[tilespmem:s16+$0x0] =	vst v3  }
0x2fa: {  	(v2sf) =	vpush v2, $0xB;
	v3 =	vld [tilespmem:s17+$0x0];
	_ =	sdelay $0x4  }
0x2fb: {  	v3 =	vadd.f32 v1, v3;
	_ =	sdelay $0x1  }
0x2fc: {  	s15 =	spop (v2sf);
	[tilespmem:s17+$0x0] =	vst v3  }
0x2fd: {  	(v2sf) =	vpush v2, $0xC;
	v3 =	vld [tilespmem:s15+$0x0];
	_ =	sdelay $0x4  }
0x2fe: {  	v3 =	vadd.f32 v1, v3;
	_ =	sdelay $0x1  }
0x2ff: {  	s16 =	spop (v2sf);
	[tilespmem:s15+$0x0] =	vst v3  }
0x300: {  	(v2sf) =	vpush v2, $0xD;
	v3 =	vld [tilespmem:s16+$0x0];
	_ =	sdelay $0x4  }
0x301: {  	v3 =	vadd.f32 v1, v3;
	_ =	sdelay $0x1  }
0x302: {  	s17 =	spop (v2sf);
	[tilespmem:s16+$0x0] =	vst v3  }
0x303: {  	(v2sf) =	vpush v2, $0xE;
	v3 =	vld [tilespmem:s17+$0x0];
	_ =	sdelay $0x4  }
0x304: {  	v3 =	vadd.f32 v1, v3;
	_ =	sdelay $0x1  }
0x305: {  	s15 =	spop (v2sf);
	[tilespmem:s17+$0x0] =	vst v3  }
0x306: {  	(v2sf) =	vpush v2, $0xF;
	v3 =	vld [tilespmem:s15+$0x0];
	_ =	sdelay $0x4  }
0x307: {  	v2 =	vadd.f32 v1, v3;
	_ =	sdelay $0x1  }
0x308: {  	s16 =	spop (v2sf);
	[tilespmem:s15+$0x0] =	vst v2  }
0x309: {  	v2 =	vld [tilespmem:s16+$0x0];
	_ =	sdelay $0x4  }
0x30a: {  	v2 =	vadd.f32 v1, v2;
	_ =	sdelay $0x1  }
0x30b: {  	s17 =	spop (v2sf);
	[tilespmem:s16+$0x0] =	vst v2  }
0x30c: {  	v2 =	vld [tilespmem:s17+$0x0];
	_ =	sdelay $0x4  }
0x30d: {  	v2 =	vadd.f32 v1, v2  }
0x30e: {  	p1 =	sne.s32 @!p0 s12, $0x19  }
0x30f: {  	p1 =	por p0, !p1;
	[tilespmem:s17+$0x0] =	vst v2  }
.Ltmp10:
0x310: {  	_ =	swait.ge [sflag:s9], $0x2800;
	(pc) =	sbr.rel @!p1 .LBB2_18-.Ltmp10, $4  }
0x311: {  	[sflag:s9] =	ssyncset.done $0x0  }
0x312: {  	s14 =	simm.s32 @!p0 $0x50;
	s15 =	simm.s32 @!p0 $0x4800;
	[sflag:s9] =	ssyncadd.s32 $0xFFFFD800  }
0x313: {  	[tilespmem:s15], [sflag:$0x2] =	stream.indirect.gather @!p0 [hbm4b:s23+s14], $0x80, s13, s14, $0xb8;
	[tilespmem:$0x1D800] =	vst v63  }
0x314: {  	s11 =	sadd.s32 @!p0 $0x80, s11;
	s14 =	smov.u32 s12  }
0x315: {  	s14 =	simm.s32 $0x0;
	s11 =	rddreg [dreg:$0xa]  }
0x316: {  	[tilespmem:s14], [sflag:$0x4] =	stream.linear.gather [hbm4b:s11+s14], $0xC80, $0x38;
	[tilespmem:$0x1D800] =	vst v63  }
0x317: {  	_ =	swait.ge [sflag:s4], $0xC80  }
0x318: {  	[sflag:s4] =	ssyncset.done $0x0  }
0x319: {  	s11 =	simm.s32 $0x1000;
	s12 =	rddreg [dreg:$0xb];
	[sflag:s4] =	ssyncadd.s32 $0xFFFFF380  }
0x31a: {  	[tilespmem:s11], [sflag:$0x4] =	stream.linear.gather [hbm4b:s12+s14], $0xC80, $0x38;
	[tilespmem:$0x1D800] =	vst v63  }
0x31b: {  	_ =	swait.ge [sflag:s4], $0xC80  }
0x31c: {  	[sflag:s4] =	ssyncset.done $0x0  }
0x31d: {  	[sflag:s4] =	ssyncadd.s32 $0xFFFFF380  }
0x31e: {  	[tilespmem:s3], [sflag:$0x1] =	stream.indirect.gather [hbm4b:s19+s5], $0x80, s11, s5, $0xb8;
	[tilespmem:$0x1D800] =	vst v63  }
0x31f: {  	_ = 	snop  }
0x320: {  	[tilespmem:s6], [sflag:$0x2] =	stream.indirect.gather [hbm4b:s23+s5], $0x80, s14, s5, $0xb8;
	[tilespmem:$0x1D800] =	vst v63  }
.LBB2_24:
0x321: {  	_ =	swait.ge [sflag:s7], $0x2800  }
0x322: {  	[sflag:s7] =	ssyncset.done $0x0  }
0x323: {  	[sflag:s7] =	ssyncadd.s32 $0xFFFFD800  }
0x324: {  	_ =	swait.ge [sflag:s8], $0x2800  }
0x325: {  	[sflag:s8] =	ssyncset.done $0x0  }
0x326: {  	s15 =	simm.s32 $0x0;
	[sflag:s8] =	ssyncadd.s32 $0xFFFFD800  }
0x327: {  	v8 =	vld [tilespmem:s15+$0x2000]  }
0x328: {  	v13 =	vld [tilespmem:s15+$0x2010]  }
0x329: {  	v7 =	vld [tilespmem:s15+$0x2020]  }
0x32a: {  	v6 =	vld [tilespmem:s15+$0x2030]  }
0x32b: {  	v5 =	vld [tilespmem:s15+$0x2040]  }
0x32c: {  	v4 =	vld [tilespmem:s15+$0x2050]  }
0x32d: {  	v3 =	vld [tilespmem:s15+$0x2060]  }
0x32e: {  	v2 =	vld [tilespmem:s15+$0x2070]  }
0x32f: {  	v14 =	vld [tilespmem:s15+$0x4800]  }
0x330: {  	v15 =	vld [tilespmem:s15+$0x4810]  }
0x331: {  	v12 =	vld [tilespmem:s15+$0x4820]  }
0x332: {  	v11 =	vld [tilespmem:s15+$0x4830]  }
0x333: {  	v10 =	vld [tilespmem:s15+$0x4840]  }
0x334: {  	v9 =	vld [tilespmem:s15+$0x4850];
	v14 =	vadd.f32 v14, v8  }
0x335: {  	s12 =	simm.s32 $0x200;
	v13 =	vadd.f32 v15, v13;
	v8 =	vld [tilespmem:s15+$0x4860]  }
.LBB2_25:
0x336: {  	s13 =	sshra.s32 s12, $0x2;
	p0 =	sne.s32 s12, $0x9E00;
	v14 =	vmax.f32 v14, $0.0e+00;
	v7 =	vadd.f32 v12, v7;
	v12 =	vld [tilespmem:s15+$0x4870]  }
0x337: {  	v15 =	vld [tilespmem:s13+$0x2000];
	[tilespmem:s15+$0x4800] =	vst v14;
	v13 =	vmax.f32 v13, $0.0e+00;
	v6 =	vadd.f32 v11, v6  }
0x338: {  	v16 =	vld [tilespmem:s13+$0x2010];
	[tilespmem:s15+$0x4810] =	vst v13;
	v11 =	vmax.f32 v7, $0.0e+00;
	v5 =	vadd.f32 v10, v5  }
0x339: {  	v7 =	vld [tilespmem:s13+$0x2020];
	[tilespmem:s15+$0x4820] =	vst v11;
	v10 =	vmax.f32 v6, $0.0e+00;
	v4 =	vadd.f32 v9, v4  }
0x33a: {  	v6 =	vld [tilespmem:s13+$0x2030];
	[tilespmem:s15+$0x4830] =	vst v10;
	v9 =	vmax.f32 v5, $0.0e+00;
	v3 =	vadd.f32 v8, v3  }
0x33b: {  	v5 =	vld [tilespmem:s13+$0x2040];
	[tilespmem:s15+$0x4840] =	vst v9;
	v8 =	vmax.f32 v4, $0.0e+00;
	v2 =	vadd.f32 v12, v2  }
0x33c: {  	v4 =	vld [tilespmem:s13+$0x2050];
	[tilespmem:s15+$0x4850] =	vst v8;
	v8 =	vmax.f32 v3, $0.0e+00  }
0x33d: {  	v3 =	vld [tilespmem:s13+$0x2060];
	[tilespmem:s15+$0x4860] =	vst v8;
	v8 =	vmax.f32 v2, $0.0e+00  }
0x33e: {  	v2 =	vld [tilespmem:s13+$0x2070];
	[tilespmem:s15+$0x4870] =	vst v8;
	s15 =	smov.u32 s13  }
0x33f: {  	v8 =	vld [tilespmem:s15+$0x4800]  }
0x340: {  	v13 =	vld [tilespmem:s15+$0x4810]  }
.Ltmp11:
0x341: {  	v12 =	vld [tilespmem:s15+$0x4820];
	(pc) =	sbr.rel @p0 .LBB2_25-.Ltmp11, $4  }
0x342: {  	v11 =	vld [tilespmem:s15+$0x4830]  }
0x343: {  	v10 =	vld [tilespmem:s15+$0x4840]  }
0x344: {  	v14 =	vadd.f32 v8, v15;
	v9 =	vld [tilespmem:s15+$0x4850]  }
0x345: {  	s12 =	sadd.s32 $0x200, s12;
	v13 =	vadd.f32 v13, v16;
	v8 =	vld [tilespmem:s15+$0x4860]  }
0x346: {  	v14 =	vmax.f32 v14, $0.0e+00;
	v7 =	vadd.f32 v12, v7;
	v63 =	vld [tilespmem:s15+$0x4870]  }
0x347: {  	[tilespmem:s15+$0x4800] =	vst v14;
	v13 =	vmax.f32 v13, $0.0e+00;
	v6 =	vadd.f32 v11, v6  }
0x348: {  	[tilespmem:s15+$0x4810] =	vst v13;
	v7 =	vmax.f32 v7, $0.0e+00;
	v5 =	vadd.f32 v10, v5  }
0x349: {  	[tilespmem:s15+$0x4820] =	vst v7;
	v6 =	vmax.f32 v6, $0.0e+00;
	v4 =	vadd.f32 v9, v4  }
0x34a: {  	[tilespmem:s15+$0x4830] =	vst v6;
	v5 =	vmax.f32 v5, $0.0e+00;
	v3 =	vadd.f32 v8, v3  }
0x34b: {  	s12 =	sadd.s32 $0x1, s14;
	p0 =	seq.s32 s14, $0x18;
	[tilespmem:s15+$0x4840] =	vst v5;
	v4 =	vmax.f32 v4, $0.0e+00;
	v2 =	vadd.f32 v63, v2  }
0x34c: {  	s13 =	sshll.u32 @!p0 s12, $0x7;
	[tilespmem:s15+$0x4850] =	vst v4;
	v3 =	vmax.f32 v3, $0.0e+00  }
0x34d: {  	s13 =	sand.u32 @!p0 $0x3FFFFF80, s13;
	[tilespmem:s15+$0x4860] =	vst v3;
	v2 =	vmax.f32 v2, $0.0e+00  }
0x34e: {  	s16 =	simm.s32 @!p0 $0x50;
	s17 =	simm.s32 @!p0 $0x2000;
	[tilespmem:s15+$0x4870] =	vst v2;
	s15 =	sadd.s32 @!p0 $0x1000, s13  }
0x34f: {  	v2 =	vmov s11;
	[tilespmem:s17], [sflag:$0x1] =	stream.indirect.gather @!p0 [hbm4b:s19+s16], $0x80, s15, s16, $0xb8;
	[tilespmem:$0x1D800] =	vst v63  }
0x350: {  	s16 =	sshll.u32 s14, $0x7  }
0x351: {  	s14 =	sand.u32 $0x3FFFFF80, s16  }
0x352: {  	s17 =	simm.s32 $0x0;
	s14 =	sadd.s32 $0x1000, s14  }
0x353: {  	[spmem:s21] =	stream.indirect.scatter.add.f32 [tilespmem:s6], [sflag:$0x3], $0x80, s14, s5, $0xb8;
	[tilespmem:$0x1D800] =	vst v63  }
0x354: {  	v3 =	vld.idx.msk [tilespmem:v2+s17+$0x0 ss:$0x1], $0xffff;
	_ =	sdelay $0x4  }
0x355: {  	v3 =	vadd.s32 $0x7000, v3  }
0x356: {  	(v2sf) =	vpush v3, $0x0;
	_ =	sdelay $0x7  }
0x357: {  	(v2sf) =	vpush v3, $0x1;
	_ =	sdelay $0x6  }
0x358: {  	s15 =	spop (v2sf)  }
0x359: {  	(v2sf) =	vpush v3, $0x2;
	v4 =	vld [tilespmem:s15+$0x0];
	_ =	sdelay $0x4  }
0x35a: {  	v4 =	vadd.f32 v1, v4;
	_ =	sdelay $0x1  }
0x35b: {  	s16 =	spop (v2sf);
	[tilespmem:s15+$0x0] =	vst v4  }
0x35c: {  	(v2sf) =	vpush v3, $0x3;
	v4 =	vld [tilespmem:s16+$0x0];
	_ =	sdelay $0x4  }
0x35d: {  	v4 =	vadd.f32 v1, v4;
	_ =	sdelay $0x1  }
0x35e: {  	s17 =	spop (v2sf);
	[tilespmem:s16+$0x0] =	vst v4  }
0x35f: {  	(v2sf) =	vpush v3, $0x4;
	v4 =	vld [tilespmem:s17+$0x0];
	_ =	sdelay $0x4  }
0x360: {  	v4 =	vadd.f32 v1, v4;
	_ =	sdelay $0x1  }
0x361: {  	s15 =	spop (v2sf);
	[tilespmem:s17+$0x0] =	vst v4  }
0x362: {  	(v2sf) =	vpush v3, $0x5;
	v4 =	vld [tilespmem:s15+$0x0];
	_ =	sdelay $0x4  }
0x363: {  	v4 =	vadd.f32 v1, v4;
	_ =	sdelay $0x1  }
0x364: {  	s16 =	spop (v2sf);
	[tilespmem:s15+$0x0] =	vst v4  }
0x365: {  	(v2sf) =	vpush v3, $0x6;
	v4 =	vld [tilespmem:s16+$0x0];
	_ =	sdelay $0x4  }
0x366: {  	v4 =	vadd.f32 v1, v4;
	_ =	sdelay $0x1  }
0x367: {  	s17 =	spop (v2sf);
	[tilespmem:s16+$0x0] =	vst v4  }
0x368: {  	(v2sf) =	vpush v3, $0x7;
	v4 =	vld [tilespmem:s17+$0x0];
	_ =	sdelay $0x4  }
0x369: {  	v4 =	vadd.f32 v1, v4;
	_ =	sdelay $0x1  }
0x36a: {  	s15 =	spop (v2sf);
	[tilespmem:s17+$0x0] =	vst v4  }
0x36b: {  	(v2sf) =	vpush v3, $0x8;
	v4 =	vld [tilespmem:s15+$0x0];
	_ =	sdelay $0x4  }
0x36c: {  	v4 =	vadd.f32 v1, v4;
	_ =	sdelay $0x1  }
0x36d: {  	s16 =	spop (v2sf);
	[tilespmem:s15+$0x0] =	vst v4  }
0x36e: {  	(v2sf) =	vpush v3, $0x9;
	v4 =	vld [tilespmem:s16+$0x0];
	_ =	sdelay $0x4  }
0x36f: {  	v4 =	vadd.f32 v1, v4;
	_ =	sdelay $0x1  }
0x370: {  	s17 =	spop (v2sf);
	[tilespmem:s16+$0x0] =	vst v4  }
0x371: {  	(v2sf) =	vpush v3, $0xA;
	v4 =	vld [tilespmem:s17+$0x0];
	_ =	sdelay $0x4  }
0x372: {  	v4 =	vadd.f32 v1, v4;
	_ =	sdelay $0x1  }
0x373: {  	s15 =	spop (v2sf);
	[tilespmem:s17+$0x0] =	vst v4  }
0x374: {  	(v2sf) =	vpush v3, $0xB;
	v4 =	vld [tilespmem:s15+$0x0];
	_ =	sdelay $0x4  }
0x375: {  	v4 =	vadd.f32 v1, v4;
	_ =	sdelay $0x1  }
0x376: {  	s16 =	spop (v2sf);
	[tilespmem:s15+$0x0] =	vst v4  }
0x377: {  	(v2sf) =	vpush v3, $0xC;
	v4 =	vld [tilespmem:s16+$0x0];
	_ =	sdelay $0x4  }
0x378: {  	v4 =	vadd.f32 v1, v4;
	_ =	sdelay $0x1  }
0x379: {  	s17 =	spop (v2sf);
	[tilespmem:s16+$0x0] =	vst v4  }
0x37a: {  	(v2sf) =	vpush v3, $0xD;
	v4 =	vld [tilespmem:s17+$0x0];
	_ =	sdelay $0x4  }
0x37b: {  	v4 =	vadd.f32 v1, v4;
	_ =	sdelay $0x1  }
0x37c: {  	s15 =	spop (v2sf);
	[tilespmem:s17+$0x0] =	vst v4  }
0x37d: {  	(v2sf) =	vpush v3, $0xE;
	v4 =	vld [tilespmem:s15+$0x0];
	_ =	sdelay $0x4  }
0x37e: {  	v4 =	vadd.f32 v1, v4;
	_ =	sdelay $0x1  }
0x37f: {  	s16 =	spop (v2sf);
	[tilespmem:s15+$0x0] =	vst v4  }
0x380: {  	(v2sf) =	vpush v3, $0xF;
	v4 =	vld [tilespmem:s16+$0x0];
	_ =	sdelay $0x4  }
0x381: {  	v3 =	vadd.f32 v1, v4;
	_ =	sdelay $0x1  }
0x382: {  	s17 =	spop (v2sf);
	[tilespmem:s16+$0x0] =	vst v3  }
0x383: {  	v3 =	vld [tilespmem:s17+$0x0];
	_ =	sdelay $0x4  }
0x384: {  	v3 =	vadd.f32 v1, v3;
	_ =	sdelay $0x1  }
0x385: {  	s16 =	spop (v2sf);
	[tilespmem:s17+$0x0] =	vst v3  }
0x386: {  	v3 =	vld [tilespmem:s16+$0x0];
	_ =	sdelay $0x4  }
0x387: {  	s14 =	simm.s32 $0x40;
	s15 =	simm.s32 $0x80;
	v3 =	vadd.f32 v1, v3  }
.LBB2_27:
0x388: {  	p1 =	sne.s32 s15, $0x100  }
0x389: {  	s17 =	sshra.s32 s14, $0x2;
	s14 =	smov.u32 s15;
	s15 =	sadd.s32 $0x40, s15;
	[tilespmem:s16+$0x0] =	vst v3  }
0x38a: {  	v3 =	vld.idx.msk [tilespmem:v2+s17+$0x0 ss:$0x1], $0xffff;
	_ =	sdelay $0x5  }
0x38b: {  	v3 =	vadd.s32 $0x7000, v3  }
0x38c: {  	(v2sf) =	vpush v3, $0x0;
	_ =	sdelay $0x7  }
0x38d: {  	(v2sf) =	vpush v3, $0x1;
	_ =	sdelay $0x6  }
0x38e: {  	s16 =	spop (v2sf)  }
0x38f: {  	v4 =	vld [tilespmem:s16+$0x0];
	(v2sf) =	vpush v3, $0x2;
	_ =	sdelay $0x4  }
0x390: {  	v4 =	vadd.f32 v1, v4;
	_ =	sdelay $0x1  }
0x391: {  	[tilespmem:s16+$0x0] =	vst v4;
	s16 =	spop (v2sf)  }
0x392: {  	v4 =	vld [tilespmem:s16+$0x0];
	(v2sf) =	vpush v3, $0x3;
	_ =	sdelay $0x4  }
0x393: {  	v4 =	vadd.f32 v1, v4;
	_ =	sdelay $0x1  }
0x394: {  	[tilespmem:s16+$0x0] =	vst v4;
	s16 =	spop (v2sf)  }
0x395: {  	v4 =	vld [tilespmem:s16+$0x0];
	(v2sf) =	vpush v3, $0x4;
	_ =	sdelay $0x4  }
0x396: {  	v4 =	vadd.f32 v1, v4;
	_ =	sdelay $0x1  }
0x397: {  	[tilespmem:s16+$0x0] =	vst v4;
	s16 =	spop (v2sf)  }
0x398: {  	v4 =	vld [tilespmem:s16+$0x0];
	(v2sf) =	vpush v3, $0x5;
	_ =	sdelay $0x4  }
0x399: {  	v4 =	vadd.f32 v1, v4;
	_ =	sdelay $0x1  }
0x39a: {  	[tilespmem:s16+$0x0] =	vst v4;
	s16 =	spop (v2sf)  }
0x39b: {  	v4 =	vld [tilespmem:s16+$0x0];
	(v2sf) =	vpush v3, $0x6;
	_ =	sdelay $0x4  }
0x39c: {  	v4 =	vadd.f32 v1, v4;
	_ =	sdelay $0x1  }
0x39d: {  	[tilespmem:s16+$0x0] =	vst v4;
	s16 =	spop (v2sf)  }
0x39e: {  	v4 =	vld [tilespmem:s16+$0x0];
	(v2sf) =	vpush v3, $0x7;
	_ =	sdelay $0x4  }
0x39f: {  	v4 =	vadd.f32 v1, v4;
	_ =	sdelay $0x1  }
0x3a0: {  	[tilespmem:s16+$0x0] =	vst v4;
	s16 =	spop (v2sf)  }
0x3a1: {  	v4 =	vld [tilespmem:s16+$0x0];
	(v2sf) =	vpush v3, $0x8;
	_ =	sdelay $0x4  }
0x3a2: {  	v4 =	vadd.f32 v1, v4;
	_ =	sdelay $0x1  }
0x3a3: {  	[tilespmem:s16+$0x0] =	vst v4;
	s16 =	spop (v2sf)  }
0x3a4: {  	v4 =	vld [tilespmem:s16+$0x0];
	(v2sf) =	vpush v3, $0x9;
	_ =	sdelay $0x4  }
0x3a5: {  	v4 =	vadd.f32 v1, v4;
	_ =	sdelay $0x1  }
0x3a6: {  	[tilespmem:s16+$0x0] =	vst v4;
	s16 =	spop (v2sf)  }
0x3a7: {  	v4 =	vld [tilespmem:s16+$0x0];
	(v2sf) =	vpush v3, $0xA;
	_ =	sdelay $0x4  }
0x3a8: {  	v4 =	vadd.f32 v1, v4;
	_ =	sdelay $0x1  }
0x3a9: {  	[tilespmem:s16+$0x0] =	vst v4;
	s16 =	spop (v2sf)  }
0x3aa: {  	v4 =	vld [tilespmem:s16+$0x0];
	(v2sf) =	vpush v3, $0xB;
	_ =	sdelay $0x4  }
0x3ab: {  	v4 =	vadd.f32 v1, v4;
	_ =	sdelay $0x1  }
0x3ac: {  	[tilespmem:s16+$0x0] =	vst v4;
	s16 =	spop (v2sf)  }
0x3ad: {  	v4 =	vld [tilespmem:s16+$0x0];
	(v2sf) =	vpush v3, $0xC;
	_ =	sdelay $0x4  }
0x3ae: {  	v4 =	vadd.f32 v1, v4;
	_ =	sdelay $0x1  }
0x3af: {  	[tilespmem:s16+$0x0] =	vst v4;
	s16 =	spop (v2sf)  }
0x3b0: {  	v4 =	vld [tilespmem:s16+$0x0];
	(v2sf) =	vpush v3, $0xD;
	_ =	sdelay $0x4  }
0x3b1: {  	v4 =	vadd.f32 v1, v4;
	_ =	sdelay $0x1  }
0x3b2: {  	[tilespmem:s16+$0x0] =	vst v4;
	s16 =	spop (v2sf)  }
0x3b3: {  	v4 =	vld [tilespmem:s16+$0x0];
	(v2sf) =	vpush v3, $0xE;
	_ =	sdelay $0x4  }
0x3b4: {  	v4 =	vadd.f32 v1, v4;
	_ =	sdelay $0x1  }
0x3b5: {  	[tilespmem:s16+$0x0] =	vst v4;
	s16 =	spop (v2sf)  }
0x3b6: {  	v4 =	vld [tilespmem:s16+$0x0];
	(v2sf) =	vpush v3, $0xF;
	_ =	sdelay $0x4  }
0x3b7: {  	v3 =	vadd.f32 v1, v4;
	_ =	sdelay $0x1  }
0x3b8: {  	[tilespmem:s16+$0x0] =	vst v3;
	s16 =	spop (v2sf)  }
0x3b9: {  	v3 =	vld [tilespmem:s16+$0x0];
	_ =	sdelay $0x4  }
0x3ba: {  	v3 =	vadd.f32 v1, v3;
	_ =	sdelay $0x1  }
0x3bb: {  	[tilespmem:s16+$0x0] =	vst v3;
	s16 =	spop (v2sf)  }
0x3bc: {  	v3 =	vld [tilespmem:s16+$0x0]  }
.Ltmp12:
0x3bd: {  	(pc) =	sbr.rel @p1 .LBB2_27-.Ltmp12, $2  }
0x3be: {  	_ =	sdelay $0x2  }
0x3bf: {  	v3 =	vadd.f32 v1, v3  }
0x3c0: {  	_ =	sdelay $0x2  }
0x3c1: {  	s14 =	sshra.s32 s14, $0x2;
	[tilespmem:s16+$0x0] =	vst v3  }
0x3c2: {  	v2 =	vld.idx.msk [tilespmem:v2+s14+$0x0 ss:$0x1], $0xffff;
	_ =	sdelay $0x4  }
0x3c3: {  	v2 =	vadd.s32 $0x7000, v2  }
0x3c4: {  	(v2sf) =	vpush v2, $0x0;
	_ =	sdelay $0x7  }
0x3c5: {  	(v2sf) =	vpush v2, $0x1;
	_ =	sdelay $0x6  }
0x3c6: {  	s17 =	spop (v2sf)  }
0x3c7: {  	(v2sf) =	vpush v2, $0x2;
	v3 =	vld [tilespmem:s17+$0x0];
	_ =	sdelay $0x4  }
0x3c8: {  	v3 =	vadd.f32 v1, v3;
	_ =	sdelay $0x1  }
0x3c9: {  	s15 =	spop (v2sf);
	[tilespmem:s17+$0x0] =	vst v3  }
0x3ca: {  	(v2sf) =	vpush v2, $0x3;
	v3 =	vld [tilespmem:s15+$0x0];
	_ =	sdelay $0x4  }
0x3cb: {  	v3 =	vadd.f32 v1, v3;
	_ =	sdelay $0x1  }
0x3cc: {  	s16 =	spop (v2sf);
	[tilespmem:s15+$0x0] =	vst v3  }
0x3cd: {  	(v2sf) =	vpush v2, $0x4;
	v3 =	vld [tilespmem:s16+$0x0];
	_ =	sdelay $0x4  }
0x3ce: {  	v3 =	vadd.f32 v1, v3;
	_ =	sdelay $0x1  }
0x3cf: {  	s17 =	spop (v2sf);
	[tilespmem:s16+$0x0] =	vst v3  }
0x3d0: {  	(v2sf) =	vpush v2, $0x5;
	v3 =	vld [tilespmem:s17+$0x0];
	_ =	sdelay $0x4  }
0x3d1: {  	v3 =	vadd.f32 v1, v3;
	_ =	sdelay $0x1  }
0x3d2: {  	s15 =	spop (v2sf);
	[tilespmem:s17+$0x0] =	vst v3  }
0x3d3: {  	(v2sf) =	vpush v2, $0x6;
	v3 =	vld [tilespmem:s15+$0x0];
	_ =	sdelay $0x4  }
0x3d4: {  	v3 =	vadd.f32 v1, v3;
	_ =	sdelay $0x1  }
0x3d5: {  	s16 =	spop (v2sf);
	[tilespmem:s15+$0x0] =	vst v3  }
0x3d6: {  	(v2sf) =	vpush v2, $0x7;
	v3 =	vld [tilespmem:s16+$0x0];
	_ =	sdelay $0x4  }
0x3d7: {  	v3 =	vadd.f32 v1, v3;
	_ =	sdelay $0x1  }
0x3d8: {  	s17 =	spop (v2sf);
	[tilespmem:s16+$0x0] =	vst v3  }
0x3d9: {  	(v2sf) =	vpush v2, $0x8;
	v3 =	vld [tilespmem:s17+$0x0];
	_ =	sdelay $0x4  }
0x3da: {  	v3 =	vadd.f32 v1, v3;
	_ =	sdelay $0x1  }
0x3db: {  	s15 =	spop (v2sf);
	[tilespmem:s17+$0x0] =	vst v3  }
0x3dc: {  	(v2sf) =	vpush v2, $0x9;
	v3 =	vld [tilespmem:s15+$0x0];
	_ =	sdelay $0x4  }
0x3dd: {  	v3 =	vadd.f32 v1, v3;
	_ =	sdelay $0x1  }
0x3de: {  	s16 =	spop (v2sf);
	[tilespmem:s15+$0x0] =	vst v3  }
0x3df: {  	(v2sf) =	vpush v2, $0xA;
	v3 =	vld [tilespmem:s16+$0x0];
	_ =	sdelay $0x4  }
0x3e0: {  	v3 =	vadd.f32 v1, v3;
	_ =	sdelay $0x1  }
0x3e1: {  	s17 =	spop (v2sf);
	[tilespmem:s16+$0x0] =	vst v3  }
0x3e2: {  	(v2sf) =	vpush v2, $0xB;
	v3 =	vld [tilespmem:s17+$0x0];
	_ =	sdelay $0x4  }
0x3e3: {  	v3 =	vadd.f32 v1, v3;
	_ =	sdelay $0x1  }
0x3e4: {  	s15 =	spop (v2sf);
	[tilespmem:s17+$0x0] =	vst v3  }
0x3e5: {  	(v2sf) =	vpush v2, $0xC;
	v3 =	vld [tilespmem:s15+$0x0];
	_ =	sdelay $0x4  }
0x3e6: {  	v3 =	vadd.f32 v1, v3;
	_ =	sdelay $0x1  }
0x3e7: {  	s16 =	spop (v2sf);
	[tilespmem:s15+$0x0] =	vst v3  }
0x3e8: {  	(v2sf) =	vpush v2, $0xD;
	v3 =	vld [tilespmem:s16+$0x0];
	_ =	sdelay $0x4  }
0x3e9: {  	v3 =	vadd.f32 v1, v3;
	_ =	sdelay $0x1  }
0x3ea: {  	s17 =	spop (v2sf);
	[tilespmem:s16+$0x0] =	vst v3  }
0x3eb: {  	(v2sf) =	vpush v2, $0xE;
	v3 =	vld [tilespmem:s17+$0x0];
	_ =	sdelay $0x4  }
0x3ec: {  	v3 =	vadd.f32 v1, v3;
	_ =	sdelay $0x1  }
0x3ed: {  	s15 =	spop (v2sf);
	[tilespmem:s17+$0x0] =	vst v3  }
0x3ee: {  	(v2sf) =	vpush v2, $0xF;
	v3 =	vld [tilespmem:s15+$0x0];
	_ =	sdelay $0x4  }
0x3ef: {  	v2 =	vadd.f32 v1, v3;
	_ =	sdelay $0x1  }
0x3f0: {  	s16 =	spop (v2sf);
	[tilespmem:s15+$0x0] =	vst v2  }
0x3f1: {  	v2 =	vld [tilespmem:s16+$0x0];
	_ =	sdelay $0x4  }
0x3f2: {  	v2 =	vadd.f32 v1, v2;
	_ =	sdelay $0x1  }
0x3f3: {  	s17 =	spop (v2sf);
	[tilespmem:s16+$0x0] =	vst v2  }
0x3f4: {  	v2 =	vld [tilespmem:s17+$0x0];
	_ =	sdelay $0x4  }
0x3f5: {  	v2 =	vadd.f32 v1, v2  }
0x3f6: {  	p1 =	sne.s32 @!p0 s12, $0x19  }
0x3f7: {  	p1 =	por p0, !p1;
	[tilespmem:s17+$0x0] =	vst v2  }
.Ltmp13:
0x3f8: {  	_ =	swait.ge [sflag:s9], $0x2800;
	(pc) =	sbr.rel @!p1 .LBB2_24-.Ltmp13, $4  }
0x3f9: {  	[sflag:s9] =	ssyncset.done $0x0  }
0x3fa: {  	s14 =	simm.s32 @!p0 $0x50;
	s15 =	simm.s32 @!p0 $0x4800;
	[sflag:s9] =	ssyncadd.s32 $0xFFFFD800  }
0x3fb: {  	[tilespmem:s15], [sflag:$0x2] =	stream.indirect.gather @!p0 [hbm4b:s23+s14], $0x80, s13, s14, $0xb8;
	[tilespmem:$0x1D800] =	vst v63  }
0x3fc: {  	s11 =	sadd.s32 @!p0 $0x80, s11;
	s14 =	smov.u32 s12  }
0x3fd: {  	s14 =	simm.s32 $0x0;
	s11 =	rddreg [dreg:$0xc]  }
0x3fe: {  	[tilespmem:s14], [sflag:$0x4] =	stream.linear.gather [hbm4b:s11+s14], $0xC80, $0x38;
	[tilespmem:$0x1D800] =	vst v63  }
0x3ff: {  	_ =	swait.ge [sflag:s4], $0xC80  }
0x400: {  	[sflag:s4] =	ssyncset.done $0x0  }
0x401: {  	s11 =	simm.s32 $0x1000;
	s12 =	rddreg [dreg:$0xd];
	[sflag:s4] =	ssyncadd.s32 $0xFFFFF380  }
0x402: {  	[tilespmem:s11], [sflag:$0x4] =	stream.linear.gather [hbm4b:s12+s14], $0xC80, $0x38;
	[tilespmem:$0x1D800] =	vst v63  }
0x403: {  	_ =	swait.ge [sflag:s4], $0xC80  }
0x404: {  	[sflag:s4] =	ssyncset.done $0x0  }
0x405: {  	[sflag:s4] =	ssyncadd.s32 $0xFFFFF380  }
0x406: {  	[tilespmem:s3], [sflag:$0x1] =	stream.indirect.gather [hbm4b:s19+s5], $0x80, s11, s5, $0xb8;
	[tilespmem:$0x1D800] =	vst v63  }
0x407: {  	_ = 	snop  }
0x408: {  	[tilespmem:s6], [sflag:$0x2] =	stream.indirect.gather [hbm4b:s23+s5], $0x80, s14, s5, $0xb8;
	[tilespmem:$0x1D800] =	vst v63  }
.LBB2_30:
0x409: {  	_ =	swait.ge [sflag:s7], $0x2800  }
0x40a: {  	[sflag:s7] =	ssyncset.done $0x0  }
0x40b: {  	[sflag:s7] =	ssyncadd.s32 $0xFFFFD800  }
0x40c: {  	_ =	swait.ge [sflag:s8], $0x2800  }
0x40d: {  	[sflag:s8] =	ssyncset.done $0x0  }
0x40e: {  	s15 =	simm.s32 $0x0;
	[sflag:s8] =	ssyncadd.s32 $0xFFFFD800  }
0x40f: {  	v8 =	vld [tilespmem:s15+$0x2000]  }
0x410: {  	v13 =	vld [tilespmem:s15+$0x2010]  }
0x411: {  	v7 =	vld [tilespmem:s15+$0x2020]  }
0x412: {  	v6 =	vld [tilespmem:s15+$0x2030]  }
0x413: {  	v5 =	vld [tilespmem:s15+$0x2040]  }
0x414: {  	v4 =	vld [tilespmem:s15+$0x2050]  }
0x415: {  	v3 =	vld [tilespmem:s15+$0x2060]  }
0x416: {  	v2 =	vld [tilespmem:s15+$0x2070]  }
0x417: {  	v14 =	vld [tilespmem:s15+$0x4800]  }
0x418: {  	v15 =	vld [tilespmem:s15+$0x4810]  }
0x419: {  	v12 =	vld [tilespmem:s15+$0x4820]  }
0x41a: {  	v11 =	vld [tilespmem:s15+$0x4830]  }
0x41b: {  	v10 =	vld [tilespmem:s15+$0x4840]  }
0x41c: {  	v9 =	vld [tilespmem:s15+$0x4850];
	v14 =	vadd.f32 v14, v8  }
0x41d: {  	s12 =	simm.s32 $0x200;
	v13 =	vadd.f32 v15, v13;
	v8 =	vld [tilespmem:s15+$0x4860]  }
.LBB2_31:
0x41e: {  	s13 =	sshra.s32 s12, $0x2;
	p0 =	sne.s32 s12, $0x9E00;
	v14 =	vmax.f32 v14, $0.0e+00;
	v7 =	vadd.f32 v12, v7;
	v12 =	vld [tilespmem:s15+$0x4870]  }
0x41f: {  	v15 =	vld [tilespmem:s13+$0x2000];
	[tilespmem:s15+$0x4800] =	vst v14;
	v13 =	vmax.f32 v13, $0.0e+00;
	v6 =	vadd.f32 v11, v6  }
0x420: {  	v16 =	vld [tilespmem:s13+$0x2010];
	[tilespmem:s15+$0x4810] =	vst v13;
	v11 =	vmax.f32 v7, $0.0e+00;
	v5 =	vadd.f32 v10, v5  }
0x421: {  	v7 =	vld [tilespmem:s13+$0x2020];
	[tilespmem:s15+$0x4820] =	vst v11;
	v10 =	vmax.f32 v6, $0.0e+00;
	v4 =	vadd.f32 v9, v4  }
0x422: {  	v6 =	vld [tilespmem:s13+$0x2030];
	[tilespmem:s15+$0x4830] =	vst v10;
	v9 =	vmax.f32 v5, $0.0e+00;
	v3 =	vadd.f32 v8, v3  }
0x423: {  	v5 =	vld [tilespmem:s13+$0x2040];
	[tilespmem:s15+$0x4840] =	vst v9;
	v8 =	vmax.f32 v4, $0.0e+00;
	v2 =	vadd.f32 v12, v2  }
0x424: {  	v4 =	vld [tilespmem:s13+$0x2050];
	[tilespmem:s15+$0x4850] =	vst v8;
	v8 =	vmax.f32 v3, $0.0e+00  }
0x425: {  	v3 =	vld [tilespmem:s13+$0x2060];
	[tilespmem:s15+$0x4860] =	vst v8;
	v8 =	vmax.f32 v2, $0.0e+00  }
0x426: {  	v2 =	vld [tilespmem:s13+$0x2070];
	[tilespmem:s15+$0x4870] =	vst v8;
	s15 =	smov.u32 s13  }
0x427: {  	v8 =	vld [tilespmem:s15+$0x4800]  }
0x428: {  	v13 =	vld [tilespmem:s15+$0x4810]  }
.Ltmp14:
0x429: {  	v12 =	vld [tilespmem:s15+$0x4820];
	(pc) =	sbr.rel @p0 .LBB2_31-.Ltmp14, $4  }
0x42a: {  	v11 =	vld [tilespmem:s15+$0x4830]  }
0x42b: {  	v10 =	vld [tilespmem:s15+$0x4840]  }
0x42c: {  	v14 =	vadd.f32 v8, v15;
	v9 =	vld [tilespmem:s15+$0x4850]  }
0x42d: {  	s12 =	sadd.s32 $0x200, s12;
	v13 =	vadd.f32 v13, v16;
	v8 =	vld [tilespmem:s15+$0x4860]  }
0x42e: {  	v14 =	vmax.f32 v14, $0.0e+00;
	v7 =	vadd.f32 v12, v7;
	v63 =	vld [tilespmem:s15+$0x4870]  }
0x42f: {  	[tilespmem:s15+$0x4800] =	vst v14;
	v13 =	vmax.f32 v13, $0.0e+00;
	v6 =	vadd.f32 v11, v6  }
0x430: {  	[tilespmem:s15+$0x4810] =	vst v13;
	v7 =	vmax.f32 v7, $0.0e+00;
	v5 =	vadd.f32 v10, v5  }
0x431: {  	[tilespmem:s15+$0x4820] =	vst v7;
	v6 =	vmax.f32 v6, $0.0e+00;
	v4 =	vadd.f32 v9, v4  }
0x432: {  	[tilespmem:s15+$0x4830] =	vst v6;
	v5 =	vmax.f32 v5, $0.0e+00;
	v3 =	vadd.f32 v8, v3  }
0x433: {  	s12 =	sadd.s32 $0x1, s14;
	p0 =	seq.s32 s14, $0x18;
	[tilespmem:s15+$0x4840] =	vst v5;
	v4 =	vmax.f32 v4, $0.0e+00;
	v2 =	vadd.f32 v63, v2  }
0x434: {  	s13 =	sshll.u32 @!p0 s12, $0x7;
	[tilespmem:s15+$0x4850] =	vst v4;
	v3 =	vmax.f32 v3, $0.0e+00  }
0x435: {  	s13 =	sand.u32 @!p0 $0x3FFFFF80, s13;
	[tilespmem:s15+$0x4860] =	vst v3;
	v2 =	vmax.f32 v2, $0.0e+00  }
0x436: {  	s16 =	simm.s32 @!p0 $0x50;
	s17 =	simm.s32 @!p0 $0x2000;
	[tilespmem:s15+$0x4870] =	vst v2;
	s15 =	sadd.s32 @!p0 $0x1000, s13  }
0x437: {  	v2 =	vmov s11;
	[tilespmem:s17], [sflag:$0x1] =	stream.indirect.gather @!p0 [hbm4b:s19+s16], $0x80, s15, s16, $0xb8;
	[tilespmem:$0x1D800] =	vst v63  }
0x438: {  	s16 =	sshll.u32 s14, $0x7  }
0x439: {  	s14 =	sand.u32 $0x3FFFFF80, s16  }
0x43a: {  	s17 =	simm.s32 $0x0;
	s14 =	sadd.s32 $0x1000, s14  }
0x43b: {  	[spmem:s21] =	stream.indirect.scatter.add.f32 [tilespmem:s6], [sflag:$0x3], $0x80, s14, s5, $0xb8;
	[tilespmem:$0x1D800] =	vst v63  }
0x43c: {  	v3 =	vld.idx.msk [tilespmem:v2+s17+$0x0 ss:$0x1], $0xffff;
	_ =	sdelay $0x4  }
0x43d: {  	v3 =	vadd.s32 $0x7000, v3  }
0x43e: {  	(v2sf) =	vpush v3, $0x0;
	_ =	sdelay $0x7  }
0x43f: {  	(v2sf) =	vpush v3, $0x1;
	_ =	sdelay $0x6  }
0x440: {  	s15 =	spop (v2sf)  }
0x441: {  	(v2sf) =	vpush v3, $0x2;
	v4 =	vld [tilespmem:s15+$0x0];
	_ =	sdelay $0x4  }
0x442: {  	v4 =	vadd.f32 v1, v4;
	_ =	sdelay $0x1  }
0x443: {  	s16 =	spop (v2sf);
	[tilespmem:s15+$0x0] =	vst v4  }
0x444: {  	(v2sf) =	vpush v3, $0x3;
	v4 =	vld [tilespmem:s16+$0x0];
	_ =	sdelay $0x4  }
0x445: {  	v4 =	vadd.f32 v1, v4;
	_ =	sdelay $0x1  }
0x446: {  	s17 =	spop (v2sf);
	[tilespmem:s16+$0x0] =	vst v4  }
0x447: {  	(v2sf) =	vpush v3, $0x4;
	v4 =	vld [tilespmem:s17+$0x0];
	_ =	sdelay $0x4  }
0x448: {  	v4 =	vadd.f32 v1, v4;
	_ =	sdelay $0x1  }
0x449: {  	s15 =	spop (v2sf);
	[tilespmem:s17+$0x0] =	vst v4  }
0x44a: {  	(v2sf) =	vpush v3, $0x5;
	v4 =	vld [tilespmem:s15+$0x0];
	_ =	sdelay $0x4  }
0x44b: {  	v4 =	vadd.f32 v1, v4;
	_ =	sdelay $0x1  }
0x44c: {  	s16 =	spop (v2sf);
	[tilespmem:s15+$0x0] =	vst v4  }
0x44d: {  	(v2sf) =	vpush v3, $0x6;
	v4 =	vld [tilespmem:s16+$0x0];
	_ =	sdelay $0x4  }
0x44e: {  	v4 =	vadd.f32 v1, v4;
	_ =	sdelay $0x1  }
0x44f: {  	s17 =	spop (v2sf);
	[tilespmem:s16+$0x0] =	vst v4  }
0x450: {  	(v2sf) =	vpush v3, $0x7;
	v4 =	vld [tilespmem:s17+$0x0];
	_ =	sdelay $0x4  }
0x451: {  	v4 =	vadd.f32 v1, v4;
	_ =	sdelay $0x1  }
0x452: {  	s15 =	spop (v2sf);
	[tilespmem:s17+$0x0] =	vst v4  }
0x453: {  	(v2sf) =	vpush v3, $0x8;
	v4 =	vld [tilespmem:s15+$0x0];
	_ =	sdelay $0x4  }
0x454: {  	v4 =	vadd.f32 v1, v4;
	_ =	sdelay $0x1  }
0x455: {  	s16 =	spop (v2sf);
	[tilespmem:s15+$0x0] =	vst v4  }
0x456: {  	(v2sf) =	vpush v3, $0x9;
	v4 =	vld [tilespmem:s16+$0x0];
	_ =	sdelay $0x4  }
0x457: {  	v4 =	vadd.f32 v1, v4;
	_ =	sdelay $0x1  }
0x458: {  	s17 =	spop (v2sf);
	[tilespmem:s16+$0x0] =	vst v4  }
0x459: {  	(v2sf) =	vpush v3, $0xA;
	v4 =	vld [tilespmem:s17+$0x0];
	_ =	sdelay $0x4  }
0x45a: {  	v4 =	vadd.f32 v1, v4;
	_ =	sdelay $0x1  }
0x45b: {  	s15 =	spop (v2sf);
	[tilespmem:s17+$0x0] =	vst v4  }
0x45c: {  	(v2sf) =	vpush v3, $0xB;
	v4 =	vld [tilespmem:s15+$0x0];
	_ =	sdelay $0x4  }
0x45d: {  	v4 =	vadd.f32 v1, v4;
	_ =	sdelay $0x1  }
0x45e: {  	s16 =	spop (v2sf);
	[tilespmem:s15+$0x0] =	vst v4  }
0x45f: {  	(v2sf) =	vpush v3, $0xC;
	v4 =	vld [tilespmem:s16+$0x0];
	_ =	sdelay $0x4  }
0x460: {  	v4 =	vadd.f32 v1, v4;
	_ =	sdelay $0x1  }
0x461: {  	s17 =	spop (v2sf);
	[tilespmem:s16+$0x0] =	vst v4  }
0x462: {  	(v2sf) =	vpush v3, $0xD;
	v4 =	vld [tilespmem:s17+$0x0];
	_ =	sdelay $0x4  }
0x463: {  	v4 =	vadd.f32 v1, v4;
	_ =	sdelay $0x1  }
0x464: {  	s15 =	spop (v2sf);
	[tilespmem:s17+$0x0] =	vst v4  }
0x465: {  	(v2sf) =	vpush v3, $0xE;
	v4 =	vld [tilespmem:s15+$0x0];
	_ =	sdelay $0x4  }
0x466: {  	v4 =	vadd.f32 v1, v4;
	_ =	sdelay $0x1  }
0x467: {  	s16 =	spop (v2sf);
	[tilespmem:s15+$0x0] =	vst v4  }
0x468: {  	(v2sf) =	vpush v3, $0xF;
	v4 =	vld [tilespmem:s16+$0x0];
	_ =	sdelay $0x4  }
0x469: {  	v3 =	vadd.f32 v1, v4;
	_ =	sdelay $0x1  }
0x46a: {  	s17 =	spop (v2sf);
	[tilespmem:s16+$0x0] =	vst v3  }
0x46b: {  	v3 =	vld [tilespmem:s17+$0x0];
	_ =	sdelay $0x4  }
0x46c: {  	v3 =	vadd.f32 v1, v3;
	_ =	sdelay $0x1  }
0x46d: {  	s16 =	spop (v2sf);
	[tilespmem:s17+$0x0] =	vst v3  }
0x46e: {  	v3 =	vld [tilespmem:s16+$0x0];
	_ =	sdelay $0x4  }
0x46f: {  	s14 =	simm.s32 $0x40;
	s15 =	simm.s32 $0x80;
	v3 =	vadd.f32 v1, v3  }
.LBB2_33:
0x470: {  	p1 =	sne.s32 s15, $0x100  }
0x471: {  	s17 =	sshra.s32 s14, $0x2;
	s14 =	smov.u32 s15;
	s15 =	sadd.s32 $0x40, s15;
	[tilespmem:s16+$0x0] =	vst v3  }
0x472: {  	v3 =	vld.idx.msk [tilespmem:v2+s17+$0x0 ss:$0x1], $0xffff;
	_ =	sdelay $0x5  }
0x473: {  	v3 =	vadd.s32 $0x7000, v3  }
0x474: {  	(v2sf) =	vpush v3, $0x0;
	_ =	sdelay $0x7  }
0x475: {  	(v2sf) =	vpush v3, $0x1;
	_ =	sdelay $0x6  }
0x476: {  	s16 =	spop (v2sf)  }
0x477: {  	v4 =	vld [tilespmem:s16+$0x0];
	(v2sf) =	vpush v3, $0x2;
	_ =	sdelay $0x4  }
0x478: {  	v4 =	vadd.f32 v1, v4;
	_ =	sdelay $0x1  }
0x479: {  	[tilespmem:s16+$0x0] =	vst v4;
	s16 =	spop (v2sf)  }
0x47a: {  	v4 =	vld [tilespmem:s16+$0x0];
	(v2sf) =	vpush v3, $0x3;
	_ =	sdelay $0x4  }
0x47b: {  	v4 =	vadd.f32 v1, v4;
	_ =	sdelay $0x1  }
0x47c: {  	[tilespmem:s16+$0x0] =	vst v4;
	s16 =	spop (v2sf)  }
0x47d: {  	v4 =	vld [tilespmem:s16+$0x0];
	(v2sf) =	vpush v3, $0x4;
	_ =	sdelay $0x4  }
0x47e: {  	v4 =	vadd.f32 v1, v4;
	_ =	sdelay $0x1  }
0x47f: {  	[tilespmem:s16+$0x0] =	vst v4;
	s16 =	spop (v2sf)  }
0x480: {  	v4 =	vld [tilespmem:s16+$0x0];
	(v2sf) =	vpush v3, $0x5;
	_ =	sdelay $0x4  }
0x481: {  	v4 =	vadd.f32 v1, v4;
	_ =	sdelay $0x1  }
0x482: {  	[tilespmem:s16+$0x0] =	vst v4;
	s16 =	spop (v2sf)  }
0x483: {  	v4 =	vld [tilespmem:s16+$0x0];
	(v2sf) =	vpush v3, $0x6;
	_ =	sdelay $0x4  }
0x484: {  	v4 =	vadd.f32 v1, v4;
	_ =	sdelay $0x1  }
0x485: {  	[tilespmem:s16+$0x0] =	vst v4;
	s16 =	spop (v2sf)  }
0x486: {  	v4 =	vld [tilespmem:s16+$0x0];
	(v2sf) =	vpush v3, $0x7;
	_ =	sdelay $0x4  }
0x487: {  	v4 =	vadd.f32 v1, v4;
	_ =	sdelay $0x1  }
0x488: {  	[tilespmem:s16+$0x0] =	vst v4;
	s16 =	spop (v2sf)  }
0x489: {  	v4 =	vld [tilespmem:s16+$0x0];
	(v2sf) =	vpush v3, $0x8;
	_ =	sdelay $0x4  }
0x48a: {  	v4 =	vadd.f32 v1, v4;
	_ =	sdelay $0x1  }
0x48b: {  	[tilespmem:s16+$0x0] =	vst v4;
	s16 =	spop (v2sf)  }
0x48c: {  	v4 =	vld [tilespmem:s16+$0x0];
	(v2sf) =	vpush v3, $0x9;
	_ =	sdelay $0x4  }
0x48d: {  	v4 =	vadd.f32 v1, v4;
	_ =	sdelay $0x1  }
0x48e: {  	[tilespmem:s16+$0x0] =	vst v4;
	s16 =	spop (v2sf)  }
0x48f: {  	v4 =	vld [tilespmem:s16+$0x0];
	(v2sf) =	vpush v3, $0xA;
	_ =	sdelay $0x4  }
0x490: {  	v4 =	vadd.f32 v1, v4;
	_ =	sdelay $0x1  }
0x491: {  	[tilespmem:s16+$0x0] =	vst v4;
	s16 =	spop (v2sf)  }
0x492: {  	v4 =	vld [tilespmem:s16+$0x0];
	(v2sf) =	vpush v3, $0xB;
	_ =	sdelay $0x4  }
0x493: {  	v4 =	vadd.f32 v1, v4;
	_ =	sdelay $0x1  }
0x494: {  	[tilespmem:s16+$0x0] =	vst v4;
	s16 =	spop (v2sf)  }
0x495: {  	v4 =	vld [tilespmem:s16+$0x0];
	(v2sf) =	vpush v3, $0xC;
	_ =	sdelay $0x4  }
0x496: {  	v4 =	vadd.f32 v1, v4;
	_ =	sdelay $0x1  }
0x497: {  	[tilespmem:s16+$0x0] =	vst v4;
	s16 =	spop (v2sf)  }
0x498: {  	v4 =	vld [tilespmem:s16+$0x0];
	(v2sf) =	vpush v3, $0xD;
	_ =	sdelay $0x4  }
0x499: {  	v4 =	vadd.f32 v1, v4;
	_ =	sdelay $0x1  }
0x49a: {  	[tilespmem:s16+$0x0] =	vst v4;
	s16 =	spop (v2sf)  }
0x49b: {  	v4 =	vld [tilespmem:s16+$0x0];
	(v2sf) =	vpush v3, $0xE;
	_ =	sdelay $0x4  }
0x49c: {  	v4 =	vadd.f32 v1, v4;
	_ =	sdelay $0x1  }
0x49d: {  	[tilespmem:s16+$0x0] =	vst v4;
	s16 =	spop (v2sf)  }
0x49e: {  	v4 =	vld [tilespmem:s16+$0x0];
	(v2sf) =	vpush v3, $0xF;
	_ =	sdelay $0x4  }
0x49f: {  	v3 =	vadd.f32 v1, v4;
	_ =	sdelay $0x1  }
0x4a0: {  	[tilespmem:s16+$0x0] =	vst v3;
	s16 =	spop (v2sf)  }
0x4a1: {  	v3 =	vld [tilespmem:s16+$0x0];
	_ =	sdelay $0x4  }
0x4a2: {  	v3 =	vadd.f32 v1, v3;
	_ =	sdelay $0x1  }
0x4a3: {  	[tilespmem:s16+$0x0] =	vst v3;
	s16 =	spop (v2sf)  }
0x4a4: {  	v3 =	vld [tilespmem:s16+$0x0]  }
.Ltmp15:
0x4a5: {  	(pc) =	sbr.rel @p1 .LBB2_33-.Ltmp15, $2  }
0x4a6: {  	_ =	sdelay $0x2  }
0x4a7: {  	v3 =	vadd.f32 v1, v3  }
0x4a8: {  	_ =	sdelay $0x2  }
0x4a9: {  	s14 =	sshra.s32 s14, $0x2;
	[tilespmem:s16+$0x0] =	vst v3  }
0x4aa: {  	v2 =	vld.idx.msk [tilespmem:v2+s14+$0x0 ss:$0x1], $0xffff;
	_ =	sdelay $0x4  }
0x4ab: {  	v2 =	vadd.s32 $0x7000, v2  }
0x4ac: {  	(v2sf) =	vpush v2, $0x0;
	_ =	sdelay $0x7  }
0x4ad: {  	(v2sf) =	vpush v2, $0x1;
	_ =	sdelay $0x6  }
0x4ae: {  	s17 =	spop (v2sf)  }
0x4af: {  	(v2sf) =	vpush v2, $0x2;
	v3 =	vld [tilespmem:s17+$0x0];
	_ =	sdelay $0x4  }
0x4b0: {  	v3 =	vadd.f32 v1, v3;
	_ =	sdelay $0x1  }
0x4b1: {  	s15 =	spop (v2sf);
	[tilespmem:s17+$0x0] =	vst v3  }
0x4b2: {  	(v2sf) =	vpush v2, $0x3;
	v3 =	vld [tilespmem:s15+$0x0];
	_ =	sdelay $0x4  }
0x4b3: {  	v3 =	vadd.f32 v1, v3;
	_ =	sdelay $0x1  }
0x4b4: {  	s16 =	spop (v2sf);
	[tilespmem:s15+$0x0] =	vst v3  }
0x4b5: {  	(v2sf) =	vpush v2, $0x4;
	v3 =	vld [tilespmem:s16+$0x0];
	_ =	sdelay $0x4  }
0x4b6: {  	v3 =	vadd.f32 v1, v3;
	_ =	sdelay $0x1  }
0x4b7: {  	s17 =	spop (v2sf);
	[tilespmem:s16+$0x0] =	vst v3  }
0x4b8: {  	(v2sf) =	vpush v2, $0x5;
	v3 =	vld [tilespmem:s17+$0x0];
	_ =	sdelay $0x4  }
0x4b9: {  	v3 =	vadd.f32 v1, v3;
	_ =	sdelay $0x1  }
0x4ba: {  	s15 =	spop (v2sf);
	[tilespmem:s17+$0x0] =	vst v3  }
0x4bb: {  	(v2sf) =	vpush v2, $0x6;
	v3 =	vld [tilespmem:s15+$0x0];
	_ =	sdelay $0x4  }
0x4bc: {  	v3 =	vadd.f32 v1, v3;
	_ =	sdelay $0x1  }
0x4bd: {  	s16 =	spop (v2sf);
	[tilespmem:s15+$0x0] =	vst v3  }
0x4be: {  	(v2sf) =	vpush v2, $0x7;
	v3 =	vld [tilespmem:s16+$0x0];
	_ =	sdelay $0x4  }
0x4bf: {  	v3 =	vadd.f32 v1, v3;
	_ =	sdelay $0x1  }
0x4c0: {  	s17 =	spop (v2sf);
	[tilespmem:s16+$0x0] =	vst v3  }
0x4c1: {  	(v2sf) =	vpush v2, $0x8;
	v3 =	vld [tilespmem:s17+$0x0];
	_ =	sdelay $0x4  }
0x4c2: {  	v3 =	vadd.f32 v1, v3;
	_ =	sdelay $0x1  }
0x4c3: {  	s15 =	spop (v2sf);
	[tilespmem:s17+$0x0] =	vst v3  }
0x4c4: {  	(v2sf) =	vpush v2, $0x9;
	v3 =	vld [tilespmem:s15+$0x0];
	_ =	sdelay $0x4  }
0x4c5: {  	v3 =	vadd.f32 v1, v3;
	_ =	sdelay $0x1  }
0x4c6: {  	s16 =	spop (v2sf);
	[tilespmem:s15+$0x0] =	vst v3  }
0x4c7: {  	(v2sf) =	vpush v2, $0xA;
	v3 =	vld [tilespmem:s16+$0x0];
	_ =	sdelay $0x4  }
0x4c8: {  	v3 =	vadd.f32 v1, v3;
	_ =	sdelay $0x1  }
0x4c9: {  	s17 =	spop (v2sf);
	[tilespmem:s16+$0x0] =	vst v3  }
0x4ca: {  	(v2sf) =	vpush v2, $0xB;
	v3 =	vld [tilespmem:s17+$0x0];
	_ =	sdelay $0x4  }
0x4cb: {  	v3 =	vadd.f32 v1, v3;
	_ =	sdelay $0x1  }
0x4cc: {  	s15 =	spop (v2sf);
	[tilespmem:s17+$0x0] =	vst v3  }
0x4cd: {  	(v2sf) =	vpush v2, $0xC;
	v3 =	vld [tilespmem:s15+$0x0];
	_ =	sdelay $0x4  }
0x4ce: {  	v3 =	vadd.f32 v1, v3;
	_ =	sdelay $0x1  }
0x4cf: {  	s16 =	spop (v2sf);
	[tilespmem:s15+$0x0] =	vst v3  }
0x4d0: {  	(v2sf) =	vpush v2, $0xD;
	v3 =	vld [tilespmem:s16+$0x0];
	_ =	sdelay $0x4  }
0x4d1: {  	v3 =	vadd.f32 v1, v3;
	_ =	sdelay $0x1  }
0x4d2: {  	s17 =	spop (v2sf);
	[tilespmem:s16+$0x0] =	vst v3  }
0x4d3: {  	(v2sf) =	vpush v2, $0xE;
	v3 =	vld [tilespmem:s17+$0x0];
	_ =	sdelay $0x4  }
0x4d4: {  	v3 =	vadd.f32 v1, v3;
	_ =	sdelay $0x1  }
0x4d5: {  	s15 =	spop (v2sf);
	[tilespmem:s17+$0x0] =	vst v3  }
0x4d6: {  	(v2sf) =	vpush v2, $0xF;
	v3 =	vld [tilespmem:s15+$0x0];
	_ =	sdelay $0x4  }
0x4d7: {  	v2 =	vadd.f32 v1, v3;
	_ =	sdelay $0x1  }
0x4d8: {  	s16 =	spop (v2sf);
	[tilespmem:s15+$0x0] =	vst v2  }
0x4d9: {  	v2 =	vld [tilespmem:s16+$0x0];
	_ =	sdelay $0x4  }
0x4da: {  	v2 =	vadd.f32 v1, v2;
	_ =	sdelay $0x1  }
0x4db: {  	s17 =	spop (v2sf);
	[tilespmem:s16+$0x0] =	vst v2  }
0x4dc: {  	v2 =	vld [tilespmem:s17+$0x0];
	_ =	sdelay $0x4  }
0x4dd: {  	v2 =	vadd.f32 v1, v2  }
0x4de: {  	p1 =	sne.s32 @!p0 s12, $0x19  }
0x4df: {  	p1 =	por p0, !p1;
	[tilespmem:s17+$0x0] =	vst v2  }
.Ltmp16:
0x4e0: {  	_ =	swait.ge [sflag:s9], $0x2800;
	(pc) =	sbr.rel @!p1 .LBB2_30-.Ltmp16, $4  }
0x4e1: {  	[sflag:s9] =	ssyncset.done $0x0  }
0x4e2: {  	s14 =	simm.s32 @!p0 $0x50;
	s15 =	simm.s32 @!p0 $0x4800;
	[sflag:s9] =	ssyncadd.s32 $0xFFFFD800  }
0x4e3: {  	[tilespmem:s15], [sflag:$0x2] =	stream.indirect.gather @!p0 [hbm4b:s23+s14], $0x80, s13, s14, $0xb8;
	[tilespmem:$0x1D800] =	vst v63  }
0x4e4: {  	s11 =	sadd.s32 @!p0 $0x80, s11;
	s14 =	smov.u32 s12  }
0x4e5: {  	[bflag:$0x0] =	sbarrier.arrive $0xFFFF  }
0x4e6: {  	[tilespmem:s3], [sflag:$0x4] =	stream.linear.gather [spmem:s24], $0x2800, $0x38;
	[tilespmem:$0x1D800] =	vst v63  }
0x4e7: {  	_ =	swait.ge [sflag:s4], $0x2800  }
0x4e8: {  	[sflag:s4] =	ssyncset.done $0x0  }
0x4e9: {  	s11 =	rddreg [dreg:$0xe];
	[sflag:s4] =	ssyncadd.s32 $0xFFFFD800  }
0x4ea: {  	[hbm4b:s11+s1] =	stream.linear.scatter [tilespmem:s3], [sflag:$0x4], $0x2800, $0x38;
	[tilespmem:$0x1D800] =	vst v63  }
0x4eb: {  	_ =	swait.ge [sflag:s4], $0x2800  }
0x4ec: {  	[sflag:s4] =	ssyncset.done $0x0  }
0x4ed: {  	[sflag:s4] =	ssyncadd.s32 $0xFFFFD800  }
0x4ee: {  	[tilespmem:s3], [sflag:$0x4] =	stream.linear.gather [spmem:s25], $0x2800, $0x38;
	[tilespmem:$0x1D800] =	vst v63  }
0x4ef: {  	_ =	swait.ge [sflag:s4], $0x2800  }
0x4f0: {  	[sflag:s4] =	ssyncset.done $0x0  }
0x4f1: {  	s12 =	rddreg [dreg:$0xf];
	[sflag:s4] =	ssyncadd.s32 $0xFFFFD800  }
0x4f2: {  	[hbm4b:s12+s1] =	stream.linear.scatter [tilespmem:s3], [sflag:$0x4], $0x2800, $0x38;
	[tilespmem:$0x1D800] =	vst v63  }
0x4f3: {  	_ =	swait.ge [sflag:s4], $0x2800  }
0x4f4: {  	[sflag:s4] =	ssyncset.done $0x0  }
0x4f5: {  	[sflag:s4] =	ssyncadd.s32 $0xFFFFD800  }
0x4f6: {  	[tilespmem:s3], [sflag:$0x4] =	stream.linear.gather [spmem:s26], $0x2800, $0x38;
	[tilespmem:$0x1D800] =	vst v63  }
0x4f7: {  	_ =	swait.ge [sflag:s4], $0x2800  }
0x4f8: {  	[sflag:s4] =	ssyncset.done $0x0  }
0x4f9: {  	s13 =	rddreg [dreg:$0x10];
	[sflag:s4] =	ssyncadd.s32 $0xFFFFD800  }
0x4fa: {  	[hbm4b:s13+s1] =	stream.linear.scatter [tilespmem:s3], [sflag:$0x4], $0x2800, $0x38;
	[tilespmem:$0x1D800] =	vst v63  }
0x4fb: {  	_ =	swait.ge [sflag:s4], $0x2800  }
0x4fc: {  	[sflag:s4] =	ssyncset.done $0x0  }
0x4fd: {  	[sflag:s4] =	ssyncadd.s32 $0xFFFFD800  }
0x4fe: {  	[tilespmem:s3], [sflag:$0x4] =	stream.linear.gather [spmem:s28], $0x2800, $0x38;
	[tilespmem:$0x1D800] =	vst v63  }
0x4ff: {  	_ =	swait.ge [sflag:s4], $0x2800  }
0x500: {  	[sflag:s4] =	ssyncset.done $0x0  }
0x501: {  	s14 =	rddreg [dreg:$0x11];
	[sflag:s4] =	ssyncadd.s32 $0xFFFFD800  }
0x502: {  	[hbm4b:s14+s1] =	stream.linear.scatter [tilespmem:s3], [sflag:$0x4], $0x2800, $0x38;
	[tilespmem:$0x1D800] =	vst v63  }
0x503: {  	_ =	swait.ge [sflag:s4], $0x2800  }
0x504: {  	[sflag:s4] =	ssyncset.done $0x0  }
0x505: {  	[sflag:s4] =	ssyncadd.s32 $0xFFFFD800  }
0x506: {  	[tilespmem:s3], [sflag:$0x4] =	stream.linear.gather [spmem:s29], $0x2800, $0x38;
	[tilespmem:$0x1D800] =	vst v63  }
0x507: {  	_ =	swait.ge [sflag:s4], $0x2800  }
0x508: {  	[sflag:s4] =	ssyncset.done $0x0  }
0x509: {  	s15 =	rddreg [dreg:$0x12];
	[sflag:s4] =	ssyncadd.s32 $0xFFFFD800  }
0x50a: {  	[hbm4b:s15+s1] =	stream.linear.scatter [tilespmem:s3], [sflag:$0x4], $0x2800, $0x38;
	[tilespmem:$0x1D800] =	vst v63  }
0x50b: {  	_ =	swait.ge [sflag:s4], $0x2800  }
0x50c: {  	[sflag:s4] =	ssyncset.done $0x0  }
0x50d: {  	[sflag:s4] =	ssyncadd.s32 $0xFFFFD800  }
0x50e: {  	[tilespmem:s3], [sflag:$0x4] =	stream.linear.gather [spmem:s30], $0x2800, $0x38;
	[tilespmem:$0x1D800] =	vst v63  }
0x50f: {  	_ =	swait.ge [sflag:s4], $0x2800  }
0x510: {  	[sflag:s4] =	ssyncset.done $0x0  }
0x511: {  	s16 =	rddreg [dreg:$0x13];
	[sflag:s4] =	ssyncadd.s32 $0xFFFFD800  }
0x512: {  	[hbm4b:s16+s1] =	stream.linear.scatter [tilespmem:s3], [sflag:$0x4], $0x2800, $0x38;
	[tilespmem:$0x1D800] =	vst v63  }
0x513: {  	_ =	swait.ge [sflag:s4], $0x2800  }
0x514: {  	[sflag:s4] =	ssyncset.done $0x0  }
0x515: {  	[sflag:s4] =	ssyncadd.s32 $0xFFFFD800  }
0x516: {  	[tilespmem:s3], [sflag:$0x4] =	stream.linear.gather [spmem:s31], $0x2800, $0x38;
	[tilespmem:$0x1D800] =	vst v63  }
0x517: {  	_ =	swait.ge [sflag:s4], $0x2800  }
0x518: {  	[sflag:s4] =	ssyncset.done $0x0  }
0x519: {  	[sflag:s4] =	ssyncadd.s32 $0xFFFFD800  }
0x51a: {  	[hbm4b:s20+s1] =	stream.linear.scatter [tilespmem:s3], [sflag:$0x4], $0x2800, $0x38;
	[tilespmem:$0x1D800] =	vst v63  }
0x51b: {  	_ =	swait.ge [sflag:s4], $0x2800  }
0x51c: {  	[sflag:s4] =	ssyncset.done $0x0  }
0x51d: {  	[sflag:s4] =	ssyncadd.s32 $0xFFFFD800  }
0x51e: {  	[tilespmem:s3], [sflag:$0x4] =	stream.linear.gather [spmem:s18], $0x2800, $0x38;
	[tilespmem:$0x1D800] =	vst v63  }
0x51f: {  	_ =	swait.ge [sflag:s4], $0x2800  }
0x520: {  	[sflag:s4] =	ssyncset.done $0x0  }
0x521: {  	[sflag:s4] =	ssyncadd.s32 $0xFFFFD800  }
0x522: {  	[hbm4b:s22+s1] =	stream.linear.scatter [tilespmem:s3], [sflag:$0x4], $0x2800, $0x38;
	[tilespmem:$0x1D800] =	vst v63  }
0x523: {  	s17 =	simm.s32 $0x80;
	s10 =	sadd.s32 $0x1, s10;
	_ =	swait.ge [sflag:s4], $0x2800  }
0x524: {  	p0 =	sne.s32 s10, s2;
	s12 =	simm.s32 $0x400;
	[sflag:s4] =	ssyncset.done $0x0  }
.Ltmp17:
0x525: {  	s13 =	simm.s32 $0x7000;
	[sflag:s4] =	ssyncadd.s32 $0xFFFFD800;
	(pc) =	sbr.rel @p0 .LBB2_1-.Ltmp17, $4  }
0x526: {  	[hbm4b:s0+s17] =	stream.strided.scatter [tilespmem:s13], [sflag:$0x4], $0x2800, s12, s17, $0x38;
	[tilespmem:$0x1D800] =	vst v63  }
0x527: {  	_ =	swait.ge [sflag:s4], $0x2800  }
0x528: {  	[sflag:s4] =	ssyncset.done $0x0  }
0x529: {  	[sflag:s4] =	ssyncadd.s32 $0xFFFFD800  }
0x52a: {  	_ =	sfence.sel $0x180000  }
0x52b: {  	[bflag:$0x0] =	sbarrier.arrive $0xFFFF  }
0x52c: {  	_ =	strace $0x90000047  }
0x52d: {  	s0 =	stileid.u32;
	[bflag:$0x2] =	sbarrier.arrive $0xFFFF  }
0x52e: {  	p0 =	sne.s32 s0, $0x0;
	s0 =	rddreg [dreg:$0x3]  }
0x52f: {  	s0 =	sadd.s32 @!p0 $0x100000, s0  }
0x530: {  	[sflag:s0] =	ssyncadd.tile.s32 @!p0 $0x1;
	_ =	shalt  }
.Lfunc_end2:
_tile_overlayer_lowered:
.L_overlay_start_2:
0x531: {  	(tag) =	ssettag $0x2  }
0x532: {  	s0 =	rddreg [dreg:$0x0];
	s2 =	stileid.u32  }
0x533: {  	s1 =	rddreg [dreg:$0x1];
	p0 =	sne.s32 s2, $0x0  }
0x534: {  	s3 =	rddreg [dreg:$0x2];
	[bflag:$0x3] =	sbarrier.arrive $0xFFFF;
	s2 =	simm.s32 @!p0 $0x1C04  }
0x535: {  	[timem:s3], [sflag:s2] =	dma.local @!p0 [hbm:s0], s1  }
0x536: {  	s0 =	simm.s32 @!p0 $0x4  }
0x537: {  	_ =	swait.ge @!p0 [sflag:s0], s1  }
0x538: {  	s1 =	ssub.s32 @!p0 $0x0, s1;
	[sflag:s0] =	ssyncset.done @!p0 $0x0  }
0x539: {  	[sflag:s0] =	ssyncadd.s32 @!p0 s1  }
0x53a: {  	[bflag:$0x3] =	sbarrier.arrive $0xFFFF  }
0x53b: {  	_ =	shalt  }

</sc_bundles>
